<compile_context>
chip_gen: v7x
topology: tpu7x:2x2x1
jax: 0.10.2.dev20260603
libtpu: 0.0.44.dev20260713+nightly
codegen_flags: <defaults>
</compile_context>

<pallas_src>
import functools

import jax
import jax.numpy as jnp
from jax import lax
from jax.experimental import pallas as pl
from jax.experimental.pallas import tpu as pltpu
from jax.experimental.pallas import tpu_sc as plsc

N_NODES = 10000
NPAD = 10240
D_FEAT = 10000
H_DIM = 64
C_DIM = 16
E_EDGES = 320000
EPAD = 327680
SUB = 128
NSUB = EPAD // SUB
JUNK = N_NODES
K_HOPS = 10

NPAD4 = 4 * NPAD
EPAD4 = 4 * EPAD
NSUB4 = EPAD4 // SUB
JUNK4 = 4 * N_NODES

NC, NS = 2, 16
RT = NPAD // NS
RT4 = NPAD4 // NS
_MESH = plsc.VectorSubcoreMesh(core_axis_name="c", subcore_axis_name="s")


def _rsqrt_vec(x):
    i = plsc.bitcast(x, jnp.int32)
    i = jnp.int32(0x5F3759DF) - lax.shift_right_arithmetic(i, 1)
    y = plsc.bitcast(i, jnp.float32)
    for _ in range(3):
        y = y * (1.5 - 0.5 * x * y * y)
    return y


@functools.partial(
    pl.kernel,
    out_type=jax.ShapeDtypeStruct((NC, NPAD4, C_DIM), jnp.float32),
    mesh=_MESH,
    compiler_params=pltpu.CompilerParams(use_tc_tiling_on_sc=False,
                                         needs_layout_passes=False),
    scratch_types=(
        pltpu.VMEM_SHARED((NPAD4, C_DIM), jnp.float32),
        pltpu.VMEM((16, SUB), jnp.int32),
        pltpu.VMEM((16, SUB), jnp.int32),
        pltpu.VMEM((16 * SUB, C_DIM), jnp.float32),
        pltpu.SemaphoreType.DMA,
        pltpu.SemaphoreType.DMA,
        pltpu.SemaphoreType.DMA,
    ),
)
def _spmm2(ar2, ac2, w14, zeros16, xp_out,
           x4_sh, sbuf, dbuf, rows, gsem, ssem, isem):
    cid = lax.axis_index("c")
    sid = lax.axis_index("s")
    wid = sid * NC + cid

    def _drain(sem):
        pltpu.make_async_copy(zeros16.at[pl.ds(0, SUB)],
                              rows.at[pl.ds(0, SUB)], sem).wait()

    def _drain_idx():
        pltpu.make_async_copy(ar2.at[pl.ds(0, 8)], sbuf.at[pl.ds(0, 8)],
                              isem).wait()

    rz = sid * RT4
    for t in range(4):
        pltpu.sync_copy(zeros16.at[pl.ds(0, RT4 // 4)],
                        x4_sh.at[pl.ds(rz + t * (RT4 // 4), RT4 // 4)])
    plsc.subcore_barrier()

    ng = NSUB4 // (NC * NS) // 8
    s0 = wid * (NSUB4 // (NC * NS))
    pltpu.async_copy(ac2.at[pl.ds(s0, 8)], sbuf.at[pl.ds(0, 8)], isem)
    pltpu.async_copy(ar2.at[pl.ds(s0, 8)], dbuf.at[pl.ds(0, 8)], isem)

    def sgrp(g, c2):
        p = lax.rem(g, 2) * 8
        gs = s0 + g * 8
        _drain_idx()
        _drain_idx()
        for b in range(8):
            pltpu.async_copy(w14.at[sbuf.at[p + b]],
                             rows.at[pl.ds((p + b) * SUB, SUB)], gsem)

        @pl.when(g > 0)
        def _dp():
            for b in range(8):
                _drain(ssem)

        @pl.when(g < ng - 1)
        def _pf():
            pltpu.async_copy(ac2.at[pl.ds(gs + 8, 8)],
                             sbuf.at[pl.ds(8 - p, 8)], isem)
            pltpu.async_copy(ar2.at[pl.ds(gs + 8, 8)],
                             dbuf.at[pl.ds(8 - p, 8)], isem)
        for b in range(8):
            _drain(gsem)
        for b in range(8):
            pltpu.async_copy(rows.at[pl.ds((p + b) * SUB, SUB)],
                             x4_sh.at[dbuf.at[p + b]], ssem, add=True)
        return c2
    lax.fori_loop(0, ng, sgrp, 0)
    for b in range(8):
        _drain(ssem)
    plsc.subcore_barrier()
    pltpu.sync_copy(x4_sh.at[pl.ds(rz, RT4)],
                    xp_out.at[cid, pl.ds(rz, RT4)])


@functools.partial(
    pl.kernel,
    out_type=jax.ShapeDtypeStruct((NPAD, C_DIM), jnp.float32),
    mesh=_MESH,
    compiler_params=pltpu.CompilerParams(use_tc_tiling_on_sc=False, needs_layout_passes=False),
    scratch_types=(
        pltpu.VMEM_SHARED((NPAD, C_DIM), jnp.float32),
        pltpu.VMEM_SHARED((NPAD, C_DIM), jnp.float32),
        pltpu.VMEM((32, SUB), jnp.int32),
        pltpu.VMEM((32, SUB), jnp.int32),
        pltpu.VMEM((32 * SUB, C_DIM), jnp.float32),
        pltpu.VMEM((H_DIM, C_DIM), jnp.float32),
        pltpu.VMEM((RT, C_DIM), jnp.float32),
        pltpu.VMEM((RT, C_DIM), jnp.float32),
        pltpu.VMEM((RT, C_DIM), jnp.float32),
        pltpu.SemaphoreType.DMA,
        pltpu.SemaphoreType.DMA,
        pltpu.SemaphoreType.DMA,
        pltpu.SemaphoreType.DMA,
    ),
)
def _appnp_sc(xp, es2, ed2, w2_hbm, zeros16, ones_hbm,
              xfin, z_sh, y_sh, sbuf, dbuf, rows,
              w2buf, xbuf, h01b, d16b, gsem, ssem, isem, gsem2):
    cid = lax.axis_index("c")
    sid = lax.axis_index("s")
    r4 = sid * RT4
    r0 = sid * RT

    def _drain(sem):
        pltpu.make_async_copy(zeros16.at[pl.ds(0, SUB)],
                              rows.at[pl.ds(0, SUB)], sem).wait()

    def _drain_idx16():
        pltpu.make_async_copy(es2.at[pl.ds(0, 16)], sbuf.at[pl.ds(0, 16)],
                              isem).wait()

    @pl.when(cid == 0)
    def _body():
        pltpu.sync_copy(zeros16.at[pl.ds(r0, RT)], z_sh.at[pl.ds(r0, RT)])
        pltpu.sync_copy(w2_hbm, w2buf)

        def mm_chunk(ch, c2):
            pltpu.sync_copy(xp.at[0, pl.ds(r4 + ch * 256, 256)],
                            rows.at[pl.ds(0, 256)])
            pltpu.sync_copy(xp.at[1, pl.ds(r4 + ch * 256, 256)],
                            rows.at[pl.ds(256, 256)])

            def mm_node(i, c3):
                node = ch * 64 + i
                acc = jnp.zeros((C_DIM,), jnp.float32)
                for q in range(4):
                    v = jnp.maximum(rows[4 * i + q] + rows[256 + 4 * i + q],
                                    0.0)
                    for j in range(C_DIM):
                        acc = acc + v[j] * w2buf[q * C_DIM + j]
                xbuf[node] = acc
                h01b[node] = 0.1 * acc
                return c3
            lax.fori_loop(0, 64, mm_node, 0)
            return c2
        lax.fori_loop(0, RT // 64, mm_chunk, 0)
        plsc.subcore_barrier()

        pltpu.sync_copy(ones_hbm, rows.at[pl.ds(0, 8 * SUB)])

        def dgrp(g, c2):
            gs = sid * (NSUB // NS) + g * 8
            pltpu.sync_copy(ed2.at[pl.ds(gs, 8)], sbuf.at[pl.ds(0, 8)])
            dls = [pltpu.async_copy(rows.at[pl.ds(b * SUB, SUB)],
                                    z_sh.at[sbuf.at[b]], ssem, add=True)
                   for b in range(8)]
            for de in dls:
                de.wait()
            return c2
        lax.fori_loop(0, NSUB // NS // 8, dgrp, 0)
        plsc.subcore_barrier()

        pltpu.sync_copy(z_sh.at[pl.ds(r0, RT)], rows.at[pl.ds(0, RT)])
        pltpu.sync_copy(zeros16.at[pl.ds(r0, RT)], z_sh.at[pl.ds(r0, RT)])

        def norm(i, c2):
            dv = _rsqrt_vec(rows[i] + 1.0)
            d16b[i] = dv
            rows[1024 + i] = dv * xbuf[i]
            return c2
        lax.fori_loop(0, RT, norm, 0)
        pltpu.sync_copy(rows.at[pl.ds(1024, RT)], y_sh.at[pl.ds(r0, RT)])
        plsc.subcore_barrier()

        def hop(k, c):
            npair = NSUB // NS // 16
            e0 = sid * (NSUB // NS)
            pltpu.async_copy(es2.at[pl.ds(e0, 16)], sbuf.at[pl.ds(0, 16)],
                             isem)
            pltpu.async_copy(ed2.at[pl.ds(e0, 16)], dbuf.at[pl.ds(0, 16)],
                             isem)

            def pair(it, c2):
                q = lax.rem(it, 2) * 16
                gs = e0 + it * 16
                _drain_idx16()
                _drain_idx16()
                for b in range(8):
                    pltpu.async_copy(y_sh.at[sbuf.at[q + b]],
                                     rows.at[pl.ds((q + b) * SUB, SUB)], gsem)
                for b in range(8):
                    pltpu.async_copy(y_sh.at[sbuf.at[q + 8 + b]],
                                     rows.at[pl.ds((q + 8 + b) * SUB, SUB)],
                                     gsem2)

                @pl.when(it > 0)
                def _dp():
                    for b in range(16):
                        _drain(ssem)

                @pl.when(it < npair - 1)
                def _pf():
                    pltpu.async_copy(es2.at[pl.ds(gs + 16, 16)],
                                     sbuf.at[pl.ds(16 - q, 16)], isem)
                    pltpu.async_copy(ed2.at[pl.ds(gs + 16, 16)],
                                     dbuf.at[pl.ds(16 - q, 16)], isem)
                for b in range(8):
                    _drain(gsem)
                for b in range(8):
                    pltpu.async_copy(rows.at[pl.ds((q + b) * SUB, SUB)],
                                     z_sh.at[dbuf.at[q + b]], ssem, add=True)
                for b in range(8):
                    _drain(gsem2)
                for b in range(8):
                    pltpu.async_copy(rows.at[pl.ds((q + 8 + b) * SUB, SUB)],
                                     z_sh.at[dbuf.at[q + 8 + b]], ssem,
                                     add=True)
                return c2
            lax.fori_loop(0, npair, pair, 0)
            for b in range(16):
                _drain(ssem)
            plsc.subcore_barrier()

            pltpu.sync_copy(z_sh.at[pl.ds(r0, RT)], rows.at[pl.ds(0, RT)])
            pltpu.sync_copy(zeros16.at[pl.ds(r0, RT)], z_sh.at[pl.ds(r0, RT)])

            def upd(i, c2):
                dv = d16b[i]
                xn = 0.9 * (dv * (rows[i] + dv * xbuf[i])) + h01b[i]
                xbuf[i] = xn
                rows[1024 + i] = dv * xn
                return c2
            lax.fori_loop(0, RT, upd, 0)
            pltpu.sync_copy(rows.at[pl.ds(1024, RT)], y_sh.at[pl.ds(r0, RT)])
            plsc.subcore_barrier()
            return c
        lax.fori_loop(0, K_HOPS, hop, 0)
        pltpu.sync_copy(xbuf, xfin.at[pl.ds(r0, RT)])


def _prep_body(attr_ref, edge_ref, aro, aco, eso, edo):
    nr = E_EDGES // SUB

    def expand(a, fill, out_ref):
        a4 = a.reshape(nr, SUB) * 4
        for qq in range(4):
            out_ref[qq * nr:(qq + 1) * nr] = a4 + qq
        out_ref[4 * nr:] = jnp.full((NSUB4 - 4 * nr, SUB), fill, jnp.int32)

    expand(attr_ref[0], JUNK4, aro)
    expand(attr_ref[1], 0, aco)

    def padded(a, fill, out_ref):
        out_ref[0:E_EDGES // SUB] = a.reshape(E_EDGES // SUB, SUB)
        out_ref[E_EDGES // SUB:] = jnp.full((NSUB - E_EDGES // SUB, SUB),
                                            fill, jnp.int32)

    padded(edge_ref[0], 0, eso)
    padded(edge_ref[1], JUNK, edo)


def _prep(attr_idx, edge_idx):
    return pl.pallas_call(
        _prep_body,
        out_shape=(jax.ShapeDtypeStruct((NSUB4, SUB), jnp.int32),
                   jax.ShapeDtypeStruct((NSUB4, SUB), jnp.int32),
                   jax.ShapeDtypeStruct((NSUB, SUB), jnp.int32),
                   jax.ShapeDtypeStruct((NSUB, SUB), jnp.int32)),
    )(attr_idx, edge_idx)


def _lsm_body(x_ref, o_ref):
    x = x_ref[...]
    m = jnp.max(x, axis=1, keepdims=True)
    ex = jnp.exp(x - m)
    lse = jnp.log(jnp.sum(ex, axis=1, keepdims=True)) + m
    o_ref[...] = x - lse


def _logsm(x):
    return pl.pallas_call(
        _lsm_body,
        out_shape=jax.ShapeDtypeStruct((NPAD, C_DIM), jnp.float32),
    )(x)


def _pad_idx(v, fill):
    pad = jnp.full((EPAD - E_EDGES,), fill, jnp.int32)
    return jnp.concatenate([v, pad]).reshape(NSUB, SUB)


def _pad_idx4(v, fill):
    pad = jnp.full((EPAD4 - 4 * E_EDGES,), fill, jnp.int32)
    return jnp.concatenate([v, pad]).reshape(NSUB4, SUB)


def kernel(attr_idx, edge_idx, n, d, W1, W2):
    del n, d
    ar2, ac2, es2, ed2 = _prep(attr_idx, edge_idx)
    w14 = W1.reshape(4 * D_FEAT, C_DIM)
    zeros16 = jnp.zeros((NPAD, C_DIM), jnp.float32)
    ones = jnp.ones((8 * SUB, C_DIM), jnp.float32)

    xp = _spmm2(ar2, ac2, w14, zeros16)
    xfin = _appnp_sc(xp, es2, ed2, W2, zeros16, ones)
    out = _logsm(xfin)
    return out[:N_NODES]

# --- scband reference (transcript-rebuilt; emitter-appended) ---
"""Pipeline reference for scband-appnpnet-5643587027246 (READ-ONLY COPY).

The authoritative reference and input builder live on the scoring server;
editing this copy changes nothing except your own understanding.
"""

import jax, jax.numpy as jnp
import numpy as np

N = 10000
D = 10000
H = 64
C = 16
E = 320000
NNZ = 320000
K_HOPS = 10
ALPHA = 0.1


def setup_inputs(seed: int = 0) -> dict:
    key = jax.random.key(seed)
    k1, k2, k3, k4 = jax.random.split(key, 4)
    attr_idx = jax.random.randint(k1, (2, NNZ), 0, D, dtype=jnp.int32)
    edge_idx = jax.random.randint(k2, (2, E), 0, N, dtype=jnp.int32)
    W1 = jax.random.normal(k3, (D, H), dtype=jnp.float32) * 0.05
    W2 = jax.random.normal(k4, (H, C), dtype=jnp.float32) * 0.05
    return {"attr_idx": attr_idx, "edge_idx": edge_idx, "n": N, "d": D, "W1": W1, "W2": W2}


def reference(attr_idx, edge_idx, n, d, W1, W2):
    n_static = N
    # SparseLinear: spmm(attr_idx, ones, n, in_features, W1)
    value = jnp.ones((attr_idx.shape[1],), jnp.float32)
    x = jnp.zeros((n_static, W1.shape[1]), jnp.float32)
    x = x.at[attr_idx[0]].add(value[:, None] * jnp.take(W1, attr_idx[1], axis=0))
    x = jax.nn.relu(x)
    # dropout skipped (eval mode)
    x = x @ W2
    x = x + (jnp.asarray(n) * 0).astype(x.dtype)
    # APPNP propagation with GCN-normalized adjacency (self-loops added)
    src = jnp.concatenate([edge_idx[0], jnp.arange(n_static, dtype=edge_idx.dtype)])
    dst = jnp.concatenate([edge_idx[1], jnp.arange(n_static, dtype=edge_idx.dtype)])
    deg = jnp.zeros((n_static,), jnp.float32).at[dst].add(1.0)
    dinv = jnp.where(deg > 0, 1.0 / jnp.sqrt(deg), 0.0)
    w = dinv[src] * dinv[dst]
    h = x
    for _ in range(K_HOPS):
        msg = w[:, None] * jnp.take(x, src, axis=0)
        x = jnp.zeros_like(x).at[dst].add(msg)
        x = (1.0 - ALPHA) * x + ALPHA * h
    return jax.nn.log_softmax(x, axis=1)

if __name__ == "__main__":
    import jax
    _d = setup_inputs()
    print(jax.jit(kernel)(*tuple(_d.values())))

</pallas_src>

<mosaic_0001>
#map = affine_map<(d0, d1) -> (0, 0, 0)>
#map1 = affine_map<(d0, d1) -> (0, 0)>
module attributes {stable_mosaic.version = 14 : i64} {
  func.func @_appnp_sc(%arg0: i32, %arg1: i32, %arg2: memref<2x40960x16xf32, #tpu.memory_space<hbm>>, %arg3: memref<2560x128xi32, #tpu.memory_space<hbm>>, %arg4: memref<2560x128xi32, #tpu.memory_space<hbm>>, %arg5: memref<64x16xf32, #tpu.memory_space<hbm>>, %arg6: memref<10240x16xf32, #tpu.memory_space<hbm>>, %arg7: memref<1024x16xf32, #tpu.memory_space<hbm>>, %arg8: memref<10240x16xf32, #tpu.memory_space<hbm>>, %arg9: memref<10240x16xf32, #tpu.memory_space<vmem_shared>>, %arg10: memref<10240x16xf32, #tpu.memory_space<vmem_shared>>, %arg11: memref<32x128xi32, #tpu.memory_space<vmem>>, %arg12: memref<32x128xi32, #tpu.memory_space<vmem>>, %arg13: memref<4096x16xf32, #tpu.memory_space<vmem>>, %arg14: memref<64x16xf32, #tpu.memory_space<vmem>>, %arg15: memref<640x16xf32, #tpu.memory_space<vmem>>, %arg16: memref<640x16xf32, #tpu.memory_space<vmem>>, %arg17: memref<640x16xf32, #tpu.memory_space<vmem>>, %arg18: memref<!tpu.dma_semaphore, #tpu.memory_space<semaphore_mem>>, %arg19: memref<!tpu.dma_semaphore, #tpu.memory_space<semaphore_mem>>, %arg20: memref<!tpu.dma_semaphore, #tpu.memory_space<semaphore_mem>>, %arg21: memref<!tpu.dma_semaphore, #tpu.memory_space<semaphore_mem>>) attributes {dimension_semantics = [#tpu.dimension_semantics<core_parallel>, #tpu.dimension_semantics<subcore_parallel>], iteration_bounds = array<i64: 2, 16>, scalar_prefetch = 0 : i64, scratch_operands = 13 : i64, tpu.core_type = #tpu.core_type<sc_vector_subcore>, window_params = [{transform_indices = #map}, {transform_indices = #map1}, {transform_indices = #map1}, {transform_indices = #map1}, {transform_indices = #map1}, {transform_indices = #map1}, {transform_indices = #map1}]} {
    %mul3A = arith.constant 2560 : i32
    %mul3A_0 = arith.muli %arg1, %mul3A : i32
    %mul3A_1 = arith.constant 640 : i32
    %mul3A_2 = arith.muli %arg1, %mul3A_1 : i32
    %eq3A = arith.constant 0 : i32
    %eq3A_3 = arith.cmpi eq, %arg0, %eq3A : i32
    %convert_element_type3A = arith.extui %eq3A_3 : i1 to i32
    %cond3A = arith.constant 0 : i32
    %cond3A_4 = arith.cmpi ne, %convert_element_type3A, %cond3A : i32
    scf.if %cond3A_4 {
      "tpu.region"() ({
        %run_scoped3A = tpu.sem_alloc : memref<!tpu.dma_semaphore, #tpu.memory_space<semaphore_mem>>
        %dma_start3A = arith.constant 0 : i32
        %dma_start3A_30 = tpu.memref_slice %arg9[%mul3A_2, %dma_start3A] : memref<10240x16xf32, #tpu.memory_space<vmem_shared>> -> memref<640x16xf32, #tpu.memory_space<vmem_shared>>
        %dma_start3A_31 = arith.constant 0 : i32
        %dma_start3A_32 = tpu.memref_slice %arg6[%mul3A_2, %dma_start3A_31] : memref<10240x16xf32, #tpu.memory_space<hbm>> -> memref<640x16xf32, #tpu.memory_space<hbm>>
        tpu.enqueue_dma source(%dma_start3A_32 : memref<640x16xf32, #tpu.memory_space<hbm>>) target(%dma_start3A_30 : memref<640x16xf32, #tpu.memory_space<vmem_shared>>) target_semaphore(%run_scoped3A : memref<!tpu.dma_semaphore, #tpu.memory_space<semaphore_mem>>)
        %dma_wait3A = arith.constant 0 : i32
        %dma_wait3A_33 = tpu.memref_slice %arg9[%mul3A_2, %dma_wait3A] : memref<10240x16xf32, #tpu.memory_space<vmem_shared>> -> memref<640x16xf32, #tpu.memory_space<vmem_shared>>
        %dma_wait3A_34 = arith.constant 0 : i32
        %dma_wait3A_35 = tpu.memref_slice %arg6[%mul3A_2, %dma_wait3A_34] : memref<10240x16xf32, #tpu.memory_space<hbm>> -> memref<640x16xf32, #tpu.memory_space<hbm>>
        tpu.wait_dma2 semaphore(%run_scoped3A : memref<!tpu.dma_semaphore, #tpu.memory_space<semaphore_mem>>) src(%dma_wait3A_35 : memref<640x16xf32, #tpu.memory_space<hbm>>) dst(%dma_wait3A_33 : memref<640x16xf32, #tpu.memory_space<vmem_shared>>)
        tpu.yield
      }) : () -> ()
      "tpu.region"() ({
        %run_scoped3A = tpu.sem_alloc : memref<!tpu.dma_semaphore, #tpu.memory_space<semaphore_mem>>
        tpu.enqueue_dma source(%arg5 : memref<64x16xf32, #tpu.memory_space<hbm>>) target(%arg14 : memref<64x16xf32, #tpu.memory_space<vmem>>) target_semaphore(%run_scoped3A : memref<!tpu.dma_semaphore, #tpu.memory_space<semaphore_mem>>)
        tpu.wait_dma2 semaphore(%run_scoped3A : memref<!tpu.dma_semaphore, #tpu.memory_space<semaphore_mem>>) src(%arg5 : memref<64x16xf32, #tpu.memory_space<hbm>>) dst(%arg14 : memref<64x16xf32, #tpu.memory_space<vmem>>)
        tpu.yield
      }) : () -> ()
      %scan3A = arith.constant 0 : i32
      %scan3A_5 = arith.constant 0 : i32
      %scan3A_6 = arith.constant 10 : i32
      %scan3A_7 = arith.addi %scan3A_5, %scan3A_6 : i32
      %scan3A_8 = arith.constant 1 : i32
      scf.for %scan3A_30 = %scan3A_5 to %scan3A_7 step %scan3A_8  : i32 {
        %mul3A_31 = arith.constant 256 : i32
        %mul3A_32 = arith.muli %scan3A_30, %mul3A_31 : i32
        %add3A = arith.addi %mul3A_0, %mul3A_32 : i32
        %run_scoped3A = arith.constant 0 : i32
        "tpu.region"() ({
          %run_scoped3A_43 = tpu.sem_alloc : memref<!tpu.dma_semaphore, #tpu.memory_space<semaphore_mem>>
          %dma_start3A = arith.constant 0 : i32
          %dma_start3A_44 = arith.constant 0 : i32
          %dma_start3A_45 = tpu.memref_slice %arg13[%dma_start3A, %dma_start3A_44] : memref<4096x16xf32, #tpu.memory_space<vmem>> -> memref<256x16xf32, #tpu.memory_space<vmem>>
          %dma_start3A_46 = arith.constant 0 : i32
          %dma_start3A_47 = tpu.memref_slice %arg2[%run_scoped3A, %add3A, %dma_start3A_46] : memref<2x40960x16xf32, #tpu.memory_space<hbm>> -> memref<1x256x16xf32, #tpu.memory_space<hbm>>
          %dma_start3A_48 = tpu.memref_squeeze %dma_start3A_47 : memref<1x256x16xf32, #tpu.memory_space<hbm>> -> memref<256x16xf32, #tpu.memory_space<hbm>>
          %dma_start3A_49 = arith.constant 0 : i32
          %dma_start3A_50 = arith.constant 0 : i32
          %dma_start3A_51 = tpu.memref_slice %arg13[%dma_start3A_49, %dma_start3A_50] : memref<4096x16xf32, #tpu.memory_space<vmem>> -> memref<256x16xf32, #tpu.memory_space<vmem>>
          %dma_start3A_52 = arith.constant 0 : i32
          %dma_start3A_53 = tpu.memref_slice %arg2[%run_scoped3A, %add3A, %dma_start3A_52] : memref<2x40960x16xf32, #tpu.memory_space<hbm>> -> memref<1x256x16xf32, #tpu.memory_space<hbm>>
          %dma_start3A_54 = tpu.memref_squeeze %dma_start3A_53 : memref<1x256x16xf32, #tpu.memory_space<hbm>> -> memref<256x16xf32, #tpu.memory_space<hbm>>
          tpu.enqueue_dma source(%dma_start3A_54 : memref<256x16xf32, #tpu.memory_space<hbm>>) target(%dma_start3A_51 : memref<256x16xf32, #tpu.memory_space<vmem>>) target_semaphore(%run_scoped3A_43 : memref<!tpu.dma_semaphore, #tpu.memory_space<semaphore_mem>>)
          %dma_wait3A = arith.constant 0 : i32
          %dma_wait3A_55 = arith.constant 0 : i32
          %dma_wait3A_56 = tpu.memref_slice %arg13[%dma_wait3A, %dma_wait3A_55] : memref<4096x16xf32, #tpu.memory_space<vmem>> -> memref<256x16xf32, #tpu.memory_space<vmem>>
          %dma_wait3A_57 = arith.constant 0 : i32
          %dma_wait3A_58 = tpu.memref_slice %arg2[%run_scoped3A, %add3A, %dma_wait3A_57] : memref<2x40960x16xf32, #tpu.memory_space<hbm>> -> memref<1x256x16xf32, #tpu.memory_space<hbm>>
          %dma_wait3A_59 = tpu.memref_squeeze %dma_wait3A_58 : memref<1x256x16xf32, #tpu.memory_space<hbm>> -> memref<256x16xf32, #tpu.memory_space<hbm>>
          %dma_wait3A_60 = arith.constant 0 : i32
          %dma_wait3A_61 = arith.constant 0 : i32
          %dma_wait3A_62 = tpu.memref_slice %arg13[%dma_wait3A_60, %dma_wait3A_61] : memref<4096x16xf32, #tpu.memory_space<vmem>> -> memref<256x16xf32, #tpu.memory_space<vmem>>
          %dma_wait3A_63 = arith.constant 0 : i32
          %dma_wait3A_64 = tpu.memref_slice %arg2[%run_scoped3A, %add3A, %dma_wait3A_63] : memref<2x40960x16xf32, #tpu.memory_space<hbm>> -> memref<1x256x16xf32, #tpu.memory_space<hbm>>
          %dma_wait3A_65 = tpu.memref_squeeze %dma_wait3A_64 : memref<1x256x16xf32, #tpu.memory_space<hbm>> -> memref<256x16xf32, #tpu.memory_space<hbm>>
          tpu.wait_dma2 semaphore(%run_scoped3A_43 : memref<!tpu.dma_semaphore, #tpu.memory_space<semaphore_mem>>) src(%dma_wait3A_65 : memref<256x16xf32, #tpu.memory_space<hbm>>) dst(%dma_wait3A_62 : memref<256x16xf32, #tpu.memory_space<vmem>>)
          tpu.yield
        }) : () -> ()
        %mul3A_33 = arith.constant 256 : i32
        %mul3A_34 = arith.muli %scan3A_30, %mul3A_33 : i32
        %add3A_35 = arith.addi %mul3A_0, %mul3A_34 : i32
        %run_scoped3A_36 = arith.constant 1 : i32
        "tpu.region"() ({
          %run_scoped3A_43 = tpu.sem_alloc : memref<!tpu.dma_semaphore, #tpu.memory_space<semaphore_mem>>
          %dma_start3A = arith.constant 256 : i32
          %dma_start3A_44 = arith.constant 0 : i32
          %dma_start3A_45 = tpu.memref_slice %arg13[%dma_start3A, %dma_start3A_44] : memref<4096x16xf32, #tpu.memory_space<vmem>> -> memref<256x16xf32, #tpu.memory_space<vmem>>
          %dma_start3A_46 = arith.constant 0 : i32
          %dma_start3A_47 = tpu.memref_slice %arg2[%run_scoped3A_36, %add3A_35, %dma_start3A_46] : memref<2x40960x16xf32, #tpu.memory_space<hbm>> -> memref<1x256x16xf32, #tpu.memory_space<hbm>>
          %dma_start3A_48 = tpu.memref_squeeze %dma_start3A_47 : memref<1x256x16xf32, #tpu.memory_space<hbm>> -> memref<256x16xf32, #tpu.memory_space<hbm>>
          %dma_start3A_49 = arith.constant 256 : i32
          %dma_start3A_50 = arith.constant 0 : i32
          %dma_start3A_51 = tpu.memref_slice %arg13[%dma_start3A_49, %dma_start3A_50] : memref<4096x16xf32, #tpu.memory_space<vmem>> -> memref<256x16xf32, #tpu.memory_space<vmem>>
          %dma_start3A_52 = arith.constant 0 : i32
          %dma_start3A_53 = tpu.memref_slice %arg2[%run_scoped3A_36, %add3A_35, %dma_start3A_52] : memref<2x40960x16xf32, #tpu.memory_space<hbm>> -> memref<1x256x16xf32, #tpu.memory_space<hbm>>
          %dma_start3A_54 = tpu.memref_squeeze %dma_start3A_53 : memref<1x256x16xf32, #tpu.memory_space<hbm>> -> memref<256x16xf32, #tpu.memory_space<hbm>>
          tpu.enqueue_dma source(%dma_start3A_54 : memref<256x16xf32, #tpu.memory_space<hbm>>) target(%dma_start3A_51 : memref<256x16xf32, #tpu.memory_space<vmem>>) target_semaphore(%run_scoped3A_43 : memref<!tpu.dma_semaphore, #tpu.memory_space<semaphore_mem>>)
          %dma_wait3A = arith.constant 256 : i32
          %dma_wait3A_55 = arith.constant 0 : i32
          %dma_wait3A_56 = tpu.memref_slice %arg13[%dma_wait3A, %dma_wait3A_55] : memref<4096x16xf32, #tpu.memory_space<vmem>> -> memref<256x16xf32, #tpu.memory_space<vmem>>
          %dma_wait3A_57 = arith.constant 0 : i32
          %dma_wait3A_58 = tpu.memref_slice %arg2[%run_scoped3A_36, %add3A_35, %dma_wait3A_57] : memref<2x40960x16xf32, #tpu.memory_space<hbm>> -> memref<1x256x16xf32, #tpu.memory_space<hbm>>
          %dma_wait3A_59 = tpu.memref_squeeze %dma_wait3A_58 : memref<1x256x16xf32, #tpu.memory_space<hbm>> -> memref<256x16xf32, #tpu.memory_space<hbm>>
          %dma_wait3A_60 = arith.constant 256 : i32
          %dma_wait3A_61 = arith.constant 0 : i32
          %dma_wait3A_62 = tpu.memref_slice %arg13[%dma_wait3A_60, %dma_wait3A_61] : memref<4096x16xf32, #tpu.memory_space<vmem>> -> memref<256x16xf32, #tpu.memory_space<vmem>>
          %dma_wait3A_63 = arith.constant 0 : i32
          %dma_wait3A_64 = tpu.memref_slice %arg2[%run_scoped3A_36, %add3A_35, %dma_wait3A_63] : memref<2x40960x16xf32, #tpu.memory_space<hbm>> -> memref<1x256x16xf32, #tpu.memory_space<hbm>>
          %dma_wait3A_65 = tpu.memref_squeeze %dma_wait3A_64 : memref<1x256x16xf32, #tpu.memory_space<hbm>> -> memref<256x16xf32, #tpu.memory_space<hbm>>
          tpu.wait_dma2 semaphore(%run_scoped3A_43 : memref<!tpu.dma_semaphore, #tpu.memory_space<semaphore_mem>>) src(%dma_wait3A_65 : memref<256x16xf32, #tpu.memory_space<hbm>>) dst(%dma_wait3A_62 : memref<256x16xf32, #tpu.memory_space<vmem>>)
          tpu.yield
        }) : () -> ()
        %scan3A_37 = arith.constant 0 : i32
        %scan3A_38 = arith.constant 0 : i32
        %scan3A_39 = arith.constant 64 : i32
        %scan3A_40 = arith.addi %scan3A_38, %scan3A_39 : i32
        %scan3A_41 = arith.constant 1 : i32
        scf.for %scan3A_43 = %scan3A_38 to %scan3A_40 step %scan3A_41  : i32 {
          %mul3A_44 = arith.constant 64 : i32
          %mul3A_45 = arith.muli %scan3A_30, %mul3A_44 : i32
          %add3A_46 = arith.addi %mul3A_45, %scan3A_43 : i32
          %broadcast_in_dim3A = arith.constant 0.000000e+00 : f32
          %broadcast_in_dim3A_47 = vector.broadcast %broadcast_in_dim3A : f32 to vector<16xf32>
          %mul3A_48 = arith.constant 4 : i32
          %mul3A_49 = arith.muli %mul3A_48, %scan3A_43 : i32
          %add3A_50 = arith.constant 0 : i32
          %add3A_51 = arith.addi %mul3A_49, %add3A_50 : i32
          %get3A = arith.index_cast %add3A_51 : i32 to index
          %get3A_52 = arith.constant 0 : index
          %get3A_53 = tpu.vector_load %arg13[%get3A, %get3A_52] {strides = array<i32>} : memref<4096x16xf32, #tpu.memory_space<vmem>>, vector<16xf32>,
          %mul3A_54 = arith.constant 4 : i32
          %mul3A_55 = arith.muli %mul3A_54, %scan3A_43 : i32
          %add3A_56 = arith.constant 256 : i32
          %add3A_57 = arith.addi %add3A_56, %mul3A_55 : i32
          %add3A_58 = arith.constant 0 : i32
          %add3A_59 = arith.addi %add3A_57, %add3A_58 : i32
          %get3A_60 = arith.index_cast %add3A_59 : i32 to index
          %get3A_61 = arith.constant 0 : index
          %get3A_62 = tpu.vector_load %arg13[%get3A_60, %get3A_61] {strides = array<i32>} : memref<4096x16xf32, #tpu.memory_space<vmem>>, vector<16xf32>,
          %add3A_63 = arith.addf %get3A_53, %get3A_62 : vector<16xf32>
          %max3A = arith.constant 0.000000e+00 : f32
          %max3A_64 = vector.broadcast %max3A : f32 to vector<16xf32>
          %max3A_65 = arith.maximumf %add3A_63, %max3A_64 : vector<16xf32>
          %slice3A = vector.extract_strided_slice %max3A_65 {offsets = [0], sizes = [1], strides = [1]} : vector<16xf32> to vector<1xf32>
          %squeeze3A = vector.extract %slice3A[0] : f32 from vector<1xf32>
          %get3A_66 = arith.constant 0 : i32
          %get3A_67 = arith.index_cast %get3A_66 : i32 to index
          %get3A_68 = arith.constant 0 : index
          %get3A_69 = tpu.vector_load %arg14[%get3A_67, %get3A_68] {strides = array<i32>} : memref<64x16xf32, #tpu.memory_space<vmem>>, vector<16xf32>,
          %mul3A_70 = vector.broadcast %squeeze3A : f32 to vector<16xf32>
          %mul3A_71 = arith.mulf %mul3A_70, %get3A_69 : vector<16xf32>
          %add3A_72 = arith.addf %broadcast_in_dim3A_47, %mul3A_71 : vector<16xf32>
          %slice3A_73 = vector.extract_strided_slice %max3A_65 {offsets = [1], sizes = [1], strides = [1]} : vector<16xf32> to vector<1xf32>
          %squeeze3A_74 = vector.extract %slice3A_73[0] : f32 from vector<1xf32>
          %get3A_75 = arith.constant 1 : i32
          %get3A_76 = arith.index_cast %get3A_75 : i32 to index
          %get3A_77 = arith.constant 0 : index
          %get3A_78 = tpu.vector_load %arg14[%get3A_76, %get3A_77] {strides = array<i32>} : memref<64x16xf32, #tpu.memory_space<vmem>>, vector<16xf32>,
          %mul3A_79 = vector.broadcast %squeeze3A_74 : f32 to vector<16xf32>
          %mul3A_80 = arith.mulf %mul3A_79, %get3A_78 : vector<16xf32>
          %add3A_81 = arith.addf %add3A_72, %mul3A_80 : vector<16xf32>
          %slice3A_82 = vector.extract_strided_slice %max3A_65 {offsets = [2], sizes = [1], strides = [1]} : vector<16xf32> to vector<1xf32>
          %squeeze3A_83 = vector.extract %slice3A_82[0] : f32 from vector<1xf32>
          %get3A_84 = arith.constant 2 : i32
          %get3A_85 = arith.index_cast %get3A_84 : i32 to index
          %get3A_86 = arith.constant 0 : index
          %get3A_87 = tpu.vector_load %arg14[%get3A_85, %get3A_86] {strides = array<i32>} : memref<64x16xf32, #tpu.memory_space<vmem>>, vector<16xf32>,
          %mul3A_88 = vector.broadcast %squeeze3A_83 : f32 to vector<16xf32>
          %mul3A_89 = arith.mulf %mul3A_88, %get3A_87 : vector<16xf32>
          %add3A_90 = arith.addf %add3A_81, %mul3A_89 : vector<16xf32>
          %slice3A_91 = vector.extract_strided_slice %max3A_65 {offsets = [3], sizes = [1], strides = [1]} : vector<16xf32> to vector<1xf32>
          %squeeze3A_92 = vector.extract %slice3A_91[0] : f32 from vector<1xf32>
          %get3A_93 = arith.constant 3 : i32
          %get3A_94 = arith.index_cast %get3A_93 : i32 to index
          %get3A_95 = arith.constant 0 : index
          %get3A_96 = tpu.vector_load %arg14[%get3A_94, %get3A_95] {strides = array<i32>} : memref<64x16xf32, #tpu.memory_space<vmem>>, vector<16xf32>,
          %mul3A_97 = vector.broadcast %squeeze3A_92 : f32 to vector<16xf32>
          %mul3A_98 = arith.mulf %mul3A_97, %get3A_96 : vector<16xf32>
          %add3A_99 = arith.addf %add3A_90, %mul3A_98 : vector<16xf32>
          %slice3A_100 = vector.extract_strided_slice %max3A_65 {offsets = [4], sizes = [1], strides = [1]} : vector<16xf32> to vector<1xf32>
          %squeeze3A_101 = vector.extract %slice3A_100[0] : f32 from vector<1xf32>
          %get3A_102 = arith.constant 4 : i32
          %get3A_103 = arith.index_cast %get3A_102 : i32 to index
          %get3A_104 = arith.constant 0 : index
          %get3A_105 = tpu.vector_load %arg14[%get3A_103, %get3A_104] {strides = array<i32>} : memref<64x16xf32, #tpu.memory_space<vmem>>, vector<16xf32>,
          %mul3A_106 = vector.broadcast %squeeze3A_101 : f32 to vector<16xf32>
          %mul3A_107 = arith.mulf %mul3A_106, %get3A_105 : vector<16xf32>
          %add3A_108 = arith.addf %add3A_99, %mul3A_107 : vector<16xf32>
          %slice3A_109 = vector.extract_strided_slice %max3A_65 {offsets = [5], sizes = [1], strides = [1]} : vector<16xf32> to vector<1xf32>
          %squeeze3A_110 = vector.extract %slice3A_109[0] : f32 from vector<1xf32>
          %get3A_111 = arith.constant 5 : i32
          %get3A_112 = arith.index_cast %get3A_111 : i32 to index
          %get3A_113 = arith.constant 0 : index
          %get3A_114 = tpu.vector_load %arg14[%get3A_112, %get3A_113] {strides = array<i32>} : memref<64x16xf32, #tpu.memory_space<vmem>>, vector<16xf32>,
          %mul3A_115 = vector.broadcast %squeeze3A_110 : f32 to vector<16xf32>
          %mul3A_116 = arith.mulf %mul3A_115, %get3A_114 : vector<16xf32>
          %add3A_117 = arith.addf %add3A_108, %mul3A_116 : vector<16xf32>
          %slice3A_118 = vector.extract_strided_slice %max3A_65 {offsets = [6], sizes = [1], strides = [1]} : vector<16xf32> to vector<1xf32>
          %squeeze3A_119 = vector.extract %slice3A_118[0] : f32 from vector<1xf32>
          %get3A_120 = arith.constant 6 : i32
          %get3A_121 = arith.index_cast %get3A_120 : i32 to index
          %get3A_122 = arith.constant 0 : index
          %get3A_123 = tpu.vector_load %arg14[%get3A_121, %get3A_122] {strides = array<i32>} : memref<64x16xf32, #tpu.memory_space<vmem>>, vector<16xf32>,
          %mul3A_124 = vector.broadcast %squeeze3A_119 : f32 to vector<16xf32>
          %mul3A_125 = arith.mulf %mul3A_124, %get3A_123 : vector<16xf32>
          %add3A_126 = arith.addf %add3A_117, %mul3A_125 : vector<16xf32>
          %slice3A_127 = vector.extract_strided_slice %max3A_65 {offsets = [7], sizes = [1], strides = [1]} : vector<16xf32> to vector<1xf32>
          %squeeze3A_128 = vector.extract %slice3A_127[0] : f32 from vector<1xf32>
          %get3A_129 = arith.constant 7 : i32
          %get3A_130 = arith.index_cast %get3A_129 : i32 to index
          %get3A_131 = arith.constant 0 : index
          %get3A_132 = tpu.vector_load %arg14[%get3A_130, %get3A_131] {strides = array<i32>} : memref<64x16xf32, #tpu.memory_space<vmem>>, vector<16xf32>,
          %mul3A_133 = vector.broadcast %squeeze3A_128 : f32 to vector<16xf32>
          %mul3A_134 = arith.mulf %mul3A_133, %get3A_132 : vector<16xf32>
          %add3A_135 = arith.addf %add3A_126, %mul3A_134 : vector<16xf32>
          %slice3A_136 = vector.extract_strided_slice %max3A_65 {offsets = [8], sizes = [1], strides = [1]} : vector<16xf32> to vector<1xf32>
          %squeeze3A_137 = vector.extract %slice3A_136[0] : f32 from vector<1xf32>
          %get3A_138 = arith.constant 8 : i32
          %get3A_139 = arith.index_cast %get3A_138 : i32 to index
          %get3A_140 = arith.constant 0 : index
          %get3A_141 = tpu.vector_load %arg14[%get3A_139, %get3A_140] {strides = array<i32>} : memref<64x16xf32, #tpu.memory_space<vmem>>, vector<16xf32>,
          %mul3A_142 = vector.broadcast %squeeze3A_137 : f32 to vector<16xf32>
          %mul3A_143 = arith.mulf %mul3A_142, %get3A_141 : vector<16xf32>
          %add3A_144 = arith.addf %add3A_135, %mul3A_143 : vector<16xf32>
          %slice3A_145 = vector.extract_strided_slice %max3A_65 {offsets = [9], sizes = [1], strides = [1]} : vector<16xf32> to vector<1xf32>
          %squeeze3A_146 = vector.extract %slice3A_145[0] : f32 from vector<1xf32>
          %get3A_147 = arith.constant 9 : i32
          %get3A_148 = arith.index_cast %get3A_147 : i32 to index
          %get3A_149 = arith.constant 0 : index
          %get3A_150 = tpu.vector_load %arg14[%get3A_148, %get3A_149] {strides = array<i32>} : memref<64x16xf32, #tpu.memory_space<vmem>>, vector<16xf32>,
          %mul3A_151 = vector.broadcast %squeeze3A_146 : f32 to vector<16xf32>
          %mul3A_152 = arith.mulf %mul3A_151, %get3A_150 : vector<16xf32>
          %add3A_153 = arith.addf %add3A_144, %mul3A_152 : vector<16xf32>
          %slice3A_154 = vector.extract_strided_slice %max3A_65 {offsets = [10], sizes = [1], strides = [1]} : vector<16xf32> to vector<1xf32>
          %squeeze3A_155 = vector.extract %slice3A_154[0] : f32 from vector<1xf32>
          %get3A_156 = arith.constant 10 : i32
          %get3A_157 = arith.index_cast %get3A_156 : i32 to index
          %get3A_158 = arith.constant 0 : index
          %get3A_159 = tpu.vector_load %arg14[%get3A_157, %get3A_158] {strides = array<i32>} : memref<64x16xf32, #tpu.memory_space<vmem>>, vector<16xf32>,
          %mul3A_160 = vector.broadcast %squeeze3A_155 : f32 to vector<16xf32>
          %mul3A_161 = arith.mulf %mul3A_160, %get3A_159 : vector<16xf32>
          %add3A_162 = arith.addf %add3A_153, %mul3A_161 : vector<16xf32>
          %slice3A_163 = vector.extract_strided_slice %max3A_65 {offsets = [11], sizes = [1], strides = [1]} : vector<16xf32> to vector<1xf32>
          %squeeze3A_164 = vector.extract %slice3A_163[0] : f32 from vector<1xf32>
          %get3A_165 = arith.constant 11 : i32
          %get3A_166 = arith.index_cast %get3A_165 : i32 to index
          %get3A_167 = arith.constant 0 : index
          %get3A_168 = tpu.vector_load %arg14[%get3A_166, %get3A_167] {strides = array<i32>} : memref<64x16xf32, #tpu.memory_space<vmem>>, vector<16xf32>,
          %mul3A_169 = vector.broadcast %squeeze3A_164 : f32 to vector<16xf32>
          %mul3A_170 = arith.mulf %mul3A_169, %get3A_168 : vector<16xf32>
          %add3A_171 = arith.addf %add3A_162, %mul3A_170 : vector<16xf32>
          %slice3A_172 = vector.extract_strided_slice %max3A_65 {offsets = [12], sizes = [1], strides = [1]} : vector<16xf32> to vector<1xf32>
          %squeeze3A_173 = vector.extract %slice3A_172[0] : f32 from vector<1xf32>
          %get3A_174 = arith.constant 12 : i32
          %get3A_175 = arith.index_cast %get3A_174 : i32 to index
          %get3A_176 = arith.constant 0 : index
          %get3A_177 = tpu.vector_load %arg14[%get3A_175, %get3A_176] {strides = array<i32>} : memref<64x16xf32, #tpu.memory_space<vmem>>, vector<16xf32>,
          %mul3A_178 = vector.broadcast %squeeze3A_173 : f32 to vector<16xf32>
          %mul3A_179 = arith.mulf %mul3A_178, %get3A_177 : vector<16xf32>
          %add3A_180 = arith.addf %add3A_171, %mul3A_179 : vector<16xf32>
          %slice3A_181 = vector.extract_strided_slice %max3A_65 {offsets = [13], sizes = [1], strides = [1]} : vector<16xf32> to vector<1xf32>
          %squeeze3A_182 = vector.extract %slice3A_181[0] : f32 from vector<1xf32>
          %get3A_183 = arith.constant 13 : i32
          %get3A_184 = arith.index_cast %get3A_183 : i32 to index
          %get3A_185 = arith.constant 0 : index
          %get3A_186 = tpu.vector_load %arg14[%get3A_184, %get3A_185] {strides = array<i32>} : memref<64x16xf32, #tpu.memory_space<vmem>>, vector<16xf32>,
          %mul3A_187 = vector.broadcast %squeeze3A_182 : f32 to vector<16xf32>
          %mul3A_188 = arith.mulf %mul3A_187, %get3A_186 : vector<16xf32>
          %add3A_189 = arith.addf %add3A_180, %mul3A_188 : vector<16xf32>
          %slice3A_190 = vector.extract_strided_slice %max3A_65 {offsets = [14], sizes = [1], strides = [1]} : vector<16xf32> to vector<1xf32>
          %squeeze3A_191 = vector.extract %slice3A_190[0] : f32 from vector<1xf32>
          %get3A_192 = arith.constant 14 : i32
          %get3A_193 = arith.index_cast %get3A_192 : i32 to index
          %get3A_194 = arith.constant 0 : index
          %get3A_195 = tpu.vector_load %arg14[%get3A_193, %get3A_194] {strides = array<i32>} : memref<64x16xf32, #tpu.memory_space<vmem>>, vector<16xf32>,
          %mul3A_196 = vector.broadcast %squeeze3A_191 : f32 to vector<16xf32>
          %mul3A_197 = arith.mulf %mul3A_196, %get3A_195 : vector<16xf32>
          %add3A_198 = arith.addf %add3A_189, %mul3A_197 : vector<16xf32>
          %slice3A_199 = vector.extract_strided_slice %max3A_65 {offsets = [15], sizes = [1], strides = [1]} : vector<16xf32> to vector<1xf32>
          %squeeze3A_200 = vector.extract %slice3A_199[0] : f32 from vector<1xf32>
          %get3A_201 = arith.constant 15 : i32
          %get3A_202 = arith.index_cast %get3A_201 : i32 to index
          %get3A_203 = arith.constant 0 : index
          %get3A_204 = tpu.vector_load %arg14[%get3A_202, %get3A_203] {strides = array<i32>} : memref<64x16xf32, #tpu.memory_space<vmem>>, vector<16xf32>,
          %mul3A_205 = vector.broadcast %squeeze3A_200 : f32 to vector<16xf32>
          %mul3A_206 = arith.mulf %mul3A_205, %get3A_204 : vector<16xf32>
          %add3A_207 = arith.addf %add3A_198, %mul3A_206 : vector<16xf32>
          %mul3A_208 = arith.constant 4 : i32
          %mul3A_209 = arith.muli %mul3A_208, %scan3A_43 : i32
          %add3A_210 = arith.constant 1 : i32
          %add3A_211 = arith.addi %mul3A_209, %add3A_210 : i32
          %get3A_212 = arith.index_cast %add3A_211 : i32 to index
          %get3A_213 = arith.constant 0 : index
          %get3A_214 = tpu.vector_load %arg13[%get3A_212, %get3A_213] {strides = array<i32>} : memref<4096x16xf32, #tpu.memory_space<vmem>>, vector<16xf32>,
          %mul3A_215 = arith.constant 4 : i32
          %mul3A_216 = arith.muli %mul3A_215, %scan3A_43 : i32
          %add3A_217 = arith.constant 256 : i32
          %add3A_218 = arith.addi %add3A_217, %mul3A_216 : i32
          %add3A_219 = arith.constant 1 : i32
          %add3A_220 = arith.addi %add3A_218, %add3A_219 : i32
          %get3A_221 = arith.index_cast %add3A_220 : i32 to index
          %get3A_222 = arith.constant 0 : index
          %get3A_223 = tpu.vector_load %arg13[%get3A_221, %get3A_222] {strides = array<i32>} : memref<4096x16xf32, #tpu.memory_space<vmem>>, vector<16xf32>,
          %add3A_224 = arith.addf %get3A_214, %get3A_223 : vector<16xf32>
          %max3A_225 = arith.constant 0.000000e+00 : f32
          %max3A_226 = vector.broadcast %max3A_225 : f32 to vector<16xf32>
          %max3A_227 = arith.maximumf %add3A_224, %max3A_226 : vector<16xf32>
          %slice3A_228 = vector.extract_strided_slice %max3A_227 {offsets = [0], sizes = [1], strides = [1]} : vector<16xf32> to vector<1xf32>
          %squeeze3A_229 = vector.extract %slice3A_228[0] : f32 from vector<1xf32>
          %get3A_230 = arith.constant 16 : i32
          %get3A_231 = arith.index_cast %get3A_230 : i32 to index
          %get3A_232 = arith.constant 0 : index
          %get3A_233 = tpu.vector_load %arg14[%get3A_231, %get3A_232] {strides = array<i32>} : memref<64x16xf32, #tpu.memory_space<vmem>>, vector<16xf32>,
          %mul3A_234 = vector.broadcast %squeeze3A_229 : f32 to vector<16xf32>
          %mul3A_235 = arith.mulf %mul3A_234, %get3A_233 : vector<16xf32>
          %add3A_236 = arith.addf %add3A_207, %mul3A_235 : vector<16xf32>
          %slice3A_237 = vector.extract_strided_slice %max3A_227 {offsets = [1], sizes = [1], strides = [1]} : vector<16xf32> to vector<1xf32>
          %squeeze3A_238 = vector.extract %slice3A_237[0] : f32 from vector<1xf32>
          %get3A_239 = arith.constant 17 : i32
          %get3A_240 = arith.index_cast %get3A_239 : i32 to index
          %get3A_241 = arith.constant 0 : index
          %get3A_242 = tpu.vector_load %arg14[%get3A_240, %get3A_241] {strides = array<i32>} : memref<64x16xf32, #tpu.memory_space<vmem>>, vector<16xf32>,
          %mul3A_243 = vector.broadcast %squeeze3A_238 : f32 to vector<16xf32>
          %mul3A_244 = arith.mulf %mul3A_243, %get3A_242 : vector<16xf32>
          %add3A_245 = arith.addf %add3A_236, %mul3A_244 : vector<16xf32>
          %slice3A_246 = vector.extract_strided_slice %max3A_227 {offsets = [2], sizes = [1], strides = [1]} : vector<16xf32> to vector<1xf32>
          %squeeze3A_247 = vector.extract %slice3A_246[0] : f32 from vector<1xf32>
          %get3A_248 = arith.constant 18 : i32
          %get3A_249 = arith.index_cast %get3A_248 : i32 to index
          %get3A_250 = arith.constant 0 : index
          %get3A_251 = tpu.vector_load %arg14[%get3A_249, %get3A_250] {strides = array<i32>} : memref<64x16xf32, #tpu.memory_space<vmem>>, vector<16xf32>,
          %mul3A_252 = vector.broadcast %squeeze3A_247 : f32 to vector<16xf32>
          %mul3A_253 = arith.mulf %mul3A_252, %get3A_251 : vector<16xf32>
          %add3A_254 = arith.addf %add3A_245, %mul3A_253 : vector<16xf32>
          %slice3A_255 = vector.extract_strided_slice %max3A_227 {offsets = [3], sizes = [1], strides = [1]} : vector<16xf32> to vector<1xf32>
          %squeeze3A_256 = vector.extract %slice3A_255[0] : f32 from vector<1xf32>
          %get3A_257 = arith.constant 19 : i32
          %get3A_258 = arith.index_cast %get3A_257 : i32 to index
          %get3A_259 = arith.constant 0 : index
          %get3A_260 = tpu.vector_load %arg14[%get3A_258, %get3A_259] {strides = array<i32>} : memref<64x16xf32, #tpu.memory_space<vmem>>, vector<16xf32>,
          %mul3A_261 = vector.broadcast %squeeze3A_256 : f32 to vector<16xf32>
          %mul3A_262 = arith.mulf %mul3A_261, %get3A_260 : vector<16xf32>
          %add3A_263 = arith.addf %add3A_254, %mul3A_262 : vector<16xf32>
          %slice3A_264 = vector.extract_strided_slice %max3A_227 {offsets = [4], sizes = [1], strides = [1]} : vector<16xf32> to vector<1xf32>
          %squeeze3A_265 = vector.extract %slice3A_264[0] : f32 from vector<1xf32>
          %get3A_266 = arith.constant 20 : i32
          %get3A_267 = arith.index_cast %get3A_266 : i32 to index
          %get3A_268 = arith.constant 0 : index
          %get3A_269 = tpu.vector_load %arg14[%get3A_267, %get3A_268] {strides = array<i32>} : memref<64x16xf32, #tpu.memory_space<vmem>>, vector<16xf32>,
          %mul3A_270 = vector.broadcast %squeeze3A_265 : f32 to vector<16xf32>
          %mul3A_271 = arith.mulf %mul3A_270, %get3A_269 : vector<16xf32>
          %add3A_272 = arith.addf %add3A_263, %mul3A_271 : vector<16xf32>
          %slice3A_273 = vector.extract_strided_slice %max3A_227 {offsets = [5], sizes = [1], strides = [1]} : vector<16xf32> to vector<1xf32>
          %squeeze3A_274 = vector.extract %slice3A_273[0] : f32 from vector<1xf32>
          %get3A_275 = arith.constant 21 : i32
          %get3A_276 = arith.index_cast %get3A_275 : i32 to index
          %get3A_277 = arith.constant 0 : index
          %get3A_278 = tpu.vector_load %arg14[%get3A_276, %get3A_277] {strides = array<i32>} : memref<64x16xf32, #tpu.memory_space<vmem>>, vector<16xf32>,
          %mul3A_279 = vector.broadcast %squeeze3A_274 : f32 to vector<16xf32>
          %mul3A_280 = arith.mulf %mul3A_279, %get3A_278 : vector<16xf32>
          %add3A_281 = arith.addf %add3A_272, %mul3A_280 : vector<16xf32>
          %slice3A_282 = vector.extract_strided_slice %max3A_227 {offsets = [6], sizes = [1], strides = [1]} : vector<16xf32> to vector<1xf32>
          %squeeze3A_283 = vector.extract %slice3A_282[0] : f32 from vector<1xf32>
          %get3A_284 = arith.constant 22 : i32
          %get3A_285 = arith.index_cast %get3A_284 : i32 to index
          %get3A_286 = arith.constant 0 : index
          %get3A_287 = tpu.vector_load %arg14[%get3A_285, %get3A_286] {strides = array<i32>} : memref<64x16xf32, #tpu.memory_space<vmem>>, vector<16xf32>,
          %mul3A_288 = vector.broadcast %squeeze3A_283 : f32 to vector<16xf32>
          %mul3A_289 = arith.mulf %mul3A_288, %get3A_287 : vector<16xf32>
          %add3A_290 = arith.addf %add3A_281, %mul3A_289 : vector<16xf32>
          %slice3A_291 = vector.extract_strided_slice %max3A_227 {offsets = [7], sizes = [1], strides = [1]} : vector<16xf32> to vector<1xf32>
          %squeeze3A_292 = vector.extract %slice3A_291[0] : f32 from vector<1xf32>
          %get3A_293 = arith.constant 23 : i32
          %get3A_294 = arith.index_cast %get3A_293 : i32 to index
          %get3A_295 = arith.constant 0 : index
          %get3A_296 = tpu.vector_load %arg14[%get3A_294, %get3A_295] {strides = array<i32>} : memref<64x16xf32, #tpu.memory_space<vmem>>, vector<16xf32>,
          %mul3A_297 = vector.broadcast %squeeze3A_292 : f32 to vector<16xf32>
          %mul3A_298 = arith.mulf %mul3A_297, %get3A_296 : vector<16xf32>
          %add3A_299 = arith.addf %add3A_290, %mul3A_298 : vector<16xf32>
          %slice3A_300 = vector.extract_strided_slice %max3A_227 {offsets = [8], sizes = [1], strides = [1]} : vector<16xf32> to vector<1xf32>
          %squeeze3A_301 = vector.extract %slice3A_300[0] : f32 from vector<1xf32>
          %get3A_302 = arith.constant 24 : i32
          %get3A_303 = arith.index_cast %get3A_302 : i32 to index
          %get3A_304 = arith.constant 0 : index
          %get3A_305 = tpu.vector_load %arg14[%get3A_303, %get3A_304] {strides = array<i32>} : memref<64x16xf32, #tpu.memory_space<vmem>>, vector<16xf32>,
          %mul3A_306 = vector.broadcast %squeeze3A_301 : f32 to vector<16xf32>
          %mul3A_307 = arith.mulf %mul3A_306, %get3A_305 : vector<16xf32>
          %add3A_308 = arith.addf %add3A_299, %mul3A_307 : vector<16xf32>
          %slice3A_309 = vector.extract_strided_slice %max3A_227 {offsets = [9], sizes = [1], strides = [1]} : vector<16xf32> to vector<1xf32>
          %squeeze3A_310 = vector.extract %slice3A_309[0] : f32 from vector<1xf32>
          %get3A_311 = arith.constant 25 : i32
          %get3A_312 = arith.index_cast %get3A_311 : i32 to index
          %get3A_313 = arith.constant 0 : index
          %get3A_314 = tpu.vector_load %arg14[%get3A_312, %get3A_313] {strides = array<i32>} : memref<64x16xf32, #tpu.memory_space<vmem>>, vector<16xf32>,
          %mul3A_315 = vector.broadcast %squeeze3A_310 : f32 to vector<16xf32>
          %mul3A_316 = arith.mulf %mul3A_315, %get3A_314 : vector<16xf32>
          %add3A_317 = arith.addf %add3A_308, %mul3A_316 : vector<16xf32>
          %slice3A_318 = vector.extract_strided_slice %max3A_227 {offsets = [10], sizes = [1], strides = [1]} : vector<16xf32> to vector<1xf32>
          %squeeze3A_319 = vector.extract %slice3A_318[0] : f32 from vector<1xf32>
          %get3A_320 = arith.constant 26 : i32
          %get3A_321 = arith.index_cast %get3A_320 : i32 to index
          %get3A_322 = arith.constant 0 : index
          %get3A_323 = tpu.vector_load %arg14[%get3A_321, %get3A_322] {strides = array<i32>} : memref<64x16xf32, #tpu.memory_space<vmem>>, vector<16xf32>,
          %mul3A_324 = vector.broadcast %squeeze3A_319 : f32 to vector<16xf32>
          %mul3A_325 = arith.mulf %mul3A_324, %get3A_323 : vector<16xf32>
          %add3A_326 = arith.addf %add3A_317, %mul3A_325 : vector<16xf32>
          %slice3A_327 = vector.extract_strided_slice %max3A_227 {offsets = [11], sizes = [1], strides = [1]} : vector<16xf32> to vector<1xf32>
          %squeeze3A_328 = vector.extract %slice3A_327[0] : f32 from vector<1xf32>
          %get3A_329 = arith.constant 27 : i32
          %get3A_330 = arith.index_cast %get3A_329 : i32 to index
          %get3A_331 = arith.constant 0 : index
          %get3A_332 = tpu.vector_load %arg14[%get3A_330, %get3A_331] {strides = array<i32>} : memref<64x16xf32, #tpu.memory_space<vmem>>, vector<16xf32>,
          %mul3A_333 = vector.broadcast %squeeze3A_328 : f32 to vector<16xf32>
          %mul3A_334 = arith.mulf %mul3A_333, %get3A_332 : vector<16xf32>
          %add3A_335 = arith.addf %add3A_326, %mul3A_334 : vector<16xf32>
          %slice3A_336 = vector.extract_strided_slice %max3A_227 {offsets = [12], sizes = [1], strides = [1]} : vector<16xf32> to vector<1xf32>
          %squeeze3A_337 = vector.extract %slice3A_336[0] : f32 from vector<1xf32>
          %get3A_338 = arith.constant 28 : i32
          %get3A_339 = arith.index_cast %get3A_338 : i32 to index
          %get3A_340 = arith.constant 0 : index
          %get3A_341 = tpu.vector_load %arg14[%get3A_339, %get3A_340] {strides = array<i32>} : memref<64x16xf32, #tpu.memory_space<vmem>>, vector<16xf32>,
          %mul3A_342 = vector.broadcast %squeeze3A_337 : f32 to vector<16xf32>
          %mul3A_343 = arith.mulf %mul3A_342, %get3A_341 : vector<16xf32>
          %add3A_344 = arith.addf %add3A_335, %mul3A_343 : vector<16xf32>
          %slice3A_345 = vector.extract_strided_slice %max3A_227 {offsets = [13], sizes = [1], strides = [1]} : vector<16xf32> to vector<1xf32>
          %squeeze3A_346 = vector.extract %slice3A_345[0] : f32 from vector<1xf32>
          %get3A_347 = arith.constant 29 : i32
          %get3A_348 = arith.index_cast %get3A_347 : i32 to index
          %get3A_349 = arith.constant 0 : index
          %get3A_350 = tpu.vector_load %arg14[%get3A_348, %get3A_349] {strides = array<i32>} : memref<64x16xf32, #tpu.memory_space<vmem>>, vector<16xf32>,
          %mul3A_351 = vector.broadcast %squeeze3A_346 : f32 to vector<16xf32>
          %mul3A_352 = arith.mulf %mul3A_351, %get3A_350 : vector<16xf32>
          %add3A_353 = arith.addf %add3A_344, %mul3A_352 : vector<16xf32>
          %slice3A_354 = vector.extract_strided_slice %max3A_227 {offsets = [14], sizes = [1], strides = [1]} : vector<16xf32> to vector<1xf32>
          %squeeze3A_355 = vector.extract %slice3A_354[0] : f32 from vector<1xf32>
          %get3A_356 = arith.constant 30 : i32
          %get3A_357 = arith.index_cast %get3A_356 : i32 to index
          %get3A_358 = arith.constant 0 : index
          %get3A_359 = tpu.vector_load %arg14[%get3A_357, %get3A_358] {strides = array<i32>} : memref<64x16xf32, #tpu.memory_space<vmem>>, vector<16xf32>,
          %mul3A_360 = vector.broadcast %squeeze3A_355 : f32 to vector<16xf32>
          %mul3A_361 = arith.mulf %mul3A_360, %get3A_359 : vector<16xf32>
          %add3A_362 = arith.addf %add3A_353, %mul3A_361 : vector<16xf32>
          %slice3A_363 = vector.extract_strided_slice %max3A_227 {offsets = [15], sizes = [1], strides = [1]} : vector<16xf32> to vector<1xf32>
          %squeeze3A_364 = vector.extract %slice3A_363[0] : f32 from vector<1xf32>
          %get3A_365 = arith.constant 31 : i32
          %get3A_366 = arith.index_cast %get3A_365 : i32 to index
          %get3A_367 = arith.constant 0 : index
          %get3A_368 = tpu.vector_load %arg14[%get3A_366, %get3A_367] {strides = array<i32>} : memref<64x16xf32, #tpu.memory_space<vmem>>, vector<16xf32>,
          %mul3A_369 = vector.broadcast %squeeze3A_364 : f32 to vector<16xf32>
          %mul3A_370 = arith.mulf %mul3A_369, %get3A_368 : vector<16xf32>
          %add3A_371 = arith.addf %add3A_362, %mul3A_370 : vector<16xf32>
          %mul3A_372 = arith.constant 4 : i32
          %mul3A_373 = arith.muli %mul3A_372, %scan3A_43 : i32
          %add3A_374 = arith.constant 2 : i32
          %add3A_375 = arith.addi %mul3A_373, %add3A_374 : i32
          %get3A_376 = arith.index_cast %add3A_375 : i32 to index
          %get3A_377 = arith.constant 0 : index
          %get3A_378 = tpu.vector_load %arg13[%get3A_376, %get3A_377] {strides = array<i32>} : memref<4096x16xf32, #tpu.memory_space<vmem>>, vector<16xf32>,
          %mul3A_379 = arith.constant 4 : i32
          %mul3A_380 = arith.muli %mul3A_379, %scan3A_43 : i32
          %add3A_381 = arith.constant 256 : i32
          %add3A_382 = arith.addi %add3A_381, %mul3A_380 : i32
          %add3A_383 = arith.constant 2 : i32
          %add3A_384 = arith.addi %add3A_382, %add3A_383 : i32
          %get3A_385 = arith.index_cast %add3A_384 : i32 to index
          %get3A_386 = arith.constant 0 : index
          %get3A_387 = tpu.vector_load %arg13[%get3A_385, %get3A_386] {strides = array<i32>} : memref<4096x16xf32, #tpu.memory_space<vmem>>, vector<16xf32>,
          %add3A_388 = arith.addf %get3A_378, %get3A_387 : vector<16xf32>
          %max3A_389 = arith.constant 0.000000e+00 : f32
          %max3A_390 = vector.broadcast %max3A_389 : f32 to vector<16xf32>
          %max3A_391 = arith.maximumf %add3A_388, %max3A_390 : vector<16xf32>
          %slice3A_392 = vector.extract_strided_slice %max3A_391 {offsets = [0], sizes = [1], strides = [1]} : vector<16xf32> to vector<1xf32>
          %squeeze3A_393 = vector.extract %slice3A_392[0] : f32 from vector<1xf32>
          %get3A_394 = arith.constant 32 : i32
          %get3A_395 = arith.index_cast %get3A_394 : i32 to index
          %get3A_396 = arith.constant 0 : index
          %get3A_397 = tpu.vector_load %arg14[%get3A_395, %get3A_396] {strides = array<i32>} : memref<64x16xf32, #tpu.memory_space<vmem>>, vector<16xf32>,
          %mul3A_398 = vector.broadcast %squeeze3A_393 : f32 to vector<16xf32>
          %mul3A_399 = arith.mulf %mul3A_398, %get3A_397 : vector<16xf32>
          %add3A_400 = arith.addf %add3A_371, %mul3A_399 : vector<16xf32>
          %slice3A_401 = vector.extract_strided_slice %max3A_391 {offsets = [1], sizes = [1], strides = [1]} : vector<16xf32> to vector<1xf32>
          %squeeze3A_402 = vector.extract %slice3A_401[0] : f32 from vector<1xf32>
          %get3A_403 = arith.constant 33 : i32
          %get3A_404 = arith.index_cast %get3A_403 : i32 to index
          %get3A_405 = arith.constant 0 : index
          %get3A_406 = tpu.vector_load %arg14[%get3A_404, %get3A_405] {strides = array<i32>} : memref<64x16xf32, #tpu.memory_space<vmem>>, vector<16xf32>,
          %mul3A_407 = vector.broadcast %squeeze3A_402 : f32 to vector<16xf32>
          %mul3A_408 = arith.mulf %mul3A_407, %get3A_406 : vector<16xf32>
          %add3A_409 = arith.addf %add3A_400, %mul3A_408 : vector<16xf32>
          %slice3A_410 = vector.extract_strided_slice %max3A_391 {offsets = [2], sizes = [1], strides = [1]} : vector<16xf32> to vector<1xf32>
          %squeeze3A_411 = vector.extract %slice3A_410[0] : f32 from vector<1xf32>
          %get3A_412 = arith.constant 34 : i32
          %get3A_413 = arith.index_cast %get3A_412 : i32 to index
          %get3A_414 = arith.constant 0 : index
          %get3A_415 = tpu.vector_load %arg14[%get3A_413, %get3A_414] {strides = array<i32>} : memref<64x16xf32, #tpu.memory_space<vmem>>, vector<16xf32>,
          %mul3A_416 = vector.broadcast %squeeze3A_411 : f32 to vector<16xf32>
          %mul3A_417 = arith.mulf %mul3A_416, %get3A_415 : vector<16xf32>
          %add3A_418 = arith.addf %add3A_409, %mul3A_417 : vector<16xf32>
          %slice3A_419 = vector.extract_strided_slice %max3A_391 {offsets = [3], sizes = [1], strides = [1]} : vector<16xf32> to vector<1xf32>
          %squeeze3A_420 = vector.extract %slice3A_419[0] : f32 from vector<1xf32>
          %get3A_421 = arith.constant 35 : i32
          %get3A_422 = arith.index_cast %get3A_421 : i32 to index
          %get3A_423 = arith.constant 0 : index
          %get3A_424 = tpu.vector_load %arg14[%get3A_422, %get3A_423] {strides = array<i32>} : memref<64x16xf32, #tpu.memory_space<vmem>>, vector<16xf32>,
          %mul3A_425 = vector.broadcast %squeeze3A_420 : f32 to vector<16xf32>
          %mul3A_426 = arith.mulf %mul3A_425, %get3A_424 : vector<16xf32>
          %add3A_427 = arith.addf %add3A_418, %mul3A_426 : vector<16xf32>
          %slice3A_428 = vector.extract_strided_slice %max3A_391 {offsets = [4], sizes = [1], strides = [1]} : vector<16xf32> to vector<1xf32>
          %squeeze3A_429 = vector.extract %slice3A_428[0] : f32 from vector<1xf32>
          %get3A_430 = arith.constant 36 : i32
          %get3A_431 = arith.index_cast %get3A_430 : i32 to index
          %get3A_432 = arith.constant 0 : index
          %get3A_433 = tpu.vector_load %arg14[%get3A_431, %get3A_432] {strides = array<i32>} : memref<64x16xf32, #tpu.memory_space<vmem>>, vector<16xf32>,
          %mul3A_434 = vector.broadcast %squeeze3A_429 : f32 to vector<16xf32>
          %mul3A_435 = arith.mulf %mul3A_434, %get3A_433 : vector<16xf32>
          %add3A_436 = arith.addf %add3A_427, %mul3A_435 : vector<16xf32>
          %slice3A_437 = vector.extract_strided_slice %max3A_391 {offsets = [5], sizes = [1], strides = [1]} : vector<16xf32> to vector<1xf32>
          %squeeze3A_438 = vector.extract %slice3A_437[0] : f32 from vector<1xf32>
          %get3A_439 = arith.constant 37 : i32
          %get3A_440 = arith.index_cast %get3A_439 : i32 to index
          %get3A_441 = arith.constant 0 : index
          %get3A_442 = tpu.vector_load %arg14[%get3A_440, %get3A_441] {strides = array<i32>} : memref<64x16xf32, #tpu.memory_space<vmem>>, vector<16xf32>,
          %mul3A_443 = vector.broadcast %squeeze3A_438 : f32 to vector<16xf32>
          %mul3A_444 = arith.mulf %mul3A_443, %get3A_442 : vector<16xf32>
          %add3A_445 = arith.addf %add3A_436, %mul3A_444 : vector<16xf32>
          %slice3A_446 = vector.extract_strided_slice %max3A_391 {offsets = [6], sizes = [1], strides = [1]} : vector<16xf32> to vector<1xf32>
          %squeeze3A_447 = vector.extract %slice3A_446[0] : f32 from vector<1xf32>
          %get3A_448 = arith.constant 38 : i32
          %get3A_449 = arith.index_cast %get3A_448 : i32 to index
          %get3A_450 = arith.constant 0 : index
          %get3A_451 = tpu.vector_load %arg14[%get3A_449, %get3A_450] {strides = array<i32>} : memref<64x16xf32, #tpu.memory_space<vmem>>, vector<16xf32>,
          %mul3A_452 = vector.broadcast %squeeze3A_447 : f32 to vector<16xf32>
          %mul3A_453 = arith.mulf %mul3A_452, %get3A_451 : vector<16xf32>
          %add3A_454 = arith.addf %add3A_445, %mul3A_453 : vector<16xf32>
          %slice3A_455 = vector.extract_strided_slice %max3A_391 {offsets = [7], sizes = [1], strides = [1]} : vector<16xf32> to vector<1xf32>
          %squeeze3A_456 = vector.extract %slice3A_455[0] : f32 from vector<1xf32>
          %get3A_457 = arith.constant 39 : i32
          %get3A_458 = arith.index_cast %get3A_457 : i32 to index
          %get3A_459 = arith.constant 0 : index
          %get3A_460 = tpu.vector_load %arg14[%get3A_458, %get3A_459] {strides = array<i32>} : memref<64x16xf32, #tpu.memory_space<vmem>>, vector<16xf32>,
          %mul3A_461 = vector.broadcast %squeeze3A_456 : f32 to vector<16xf32>
          %mul3A_462 = arith.mulf %mul3A_461, %get3A_460 : vector<16xf32>
          %add3A_463 = arith.addf %add3A_454, %mul3A_462 : vector<16xf32>
          %slice3A_464 = vector.extract_strided_slice %max3A_391 {offsets = [8], sizes = [1], strides = [1]} : vector<16xf32> to vector<1xf32>
          %squeeze3A_465 = vector.extract %slice3A_464[0] : f32 from vector<1xf32>
          %get3A_466 = arith.constant 40 : i32
          %get3A_467 = arith.index_cast %get3A_466 : i32 to index
          %get3A_468 = arith.constant 0 : index
          %get3A_469 = tpu.vector_load %arg14[%get3A_467, %get3A_468] {strides = array<i32>} : memref<64x16xf32, #tpu.memory_space<vmem>>, vector<16xf32>,
          %mul3A_470 = vector.broadcast %squeeze3A_465 : f32 to vector<16xf32>
          %mul3A_471 = arith.mulf %mul3A_470, %get3A_469 : vector<16xf32>
          %add3A_472 = arith.addf %add3A_463, %mul3A_471 : vector<16xf32>
          %slice3A_473 = vector.extract_strided_slice %max3A_391 {offsets = [9], sizes = [1], strides = [1]} : vector<16xf32> to vector<1xf32>
          %squeeze3A_474 = vector.extract %slice3A_473[0] : f32 from vector<1xf32>
          %get3A_475 = arith.constant 41 : i32
          %get3A_476 = arith.index_cast %get3A_475 : i32 to index
          %get3A_477 = arith.constant 0 : index
          %get3A_478 = tpu.vector_load %arg14[%get3A_476, %get3A_477] {strides = array<i32>} : memref<64x16xf32, #tpu.memory_space<vmem>>, vector<16xf32>,
          %mul3A_479 = vector.broadcast %squeeze3A_474 : f32 to vector<16xf32>
          %mul3A_480 = arith.mulf %mul3A_479, %get3A_478 : vector<16xf32>
          %add3A_481 = arith.addf %add3A_472, %mul3A_480 : vector<16xf32>
          %slice3A_482 = vector.extract_strided_slice %max3A_391 {offsets = [10], sizes = [1], strides = [1]} : vector<16xf32> to vector<1xf32>
          %squeeze3A_483 = vector.extract %slice3A_482[0] : f32 from vector<1xf32>
          %get3A_484 = arith.constant 42 : i32
          %get3A_485 = arith.index_cast %get3A_484 : i32 to index
          %get3A_486 = arith.constant 0 : index
          %get3A_487 = tpu.vector_load %arg14[%get3A_485, %get3A_486] {strides = array<i32>} : memref<64x16xf32, #tpu.memory_space<vmem>>, vector<16xf32>,
          %mul3A_488 = vector.broadcast %squeeze3A_483 : f32 to vector<16xf32>
          %mul3A_489 = arith.mulf %mul3A_488, %get3A_487 : vector<16xf32>
          %add3A_490 = arith.addf %add3A_481, %mul3A_489 : vector<16xf32>
          %slice3A_491 = vector.extract_strided_slice %max3A_391 {offsets = [11], sizes = [1], strides = [1]} : vector<16xf32> to vector<1xf32>
          %squeeze3A_492 = vector.extract %slice3A_491[0] : f32 from vector<1xf32>
          %get3A_493 = arith.constant 43 : i32
          %get3A_494 = arith.index_cast %get3A_493 : i32 to index
          %get3A_495 = arith.constant 0 : index
          %get3A_496 = tpu.vector_load %arg14[%get3A_494, %get3A_495] {strides = array<i32>} : memref<64x16xf32, #tpu.memory_space<vmem>>, vector<16xf32>,
          %mul3A_497 = vector.broadcast %squeeze3A_492 : f32 to vector<16xf32>
          %mul3A_498 = arith.mulf %mul3A_497, %get3A_496 : vector<16xf32>
          %add3A_499 = arith.addf %add3A_490, %mul3A_498 : vector<16xf32>
          %slice3A_500 = vector.extract_strided_slice %max3A_391 {offsets = [12], sizes = [1], strides = [1]} : vector<16xf32> to vector<1xf32>
          %squeeze3A_501 = vector.extract %slice3A_500[0] : f32 from vector<1xf32>
          %get3A_502 = arith.constant 44 : i32
          %get3A_503 = arith.index_cast %get3A_502 : i32 to index
          %get3A_504 = arith.constant 0 : index
          %get3A_505 = tpu.vector_load %arg14[%get3A_503, %get3A_504] {strides = array<i32>} : memref<64x16xf32, #tpu.memory_space<vmem>>, vector<16xf32>,
          %mul3A_506 = vector.broadcast %squeeze3A_501 : f32 to vector<16xf32>
          %mul3A_507 = arith.mulf %mul3A_506, %get3A_505 : vector<16xf32>
          %add3A_508 = arith.addf %add3A_499, %mul3A_507 : vector<16xf32>
          %slice3A_509 = vector.extract_strided_slice %max3A_391 {offsets = [13], sizes = [1], strides = [1]} : vector<16xf32> to vector<1xf32>
          %squeeze3A_510 = vector.extract %slice3A_509[0] : f32 from vector<1xf32>
          %get3A_511 = arith.constant 45 : i32
          %get3A_512 = arith.index_cast %get3A_511 : i32 to index
          %get3A_513 = arith.constant 0 : index
          %get3A_514 = tpu.vector_load %arg14[%get3A_512, %get3A_513] {strides = array<i32>} : memref<64x16xf32, #tpu.memory_space<vmem>>, vector<16xf32>,
          %mul3A_515 = vector.broadcast %squeeze3A_510 : f32 to vector<16xf32>
          %mul3A_516 = arith.mulf %mul3A_515, %get3A_514 : vector<16xf32>
          %add3A_517 = arith.addf %add3A_508, %mul3A_516 : vector<16xf32>
          %slice3A_518 = vector.extract_strided_slice %max3A_391 {offsets = [14], sizes = [1], strides = [1]} : vector<16xf32> to vector<1xf32>
          %squeeze3A_519 = vector.extract %slice3A_518[0] : f32 from vector<1xf32>
          %get3A_520 = arith.constant 46 : i32
          %get3A_521 = arith.index_cast %get3A_520 : i32 to index
          %get3A_522 = arith.constant 0 : index
          %get3A_523 = tpu.vector_load %arg14[%get3A_521, %get3A_522] {strides = array<i32>} : memref<64x16xf32, #tpu.memory_space<vmem>>, vector<16xf32>,
          %mul3A_524 = vector.broadcast %squeeze3A_519 : f32 to vector<16xf32>
          %mul3A_525 = arith.mulf %mul3A_524, %get3A_523 : vector<16xf32>
          %add3A_526 = arith.addf %add3A_517, %mul3A_525 : vector<16xf32>
          %slice3A_527 = vector.extract_strided_slice %max3A_391 {offsets = [15], sizes = [1], strides = [1]} : vector<16xf32> to vector<1xf32>
          %squeeze3A_528 = vector.extract %slice3A_527[0] : f32 from vector<1xf32>
          %get3A_529 = arith.constant 47 : i32
          %get3A_530 = arith.index_cast %get3A_529 : i32 to index
          %get3A_531 = arith.constant 0 : index
          %get3A_532 = tpu.vector_load %arg14[%get3A_530, %get3A_531] {strides = array<i32>} : memref<64x16xf32, #tpu.memory_space<vmem>>, vector<16xf32>,
          %mul3A_533 = vector.broadcast %squeeze3A_528 : f32 to vector<16xf32>
          %mul3A_534 = arith.mulf %mul3A_533, %get3A_532 : vector<16xf32>
          %add3A_535 = arith.addf %add3A_526, %mul3A_534 : vector<16xf32>
          %mul3A_536 = arith.constant 4 : i32
          %mul3A_537 = arith.muli %mul3A_536, %scan3A_43 : i32
          %add3A_538 = arith.constant 3 : i32
          %add3A_539 = arith.addi %mul3A_537, %add3A_538 : i32
          %get3A_540 = arith.index_cast %add3A_539 : i32 to index
          %get3A_541 = arith.constant 0 : index
          %get3A_542 = tpu.vector_load %arg13[%get3A_540, %get3A_541] {strides = array<i32>} : memref<4096x16xf32, #tpu.memory_space<vmem>>, vector<16xf32>,
          %mul3A_543 = arith.constant 4 : i32
          %mul3A_544 = arith.muli %mul3A_543, %scan3A_43 : i32
          %add3A_545 = arith.constant 256 : i32
          %add3A_546 = arith.addi %add3A_545, %mul3A_544 : i32
          %add3A_547 = arith.constant 3 : i32
          %add3A_548 = arith.addi %add3A_546, %add3A_547 : i32
          %get3A_549 = arith.index_cast %add3A_548 : i32 to index
          %get3A_550 = arith.constant 0 : index
          %get3A_551 = tpu.vector_load %arg13[%get3A_549, %get3A_550] {strides = array<i32>} : memref<4096x16xf32, #tpu.memory_space<vmem>>, vector<16xf32>,
          %add3A_552 = arith.addf %get3A_542, %get3A_551 : vector<16xf32>
          %max3A_553 = arith.constant 0.000000e+00 : f32
          %max3A_554 = vector.broadcast %max3A_553 : f32 to vector<16xf32>
          %max3A_555 = arith.maximumf %add3A_552, %max3A_554 : vector<16xf32>
          %slice3A_556 = vector.extract_strided_slice %max3A_555 {offsets = [0], sizes = [1], strides = [1]} : vector<16xf32> to vector<1xf32>
          %squeeze3A_557 = vector.extract %slice3A_556[0] : f32 from vector<1xf32>
          %get3A_558 = arith.constant 48 : i32
          %get3A_559 = arith.index_cast %get3A_558 : i32 to index
          %get3A_560 = arith.constant 0 : index
          %get3A_561 = tpu.vector_load %arg14[%get3A_559, %get3A_560] {strides = array<i32>} : memref<64x16xf32, #tpu.memory_space<vmem>>, vector<16xf32>,
          %mul3A_562 = vector.broadcast %squeeze3A_557 : f32 to vector<16xf32>
          %mul3A_563 = arith.mulf %mul3A_562, %get3A_561 : vector<16xf32>
          %add3A_564 = arith.addf %add3A_535, %mul3A_563 : vector<16xf32>
          %slice3A_565 = vector.extract_strided_slice %max3A_555 {offsets = [1], sizes = [1], strides = [1]} : vector<16xf32> to vector<1xf32>
          %squeeze3A_566 = vector.extract %slice3A_565[0] : f32 from vector<1xf32>
          %get3A_567 = arith.constant 49 : i32
          %get3A_568 = arith.index_cast %get3A_567 : i32 to index
          %get3A_569 = arith.constant 0 : index
          %get3A_570 = tpu.vector_load %arg14[%get3A_568, %get3A_569] {strides = array<i32>} : memref<64x16xf32, #tpu.memory_space<vmem>>, vector<16xf32>,
          %mul3A_571 = vector.broadcast %squeeze3A_566 : f32 to vector<16xf32>
          %mul3A_572 = arith.mulf %mul3A_571, %get3A_570 : vector<16xf32>
          %add3A_573 = arith.addf %add3A_564, %mul3A_572 : vector<16xf32>
          %slice3A_574 = vector.extract_strided_slice %max3A_555 {offsets = [2], sizes = [1], strides = [1]} : vector<16xf32> to vector<1xf32>
          %squeeze3A_575 = vector.extract %slice3A_574[0] : f32 from vector<1xf32>
          %get3A_576 = arith.constant 50 : i32
          %get3A_577 = arith.index_cast %get3A_576 : i32 to index
          %get3A_578 = arith.constant 0 : index
          %get3A_579 = tpu.vector_load %arg14[%get3A_577, %get3A_578] {strides = array<i32>} : memref<64x16xf32, #tpu.memory_space<vmem>>, vector<16xf32>,
          %mul3A_580 = vector.broadcast %squeeze3A_575 : f32 to vector<16xf32>
          %mul3A_581 = arith.mulf %mul3A_580, %get3A_579 : vector<16xf32>
          %add3A_582 = arith.addf %add3A_573, %mul3A_581 : vector<16xf32>
          %slice3A_583 = vector.extract_strided_slice %max3A_555 {offsets = [3], sizes = [1], strides = [1]} : vector<16xf32> to vector<1xf32>
          %squeeze3A_584 = vector.extract %slice3A_583[0] : f32 from vector<1xf32>
          %get3A_585 = arith.constant 51 : i32
          %get3A_586 = arith.index_cast %get3A_585 : i32 to index
          %get3A_587 = arith.constant 0 : index
          %get3A_588 = tpu.vector_load %arg14[%get3A_586, %get3A_587] {strides = array<i32>} : memref<64x16xf32, #tpu.memory_space<vmem>>, vector<16xf32>,
          %mul3A_589 = vector.broadcast %squeeze3A_584 : f32 to vector<16xf32>
          %mul3A_590 = arith.mulf %mul3A_589, %get3A_588 : vector<16xf32>
          %add3A_591 = arith.addf %add3A_582, %mul3A_590 : vector<16xf32>
          %slice3A_592 = vector.extract_strided_slice %max3A_555 {offsets = [4], sizes = [1], strides = [1]} : vector<16xf32> to vector<1xf32>
          %squeeze3A_593 = vector.extract %slice3A_592[0] : f32 from vector<1xf32>
          %get3A_594 = arith.constant 52 : i32
          %get3A_595 = arith.index_cast %get3A_594 : i32 to index
          %get3A_596 = arith.constant 0 : index
          %get3A_597 = tpu.vector_load %arg14[%get3A_595, %get3A_596] {strides = array<i32>} : memref<64x16xf32, #tpu.memory_space<vmem>>, vector<16xf32>,
          %mul3A_598 = vector.broadcast %squeeze3A_593 : f32 to vector<16xf32>
          %mul3A_599 = arith.mulf %mul3A_598, %get3A_597 : vector<16xf32>
          %add3A_600 = arith.addf %add3A_591, %mul3A_599 : vector<16xf32>
          %slice3A_601 = vector.extract_strided_slice %max3A_555 {offsets = [5], sizes = [1], strides = [1]} : vector<16xf32> to vector<1xf32>
          %squeeze3A_602 = vector.extract %slice3A_601[0] : f32 from vector<1xf32>
          %get3A_603 = arith.constant 53 : i32
          %get3A_604 = arith.index_cast %get3A_603 : i32 to index
          %get3A_605 = arith.constant 0 : index
          %get3A_606 = tpu.vector_load %arg14[%get3A_604, %get3A_605] {strides = array<i32>} : memref<64x16xf32, #tpu.memory_space<vmem>>, vector<16xf32>,
          %mul3A_607 = vector.broadcast %squeeze3A_602 : f32 to vector<16xf32>
          %mul3A_608 = arith.mulf %mul3A_607, %get3A_606 : vector<16xf32>
          %add3A_609 = arith.addf %add3A_600, %mul3A_608 : vector<16xf32>
          %slice3A_610 = vector.extract_strided_slice %max3A_555 {offsets = [6], sizes = [1], strides = [1]} : vector<16xf32> to vector<1xf32>
          %squeeze3A_611 = vector.extract %slice3A_610[0] : f32 from vector<1xf32>
          %get3A_612 = arith.constant 54 : i32
          %get3A_613 = arith.index_cast %get3A_612 : i32 to index
          %get3A_614 = arith.constant 0 : index
          %get3A_615 = tpu.vector_load %arg14[%get3A_613, %get3A_614] {strides = array<i32>} : memref<64x16xf32, #tpu.memory_space<vmem>>, vector<16xf32>,
          %mul3A_616 = vector.broadcast %squeeze3A_611 : f32 to vector<16xf32>
          %mul3A_617 = arith.mulf %mul3A_616, %get3A_615 : vector<16xf32>
          %add3A_618 = arith.addf %add3A_609, %mul3A_617 : vector<16xf32>
          %slice3A_619 = vector.extract_strided_slice %max3A_555 {offsets = [7], sizes = [1], strides = [1]} : vector<16xf32> to vector<1xf32>
          %squeeze3A_620 = vector.extract %slice3A_619[0] : f32 from vector<1xf32>
          %get3A_621 = arith.constant 55 : i32
          %get3A_622 = arith.index_cast %get3A_621 : i32 to index
          %get3A_623 = arith.constant 0 : index
          %get3A_624 = tpu.vector_load %arg14[%get3A_622, %get3A_623] {strides = array<i32>} : memref<64x16xf32, #tpu.memory_space<vmem>>, vector<16xf32>,
          %mul3A_625 = vector.broadcast %squeeze3A_620 : f32 to vector<16xf32>
          %mul3A_626 = arith.mulf %mul3A_625, %get3A_624 : vector<16xf32>
          %add3A_627 = arith.addf %add3A_618, %mul3A_626 : vector<16xf32>
          %slice3A_628 = vector.extract_strided_slice %max3A_555 {offsets = [8], sizes = [1], strides = [1]} : vector<16xf32> to vector<1xf32>
          %squeeze3A_629 = vector.extract %slice3A_628[0] : f32 from vector<1xf32>
          %get3A_630 = arith.constant 56 : i32
          %get3A_631 = arith.index_cast %get3A_630 : i32 to index
          %get3A_632 = arith.constant 0 : index
          %get3A_633 = tpu.vector_load %arg14[%get3A_631, %get3A_632] {strides = array<i32>} : memref<64x16xf32, #tpu.memory_space<vmem>>, vector<16xf32>,
          %mul3A_634 = vector.broadcast %squeeze3A_629 : f32 to vector<16xf32>
          %mul3A_635 = arith.mulf %mul3A_634, %get3A_633 : vector<16xf32>
          %add3A_636 = arith.addf %add3A_627, %mul3A_635 : vector<16xf32>
          %slice3A_637 = vector.extract_strided_slice %max3A_555 {offsets = [9], sizes = [1], strides = [1]} : vector<16xf32> to vector<1xf32>
          %squeeze3A_638 = vector.extract %slice3A_637[0] : f32 from vector<1xf32>
          %get3A_639 = arith.constant 57 : i32
          %get3A_640 = arith.index_cast %get3A_639 : i32 to index
          %get3A_641 = arith.constant 0 : index
          %get3A_642 = tpu.vector_load %arg14[%get3A_640, %get3A_641] {strides = array<i32>} : memref<64x16xf32, #tpu.memory_space<vmem>>, vector<16xf32>,
          %mul3A_643 = vector.broadcast %squeeze3A_638 : f32 to vector<16xf32>
          %mul3A_644 = arith.mulf %mul3A_643, %get3A_642 : vector<16xf32>
          %add3A_645 = arith.addf %add3A_636, %mul3A_644 : vector<16xf32>
          %slice3A_646 = vector.extract_strided_slice %max3A_555 {offsets = [10], sizes = [1], strides = [1]} : vector<16xf32> to vector<1xf32>
          %squeeze3A_647 = vector.extract %slice3A_646[0] : f32 from vector<1xf32>
          %get3A_648 = arith.constant 58 : i32
          %get3A_649 = arith.index_cast %get3A_648 : i32 to index
          %get3A_650 = arith.constant 0 : index
          %get3A_651 = tpu.vector_load %arg14[%get3A_649, %get3A_650] {strides = array<i32>} : memref<64x16xf32, #tpu.memory_space<vmem>>, vector<16xf32>,
          %mul3A_652 = vector.broadcast %squeeze3A_647 : f32 to vector<16xf32>
          %mul3A_653 = arith.mulf %mul3A_652, %get3A_651 : vector<16xf32>
          %add3A_654 = arith.addf %add3A_645, %mul3A_653 : vector<16xf32>
          %slice3A_655 = vector.extract_strided_slice %max3A_555 {offsets = [11], sizes = [1], strides = [1]} : vector<16xf32> to vector<1xf32>
          %squeeze3A_656 = vector.extract %slice3A_655[0] : f32 from vector<1xf32>
          %get3A_657 = arith.constant 59 : i32
          %get3A_658 = arith.index_cast %get3A_657 : i32 to index
          %get3A_659 = arith.constant 0 : index
          %get3A_660 = tpu.vector_load %arg14[%get3A_658, %get3A_659] {strides = array<i32>} : memref<64x16xf32, #tpu.memory_space<vmem>>, vector<16xf32>,
          %mul3A_661 = vector.broadcast %squeeze3A_656 : f32 to vector<16xf32>
          %mul3A_662 = arith.mulf %mul3A_661, %get3A_660 : vector<16xf32>
          %add3A_663 = arith.addf %add3A_654, %mul3A_662 : vector<16xf32>
          %slice3A_664 = vector.extract_strided_slice %max3A_555 {offsets = [12], sizes = [1], strides = [1]} : vector<16xf32> to vector<1xf32>
          %squeeze3A_665 = vector.extract %slice3A_664[0] : f32 from vector<1xf32>
          %get3A_666 = arith.constant 60 : i32
          %get3A_667 = arith.index_cast %get3A_666 : i32 to index
          %get3A_668 = arith.constant 0 : index
          %get3A_669 = tpu.vector_load %arg14[%get3A_667, %get3A_668] {strides = array<i32>} : memref<64x16xf32, #tpu.memory_space<vmem>>, vector<16xf32>,
          %mul3A_670 = vector.broadcast %squeeze3A_665 : f32 to vector<16xf32>
          %mul3A_671 = arith.mulf %mul3A_670, %get3A_669 : vector<16xf32>
          %add3A_672 = arith.addf %add3A_663, %mul3A_671 : vector<16xf32>
          %slice3A_673 = vector.extract_strided_slice %max3A_555 {offsets = [13], sizes = [1], strides = [1]} : vector<16xf32> to vector<1xf32>
          %squeeze3A_674 = vector.extract %slice3A_673[0] : f32 from vector<1xf32>
          %get3A_675 = arith.constant 61 : i32
          %get3A_676 = arith.index_cast %get3A_675 : i32 to index
          %get3A_677 = arith.constant 0 : index
          %get3A_678 = tpu.vector_load %arg14[%get3A_676, %get3A_677] {strides = array<i32>} : memref<64x16xf32, #tpu.memory_space<vmem>>, vector<16xf32>,
          %mul3A_679 = vector.broadcast %squeeze3A_674 : f32 to vector<16xf32>
          %mul3A_680 = arith.mulf %mul3A_679, %get3A_678 : vector<16xf32>
          %add3A_681 = arith.addf %add3A_672, %mul3A_680 : vector<16xf32>
          %slice3A_682 = vector.extract_strided_slice %max3A_555 {offsets = [14], sizes = [1], strides = [1]} : vector<16xf32> to vector<1xf32>
          %squeeze3A_683 = vector.extract %slice3A_682[0] : f32 from vector<1xf32>
          %get3A_684 = arith.constant 62 : i32
          %get3A_685 = arith.index_cast %get3A_684 : i32 to index
          %get3A_686 = arith.constant 0 : index
          %get3A_687 = tpu.vector_load %arg14[%get3A_685, %get3A_686] {strides = array<i32>} : memref<64x16xf32, #tpu.memory_space<vmem>>, vector<16xf32>,
          %mul3A_688 = vector.broadcast %squeeze3A_683 : f32 to vector<16xf32>
          %mul3A_689 = arith.mulf %mul3A_688, %get3A_687 : vector<16xf32>
          %add3A_690 = arith.addf %add3A_681, %mul3A_689 : vector<16xf32>
          %slice3A_691 = vector.extract_strided_slice %max3A_555 {offsets = [15], sizes = [1], strides = [1]} : vector<16xf32> to vector<1xf32>
          %squeeze3A_692 = vector.extract %slice3A_691[0] : f32 from vector<1xf32>
          %get3A_693 = arith.constant 63 : i32
          %get3A_694 = arith.index_cast %get3A_693 : i32 to index
          %get3A_695 = arith.constant 0 : index
          %get3A_696 = tpu.vector_load %arg14[%get3A_694, %get3A_695] {strides = array<i32>} : memref<64x16xf32, #tpu.memory_space<vmem>>, vector<16xf32>,
          %mul3A_697 = vector.broadcast %squeeze3A_692 : f32 to vector<16xf32>
          %mul3A_698 = arith.mulf %mul3A_697, %get3A_696 : vector<16xf32>
          %add3A_699 = arith.addf %add3A_690, %mul3A_698 : vector<16xf32>
          %swap3A = arith.index_cast %add3A_46 : i32 to index
          %swap3A_700 = arith.constant 0 : index
          %swap3A_701 = tpu.vector_load %arg15[%swap3A, %swap3A_700] {strides = array<i32>} : memref<640x16xf32, #tpu.memory_space<vmem>>, vector<16xf32>,
          tpu.vector_store %arg15[%swap3A, %swap3A_700], %add3A_699 {strides = array<i32>} : memref<640x16xf32, #tpu.memory_space<vmem>>, vector<16xf32>,
          %mul3A_702 = arith.constant 1.000000e-01 : f32
          %mul3A_703 = vector.broadcast %mul3A_702 : f32 to vector<16xf32>
          %mul3A_704 = arith.mulf %mul3A_703, %add3A_699 : vector<16xf32>
          %swap3A_705 = arith.index_cast %add3A_46 : i32 to index
          %swap3A_706 = arith.constant 0 : index
          %swap3A_707 = tpu.vector_load %arg16[%swap3A_705, %swap3A_706] {strides = array<i32>} : memref<640x16xf32, #tpu.memory_space<vmem>>, vector<16xf32>,
          tpu.vector_store %arg16[%swap3A_705, %swap3A_706], %mul3A_704 {strides = array<i32>} : memref<640x16xf32, #tpu.memory_space<vmem>>, vector<16xf32>,
        }
        %scan3A_42 = arith.constant 64 : i32
      }
      %scan3A_9 = arith.constant 10 : i32
      %barrier3A = arith.constant 0 : index
      tpu.barrier barrier_id(%barrier3A)
      "tpu.region"() ({
        %run_scoped3A = tpu.sem_alloc : memref<!tpu.dma_semaphore, #tpu.memory_space<semaphore_mem>>
        %dma_start3A = arith.constant 0 : i32
        %dma_start3A_30 = arith.constant 0 : i32
        %dma_start3A_31 = tpu.memref_slice %arg13[%dma_start3A, %dma_start3A_30] : memref<4096x16xf32, #tpu.memory_space<vmem>> -> memref<1024x16xf32, #tpu.memory_space<vmem>>
        %dma_start3A_32 = arith.constant 0 : i32
        %dma_start3A_33 = arith.constant 0 : i32
        %dma_start3A_34 = tpu.memref_slice %arg13[%dma_start3A_32, %dma_start3A_33] : memref<4096x16xf32, #tpu.memory_space<vmem>> -> memref<1024x16xf32, #tpu.memory_space<vmem>>
        tpu.enqueue_dma source(%arg7 : memref<1024x16xf32, #tpu.memory_space<hbm>>) target(%dma_start3A_34 : memref<1024x16xf32, #tpu.memory_space<vmem>>) target_semaphore(%run_scoped3A : memref<!tpu.dma_semaphore, #tpu.memory_space<semaphore_mem>>)
        %dma_wait3A = arith.constant 0 : i32
        %dma_wait3A_35 = arith.constant 0 : i32
        %dma_wait3A_36 = tpu.memref_slice %arg13[%dma_wait3A, %dma_wait3A_35] : memref<4096x16xf32, #tpu.memory_space<vmem>> -> memref<1024x16xf32, #tpu.memory_space<vmem>>
        %dma_wait3A_37 = arith.constant 0 : i32
        %dma_wait3A_38 = arith.constant 0 : i32
        %dma_wait3A_39 = tpu.memref_slice %arg13[%dma_wait3A_37, %dma_wait3A_38] : memref<4096x16xf32, #tpu.memory_space<vmem>> -> memref<1024x16xf32, #tpu.memory_space<vmem>>
        tpu.wait_dma2 semaphore(%run_scoped3A : memref<!tpu.dma_semaphore, #tpu.memory_space<semaphore_mem>>) src(%arg7 : memref<1024x16xf32, #tpu.memory_space<hbm>>) dst(%dma_wait3A_39 : memref<1024x16xf32, #tpu.memory_space<vmem>>)
        tpu.yield
      }) : () -> ()
      %scan3A_10 = arith.constant 0 : i32
      %scan3A_11 = arith.constant 0 : i32
      %scan3A_12 = arith.constant 20 : i32
      %scan3A_13 = arith.addi %scan3A_11, %scan3A_12 : i32
      %scan3A_14 = arith.constant 1 : i32
      scf.for %scan3A_30 = %scan3A_11 to %scan3A_13 step %scan3A_14  : i32 {
        %mul3A_31 = arith.constant 160 : i32
        %mul3A_32 = arith.muli %arg1, %mul3A_31 : i32
        %mul3A_33 = arith.constant 8 : i32
        %mul3A_34 = arith.muli %scan3A_30, %mul3A_33 : i32
        %add3A = arith.addi %mul3A_32, %mul3A_34 : i32
        "tpu.region"() ({
          %run_scoped3A = tpu.sem_alloc : memref<!tpu.dma_semaphore, #tpu.memory_space<semaphore_mem>>
          %dma_start3A_193 = arith.constant 0 : i32
          %dma_start3A_194 = arith.constant 0 : i32
          %dma_start3A_195 = tpu.memref_slice %arg11[%dma_start3A_193, %dma_start3A_194] : memref<32x128xi32, #tpu.memory_space<vmem>> -> memref<8x128xi32, #tpu.memory_space<vmem>>
          %dma_start3A_196 = arith.constant 0 : i32
          %dma_start3A_197 = tpu.memref_slice %arg4[%add3A, %dma_start3A_196] : memref<2560x128xi32, #tpu.memory_space<hbm>> -> memref<8x128xi32, #tpu.memory_space<hbm>>
          %dma_start3A_198 = arith.constant 0 : i32
          %dma_start3A_199 = arith.constant 0 : i32
          %dma_start3A_200 = tpu.memref_slice %arg11[%dma_start3A_198, %dma_start3A_199] : memref<32x128xi32, #tpu.memory_space<vmem>> -> memref<8x128xi32, #tpu.memory_space<vmem>>
          %dma_start3A_201 = arith.constant 0 : i32
          %dma_start3A_202 = tpu.memref_slice %arg4[%add3A, %dma_start3A_201] : memref<2560x128xi32, #tpu.memory_space<hbm>> -> memref<8x128xi32, #tpu.memory_space<hbm>>
          tpu.enqueue_dma source(%dma_start3A_202 : memref<8x128xi32, #tpu.memory_space<hbm>>) target(%dma_start3A_200 : memref<8x128xi32, #tpu.memory_space<vmem>>) target_semaphore(%run_scoped3A : memref<!tpu.dma_semaphore, #tpu.memory_space<semaphore_mem>>)
          %dma_wait3A_203 = arith.constant 0 : i32
          %dma_wait3A_204 = arith.constant 0 : i32
          %dma_wait3A_205 = tpu.memref_slice %arg11[%dma_wait3A_203, %dma_wait3A_204] : memref<32x128xi32, #tpu.memory_space<vmem>> -> memref<8x128xi32, #tpu.memory_space<vmem>>
          %dma_wait3A_206 = arith.constant 0 : i32
          %dma_wait3A_207 = tpu.memref_slice %arg4[%add3A, %dma_wait3A_206] : memref<2560x128xi32, #tpu.memory_space<hbm>> -> memref<8x128xi32, #tpu.memory_space<hbm>>
          %dma_wait3A_208 = arith.constant 0 : i32
          %dma_wait3A_209 = arith.constant 0 : i32
          %dma_wait3A_210 = tpu.memref_slice %arg11[%dma_wait3A_208, %dma_wait3A_209] : memref<32x128xi32, #tpu.memory_space<vmem>> -> memref<8x128xi32, #tpu.memory_space<vmem>>
          %dma_wait3A_211 = arith.constant 0 : i32
          %dma_wait3A_212 = tpu.memref_slice %arg4[%add3A, %dma_wait3A_211] : memref<2560x128xi32, #tpu.memory_space<hbm>> -> memref<8x128xi32, #tpu.memory_space<hbm>>
          tpu.wait_dma2 semaphore(%run_scoped3A : memref<!tpu.dma_semaphore, #tpu.memory_space<semaphore_mem>>) src(%dma_wait3A_212 : memref<8x128xi32, #tpu.memory_space<hbm>>) dst(%dma_wait3A_210 : memref<8x128xi32, #tpu.memory_space<vmem>>)
          tpu.yield
        }) : () -> ()
        %dma_start3A = arith.constant 0 : i32
        %dma_start3A_35 = arith.constant 0 : i32
        %dma_start3A_36 = arith.constant 0 : i32
        %dma_start3A_37 = tpu.memref_slice %arg13[%dma_start3A_35, %dma_start3A_36] : memref<4096x16xf32, #tpu.memory_space<vmem>> -> memref<128x16xf32, #tpu.memory_space<vmem>>
        %dma_start3A_38 = arith.constant 0 : i32
        %dma_start3A_39 = tpu.memref_slice %arg11[%dma_start3A, %dma_start3A_38] : memref<32x128xi32, #tpu.memory_space<vmem>> -> memref<1x128xi32, #tpu.memory_space<vmem>>
        %dma_start3A_40 = tpu.memref_squeeze %dma_start3A_39 : memref<1x128xi32, #tpu.memory_space<vmem>> -> memref<128xi32, #tpu.memory_space<vmem>>
        %dma_start3A_41 = arith.constant 0 : i32
        %dma_start3A_42 = arith.constant 0 : i32
        %dma_start3A_43 = tpu.memref_slice %arg9[%dma_start3A_41, %dma_start3A_42] : memref<10240x16xf32, #tpu.memory_space<vmem_shared>> -> memref<10240x16xf32, #tpu.memory_space<vmem_shared>>
        tpu.enqueue_indirect_dma source(%dma_start3A_37 : memref<128x16xf32, #tpu.memory_space<vmem>>) target(%dma_start3A_43 : memref<10240x16xf32, #tpu.memory_space<vmem_shared>>) offsets(%dma_start3A_40 : memref<128xi32, #tpu.memory_space<vmem>>) semaphore(%arg19 : memref<!tpu.dma_semaphore, #tpu.memory_space<semaphore_mem>>) {add = true}
        %dma_start3A_44 = arith.constant 1 : i32
        %dma_start3A_45 = arith.constant 128 : i32
        %dma_start3A_46 = arith.constant 0 : i32
        %dma_start3A_47 = tpu.memref_slice %arg13[%dma_start3A_45, %dma_start3A_46] : memref<4096x16xf32, #tpu.memory_space<vmem>> -> memref<128x16xf32, #tpu.memory_space<vmem>>
        %dma_start3A_48 = arith.constant 0 : i32
        %dma_start3A_49 = tpu.memref_slice %arg11[%dma_start3A_44, %dma_start3A_48] : memref<32x128xi32, #tpu.memory_space<vmem>> -> memref<1x128xi32, #tpu.memory_space<vmem>>
        %dma_start3A_50 = tpu.memref_squeeze %dma_start3A_49 : memref<1x128xi32, #tpu.memory_space<vmem>> -> memref<128xi32, #tpu.memory_space<vmem>>
        %dma_start3A_51 = arith.constant 0 : i32
        %dma_start3A_52 = arith.constant 0 : i32
        %dma_start3A_53 = tpu.memref_slice %arg9[%dma_start3A_51, %dma_start3A_52] : memref<10240x16xf32, #tpu.memory_space<vmem_shared>> -> memref<10240x16xf32, #tpu.memory_space<vmem_shared>>
        tpu.enqueue_indirect_dma source(%dma_start3A_47 : memref<128x16xf32, #tpu.memory_space<vmem>>) target(%dma_start3A_53 : memref<10240x16xf32, #tpu.memory_space<vmem_shared>>) offsets(%dma_start3A_50 : memref<128xi32, #tpu.memory_space<vmem>>) semaphore(%arg19 : memref<!tpu.dma_semaphore, #tpu.memory_space<semaphore_mem>>) {add = true}
        %dma_start3A_54 = arith.constant 2 : i32
        %dma_start3A_55 = arith.constant 256 : i32
        %dma_start3A_56 = arith.constant 0 : i32
        %dma_start3A_57 = tpu.memref_slice %arg13[%dma_start3A_55, %dma_start3A_56] : memref<4096x16xf32, #tpu.memory_space<vmem>> -> memref<128x16xf32, #tpu.memory_space<vmem>>
        %dma_start3A_58 = arith.constant 0 : i32
        %dma_start3A_59 = tpu.memref_slice %arg11[%dma_start3A_54, %dma_start3A_58] : memref<32x128xi32, #tpu.memory_space<vmem>> -> memref<1x128xi32, #tpu.memory_space<vmem>>
        %dma_start3A_60 = tpu.memref_squeeze %dma_start3A_59 : memref<1x128xi32, #tpu.memory_space<vmem>> -> memref<128xi32, #tpu.memory_space<vmem>>
        %dma_start3A_61 = arith.constant 0 : i32
        %dma_start3A_62 = arith.constant 0 : i32
        %dma_start3A_63 = tpu.memref_slice %arg9[%dma_start3A_61, %dma_start3A_62] : memref<10240x16xf32, #tpu.memory_space<vmem_shared>> -> memref<10240x16xf32, #tpu.memory_space<vmem_shared>>
        tpu.enqueue_indirect_dma source(%dma_start3A_57 : memref<128x16xf32, #tpu.memory_space<vmem>>) target(%dma_start3A_63 : memref<10240x16xf32, #tpu.memory_space<vmem_shared>>) offsets(%dma_start3A_60 : memref<128xi32, #tpu.memory_space<vmem>>) semaphore(%arg19 : memref<!tpu.dma_semaphore, #tpu.memory_space<semaphore_mem>>) {add = true}
        %dma_start3A_64 = arith.constant 3 : i32
        %dma_start3A_65 = arith.constant 384 : i32
        %dma_start3A_66 = arith.constant 0 : i32
        %dma_start3A_67 = tpu.memref_slice %arg13[%dma_start3A_65, %dma_start3A_66] : memref<4096x16xf32, #tpu.memory_space<vmem>> -> memref<128x16xf32, #tpu.memory_space<vmem>>
        %dma_start3A_68 = arith.constant 0 : i32
        %dma_start3A_69 = tpu.memref_slice %arg11[%dma_start3A_64, %dma_start3A_68] : memref<32x128xi32, #tpu.memory_space<vmem>> -> memref<1x128xi32, #tpu.memory_space<vmem>>
        %dma_start3A_70 = tpu.memref_squeeze %dma_start3A_69 : memref<1x128xi32, #tpu.memory_space<vmem>> -> memref<128xi32, #tpu.memory_space<vmem>>
        %dma_start3A_71 = arith.constant 0 : i32
        %dma_start3A_72 = arith.constant 0 : i32
        %dma_start3A_73 = tpu.memref_slice %arg9[%dma_start3A_71, %dma_start3A_72] : memref<10240x16xf32, #tpu.memory_space<vmem_shared>> -> memref<10240x16xf32, #tpu.memory_space<vmem_shared>>
        tpu.enqueue_indirect_dma source(%dma_start3A_67 : memref<128x16xf32, #tpu.memory_space<vmem>>) target(%dma_start3A_73 : memref<10240x16xf32, #tpu.memory_space<vmem_shared>>) offsets(%dma_start3A_70 : memref<128xi32, #tpu.memory_space<vmem>>) semaphore(%arg19 : memref<!tpu.dma_semaphore, #tpu.memory_space<semaphore_mem>>) {add = true}
        %dma_start3A_74 = arith.constant 4 : i32
        %dma_start3A_75 = arith.constant 512 : i32
        %dma_start3A_76 = arith.constant 0 : i32
        %dma_start3A_77 = tpu.memref_slice %arg13[%dma_start3A_75, %dma_start3A_76] : memref<4096x16xf32, #tpu.memory_space<vmem>> -> memref<128x16xf32, #tpu.memory_space<vmem>>
        %dma_start3A_78 = arith.constant 0 : i32
        %dma_start3A_79 = tpu.memref_slice %arg11[%dma_start3A_74, %dma_start3A_78] : memref<32x128xi32, #tpu.memory_space<vmem>> -> memref<1x128xi32, #tpu.memory_space<vmem>>
        %dma_start3A_80 = tpu.memref_squeeze %dma_start3A_79 : memref<1x128xi32, #tpu.memory_space<vmem>> -> memref<128xi32, #tpu.memory_space<vmem>>
        %dma_start3A_81 = arith.constant 0 : i32
        %dma_start3A_82 = arith.constant 0 : i32
        %dma_start3A_83 = tpu.memref_slice %arg9[%dma_start3A_81, %dma_start3A_82] : memref<10240x16xf32, #tpu.memory_space<vmem_shared>> -> memref<10240x16xf32, #tpu.memory_space<vmem_shared>>
        tpu.enqueue_indirect_dma source(%dma_start3A_77 : memref<128x16xf32, #tpu.memory_space<vmem>>) target(%dma_start3A_83 : memref<10240x16xf32, #tpu.memory_space<vmem_shared>>) offsets(%dma_start3A_80 : memref<128xi32, #tpu.memory_space<vmem>>) semaphore(%arg19 : memref<!tpu.dma_semaphore, #tpu.memory_space<semaphore_mem>>) {add = true}
        %dma_start3A_84 = arith.constant 5 : i32
        %dma_start3A_85 = arith.constant 640 : i32
        %dma_start3A_86 = arith.constant 0 : i32
        %dma_start3A_87 = tpu.memref_slice %arg13[%dma_start3A_85, %dma_start3A_86] : memref<4096x16xf32, #tpu.memory_space<vmem>> -> memref<128x16xf32, #tpu.memory_space<vmem>>
        %dma_start3A_88 = arith.constant 0 : i32
        %dma_start3A_89 = tpu.memref_slice %arg11[%dma_start3A_84, %dma_start3A_88] : memref<32x128xi32, #tpu.memory_space<vmem>> -> memref<1x128xi32, #tpu.memory_space<vmem>>
        %dma_start3A_90 = tpu.memref_squeeze %dma_start3A_89 : memref<1x128xi32, #tpu.memory_space<vmem>> -> memref<128xi32, #tpu.memory_space<vmem>>
        %dma_start3A_91 = arith.constant 0 : i32
        %dma_start3A_92 = arith.constant 0 : i32
        %dma_start3A_93 = tpu.memref_slice %arg9[%dma_start3A_91, %dma_start3A_92] : memref<10240x16xf32, #tpu.memory_space<vmem_shared>> -> memref<10240x16xf32, #tpu.memory_space<vmem_shared>>
        tpu.enqueue_indirect_dma source(%dma_start3A_87 : memref<128x16xf32, #tpu.memory_space<vmem>>) target(%dma_start3A_93 : memref<10240x16xf32, #tpu.memory_space<vmem_shared>>) offsets(%dma_start3A_90 : memref<128xi32, #tpu.memory_space<vmem>>) semaphore(%arg19 : memref<!tpu.dma_semaphore, #tpu.memory_space<semaphore_mem>>) {add = true}
        %dma_start3A_94 = arith.constant 6 : i32
        %dma_start3A_95 = arith.constant 768 : i32
        %dma_start3A_96 = arith.constant 0 : i32
        %dma_start3A_97 = tpu.memref_slice %arg13[%dma_start3A_95, %dma_start3A_96] : memref<4096x16xf32, #tpu.memory_space<vmem>> -> memref<128x16xf32, #tpu.memory_space<vmem>>
        %dma_start3A_98 = arith.constant 0 : i32
        %dma_start3A_99 = tpu.memref_slice %arg11[%dma_start3A_94, %dma_start3A_98] : memref<32x128xi32, #tpu.memory_space<vmem>> -> memref<1x128xi32, #tpu.memory_space<vmem>>
        %dma_start3A_100 = tpu.memref_squeeze %dma_start3A_99 : memref<1x128xi32, #tpu.memory_space<vmem>> -> memref<128xi32, #tpu.memory_space<vmem>>
        %dma_start3A_101 = arith.constant 0 : i32
        %dma_start3A_102 = arith.constant 0 : i32
        %dma_start3A_103 = tpu.memref_slice %arg9[%dma_start3A_101, %dma_start3A_102] : memref<10240x16xf32, #tpu.memory_space<vmem_shared>> -> memref<10240x16xf32, #tpu.memory_space<vmem_shared>>
        tpu.enqueue_indirect_dma source(%dma_start3A_97 : memref<128x16xf32, #tpu.memory_space<vmem>>) target(%dma_start3A_103 : memref<10240x16xf32, #tpu.memory_space<vmem_shared>>) offsets(%dma_start3A_100 : memref<128xi32, #tpu.memory_space<vmem>>) semaphore(%arg19 : memref<!tpu.dma_semaphore, #tpu.memory_space<semaphore_mem>>) {add = true}
        %dma_start3A_104 = arith.constant 7 : i32
        %dma_start3A_105 = arith.constant 896 : i32
        %dma_start3A_106 = arith.constant 0 : i32
        %dma_start3A_107 = tpu.memref_slice %arg13[%dma_start3A_105, %dma_start3A_106] : memref<4096x16xf32, #tpu.memory_space<vmem>> -> memref<128x16xf32, #tpu.memory_space<vmem>>
        %dma_start3A_108 = arith.constant 0 : i32
        %dma_start3A_109 = tpu.memref_slice %arg11[%dma_start3A_104, %dma_start3A_108] : memref<32x128xi32, #tpu.memory_space<vmem>> -> memref<1x128xi32, #tpu.memory_space<vmem>>
        %dma_start3A_110 = tpu.memref_squeeze %dma_start3A_109 : memref<1x128xi32, #tpu.memory_space<vmem>> -> memref<128xi32, #tpu.memory_space<vmem>>
        %dma_start3A_111 = arith.constant 0 : i32
        %dma_start3A_112 = arith.constant 0 : i32
        %dma_start3A_113 = tpu.memref_slice %arg9[%dma_start3A_111, %dma_start3A_112] : memref<10240x16xf32, #tpu.memory_space<vmem_shared>> -> memref<10240x16xf32, #tpu.memory_space<vmem_shared>>
        tpu.enqueue_indirect_dma source(%dma_start3A_107 : memref<128x16xf32, #tpu.memory_space<vmem>>) target(%dma_start3A_113 : memref<10240x16xf32, #tpu.memory_space<vmem_shared>>) offsets(%dma_start3A_110 : memref<128xi32, #tpu.memory_space<vmem>>) semaphore(%arg19 : memref<!tpu.dma_semaphore, #tpu.memory_space<semaphore_mem>>) {add = true}
        %dma_wait3A = arith.constant 0 : i32
        %dma_wait3A_114 = arith.constant 0 : i32
        %dma_wait3A_115 = arith.constant 0 : i32
        %dma_wait3A_116 = tpu.memref_slice %arg13[%dma_wait3A_114, %dma_wait3A_115] : memref<4096x16xf32, #tpu.memory_space<vmem>> -> memref<128x16xf32, #tpu.memory_space<vmem>>
        %dma_wait3A_117 = arith.constant 0 : i32
        %dma_wait3A_118 = tpu.memref_slice %arg11[%dma_wait3A, %dma_wait3A_117] : memref<32x128xi32, #tpu.memory_space<vmem>> -> memref<1x128xi32, #tpu.memory_space<vmem>>
        %dma_wait3A_119 = tpu.memref_squeeze %dma_wait3A_118 : memref<1x128xi32, #tpu.memory_space<vmem>> -> memref<128xi32, #tpu.memory_space<vmem>>
        %dma_wait3A_120 = arith.constant 0 : i32
        %dma_wait3A_121 = arith.constant 0 : i32
        %dma_wait3A_122 = tpu.memref_slice %arg9[%dma_wait3A_120, %dma_wait3A_121] : memref<10240x16xf32, #tpu.memory_space<vmem_shared>> -> memref<10240x16xf32, #tpu.memory_space<vmem_shared>>
        tpu.wait_indirect_dma semaphore(%arg19 : memref<!tpu.dma_semaphore, #tpu.memory_space<semaphore_mem>>) src(%dma_wait3A_116 : memref<128x16xf32, #tpu.memory_space<vmem>>) dst(%dma_wait3A_122 : memref<10240x16xf32, #tpu.memory_space<vmem_shared>>)
        %dma_wait3A_123 = arith.constant 1 : i32
        %dma_wait3A_124 = arith.constant 128 : i32
        %dma_wait3A_125 = arith.constant 0 : i32
        %dma_wait3A_126 = tpu.memref_slice %arg13[%dma_wait3A_124, %dma_wait3A_125] : memref<4096x16xf32, #tpu.memory_space<vmem>> -> memref<128x16xf32, #tpu.memory_space<vmem>>
        %dma_wait3A_127 = arith.constant 0 : i32
        %dma_wait3A_128 = tpu.memref_slice %arg11[%dma_wait3A_123, %dma_wait3A_127] : memref<32x128xi32, #tpu.memory_space<vmem>> -> memref<1x128xi32, #tpu.memory_space<vmem>>
        %dma_wait3A_129 = tpu.memref_squeeze %dma_wait3A_128 : memref<1x128xi32, #tpu.memory_space<vmem>> -> memref<128xi32, #tpu.memory_space<vmem>>
        %dma_wait3A_130 = arith.constant 0 : i32
        %dma_wait3A_131 = arith.constant 0 : i32
        %dma_wait3A_132 = tpu.memref_slice %arg9[%dma_wait3A_130, %dma_wait3A_131] : memref<10240x16xf32, #tpu.memory_space<vmem_shared>> -> memref<10240x16xf32, #tpu.memory_space<vmem_shared>>
        tpu.wait_indirect_dma semaphore(%arg19 : memref<!tpu.dma_semaphore, #tpu.memory_space<semaphore_mem>>) src(%dma_wait3A_126 : memref<128x16xf32, #tpu.memory_space<vmem>>) dst(%dma_wait3A_132 : memref<10240x16xf32, #tpu.memory_space<vmem_shared>>)
        %dma_wait3A_133 = arith.constant 2 : i32
        %dma_wait3A_134 = arith.constant 256 : i32
        %dma_wait3A_135 = arith.constant 0 : i32
        %dma_wait3A_136 = tpu.memref_slice %arg13[%dma_wait3A_134, %dma_wait3A_135] : memref<4096x16xf32, #tpu.memory_space<vmem>> -> memref<128x16xf32, #tpu.memory_space<vmem>>
        %dma_wait3A_137 = arith.constant 0 : i32
        %dma_wait3A_138 = tpu.memref_slice %arg11[%dma_wait3A_133, %dma_wait3A_137] : memref<32x128xi32, #tpu.memory_space<vmem>> -> memref<1x128xi32, #tpu.memory_space<vmem>>
        %dma_wait3A_139 = tpu.memref_squeeze %dma_wait3A_138 : memref<1x128xi32, #tpu.memory_space<vmem>> -> memref<128xi32, #tpu.memory_space<vmem>>
        %dma_wait3A_140 = arith.constant 0 : i32
        %dma_wait3A_141 = arith.constant 0 : i32
        %dma_wait3A_142 = tpu.memref_slice %arg9[%dma_wait3A_140, %dma_wait3A_141] : memref<10240x16xf32, #tpu.memory_space<vmem_shared>> -> memref<10240x16xf32, #tpu.memory_space<vmem_shared>>
        tpu.wait_indirect_dma semaphore(%arg19 : memref<!tpu.dma_semaphore, #tpu.memory_space<semaphore_mem>>) src(%dma_wait3A_136 : memref<128x16xf32, #tpu.memory_space<vmem>>) dst(%dma_wait3A_142 : memref<10240x16xf32, #tpu.memory_space<vmem_shared>>)
        %dma_wait3A_143 = arith.constant 3 : i32
        %dma_wait3A_144 = arith.constant 384 : i32
        %dma_wait3A_145 = arith.constant 0 : i32
        %dma_wait3A_146 = tpu.memref_slice %arg13[%dma_wait3A_144, %dma_wait3A_145] : memref<4096x16xf32, #tpu.memory_space<vmem>> -> memref<128x16xf32, #tpu.memory_space<vmem>>
        %dma_wait3A_147 = arith.constant 0 : i32
        %dma_wait3A_148 = tpu.memref_slice %arg11[%dma_wait3A_143, %dma_wait3A_147] : memref<32x128xi32, #tpu.memory_space<vmem>> -> memref<1x128xi32, #tpu.memory_space<vmem>>
        %dma_wait3A_149 = tpu.memref_squeeze %dma_wait3A_148 : memref<1x128xi32, #tpu.memory_space<vmem>> -> memref<128xi32, #tpu.memory_space<vmem>>
        %dma_wait3A_150 = arith.constant 0 : i32
        %dma_wait3A_151 = arith.constant 0 : i32
        %dma_wait3A_152 = tpu.memref_slice %arg9[%dma_wait3A_150, %dma_wait3A_151] : memref<10240x16xf32, #tpu.memory_space<vmem_shared>> -> memref<10240x16xf32, #tpu.memory_space<vmem_shared>>
        tpu.wait_indirect_dma semaphore(%arg19 : memref<!tpu.dma_semaphore, #tpu.memory_space<semaphore_mem>>) src(%dma_wait3A_146 : memref<128x16xf32, #tpu.memory_space<vmem>>) dst(%dma_wait3A_152 : memref<10240x16xf32, #tpu.memory_space<vmem_shared>>)
        %dma_wait3A_153 = arith.constant 4 : i32
        %dma_wait3A_154 = arith.constant 512 : i32
        %dma_wait3A_155 = arith.constant 0 : i32
        %dma_wait3A_156 = tpu.memref_slice %arg13[%dma_wait3A_154, %dma_wait3A_155] : memref<4096x16xf32, #tpu.memory_space<vmem>> -> memref<128x16xf32, #tpu.memory_space<vmem>>
        %dma_wait3A_157 = arith.constant 0 : i32
        %dma_wait3A_158 = tpu.memref_slice %arg11[%dma_wait3A_153, %dma_wait3A_157] : memref<32x128xi32, #tpu.memory_space<vmem>> -> memref<1x128xi32, #tpu.memory_space<vmem>>
        %dma_wait3A_159 = tpu.memref_squeeze %dma_wait3A_158 : memref<1x128xi32, #tpu.memory_space<vmem>> -> memref<128xi32, #tpu.memory_space<vmem>>
        %dma_wait3A_160 = arith.constant 0 : i32
        %dma_wait3A_161 = arith.constant 0 : i32
        %dma_wait3A_162 = tpu.memref_slice %arg9[%dma_wait3A_160, %dma_wait3A_161] : memref<10240x16xf32, #tpu.memory_space<vmem_shared>> -> memref<10240x16xf32, #tpu.memory_space<vmem_shared>>
        tpu.wait_indirect_dma semaphore(%arg19 : memref<!tpu.dma_semaphore, #tpu.memory_space<semaphore_mem>>) src(%dma_wait3A_156 : memref<128x16xf32, #tpu.memory_space<vmem>>) dst(%dma_wait3A_162 : memref<10240x16xf32, #tpu.memory_space<vmem_shared>>)
        %dma_wait3A_163 = arith.constant 5 : i32
        %dma_wait3A_164 = arith.constant 640 : i32
        %dma_wait3A_165 = arith.constant 0 : i32
        %dma_wait3A_166 = tpu.memref_slice %arg13[%dma_wait3A_164, %dma_wait3A_165] : memref<4096x16xf32, #tpu.memory_space<vmem>> -> memref<128x16xf32, #tpu.memory_space<vmem>>
        %dma_wait3A_167 = arith.constant 0 : i32
        %dma_wait3A_168 = tpu.memref_slice %arg11[%dma_wait3A_163, %dma_wait3A_167] : memref<32x128xi32, #tpu.memory_space<vmem>> -> memref<1x128xi32, #tpu.memory_space<vmem>>
        %dma_wait3A_169 = tpu.memref_squeeze %dma_wait3A_168 : memref<1x128xi32, #tpu.memory_space<vmem>> -> memref<128xi32, #tpu.memory_space<vmem>>
        %dma_wait3A_170 = arith.constant 0 : i32
        %dma_wait3A_171 = arith.constant 0 : i32
        %dma_wait3A_172 = tpu.memref_slice %arg9[%dma_wait3A_170, %dma_wait3A_171] : memref<10240x16xf32, #tpu.memory_space<vmem_shared>> -> memref<10240x16xf32, #tpu.memory_space<vmem_shared>>
        tpu.wait_indirect_dma semaphore(%arg19 : memref<!tpu.dma_semaphore, #tpu.memory_space<semaphore_mem>>) src(%dma_wait3A_166 : memref<128x16xf32, #tpu.memory_space<vmem>>) dst(%dma_wait3A_172 : memref<10240x16xf32, #tpu.memory_space<vmem_shared>>)
        %dma_wait3A_173 = arith.constant 6 : i32
        %dma_wait3A_174 = arith.constant 768 : i32
        %dma_wait3A_175 = arith.constant 0 : i32
        %dma_wait3A_176 = tpu.memref_slice %arg13[%dma_wait3A_174, %dma_wait3A_175] : memref<4096x16xf32, #tpu.memory_space<vmem>> -> memref<128x16xf32, #tpu.memory_space<vmem>>
        %dma_wait3A_177 = arith.constant 0 : i32
        %dma_wait3A_178 = tpu.memref_slice %arg11[%dma_wait3A_173, %dma_wait3A_177] : memref<32x128xi32, #tpu.memory_space<vmem>> -> memref<1x128xi32, #tpu.memory_space<vmem>>
        %dma_wait3A_179 = tpu.memref_squeeze %dma_wait3A_178 : memref<1x128xi32, #tpu.memory_space<vmem>> -> memref<128xi32, #tpu.memory_space<vmem>>
        %dma_wait3A_180 = arith.constant 0 : i32
        %dma_wait3A_181 = arith.constant 0 : i32
        %dma_wait3A_182 = tpu.memref_slice %arg9[%dma_wait3A_180, %dma_wait3A_181] : memref<10240x16xf32, #tpu.memory_space<vmem_shared>> -> memref<10240x16xf32, #tpu.memory_space<vmem_shared>>
        tpu.wait_indirect_dma semaphore(%arg19 : memref<!tpu.dma_semaphore, #tpu.memory_space<semaphore_mem>>) src(%dma_wait3A_176 : memref<128x16xf32, #tpu.memory_space<vmem>>) dst(%dma_wait3A_182 : memref<10240x16xf32, #tpu.memory_space<vmem_shared>>)
        %dma_wait3A_183 = arith.constant 7 : i32
        %dma_wait3A_184 = arith.constant 896 : i32
        %dma_wait3A_185 = arith.constant 0 : i32
        %dma_wait3A_186 = tpu.memref_slice %arg13[%dma_wait3A_184, %dma_wait3A_185] : memref<4096x16xf32, #tpu.memory_space<vmem>> -> memref<128x16xf32, #tpu.memory_space<vmem>>
        %dma_wait3A_187 = arith.constant 0 : i32
        %dma_wait3A_188 = tpu.memref_slice %arg11[%dma_wait3A_183, %dma_wait3A_187] : memref<32x128xi32, #tpu.memory_space<vmem>> -> memref<1x128xi32, #tpu.memory_space<vmem>>
        %dma_wait3A_189 = tpu.memref_squeeze %dma_wait3A_188 : memref<1x128xi32, #tpu.memory_space<vmem>> -> memref<128xi32, #tpu.memory_space<vmem>>
        %dma_wait3A_190 = arith.constant 0 : i32
        %dma_wait3A_191 = arith.constant 0 : i32
        %dma_wait3A_192 = tpu.memref_slice %arg9[%dma_wait3A_190, %dma_wait3A_191] : memref<10240x16xf32, #tpu.memory_space<vmem_shared>> -> memref<10240x16xf32, #tpu.memory_space<vmem_shared>>
        tpu.wait_indirect_dma semaphore(%arg19 : memref<!tpu.dma_semaphore, #tpu.memory_space<semaphore_mem>>) src(%dma_wait3A_186 : memref<128x16xf32, #tpu.memory_space<vmem>>) dst(%dma_wait3A_192 : memref<10240x16xf32, #tpu.memory_space<vmem_shared>>)
      }
      %scan3A_15 = arith.constant 20 : i32
      %barrier3A_16 = arith.constant 0 : index
      tpu.barrier barrier_id(%barrier3A_16)
      "tpu.region"() ({
        %run_scoped3A = tpu.sem_alloc : memref<!tpu.dma_semaphore, #tpu.memory_space<semaphore_mem>>
        %dma_start3A = arith.constant 0 : i32
        %dma_start3A_30 = arith.constant 0 : i32
        %dma_start3A_31 = tpu.memref_slice %arg13[%dma_start3A, %dma_start3A_30] : memref<4096x16xf32, #tpu.memory_space<vmem>> -> memref<640x16xf32, #tpu.memory_space<vmem>>
        %dma_start3A_32 = arith.constant 0 : i32
        %dma_start3A_33 = tpu.memref_slice %arg9[%mul3A_2, %dma_start3A_32] : memref<10240x16xf32, #tpu.memory_space<vmem_shared>> -> memref<640x16xf32, #tpu.memory_space<vmem_shared>>
        %dma_start3A_34 = arith.constant 0 : i32
        %dma_start3A_35 = arith.constant 0 : i32
        %dma_start3A_36 = tpu.memref_slice %arg13[%dma_start3A_34, %dma_start3A_35] : memref<4096x16xf32, #tpu.memory_space<vmem>> -> memref<640x16xf32, #tpu.memory_space<vmem>>
        %dma_start3A_37 = arith.constant 0 : i32
        %dma_start3A_38 = tpu.memref_slice %arg9[%mul3A_2, %dma_start3A_37] : memref<10240x16xf32, #tpu.memory_space<vmem_shared>> -> memref<640x16xf32, #tpu.memory_space<vmem_shared>>
        tpu.enqueue_dma source(%dma_start3A_38 : memref<640x16xf32, #tpu.memory_space<vmem_shared>>) target(%dma_start3A_36 : memref<640x16xf32, #tpu.memory_space<vmem>>) target_semaphore(%run_scoped3A : memref<!tpu.dma_semaphore, #tpu.memory_space<semaphore_mem>>)
        %dma_wait3A = arith.constant 0 : i32
        %dma_wait3A_39 = arith.constant 0 : i32
        %dma_wait3A_40 = tpu.memref_slice %arg13[%dma_wait3A, %dma_wait3A_39] : memref<4096x16xf32, #tpu.memory_space<vmem>> -> memref<640x16xf32, #tpu.memory_space<vmem>>
        %dma_wait3A_41 = arith.constant 0 : i32
        %dma_wait3A_42 = tpu.memref_slice %arg9[%mul3A_2, %dma_wait3A_41] : memref<10240x16xf32, #tpu.memory_space<vmem_shared>> -> memref<640x16xf32, #tpu.memory_space<vmem_shared>>
        %dma_wait3A_43 = arith.constant 0 : i32
        %dma_wait3A_44 = arith.constant 0 : i32
        %dma_wait3A_45 = tpu.memref_slice %arg13[%dma_wait3A_43, %dma_wait3A_44] : memref<4096x16xf32, #tpu.memory_space<vmem>> -> memref<640x16xf32, #tpu.memory_space<vmem>>
        %dma_wait3A_46 = arith.constant 0 : i32
        %dma_wait3A_47 = tpu.memref_slice %arg9[%mul3A_2, %dma_wait3A_46] : memref<10240x16xf32, #tpu.memory_space<vmem_shared>> -> memref<640x16xf32, #tpu.memory_space<vmem_shared>>
        tpu.wait_dma2 semaphore(%run_scoped3A : memref<!tpu.dma_semaphore, #tpu.memory_space<semaphore_mem>>) src(%dma_wait3A_47 : memref<640x16xf32, #tpu.memory_space<vmem_shared>>) dst(%dma_wait3A_45 : memref<640x16xf32, #tpu.memory_space<vmem>>)
        tpu.yield
      }) : () -> ()
      "tpu.region"() ({
        %run_scoped3A = tpu.sem_alloc : memref<!tpu.dma_semaphore, #tpu.memory_space<semaphore_mem>>
        %dma_start3A = arith.constant 0 : i32
        %dma_start3A_30 = tpu.memref_slice %arg9[%mul3A_2, %dma_start3A] : memref<10240x16xf32, #tpu.memory_space<vmem_shared>> -> memref<640x16xf32, #tpu.memory_space<vmem_shared>>
        %dma_start3A_31 = arith.constant 0 : i32
        %dma_start3A_32 = tpu.memref_slice %arg6[%mul3A_2, %dma_start3A_31] : memref<10240x16xf32, #tpu.memory_space<hbm>> -> memref<640x16xf32, #tpu.memory_space<hbm>>
        tpu.enqueue_dma source(%dma_start3A_32 : memref<640x16xf32, #tpu.memory_space<hbm>>) target(%dma_start3A_30 : memref<640x16xf32, #tpu.memory_space<vmem_shared>>) target_semaphore(%run_scoped3A : memref<!tpu.dma_semaphore, #tpu.memory_space<semaphore_mem>>)
        %dma_wait3A = arith.constant 0 : i32
        %dma_wait3A_33 = tpu.memref_slice %arg9[%mul3A_2, %dma_wait3A] : memref<10240x16xf32, #tpu.memory_space<vmem_shared>> -> memref<640x16xf32, #tpu.memory_space<vmem_shared>>
        %dma_wait3A_34 = arith.constant 0 : i32
        %dma_wait3A_35 = tpu.memref_slice %arg6[%mul3A_2, %dma_wait3A_34] : memref<10240x16xf32, #tpu.memory_space<hbm>> -> memref<640x16xf32, #tpu.memory_space<hbm>>
        tpu.wait_dma2 semaphore(%run_scoped3A : memref<!tpu.dma_semaphore, #tpu.memory_space<semaphore_mem>>) src(%dma_wait3A_35 : memref<640x16xf32, #tpu.memory_space<hbm>>) dst(%dma_wait3A_33 : memref<640x16xf32, #tpu.memory_space<vmem_shared>>)
        tpu.yield
      }) : () -> ()
      %scan3A_17 = arith.constant 0 : i32
      %scan3A_18 = arith.constant 0 : i32
      %scan3A_19 = arith.constant 640 : i32
      %scan3A_20 = arith.addi %scan3A_18, %scan3A_19 : i32
      %scan3A_21 = arith.constant 1 : i32
      scf.for %scan3A_30 = %scan3A_18 to %scan3A_20 step %scan3A_21  : i32 {
        %get3A = arith.index_cast %scan3A_30 : i32 to index
        %get3A_31 = arith.constant 0 : index
        %get3A_32 = tpu.vector_load %arg13[%get3A, %get3A_31] {strides = array<i32>} : memref<4096x16xf32, #tpu.memory_space<vmem>>, vector<16xf32>,
        %add3A = arith.constant 1.000000e+00 : f32
        %add3A_33 = vector.broadcast %add3A : f32 to vector<16xf32>
        %add3A_34 = arith.addf %get3A_32, %add3A_33 : vector<16xf32>
        %bitcast3A = vector.bitcast %add3A_34 : vector<16xf32> to vector<16xi32>
        %shift_right_arithmetic3A = arith.constant 1 : i32
        %shift_right_arithmetic3A_35 = vector.broadcast %shift_right_arithmetic3A : i32 to vector<16xi32>
        %shift_right_arithmetic3A_36 = arith.shrsi %bitcast3A, %shift_right_arithmetic3A_35 : vector<16xi32>
        %sub3A = arith.constant 1597463007 : i32
        %sub3A_37 = vector.broadcast %sub3A : i32 to vector<16xi32>
        %sub3A_38 = arith.subi %sub3A_37, %shift_right_arithmetic3A_36 : vector<16xi32>
        %bitcast3A_39 = vector.bitcast %sub3A_38 : vector<16xi32> to vector<16xf32>
        %mul3A_40 = arith.constant 5.000000e-01 : f32
        %mul3A_41 = vector.broadcast %mul3A_40 : f32 to vector<16xf32>
        %mul3A_42 = arith.mulf %mul3A_41, %add3A_34 : vector<16xf32>
        %mul3A_43 = arith.mulf %mul3A_42, %bitcast3A_39 : vector<16xf32>
        %mul3A_44 = arith.mulf %mul3A_43, %bitcast3A_39 : vector<16xf32>
        %sub3A_45 = arith.constant 1.500000e+00 : f32
        %sub3A_46 = vector.broadcast %sub3A_45 : f32 to vector<16xf32>
        %sub3A_47 = arith.subf %sub3A_46, %mul3A_44 : vector<16xf32>
        %mul3A_48 = arith.mulf %bitcast3A_39, %sub3A_47 : vector<16xf32>
        %mul3A_49 = arith.constant 5.000000e-01 : f32
        %mul3A_50 = vector.broadcast %mul3A_49 : f32 to vector<16xf32>
        %mul3A_51 = arith.mulf %mul3A_50, %add3A_34 : vector<16xf32>
        %mul3A_52 = arith.mulf %mul3A_51, %mul3A_48 : vector<16xf32>
        %mul3A_53 = arith.mulf %mul3A_52, %mul3A_48 : vector<16xf32>
        %sub3A_54 = arith.constant 1.500000e+00 : f32
        %sub3A_55 = vector.broadcast %sub3A_54 : f32 to vector<16xf32>
        %sub3A_56 = arith.subf %sub3A_55, %mul3A_53 : vector<16xf32>
        %mul3A_57 = arith.mulf %mul3A_48, %sub3A_56 : vector<16xf32>
        %mul3A_58 = arith.constant 5.000000e-01 : f32
        %mul3A_59 = vector.broadcast %mul3A_58 : f32 to vector<16xf32>
        %mul3A_60 = arith.mulf %mul3A_59, %add3A_34 : vector<16xf32>
        %mul3A_61 = arith.mulf %mul3A_60, %mul3A_57 : vector<16xf32>
        %mul3A_62 = arith.mulf %mul3A_61, %mul3A_57 : vector<16xf32>
        %sub3A_63 = arith.constant 1.500000e+00 : f32
        %sub3A_64 = vector.broadcast %sub3A_63 : f32 to vector<16xf32>
        %sub3A_65 = arith.subf %sub3A_64, %mul3A_62 : vector<16xf32>
        %mul3A_66 = arith.mulf %mul3A_57, %sub3A_65 : vector<16xf32>
        %swap3A = arith.index_cast %scan3A_30 : i32 to index
        %swap3A_67 = arith.constant 0 : index
        %swap3A_68 = tpu.vector_load %arg17[%swap3A, %swap3A_67] {strides = array<i32>} : memref<640x16xf32, #tpu.memory_space<vmem>>, vector<16xf32>,
        tpu.vector_store %arg17[%swap3A, %swap3A_67], %mul3A_66 {strides = array<i32>} : memref<640x16xf32, #tpu.memory_space<vmem>>, vector<16xf32>,
        %get3A_69 = arith.index_cast %scan3A_30 : i32 to index
        %get3A_70 = arith.constant 0 : index
        %get3A_71 = tpu.vector_load %arg15[%get3A_69, %get3A_70] {strides = array<i32>} : memref<640x16xf32, #tpu.memory_space<vmem>>, vector<16xf32>,
        %mul3A_72 = arith.mulf %mul3A_66, %get3A_71 : vector<16xf32>
        %add3A_73 = arith.constant 1024 : i32
        %add3A_74 = arith.addi %add3A_73, %scan3A_30 : i32
        %swap3A_75 = arith.index_cast %add3A_74 : i32 to index
        %swap3A_76 = arith.constant 0 : index
        %swap3A_77 = tpu.vector_load %arg13[%swap3A_75, %swap3A_76] {strides = array<i32>} : memref<4096x16xf32, #tpu.memory_space<vmem>>, vector<16xf32>,
        tpu.vector_store %arg13[%swap3A_75, %swap3A_76], %mul3A_72 {strides = array<i32>} : memref<4096x16xf32, #tpu.memory_space<vmem>>, vector<16xf32>,
      }
      %scan3A_22 = arith.constant 640 : i32
      "tpu.region"() ({
        %run_scoped3A = tpu.sem_alloc : memref<!tpu.dma_semaphore, #tpu.memory_space<semaphore_mem>>
        %dma_start3A = arith.constant 1024 : i32
        %dma_start3A_30 = arith.constant 0 : i32
        %dma_start3A_31 = tpu.memref_slice %arg13[%dma_start3A, %dma_start3A_30] : memref<4096x16xf32, #tpu.memory_space<vmem>> -> memref<640x16xf32, #tpu.memory_space<vmem>>
        %dma_start3A_32 = arith.constant 0 : i32
        %dma_start3A_33 = tpu.memref_slice %arg10[%mul3A_2, %dma_start3A_32] : memref<10240x16xf32, #tpu.memory_space<vmem_shared>> -> memref<640x16xf32, #tpu.memory_space<vmem_shared>>
        %dma_start3A_34 = arith.constant 0 : i32
        %dma_start3A_35 = tpu.memref_slice %arg10[%mul3A_2, %dma_start3A_34] : memref<10240x16xf32, #tpu.memory_space<vmem_shared>> -> memref<640x16xf32, #tpu.memory_space<vmem_shared>>
        %dma_start3A_36 = arith.constant 1024 : i32
        %dma_start3A_37 = arith.constant 0 : i32
        %dma_start3A_38 = tpu.memref_slice %arg13[%dma_start3A_36, %dma_start3A_37] : memref<4096x16xf32, #tpu.memory_space<vmem>> -> memref<640x16xf32, #tpu.memory_space<vmem>>
        tpu.enqueue_dma source(%dma_start3A_38 : memref<640x16xf32, #tpu.memory_space<vmem>>) target(%dma_start3A_35 : memref<640x16xf32, #tpu.memory_space<vmem_shared>>) target_semaphore(%run_scoped3A : memref<!tpu.dma_semaphore, #tpu.memory_space<semaphore_mem>>)
        %dma_wait3A = arith.constant 1024 : i32
        %dma_wait3A_39 = arith.constant 0 : i32
        %dma_wait3A_40 = tpu.memref_slice %arg13[%dma_wait3A, %dma_wait3A_39] : memref<4096x16xf32, #tpu.memory_space<vmem>> -> memref<640x16xf32, #tpu.memory_space<vmem>>
        %dma_wait3A_41 = arith.constant 0 : i32
        %dma_wait3A_42 = tpu.memref_slice %arg10[%mul3A_2, %dma_wait3A_41] : memref<10240x16xf32, #tpu.memory_space<vmem_shared>> -> memref<640x16xf32, #tpu.memory_space<vmem_shared>>
        %dma_wait3A_43 = arith.constant 0 : i32
        %dma_wait3A_44 = tpu.memref_slice %arg10[%mul3A_2, %dma_wait3A_43] : memref<10240x16xf32, #tpu.memory_space<vmem_shared>> -> memref<640x16xf32, #tpu.memory_space<vmem_shared>>
        %dma_wait3A_45 = arith.constant 1024 : i32
        %dma_wait3A_46 = arith.constant 0 : i32
        %dma_wait3A_47 = tpu.memref_slice %arg13[%dma_wait3A_45, %dma_wait3A_46] : memref<4096x16xf32, #tpu.memory_space<vmem>> -> memref<640x16xf32, #tpu.memory_space<vmem>>
        tpu.wait_dma2 semaphore(%run_scoped3A : memref<!tpu.dma_semaphore, #tpu.memory_space<semaphore_mem>>) src(%dma_wait3A_47 : memref<640x16xf32, #tpu.memory_space<vmem>>) dst(%dma_wait3A_44 : memref<640x16xf32, #tpu.memory_space<vmem_shared>>)
        tpu.yield
      }) : () -> ()
      %barrier3A_23 = arith.constant 0 : index
      tpu.barrier barrier_id(%barrier3A_23)
      %scan3A_24 = arith.constant 0 : i32
      %scan3A_25 = arith.constant 0 : i32
      %scan3A_26 = arith.constant 10 : i32
      %scan3A_27 = arith.addi %scan3A_25, %scan3A_26 : i32
      %scan3A_28 = arith.constant 1 : i32
      scf.for %scan3A_30 = %scan3A_25 to %scan3A_27 step %scan3A_28  : i32 {
        %mul3A_31 = arith.constant 160 : i32
        %mul3A_32 = arith.muli %arg1, %mul3A_31 : i32
        %dma_start3A = arith.constant 0 : i32
        %dma_start3A_33 = arith.constant 0 : i32
        %dma_start3A_34 = tpu.memref_slice %arg11[%dma_start3A, %dma_start3A_33] : memref<32x128xi32, #tpu.memory_space<vmem>> -> memref<16x128xi32, #tpu.memory_space<vmem>>
        %dma_start3A_35 = arith.constant 0 : i32
        %dma_start3A_36 = tpu.memref_slice %arg3[%mul3A_32, %dma_start3A_35] : memref<2560x128xi32, #tpu.memory_space<hbm>> -> memref<16x128xi32, #tpu.memory_space<hbm>>
        %dma_start3A_37 = arith.constant 0 : i32
        %dma_start3A_38 = arith.constant 0 : i32
        %dma_start3A_39 = tpu.memref_slice %arg11[%dma_start3A_37, %dma_start3A_38] : memref<32x128xi32, #tpu.memory_space<vmem>> -> memref<16x128xi32, #tpu.memory_space<vmem>>
        %dma_start3A_40 = arith.constant 0 : i32
        %dma_start3A_41 = tpu.memref_slice %arg3[%mul3A_32, %dma_start3A_40] : memref<2560x128xi32, #tpu.memory_space<hbm>> -> memref<16x128xi32, #tpu.memory_space<hbm>>
        tpu.enqueue_dma source(%dma_start3A_41 : memref<16x128xi32, #tpu.memory_space<hbm>>) target(%dma_start3A_39 : memref<16x128xi32, #tpu.memory_space<vmem>>) target_semaphore(%arg20 : memref<!tpu.dma_semaphore, #tpu.memory_space<semaphore_mem>>)
        %dma_start3A_42 = arith.constant 0 : i32
        %dma_start3A_43 = arith.constant 0 : i32
        %dma_start3A_44 = tpu.memref_slice %arg12[%dma_start3A_42, %dma_start3A_43] : memref<32x128xi32, #tpu.memory_space<vmem>> -> memref<16x128xi32, #tpu.memory_space<vmem>>
        %dma_start3A_45 = arith.constant 0 : i32
        %dma_start3A_46 = tpu.memref_slice %arg4[%mul3A_32, %dma_start3A_45] : memref<2560x128xi32, #tpu.memory_space<hbm>> -> memref<16x128xi32, #tpu.memory_space<hbm>>
        %dma_start3A_47 = arith.constant 0 : i32
        %dma_start3A_48 = arith.constant 0 : i32
        %dma_start3A_49 = tpu.memref_slice %arg12[%dma_start3A_47, %dma_start3A_48] : memref<32x128xi32, #tpu.memory_space<vmem>> -> memref<16x128xi32, #tpu.memory_space<vmem>>
        %dma_start3A_50 = arith.constant 0 : i32
        %dma_start3A_51 = tpu.memref_slice %arg4[%mul3A_32, %dma_start3A_50] : memref<2560x128xi32, #tpu.memory_space<hbm>> -> memref<16x128xi32, #tpu.memory_space<hbm>>
        tpu.enqueue_dma source(%dma_start3A_51 : memref<16x128xi32, #tpu.memory_space<hbm>>) target(%dma_start3A_49 : memref<16x128xi32, #tpu.memory_space<vmem>>) target_semaphore(%arg20 : memref<!tpu.dma_semaphore, #tpu.memory_space<semaphore_mem>>)
        %scan3A_52 = arith.constant 0 : i32
        %scan3A_53 = arith.constant 0 : i32
        %scan3A_54 = arith.constant 10 : i32
        %scan3A_55 = arith.addi %scan3A_53, %scan3A_54 : i32
        %scan3A_56 = arith.constant 1 : i32
        scf.for %scan3A_257 = %scan3A_53 to %scan3A_55 step %scan3A_56  : i32 {
          %rem3A = arith.constant 2 : i32
          %rem3A_258 = arith.remsi %scan3A_257, %rem3A : i32
          %mul3A_259 = arith.constant 16 : i32
          %mul3A_260 = arith.muli %rem3A_258, %mul3A_259 : i32
          %mul3A_261 = arith.constant 16 : i32
          %mul3A_262 = arith.muli %scan3A_257, %mul3A_261 : i32
          %add3A = arith.addi %mul3A_32, %mul3A_262 : i32
          %dma_wait3A_263 = arith.constant 0 : i32
          %dma_wait3A_264 = arith.constant 0 : i32
          %dma_wait3A_265 = tpu.memref_slice %arg11[%dma_wait3A_263, %dma_wait3A_264] : memref<32x128xi32, #tpu.memory_space<vmem>> -> memref<16x128xi32, #tpu.memory_space<vmem>>
          %dma_wait3A_266 = arith.constant 0 : i32
          %dma_wait3A_267 = arith.constant 0 : i32
          %dma_wait3A_268 = tpu.memref_slice %arg3[%dma_wait3A_266, %dma_wait3A_267] : memref<2560x128xi32, #tpu.memory_space<hbm>> -> memref<16x128xi32, #tpu.memory_space<hbm>>
          %dma_wait3A_269 = arith.constant 0 : i32
          %dma_wait3A_270 = arith.constant 0 : i32
          %dma_wait3A_271 = tpu.memref_slice %arg11[%dma_wait3A_269, %dma_wait3A_270] : memref<32x128xi32, #tpu.memory_space<vmem>> -> memref<16x128xi32, #tpu.memory_space<vmem>>
          %dma_wait3A_272 = arith.constant 0 : i32
          %dma_wait3A_273 = arith.constant 0 : i32
          %dma_wait3A_274 = tpu.memref_slice %arg3[%dma_wait3A_272, %dma_wait3A_273] : memref<2560x128xi32, #tpu.memory_space<hbm>> -> memref<16x128xi32, #tpu.memory_space<hbm>>
          tpu.wait_dma2 semaphore(%arg20 : memref<!tpu.dma_semaphore, #tpu.memory_space<semaphore_mem>>) src(%dma_wait3A_274 : memref<16x128xi32, #tpu.memory_space<hbm>>) dst(%dma_wait3A_271 : memref<16x128xi32, #tpu.memory_space<vmem>>)
          %dma_wait3A_275 = arith.constant 0 : i32
          %dma_wait3A_276 = arith.constant 0 : i32
          %dma_wait3A_277 = tpu.memref_slice %arg11[%dma_wait3A_275, %dma_wait3A_276] : memref<32x128xi32, #tpu.memory_space<vmem>> -> memref<16x128xi32, #tpu.memory_space<vmem>>
          %dma_wait3A_278 = arith.constant 0 : i32
          %dma_wait3A_279 = arith.constant 0 : i32
          %dma_wait3A_280 = tpu.memref_slice %arg3[%dma_wait3A_278, %dma_wait3A_279] : memref<2560x128xi32, #tpu.memory_space<hbm>> -> memref<16x128xi32, #tpu.memory_space<hbm>>
          %dma_wait3A_281 = arith.constant 0 : i32
          %dma_wait3A_282 = arith.constant 0 : i32
          %dma_wait3A_283 = tpu.memref_slice %arg11[%dma_wait3A_281, %dma_wait3A_282] : memref<32x128xi32, #tpu.memory_space<vmem>> -> memref<16x128xi32, #tpu.memory_space<vmem>>
          %dma_wait3A_284 = arith.constant 0 : i32
          %dma_wait3A_285 = arith.constant 0 : i32
          %dma_wait3A_286 = tpu.memref_slice %arg3[%dma_wait3A_284, %dma_wait3A_285] : memref<2560x128xi32, #tpu.memory_space<hbm>> -> memref<16x128xi32, #tpu.memory_space<hbm>>
          tpu.wait_dma2 semaphore(%arg20 : memref<!tpu.dma_semaphore, #tpu.memory_space<semaphore_mem>>) src(%dma_wait3A_286 : memref<16x128xi32, #tpu.memory_space<hbm>>) dst(%dma_wait3A_283 : memref<16x128xi32, #tpu.memory_space<vmem>>)
          %add3A_287 = arith.constant 0 : i32
          %add3A_288 = arith.addi %mul3A_260, %add3A_287 : i32
          %add3A_289 = arith.constant 0 : i32
          %add3A_290 = arith.addi %mul3A_260, %add3A_289 : i32
          %mul3A_291 = arith.constant 128 : i32
          %mul3A_292 = arith.muli %add3A_290, %mul3A_291 : i32
          %dma_start3A_293 = arith.constant 0 : i32
          %dma_start3A_294 = tpu.memref_slice %arg13[%mul3A_292, %dma_start3A_293] : memref<4096x16xf32, #tpu.memory_space<vmem>> -> memref<128x16xf32, #tpu.memory_space<vmem>>
          %dma_start3A_295 = arith.constant 0 : i32
          %dma_start3A_296 = tpu.memref_slice %arg11[%add3A_288, %dma_start3A_295] : memref<32x128xi32, #tpu.memory_space<vmem>> -> memref<1x128xi32, #tpu.memory_space<vmem>>
          %dma_start3A_297 = tpu.memref_squeeze %dma_start3A_296 : memref<1x128xi32, #tpu.memory_space<vmem>> -> memref<128xi32, #tpu.memory_space<vmem>>
          %dma_start3A_298 = arith.constant 0 : i32
          %dma_start3A_299 = arith.constant 0 : i32
          %dma_start3A_300 = tpu.memref_slice %arg10[%dma_start3A_298, %dma_start3A_299] : memref<10240x16xf32, #tpu.memory_space<vmem_shared>> -> memref<10240x16xf32, #tpu.memory_space<vmem_shared>>
          tpu.enqueue_indirect_dma source(%dma_start3A_300 : memref<10240x16xf32, #tpu.memory_space<vmem_shared>>) target(%dma_start3A_294 : memref<128x16xf32, #tpu.memory_space<vmem>>) offsets(%dma_start3A_297 : memref<128xi32, #tpu.memory_space<vmem>>) semaphore(%arg18 : memref<!tpu.dma_semaphore, #tpu.memory_space<semaphore_mem>>)
          %add3A_301 = arith.constant 1 : i32
          %add3A_302 = arith.addi %mul3A_260, %add3A_301 : i32
          %add3A_303 = arith.constant 1 : i32
          %add3A_304 = arith.addi %mul3A_260, %add3A_303 : i32
          %mul3A_305 = arith.constant 128 : i32
          %mul3A_306 = arith.muli %add3A_304, %mul3A_305 : i32
          %dma_start3A_307 = arith.constant 0 : i32
          %dma_start3A_308 = tpu.memref_slice %arg13[%mul3A_306, %dma_start3A_307] : memref<4096x16xf32, #tpu.memory_space<vmem>> -> memref<128x16xf32, #tpu.memory_space<vmem>>
          %dma_start3A_309 = arith.constant 0 : i32
          %dma_start3A_310 = tpu.memref_slice %arg11[%add3A_302, %dma_start3A_309] : memref<32x128xi32, #tpu.memory_space<vmem>> -> memref<1x128xi32, #tpu.memory_space<vmem>>
          %dma_start3A_311 = tpu.memref_squeeze %dma_start3A_310 : memref<1x128xi32, #tpu.memory_space<vmem>> -> memref<128xi32, #tpu.memory_space<vmem>>
          %dma_start3A_312 = arith.constant 0 : i32
          %dma_start3A_313 = arith.constant 0 : i32
          %dma_start3A_314 = tpu.memref_slice %arg10[%dma_start3A_312, %dma_start3A_313] : memref<10240x16xf32, #tpu.memory_space<vmem_shared>> -> memref<10240x16xf32, #tpu.memory_space<vmem_shared>>
          tpu.enqueue_indirect_dma source(%dma_start3A_314 : memref<10240x16xf32, #tpu.memory_space<vmem_shared>>) target(%dma_start3A_308 : memref<128x16xf32, #tpu.memory_space<vmem>>) offsets(%dma_start3A_311 : memref<128xi32, #tpu.memory_space<vmem>>) semaphore(%arg18 : memref<!tpu.dma_semaphore, #tpu.memory_space<semaphore_mem>>)
          %add3A_315 = arith.constant 2 : i32
          %add3A_316 = arith.addi %mul3A_260, %add3A_315 : i32
          %add3A_317 = arith.constant 2 : i32
          %add3A_318 = arith.addi %mul3A_260, %add3A_317 : i32
          %mul3A_319 = arith.constant 128 : i32
          %mul3A_320 = arith.muli %add3A_318, %mul3A_319 : i32
          %dma_start3A_321 = arith.constant 0 : i32
          %dma_start3A_322 = tpu.memref_slice %arg13[%mul3A_320, %dma_start3A_321] : memref<4096x16xf32, #tpu.memory_space<vmem>> -> memref<128x16xf32, #tpu.memory_space<vmem>>
          %dma_start3A_323 = arith.constant 0 : i32
          %dma_start3A_324 = tpu.memref_slice %arg11[%add3A_316, %dma_start3A_323] : memref<32x128xi32, #tpu.memory_space<vmem>> -> memref<1x128xi32, #tpu.memory_space<vmem>>
          %dma_start3A_325 = tpu.memref_squeeze %dma_start3A_324 : memref<1x128xi32, #tpu.memory_space<vmem>> -> memref<128xi32, #tpu.memory_space<vmem>>
          %dma_start3A_326 = arith.constant 0 : i32
          %dma_start3A_327 = arith.constant 0 : i32
          %dma_start3A_328 = tpu.memref_slice %arg10[%dma_start3A_326, %dma_start3A_327] : memref<10240x16xf32, #tpu.memory_space<vmem_shared>> -> memref<10240x16xf32, #tpu.memory_space<vmem_shared>>
          tpu.enqueue_indirect_dma source(%dma_start3A_328 : memref<10240x16xf32, #tpu.memory_space<vmem_shared>>) target(%dma_start3A_322 : memref<128x16xf32, #tpu.memory_space<vmem>>) offsets(%dma_start3A_325 : memref<128xi32, #tpu.memory_space<vmem>>) semaphore(%arg18 : memref<!tpu.dma_semaphore, #tpu.memory_space<semaphore_mem>>)
          %add3A_329 = arith.constant 3 : i32
          %add3A_330 = arith.addi %mul3A_260, %add3A_329 : i32
          %add3A_331 = arith.constant 3 : i32
          %add3A_332 = arith.addi %mul3A_260, %add3A_331 : i32
          %mul3A_333 = arith.constant 128 : i32
          %mul3A_334 = arith.muli %add3A_332, %mul3A_333 : i32
          %dma_start3A_335 = arith.constant 0 : i32
          %dma_start3A_336 = tpu.memref_slice %arg13[%mul3A_334, %dma_start3A_335] : memref<4096x16xf32, #tpu.memory_space<vmem>> -> memref<128x16xf32, #tpu.memory_space<vmem>>
          %dma_start3A_337 = arith.constant 0 : i32
          %dma_start3A_338 = tpu.memref_slice %arg11[%add3A_330, %dma_start3A_337] : memref<32x128xi32, #tpu.memory_space<vmem>> -> memref<1x128xi32, #tpu.memory_space<vmem>>
          %dma_start3A_339 = tpu.memref_squeeze %dma_start3A_338 : memref<1x128xi32, #tpu.memory_space<vmem>> -> memref<128xi32, #tpu.memory_space<vmem>>
          %dma_start3A_340 = arith.constant 0 : i32
          %dma_start3A_341 = arith.constant 0 : i32
          %dma_start3A_342 = tpu.memref_slice %arg10[%dma_start3A_340, %dma_start3A_341] : memref<10240x16xf32, #tpu.memory_space<vmem_shared>> -> memref<10240x16xf32, #tpu.memory_space<vmem_shared>>
          tpu.enqueue_indirect_dma source(%dma_start3A_342 : memref<10240x16xf32, #tpu.memory_space<vmem_shared>>) target(%dma_start3A_336 : memref<128x16xf32, #tpu.memory_space<vmem>>) offsets(%dma_start3A_339 : memref<128xi32, #tpu.memory_space<vmem>>) semaphore(%arg18 : memref<!tpu.dma_semaphore, #tpu.memory_space<semaphore_mem>>)
          %add3A_343 = arith.constant 4 : i32
          %add3A_344 = arith.addi %mul3A_260, %add3A_343 : i32
          %add3A_345 = arith.constant 4 : i32
          %add3A_346 = arith.addi %mul3A_260, %add3A_345 : i32
          %mul3A_347 = arith.constant 128 : i32
          %mul3A_348 = arith.muli %add3A_346, %mul3A_347 : i32
          %dma_start3A_349 = arith.constant 0 : i32
          %dma_start3A_350 = tpu.memref_slice %arg13[%mul3A_348, %dma_start3A_349] : memref<4096x16xf32, #tpu.memory_space<vmem>> -> memref<128x16xf32, #tpu.memory_space<vmem>>
          %dma_start3A_351 = arith.constant 0 : i32
          %dma_start3A_352 = tpu.memref_slice %arg11[%add3A_344, %dma_start3A_351] : memref<32x128xi32, #tpu.memory_space<vmem>> -> memref<1x128xi32, #tpu.memory_space<vmem>>
          %dma_start3A_353 = tpu.memref_squeeze %dma_start3A_352 : memref<1x128xi32, #tpu.memory_space<vmem>> -> memref<128xi32, #tpu.memory_space<vmem>>
          %dma_start3A_354 = arith.constant 0 : i32
          %dma_start3A_355 = arith.constant 0 : i32
          %dma_start3A_356 = tpu.memref_slice %arg10[%dma_start3A_354, %dma_start3A_355] : memref<10240x16xf32, #tpu.memory_space<vmem_shared>> -> memref<10240x16xf32, #tpu.memory_space<vmem_shared>>
          tpu.enqueue_indirect_dma source(%dma_start3A_356 : memref<10240x16xf32, #tpu.memory_space<vmem_shared>>) target(%dma_start3A_350 : memref<128x16xf32, #tpu.memory_space<vmem>>) offsets(%dma_start3A_353 : memref<128xi32, #tpu.memory_space<vmem>>) semaphore(%arg18 : memref<!tpu.dma_semaphore, #tpu.memory_space<semaphore_mem>>)
          %add3A_357 = arith.constant 5 : i32
          %add3A_358 = arith.addi %mul3A_260, %add3A_357 : i32
          %add3A_359 = arith.constant 5 : i32
          %add3A_360 = arith.addi %mul3A_260, %add3A_359 : i32
          %mul3A_361 = arith.constant 128 : i32
          %mul3A_362 = arith.muli %add3A_360, %mul3A_361 : i32
          %dma_start3A_363 = arith.constant 0 : i32
          %dma_start3A_364 = tpu.memref_slice %arg13[%mul3A_362, %dma_start3A_363] : memref<4096x16xf32, #tpu.memory_space<vmem>> -> memref<128x16xf32, #tpu.memory_space<vmem>>
          %dma_start3A_365 = arith.constant 0 : i32
          %dma_start3A_366 = tpu.memref_slice %arg11[%add3A_358, %dma_start3A_365] : memref<32x128xi32, #tpu.memory_space<vmem>> -> memref<1x128xi32, #tpu.memory_space<vmem>>
          %dma_start3A_367 = tpu.memref_squeeze %dma_start3A_366 : memref<1x128xi32, #tpu.memory_space<vmem>> -> memref<128xi32, #tpu.memory_space<vmem>>
          %dma_start3A_368 = arith.constant 0 : i32
          %dma_start3A_369 = arith.constant 0 : i32
          %dma_start3A_370 = tpu.memref_slice %arg10[%dma_start3A_368, %dma_start3A_369] : memref<10240x16xf32, #tpu.memory_space<vmem_shared>> -> memref<10240x16xf32, #tpu.memory_space<vmem_shared>>
          tpu.enqueue_indirect_dma source(%dma_start3A_370 : memref<10240x16xf32, #tpu.memory_space<vmem_shared>>) target(%dma_start3A_364 : memref<128x16xf32, #tpu.memory_space<vmem>>) offsets(%dma_start3A_367 : memref<128xi32, #tpu.memory_space<vmem>>) semaphore(%arg18 : memref<!tpu.dma_semaphore, #tpu.memory_space<semaphore_mem>>)
          %add3A_371 = arith.constant 6 : i32
          %add3A_372 = arith.addi %mul3A_260, %add3A_371 : i32
          %add3A_373 = arith.constant 6 : i32
          %add3A_374 = arith.addi %mul3A_260, %add3A_373 : i32
          %mul3A_375 = arith.constant 128 : i32
          %mul3A_376 = arith.muli %add3A_374, %mul3A_375 : i32
          %dma_start3A_377 = arith.constant 0 : i32
          %dma_start3A_378 = tpu.memref_slice %arg13[%mul3A_376, %dma_start3A_377] : memref<4096x16xf32, #tpu.memory_space<vmem>> -> memref<128x16xf32, #tpu.memory_space<vmem>>
          %dma_start3A_379 = arith.constant 0 : i32
          %dma_start3A_380 = tpu.memref_slice %arg11[%add3A_372, %dma_start3A_379] : memref<32x128xi32, #tpu.memory_space<vmem>> -> memref<1x128xi32, #tpu.memory_space<vmem>>
          %dma_start3A_381 = tpu.memref_squeeze %dma_start3A_380 : memref<1x128xi32, #tpu.memory_space<vmem>> -> memref<128xi32, #tpu.memory_space<vmem>>
          %dma_start3A_382 = arith.constant 0 : i32
          %dma_start3A_383 = arith.constant 0 : i32
          %dma_start3A_384 = tpu.memref_slice %arg10[%dma_start3A_382, %dma_start3A_383] : memref<10240x16xf32, #tpu.memory_space<vmem_shared>> -> memref<10240x16xf32, #tpu.memory_space<vmem_shared>>
          tpu.enqueue_indirect_dma source(%dma_start3A_384 : memref<10240x16xf32, #tpu.memory_space<vmem_shared>>) target(%dma_start3A_378 : memref<128x16xf32, #tpu.memory_space<vmem>>) offsets(%dma_start3A_381 : memref<128xi32, #tpu.memory_space<vmem>>) semaphore(%arg18 : memref<!tpu.dma_semaphore, #tpu.memory_space<semaphore_mem>>)
          %add3A_385 = arith.constant 7 : i32
          %add3A_386 = arith.addi %mul3A_260, %add3A_385 : i32
          %add3A_387 = arith.constant 7 : i32
          %add3A_388 = arith.addi %mul3A_260, %add3A_387 : i32
          %mul3A_389 = arith.constant 128 : i32
          %mul3A_390 = arith.muli %add3A_388, %mul3A_389 : i32
          %dma_start3A_391 = arith.constant 0 : i32
          %dma_start3A_392 = tpu.memref_slice %arg13[%mul3A_390, %dma_start3A_391] : memref<4096x16xf32, #tpu.memory_space<vmem>> -> memref<128x16xf32, #tpu.memory_space<vmem>>
          %dma_start3A_393 = arith.constant 0 : i32
          %dma_start3A_394 = tpu.memref_slice %arg11[%add3A_386, %dma_start3A_393] : memref<32x128xi32, #tpu.memory_space<vmem>> -> memref<1x128xi32, #tpu.memory_space<vmem>>
          %dma_start3A_395 = tpu.memref_squeeze %dma_start3A_394 : memref<1x128xi32, #tpu.memory_space<vmem>> -> memref<128xi32, #tpu.memory_space<vmem>>
          %dma_start3A_396 = arith.constant 0 : i32
          %dma_start3A_397 = arith.constant 0 : i32
          %dma_start3A_398 = tpu.memref_slice %arg10[%dma_start3A_396, %dma_start3A_397] : memref<10240x16xf32, #tpu.memory_space<vmem_shared>> -> memref<10240x16xf32, #tpu.memory_space<vmem_shared>>
          tpu.enqueue_indirect_dma source(%dma_start3A_398 : memref<10240x16xf32, #tpu.memory_space<vmem_shared>>) target(%dma_start3A_392 : memref<128x16xf32, #tpu.memory_space<vmem>>) offsets(%dma_start3A_395 : memref<128xi32, #tpu.memory_space<vmem>>) semaphore(%arg18 : memref<!tpu.dma_semaphore, #tpu.memory_space<semaphore_mem>>)
          %add3A_399 = arith.constant 8 : i32
          %add3A_400 = arith.addi %mul3A_260, %add3A_399 : i32
          %add3A_401 = arith.constant 0 : i32
          %add3A_402 = arith.addi %add3A_400, %add3A_401 : i32
          %add3A_403 = arith.constant 8 : i32
          %add3A_404 = arith.addi %mul3A_260, %add3A_403 : i32
          %add3A_405 = arith.constant 0 : i32
          %add3A_406 = arith.addi %add3A_404, %add3A_405 : i32
          %mul3A_407 = arith.constant 128 : i32
          %mul3A_408 = arith.muli %add3A_406, %mul3A_407 : i32
          %dma_start3A_409 = arith.constant 0 : i32
          %dma_start3A_410 = tpu.memref_slice %arg13[%mul3A_408, %dma_start3A_409] : memref<4096x16xf32, #tpu.memory_space<vmem>> -> memref<128x16xf32, #tpu.memory_space<vmem>>
          %dma_start3A_411 = arith.constant 0 : i32
          %dma_start3A_412 = tpu.memref_slice %arg11[%add3A_402, %dma_start3A_411] : memref<32x128xi32, #tpu.memory_space<vmem>> -> memref<1x128xi32, #tpu.memory_space<vmem>>
          %dma_start3A_413 = tpu.memref_squeeze %dma_start3A_412 : memref<1x128xi32, #tpu.memory_space<vmem>> -> memref<128xi32, #tpu.memory_space<vmem>>
          %dma_start3A_414 = arith.constant 0 : i32
          %dma_start3A_415 = arith.constant 0 : i32
          %dma_start3A_416 = tpu.memref_slice %arg10[%dma_start3A_414, %dma_start3A_415] : memref<10240x16xf32, #tpu.memory_space<vmem_shared>> -> memref<10240x16xf32, #tpu.memory_space<vmem_shared>>
          tpu.enqueue_indirect_dma source(%dma_start3A_416 : memref<10240x16xf32, #tpu.memory_space<vmem_shared>>) target(%dma_start3A_410 : memref<128x16xf32, #tpu.memory_space<vmem>>) offsets(%dma_start3A_413 : memref<128xi32, #tpu.memory_space<vmem>>) semaphore(%arg21 : memref<!tpu.dma_semaphore, #tpu.memory_space<semaphore_mem>>)
          %add3A_417 = arith.constant 8 : i32
          %add3A_418 = arith.addi %mul3A_260, %add3A_417 : i32
          %add3A_419 = arith.constant 1 : i32
          %add3A_420 = arith.addi %add3A_418, %add3A_419 : i32
          %add3A_421 = arith.constant 8 : i32
          %add3A_422 = arith.addi %mul3A_260, %add3A_421 : i32
          %add3A_423 = arith.constant 1 : i32
          %add3A_424 = arith.addi %add3A_422, %add3A_423 : i32
          %mul3A_425 = arith.constant 128 : i32
          %mul3A_426 = arith.muli %add3A_424, %mul3A_425 : i32
          %dma_start3A_427 = arith.constant 0 : i32
          %dma_start3A_428 = tpu.memref_slice %arg13[%mul3A_426, %dma_start3A_427] : memref<4096x16xf32, #tpu.memory_space<vmem>> -> memref<128x16xf32, #tpu.memory_space<vmem>>
          %dma_start3A_429 = arith.constant 0 : i32
          %dma_start3A_430 = tpu.memref_slice %arg11[%add3A_420, %dma_start3A_429] : memref<32x128xi32, #tpu.memory_space<vmem>> -> memref<1x128xi32, #tpu.memory_space<vmem>>
          %dma_start3A_431 = tpu.memref_squeeze %dma_start3A_430 : memref<1x128xi32, #tpu.memory_space<vmem>> -> memref<128xi32, #tpu.memory_space<vmem>>
          %dma_start3A_432 = arith.constant 0 : i32
          %dma_start3A_433 = arith.constant 0 : i32
          %dma_start3A_434 = tpu.memref_slice %arg10[%dma_start3A_432, %dma_start3A_433] : memref<10240x16xf32, #tpu.memory_space<vmem_shared>> -> memref<10240x16xf32, #tpu.memory_space<vmem_shared>>
          tpu.enqueue_indirect_dma source(%dma_start3A_434 : memref<10240x16xf32, #tpu.memory_space<vmem_shared>>) target(%dma_start3A_428 : memref<128x16xf32, #tpu.memory_space<vmem>>) offsets(%dma_start3A_431 : memref<128xi32, #tpu.memory_space<vmem>>) semaphore(%arg21 : memref<!tpu.dma_semaphore, #tpu.memory_space<semaphore_mem>>)
          %add3A_435 = arith.constant 8 : i32
          %add3A_436 = arith.addi %mul3A_260, %add3A_435 : i32
          %add3A_437 = arith.constant 2 : i32
          %add3A_438 = arith.addi %add3A_436, %add3A_437 : i32
          %add3A_439 = arith.constant 8 : i32
          %add3A_440 = arith.addi %mul3A_260, %add3A_439 : i32
          %add3A_441 = arith.constant 2 : i32
          %add3A_442 = arith.addi %add3A_440, %add3A_441 : i32
          %mul3A_443 = arith.constant 128 : i32
          %mul3A_444 = arith.muli %add3A_442, %mul3A_443 : i32
          %dma_start3A_445 = arith.constant 0 : i32
          %dma_start3A_446 = tpu.memref_slice %arg13[%mul3A_444, %dma_start3A_445] : memref<4096x16xf32, #tpu.memory_space<vmem>> -> memref<128x16xf32, #tpu.memory_space<vmem>>
          %dma_start3A_447 = arith.constant 0 : i32
          %dma_start3A_448 = tpu.memref_slice %arg11[%add3A_438, %dma_start3A_447] : memref<32x128xi32, #tpu.memory_space<vmem>> -> memref<1x128xi32, #tpu.memory_space<vmem>>
          %dma_start3A_449 = tpu.memref_squeeze %dma_start3A_448 : memref<1x128xi32, #tpu.memory_space<vmem>> -> memref<128xi32, #tpu.memory_space<vmem>>
          %dma_start3A_450 = arith.constant 0 : i32
          %dma_start3A_451 = arith.constant 0 : i32
          %dma_start3A_452 = tpu.memref_slice %arg10[%dma_start3A_450, %dma_start3A_451] : memref<10240x16xf32, #tpu.memory_space<vmem_shared>> -> memref<10240x16xf32, #tpu.memory_space<vmem_shared>>
          tpu.enqueue_indirect_dma source(%dma_start3A_452 : memref<10240x16xf32, #tpu.memory_space<vmem_shared>>) target(%dma_start3A_446 : memref<128x16xf32, #tpu.memory_space<vmem>>) offsets(%dma_start3A_449 : memref<128xi32, #tpu.memory_space<vmem>>) semaphore(%arg21 : memref<!tpu.dma_semaphore, #tpu.memory_space<semaphore_mem>>)
          %add3A_453 = arith.constant 8 : i32
          %add3A_454 = arith.addi %mul3A_260, %add3A_453 : i32
          %add3A_455 = arith.constant 3 : i32
          %add3A_456 = arith.addi %add3A_454, %add3A_455 : i32
          %add3A_457 = arith.constant 8 : i32
          %add3A_458 = arith.addi %mul3A_260, %add3A_457 : i32
          %add3A_459 = arith.constant 3 : i32
          %add3A_460 = arith.addi %add3A_458, %add3A_459 : i32
          %mul3A_461 = arith.constant 128 : i32
          %mul3A_462 = arith.muli %add3A_460, %mul3A_461 : i32
          %dma_start3A_463 = arith.constant 0 : i32
          %dma_start3A_464 = tpu.memref_slice %arg13[%mul3A_462, %dma_start3A_463] : memref<4096x16xf32, #tpu.memory_space<vmem>> -> memref<128x16xf32, #tpu.memory_space<vmem>>
          %dma_start3A_465 = arith.constant 0 : i32
          %dma_start3A_466 = tpu.memref_slice %arg11[%add3A_456, %dma_start3A_465] : memref<32x128xi32, #tpu.memory_space<vmem>> -> memref<1x128xi32, #tpu.memory_space<vmem>>
          %dma_start3A_467 = tpu.memref_squeeze %dma_start3A_466 : memref<1x128xi32, #tpu.memory_space<vmem>> -> memref<128xi32, #tpu.memory_space<vmem>>
          %dma_start3A_468 = arith.constant 0 : i32
          %dma_start3A_469 = arith.constant 0 : i32
          %dma_start3A_470 = tpu.memref_slice %arg10[%dma_start3A_468, %dma_start3A_469] : memref<10240x16xf32, #tpu.memory_space<vmem_shared>> -> memref<10240x16xf32, #tpu.memory_space<vmem_shared>>
          tpu.enqueue_indirect_dma source(%dma_start3A_470 : memref<10240x16xf32, #tpu.memory_space<vmem_shared>>) target(%dma_start3A_464 : memref<128x16xf32, #tpu.memory_space<vmem>>) offsets(%dma_start3A_467 : memref<128xi32, #tpu.memory_space<vmem>>) semaphore(%arg21 : memref<!tpu.dma_semaphore, #tpu.memory_space<semaphore_mem>>)
          %add3A_471 = arith.constant 8 : i32
          %add3A_472 = arith.addi %mul3A_260, %add3A_471 : i32
          %add3A_473 = arith.constant 4 : i32
          %add3A_474 = arith.addi %add3A_472, %add3A_473 : i32
          %add3A_475 = arith.constant 8 : i32
          %add3A_476 = arith.addi %mul3A_260, %add3A_475 : i32
          %add3A_477 = arith.constant 4 : i32
          %add3A_478 = arith.addi %add3A_476, %add3A_477 : i32
          %mul3A_479 = arith.constant 128 : i32
          %mul3A_480 = arith.muli %add3A_478, %mul3A_479 : i32
          %dma_start3A_481 = arith.constant 0 : i32
          %dma_start3A_482 = tpu.memref_slice %arg13[%mul3A_480, %dma_start3A_481] : memref<4096x16xf32, #tpu.memory_space<vmem>> -> memref<128x16xf32, #tpu.memory_space<vmem>>
          %dma_start3A_483 = arith.constant 0 : i32
          %dma_start3A_484 = tpu.memref_slice %arg11[%add3A_474, %dma_start3A_483] : memref<32x128xi32, #tpu.memory_space<vmem>> -> memref<1x128xi32, #tpu.memory_space<vmem>>
          %dma_start3A_485 = tpu.memref_squeeze %dma_start3A_484 : memref<1x128xi32, #tpu.memory_space<vmem>> -> memref<128xi32, #tpu.memory_space<vmem>>
          %dma_start3A_486 = arith.constant 0 : i32
          %dma_start3A_487 = arith.constant 0 : i32
          %dma_start3A_488 = tpu.memref_slice %arg10[%dma_start3A_486, %dma_start3A_487] : memref<10240x16xf32, #tpu.memory_space<vmem_shared>> -> memref<10240x16xf32, #tpu.memory_space<vmem_shared>>
          tpu.enqueue_indirect_dma source(%dma_start3A_488 : memref<10240x16xf32, #tpu.memory_space<vmem_shared>>) target(%dma_start3A_482 : memref<128x16xf32, #tpu.memory_space<vmem>>) offsets(%dma_start3A_485 : memref<128xi32, #tpu.memory_space<vmem>>) semaphore(%arg21 : memref<!tpu.dma_semaphore, #tpu.memory_space<semaphore_mem>>)
          %add3A_489 = arith.constant 8 : i32
          %add3A_490 = arith.addi %mul3A_260, %add3A_489 : i32
          %add3A_491 = arith.constant 5 : i32
          %add3A_492 = arith.addi %add3A_490, %add3A_491 : i32
          %add3A_493 = arith.constant 8 : i32
          %add3A_494 = arith.addi %mul3A_260, %add3A_493 : i32
          %add3A_495 = arith.constant 5 : i32
          %add3A_496 = arith.addi %add3A_494, %add3A_495 : i32
          %mul3A_497 = arith.constant 128 : i32
          %mul3A_498 = arith.muli %add3A_496, %mul3A_497 : i32
          %dma_start3A_499 = arith.constant 0 : i32
          %dma_start3A_500 = tpu.memref_slice %arg13[%mul3A_498, %dma_start3A_499] : memref<4096x16xf32, #tpu.memory_space<vmem>> -> memref<128x16xf32, #tpu.memory_space<vmem>>
          %dma_start3A_501 = arith.constant 0 : i32
          %dma_start3A_502 = tpu.memref_slice %arg11[%add3A_492, %dma_start3A_501] : memref<32x128xi32, #tpu.memory_space<vmem>> -> memref<1x128xi32, #tpu.memory_space<vmem>>
          %dma_start3A_503 = tpu.memref_squeeze %dma_start3A_502 : memref<1x128xi32, #tpu.memory_space<vmem>> -> memref<128xi32, #tpu.memory_space<vmem>>
          %dma_start3A_504 = arith.constant 0 : i32
          %dma_start3A_505 = arith.constant 0 : i32
          %dma_start3A_506 = tpu.memref_slice %arg10[%dma_start3A_504, %dma_start3A_505] : memref<10240x16xf32, #tpu.memory_space<vmem_shared>> -> memref<10240x16xf32, #tpu.memory_space<vmem_shared>>
          tpu.enqueue_indirect_dma source(%dma_start3A_506 : memref<10240x16xf32, #tpu.memory_space<vmem_shared>>) target(%dma_start3A_500 : memref<128x16xf32, #tpu.memory_space<vmem>>) offsets(%dma_start3A_503 : memref<128xi32, #tpu.memory_space<vmem>>) semaphore(%arg21 : memref<!tpu.dma_semaphore, #tpu.memory_space<semaphore_mem>>)
          %add3A_507 = arith.constant 8 : i32
          %add3A_508 = arith.addi %mul3A_260, %add3A_507 : i32
          %add3A_509 = arith.constant 6 : i32
          %add3A_510 = arith.addi %add3A_508, %add3A_509 : i32
          %add3A_511 = arith.constant 8 : i32
          %add3A_512 = arith.addi %mul3A_260, %add3A_511 : i32
          %add3A_513 = arith.constant 6 : i32
          %add3A_514 = arith.addi %add3A_512, %add3A_513 : i32
          %mul3A_515 = arith.constant 128 : i32
          %mul3A_516 = arith.muli %add3A_514, %mul3A_515 : i32
          %dma_start3A_517 = arith.constant 0 : i32
          %dma_start3A_518 = tpu.memref_slice %arg13[%mul3A_516, %dma_start3A_517] : memref<4096x16xf32, #tpu.memory_space<vmem>> -> memref<128x16xf32, #tpu.memory_space<vmem>>
          %dma_start3A_519 = arith.constant 0 : i32
          %dma_start3A_520 = tpu.memref_slice %arg11[%add3A_510, %dma_start3A_519] : memref<32x128xi32, #tpu.memory_space<vmem>> -> memref<1x128xi32, #tpu.memory_space<vmem>>
          %dma_start3A_521 = tpu.memref_squeeze %dma_start3A_520 : memref<1x128xi32, #tpu.memory_space<vmem>> -> memref<128xi32, #tpu.memory_space<vmem>>
          %dma_start3A_522 = arith.constant 0 : i32
          %dma_start3A_523 = arith.constant 0 : i32
          %dma_start3A_524 = tpu.memref_slice %arg10[%dma_start3A_522, %dma_start3A_523] : memref<10240x16xf32, #tpu.memory_space<vmem_shared>> -> memref<10240x16xf32, #tpu.memory_space<vmem_shared>>
          tpu.enqueue_indirect_dma source(%dma_start3A_524 : memref<10240x16xf32, #tpu.memory_space<vmem_shared>>) target(%dma_start3A_518 : memref<128x16xf32, #tpu.memory_space<vmem>>) offsets(%dma_start3A_521 : memref<128xi32, #tpu.memory_space<vmem>>) semaphore(%arg21 : memref<!tpu.dma_semaphore, #tpu.memory_space<semaphore_mem>>)
          %add3A_525 = arith.constant 8 : i32
          %add3A_526 = arith.addi %mul3A_260, %add3A_525 : i32
          %add3A_527 = arith.constant 7 : i32
          %add3A_528 = arith.addi %add3A_526, %add3A_527 : i32
          %add3A_529 = arith.constant 8 : i32
          %add3A_530 = arith.addi %mul3A_260, %add3A_529 : i32
          %add3A_531 = arith.constant 7 : i32
          %add3A_532 = arith.addi %add3A_530, %add3A_531 : i32
          %mul3A_533 = arith.constant 128 : i32
          %mul3A_534 = arith.muli %add3A_532, %mul3A_533 : i32
          %dma_start3A_535 = arith.constant 0 : i32
          %dma_start3A_536 = tpu.memref_slice %arg13[%mul3A_534, %dma_start3A_535] : memref<4096x16xf32, #tpu.memory_space<vmem>> -> memref<128x16xf32, #tpu.memory_space<vmem>>
          %dma_start3A_537 = arith.constant 0 : i32
          %dma_start3A_538 = tpu.memref_slice %arg11[%add3A_528, %dma_start3A_537] : memref<32x128xi32, #tpu.memory_space<vmem>> -> memref<1x128xi32, #tpu.memory_space<vmem>>
          %dma_start3A_539 = tpu.memref_squeeze %dma_start3A_538 : memref<1x128xi32, #tpu.memory_space<vmem>> -> memref<128xi32, #tpu.memory_space<vmem>>
          %dma_start3A_540 = arith.constant 0 : i32
          %dma_start3A_541 = arith.constant 0 : i32
          %dma_start3A_542 = tpu.memref_slice %arg10[%dma_start3A_540, %dma_start3A_541] : memref<10240x16xf32, #tpu.memory_space<vmem_shared>> -> memref<10240x16xf32, #tpu.memory_space<vmem_shared>>
          tpu.enqueue_indirect_dma source(%dma_start3A_542 : memref<10240x16xf32, #tpu.memory_space<vmem_shared>>) target(%dma_start3A_536 : memref<128x16xf32, #tpu.memory_space<vmem>>) offsets(%dma_start3A_539 : memref<128xi32, #tpu.memory_space<vmem>>) semaphore(%arg21 : memref<!tpu.dma_semaphore, #tpu.memory_space<semaphore_mem>>)
          %gt3A = arith.constant 0 : i32
          %gt3A_543 = arith.cmpi sgt, %scan3A_257, %gt3A : i32
          %convert_element_type3A_544 = arith.extui %gt3A_543 : i1 to i32
          %cond3A_545 = arith.constant 0 : i32
          %cond3A_546 = arith.cmpi ne, %convert_element_type3A_544, %cond3A_545 : i32
          scf.if %cond3A_546 {
            %dma_wait3A_999 = arith.constant 0 : i32
            %dma_wait3A_1000 = arith.constant 0 : i32
            %dma_wait3A_1001 = tpu.memref_slice %arg13[%dma_wait3A_999, %dma_wait3A_1000] : memref<4096x16xf32, #tpu.memory_space<vmem>> -> memref<128x16xf32, #tpu.memory_space<vmem>>
            %dma_wait3A_1002 = arith.constant 0 : i32
            %dma_wait3A_1003 = arith.constant 0 : i32
            %dma_wait3A_1004 = tpu.memref_slice %arg6[%dma_wait3A_1002, %dma_wait3A_1003] : memref<10240x16xf32, #tpu.memory_space<hbm>> -> memref<128x16xf32, #tpu.memory_space<hbm>>
            %dma_wait3A_1005 = arith.constant 0 : i32
            %dma_wait3A_1006 = arith.constant 0 : i32
            %dma_wait3A_1007 = tpu.memref_slice %arg13[%dma_wait3A_1005, %dma_wait3A_1006] : memref<4096x16xf32, #tpu.memory_space<vmem>> -> memref<128x16xf32, #tpu.memory_space<vmem>>
            %dma_wait3A_1008 = arith.constant 0 : i32
            %dma_wait3A_1009 = arith.constant 0 : i32
            %dma_wait3A_1010 = tpu.memref_slice %arg6[%dma_wait3A_1008, %dma_wait3A_1009] : memref<10240x16xf32, #tpu.memory_space<hbm>> -> memref<128x16xf32, #tpu.memory_space<hbm>>
            tpu.wait_dma2 semaphore(%arg19 : memref<!tpu.dma_semaphore, #tpu.memory_space<semaphore_mem>>) src(%dma_wait3A_1010 : memref<128x16xf32, #tpu.memory_space<hbm>>) dst(%dma_wait3A_1007 : memref<128x16xf32, #tpu.memory_space<vmem>>)
            %dma_wait3A_1011 = arith.constant 0 : i32
            %dma_wait3A_1012 = arith.constant 0 : i32
            %dma_wait3A_1013 = tpu.memref_slice %arg13[%dma_wait3A_1011, %dma_wait3A_1012] : memref<4096x16xf32, #tpu.memory_space<vmem>> -> memref<128x16xf32, #tpu.memory_space<vmem>>
            %dma_wait3A_1014 = arith.constant 0 : i32
            %dma_wait3A_1015 = arith.constant 0 : i32
            %dma_wait3A_1016 = tpu.memref_slice %arg6[%dma_wait3A_1014, %dma_wait3A_1015] : memref<10240x16xf32, #tpu.memory_space<hbm>> -> memref<128x16xf32, #tpu.memory_space<hbm>>
            %dma_wait3A_1017 = arith.constant 0 : i32
            %dma_wait3A_1018 = arith.constant 0 : i32
            %dma_wait3A_1019 = tpu.memref_slice %arg13[%dma_wait3A_1017, %dma_wait3A_1018] : memref<4096x16xf32, #tpu.memory_space<vmem>> -> memref<128x16xf32, #tpu.memory_space<vmem>>
            %dma_wait3A_1020 = arith.constant 0 : i32
            %dma_wait3A_1021 = arith.constant 0 : i32
            %dma_wait3A_1022 = tpu.memref_slice %arg6[%dma_wait3A_1020, %dma_wait3A_1021] : memref<10240x16xf32, #tpu.memory_space<hbm>> -> memref<128x16xf32, #tpu.memory_space<hbm>>
            tpu.wait_dma2 semaphore(%arg19 : memref<!tpu.dma_semaphore, #tpu.memory_space<semaphore_mem>>) src(%dma_wait3A_1022 : memref<128x16xf32, #tpu.memory_space<hbm>>) dst(%dma_wait3A_1019 : memref<128x16xf32, #tpu.memory_space<vmem>>)
            %dma_wait3A_1023 = arith.constant 0 : i32
            %dma_wait3A_1024 = arith.constant 0 : i32
            %dma_wait3A_1025 = tpu.memref_slice %arg13[%dma_wait3A_1023, %dma_wait3A_1024] : memref<4096x16xf32, #tpu.memory_space<vmem>> -> memref<128x16xf32, #tpu.memory_space<vmem>>
            %dma_wait3A_1026 = arith.constant 0 : i32
            %dma_wait3A_1027 = arith.constant 0 : i32
            %dma_wait3A_1028 = tpu.memref_slice %arg6[%dma_wait3A_1026, %dma_wait3A_1027] : memref<10240x16xf32, #tpu.memory_space<hbm>> -> memref<128x16xf32, #tpu.memory_space<hbm>>
            %dma_wait3A_1029 = arith.constant 0 : i32
            %dma_wait3A_1030 = arith.constant 0 : i32
            %dma_wait3A_1031 = tpu.memref_slice %arg13[%dma_wait3A_1029, %dma_wait3A_1030] : memref<4096x16xf32, #tpu.memory_space<vmem>> -> memref<128x16xf32, #tpu.memory_space<vmem>>
            %dma_wait3A_1032 = arith.constant 0 : i32
            %dma_wait3A_1033 = arith.constant 0 : i32
            %dma_wait3A_1034 = tpu.memref_slice %arg6[%dma_wait3A_1032, %dma_wait3A_1033] : memref<10240x16xf32, #tpu.memory_space<hbm>> -> memref<128x16xf32, #tpu.memory_space<hbm>>
            tpu.wait_dma2 semaphore(%arg19 : memref<!tpu.dma_semaphore, #tpu.memory_space<semaphore_mem>>) src(%dma_wait3A_1034 : memref<128x16xf32, #tpu.memory_space<hbm>>) dst(%dma_wait3A_1031 : memref<128x16xf32, #tpu.memory_space<vmem>>)
            %dma_wait3A_1035 = arith.constant 0 : i32
            %dma_wait3A_1036 = arith.constant 0 : i32
            %dma_wait3A_1037 = tpu.memref_slice %arg13[%dma_wait3A_1035, %dma_wait3A_1036] : memref<4096x16xf32, #tpu.memory_space<vmem>> -> memref<128x16xf32, #tpu.memory_space<vmem>>
            %dma_wait3A_1038 = arith.constant 0 : i32
            %dma_wait3A_1039 = arith.constant 0 : i32
            %dma_wait3A_1040 = tpu.memref_slice %arg6[%dma_wait3A_1038, %dma_wait3A_1039] : memref<10240x16xf32, #tpu.memory_space<hbm>> -> memref<128x16xf32, #tpu.memory_space<hbm>>
            %dma_wait3A_1041 = arith.constant 0 : i32
            %dma_wait3A_1042 = arith.constant 0 : i32
            %dma_wait3A_1043 = tpu.memref_slice %arg13[%dma_wait3A_1041, %dma_wait3A_1042] : memref<4096x16xf32, #tpu.memory_space<vmem>> -> memref<128x16xf32, #tpu.memory_space<vmem>>
            %dma_wait3A_1044 = arith.constant 0 : i32
            %dma_wait3A_1045 = arith.constant 0 : i32
            %dma_wait3A_1046 = tpu.memref_slice %arg6[%dma_wait3A_1044, %dma_wait3A_1045] : memref<10240x16xf32, #tpu.memory_space<hbm>> -> memref<128x16xf32, #tpu.memory_space<hbm>>
            tpu.wait_dma2 semaphore(%arg19 : memref<!tpu.dma_semaphore, #tpu.memory_space<semaphore_mem>>) src(%dma_wait3A_1046 : memref<128x16xf32, #tpu.memory_space<hbm>>) dst(%dma_wait3A_1043 : memref<128x16xf32, #tpu.memory_space<vmem>>)
            %dma_wait3A_1047 = arith.constant 0 : i32
            %dma_wait3A_1048 = arith.constant 0 : i32
            %dma_wait3A_1049 = tpu.memref_slice %arg13[%dma_wait3A_1047, %dma_wait3A_1048] : memref<4096x16xf32, #tpu.memory_space<vmem>> -> memref<128x16xf32, #tpu.memory_space<vmem>>
            %dma_wait3A_1050 = arith.constant 0 : i32
            %dma_wait3A_1051 = arith.constant 0 : i32
            %dma_wait3A_1052 = tpu.memref_slice %arg6[%dma_wait3A_1050, %dma_wait3A_1051] : memref<10240x16xf32, #tpu.memory_space<hbm>> -> memref<128x16xf32, #tpu.memory_space<hbm>>
            %dma_wait3A_1053 = arith.constant 0 : i32
            %dma_wait3A_1054 = arith.constant 0 : i32
            %dma_wait3A_1055 = tpu.memref_slice %arg13[%dma_wait3A_1053, %dma_wait3A_1054] : memref<4096x16xf32, #tpu.memory_space<vmem>> -> memref<128x16xf32, #tpu.memory_space<vmem>>
            %dma_wait3A_1056 = arith.constant 0 : i32
            %dma_wait3A_1057 = arith.constant 0 : i32
            %dma_wait3A_1058 = tpu.memref_slice %arg6[%dma_wait3A_1056, %dma_wait3A_1057] : memref<10240x16xf32, #tpu.memory_space<hbm>> -> memref<128x16xf32, #tpu.memory_space<hbm>>
            tpu.wait_dma2 semaphore(%arg19 : memref<!tpu.dma_semaphore, #tpu.memory_space<semaphore_mem>>) src(%dma_wait3A_1058 : memref<128x16xf32, #tpu.memory_space<hbm>>) dst(%dma_wait3A_1055 : memref<128x16xf32, #tpu.memory_space<vmem>>)
            %dma_wait3A_1059 = arith.constant 0 : i32
            %dma_wait3A_1060 = arith.constant 0 : i32
            %dma_wait3A_1061 = tpu.memref_slice %arg13[%dma_wait3A_1059, %dma_wait3A_1060] : memref<4096x16xf32, #tpu.memory_space<vmem>> -> memref<128x16xf32, #tpu.memory_space<vmem>>
            %dma_wait3A_1062 = arith.constant 0 : i32
            %dma_wait3A_1063 = arith.constant 0 : i32
            %dma_wait3A_1064 = tpu.memref_slice %arg6[%dma_wait3A_1062, %dma_wait3A_1063] : memref<10240x16xf32, #tpu.memory_space<hbm>> -> memref<128x16xf32, #tpu.memory_space<hbm>>
            %dma_wait3A_1065 = arith.constant 0 : i32
            %dma_wait3A_1066 = arith.constant 0 : i32
            %dma_wait3A_1067 = tpu.memref_slice %arg13[%dma_wait3A_1065, %dma_wait3A_1066] : memref<4096x16xf32, #tpu.memory_space<vmem>> -> memref<128x16xf32, #tpu.memory_space<vmem>>
            %dma_wait3A_1068 = arith.constant 0 : i32
            %dma_wait3A_1069 = arith.constant 0 : i32
            %dma_wait3A_1070 = tpu.memref_slice %arg6[%dma_wait3A_1068, %dma_wait3A_1069] : memref<10240x16xf32, #tpu.memory_space<hbm>> -> memref<128x16xf32, #tpu.memory_space<hbm>>
            tpu.wait_dma2 semaphore(%arg19 : memref<!tpu.dma_semaphore, #tpu.memory_space<semaphore_mem>>) src(%dma_wait3A_1070 : memref<128x16xf32, #tpu.memory_space<hbm>>) dst(%dma_wait3A_1067 : memref<128x16xf32, #tpu.memory_space<vmem>>)
            %dma_wait3A_1071 = arith.constant 0 : i32
            %dma_wait3A_1072 = arith.constant 0 : i32
            %dma_wait3A_1073 = tpu.memref_slice %arg13[%dma_wait3A_1071, %dma_wait3A_1072] : memref<4096x16xf32, #tpu.memory_space<vmem>> -> memref<128x16xf32, #tpu.memory_space<vmem>>
            %dma_wait3A_1074 = arith.constant 0 : i32
            %dma_wait3A_1075 = arith.constant 0 : i32
            %dma_wait3A_1076 = tpu.memref_slice %arg6[%dma_wait3A_1074, %dma_wait3A_1075] : memref<10240x16xf32, #tpu.memory_space<hbm>> -> memref<128x16xf32, #tpu.memory_space<hbm>>
            %dma_wait3A_1077 = arith.constant 0 : i32
            %dma_wait3A_1078 = arith.constant 0 : i32
            %dma_wait3A_1079 = tpu.memref_slice %arg13[%dma_wait3A_1077, %dma_wait3A_1078] : memref<4096x16xf32, #tpu.memory_space<vmem>> -> memref<128x16xf32, #tpu.memory_space<vmem>>
            %dma_wait3A_1080 = arith.constant 0 : i32
            %dma_wait3A_1081 = arith.constant 0 : i32
            %dma_wait3A_1082 = tpu.memref_slice %arg6[%dma_wait3A_1080, %dma_wait3A_1081] : memref<10240x16xf32, #tpu.memory_space<hbm>> -> memref<128x16xf32, #tpu.memory_space<hbm>>
            tpu.wait_dma2 semaphore(%arg19 : memref<!tpu.dma_semaphore, #tpu.memory_space<semaphore_mem>>) src(%dma_wait3A_1082 : memref<128x16xf32, #tpu.memory_space<hbm>>) dst(%dma_wait3A_1079 : memref<128x16xf32, #tpu.memory_space<vmem>>)
            %dma_wait3A_1083 = arith.constant 0 : i32
            %dma_wait3A_1084 = arith.constant 0 : i32
            %dma_wait3A_1085 = tpu.memref_slice %arg13[%dma_wait3A_1083, %dma_wait3A_1084] : memref<4096x16xf32, #tpu.memory_space<vmem>> -> memref<128x16xf32, #tpu.memory_space<vmem>>
            %dma_wait3A_1086 = arith.constant 0 : i32
            %dma_wait3A_1087 = arith.constant 0 : i32
            %dma_wait3A_1088 = tpu.memref_slice %arg6[%dma_wait3A_1086, %dma_wait3A_1087] : memref<10240x16xf32, #tpu.memory_space<hbm>> -> memref<128x16xf32, #tpu.memory_space<hbm>>
            %dma_wait3A_1089 = arith.constant 0 : i32
            %dma_wait3A_1090 = arith.constant 0 : i32
            %dma_wait3A_1091 = tpu.memref_slice %arg13[%dma_wait3A_1089, %dma_wait3A_1090] : memref<4096x16xf32, #tpu.memory_space<vmem>> -> memref<128x16xf32, #tpu.memory_space<vmem>>
            %dma_wait3A_1092 = arith.constant 0 : i32
            %dma_wait3A_1093 = arith.constant 0 : i32
            %dma_wait3A_1094 = tpu.memref_slice %arg6[%dma_wait3A_1092, %dma_wait3A_1093] : memref<10240x16xf32, #tpu.memory_space<hbm>> -> memref<128x16xf32, #tpu.memory_space<hbm>>
            tpu.wait_dma2 semaphore(%arg19 : memref<!tpu.dma_semaphore, #tpu.memory_space<semaphore_mem>>) src(%dma_wait3A_1094 : memref<128x16xf32, #tpu.memory_space<hbm>>) dst(%dma_wait3A_1091 : memref<128x16xf32, #tpu.memory_space<vmem>>)
            %dma_wait3A_1095 = arith.constant 0 : i32
            %dma_wait3A_1096 = arith.constant 0 : i32
            %dma_wait3A_1097 = tpu.memref_slice %arg13[%dma_wait3A_1095, %dma_wait3A_1096] : memref<4096x16xf32, #tpu.memory_space<vmem>> -> memref<128x16xf32, #tpu.memory_space<vmem>>
            %dma_wait3A_1098 = arith.constant 0 : i32
            %dma_wait3A_1099 = arith.constant 0 : i32
            %dma_wait3A_1100 = tpu.memref_slice %arg6[%dma_wait3A_1098, %dma_wait3A_1099] : memref<10240x16xf32, #tpu.memory_space<hbm>> -> memref<128x16xf32, #tpu.memory_space<hbm>>
            %dma_wait3A_1101 = arith.constant 0 : i32
            %dma_wait3A_1102 = arith.constant 0 : i32
            %dma_wait3A_1103 = tpu.memref_slice %arg13[%dma_wait3A_1101, %dma_wait3A_1102] : memref<4096x16xf32, #tpu.memory_space<vmem>> -> memref<128x16xf32, #tpu.memory_space<vmem>>
            %dma_wait3A_1104 = arith.constant 0 : i32
            %dma_wait3A_1105 = arith.constant 0 : i32
            %dma_wait3A_1106 = tpu.memref_slice %arg6[%dma_wait3A_1104, %dma_wait3A_1105] : memref<10240x16xf32, #tpu.memory_space<hbm>> -> memref<128x16xf32, #tpu.memory_space<hbm>>
            tpu.wait_dma2 semaphore(%arg19 : memref<!tpu.dma_semaphore, #tpu.memory_space<semaphore_mem>>) src(%dma_wait3A_1106 : memref<128x16xf32, #tpu.memory_space<hbm>>) dst(%dma_wait3A_1103 : memref<128x16xf32, #tpu.memory_space<vmem>>)
            %dma_wait3A_1107 = arith.constant 0 : i32
            %dma_wait3A_1108 = arith.constant 0 : i32
            %dma_wait3A_1109 = tpu.memref_slice %arg13[%dma_wait3A_1107, %dma_wait3A_1108] : memref<4096x16xf32, #tpu.memory_space<vmem>> -> memref<128x16xf32, #tpu.memory_space<vmem>>
            %dma_wait3A_1110 = arith.constant 0 : i32
            %dma_wait3A_1111 = arith.constant 0 : i32
            %dma_wait3A_1112 = tpu.memref_slice %arg6[%dma_wait3A_1110, %dma_wait3A_1111] : memref<10240x16xf32, #tpu.memory_space<hbm>> -> memref<128x16xf32, #tpu.memory_space<hbm>>
            %dma_wait3A_1113 = arith.constant 0 : i32
            %dma_wait3A_1114 = arith.constant 0 : i32
            %dma_wait3A_1115 = tpu.memref_slice %arg13[%dma_wait3A_1113, %dma_wait3A_1114] : memref<4096x16xf32, #tpu.memory_space<vmem>> -> memref<128x16xf32, #tpu.memory_space<vmem>>
            %dma_wait3A_1116 = arith.constant 0 : i32
            %dma_wait3A_1117 = arith.constant 0 : i32
            %dma_wait3A_1118 = tpu.memref_slice %arg6[%dma_wait3A_1116, %dma_wait3A_1117] : memref<10240x16xf32, #tpu.memory_space<hbm>> -> memref<128x16xf32, #tpu.memory_space<hbm>>
            tpu.wait_dma2 semaphore(%arg19 : memref<!tpu.dma_semaphore, #tpu.memory_space<semaphore_mem>>) src(%dma_wait3A_1118 : memref<128x16xf32, #tpu.memory_space<hbm>>) dst(%dma_wait3A_1115 : memref<128x16xf32, #tpu.memory_space<vmem>>)
            %dma_wait3A_1119 = arith.constant 0 : i32
            %dma_wait3A_1120 = arith.constant 0 : i32
            %dma_wait3A_1121 = tpu.memref_slice %arg13[%dma_wait3A_1119, %dma_wait3A_1120] : memref<4096x16xf32, #tpu.memory_space<vmem>> -> memref<128x16xf32, #tpu.memory_space<vmem>>
            %dma_wait3A_1122 = arith.constant 0 : i32
            %dma_wait3A_1123 = arith.constant 0 : i32
            %dma_wait3A_1124 = tpu.memref_slice %arg6[%dma_wait3A_1122, %dma_wait3A_1123] : memref<10240x16xf32, #tpu.memory_space<hbm>> -> memref<128x16xf32, #tpu.memory_space<hbm>>
            %dma_wait3A_1125 = arith.constant 0 : i32
            %dma_wait3A_1126 = arith.constant 0 : i32
            %dma_wait3A_1127 = tpu.memref_slice %arg13[%dma_wait3A_1125, %dma_wait3A_1126] : memref<4096x16xf32, #tpu.memory_space<vmem>> -> memref<128x16xf32, #tpu.memory_space<vmem>>
            %dma_wait3A_1128 = arith.constant 0 : i32
            %dma_wait3A_1129 = arith.constant 0 : i32
            %dma_wait3A_1130 = tpu.memref_slice %arg6[%dma_wait3A_1128, %dma_wait3A_1129] : memref<10240x16xf32, #tpu.memory_space<hbm>> -> memref<128x16xf32, #tpu.memory_space<hbm>>
            tpu.wait_dma2 semaphore(%arg19 : memref<!tpu.dma_semaphore, #tpu.memory_space<semaphore_mem>>) src(%dma_wait3A_1130 : memref<128x16xf32, #tpu.memory_space<hbm>>) dst(%dma_wait3A_1127 : memref<128x16xf32, #tpu.memory_space<vmem>>)
            %dma_wait3A_1131 = arith.constant 0 : i32
            %dma_wait3A_1132 = arith.constant 0 : i32
            %dma_wait3A_1133 = tpu.memref_slice %arg13[%dma_wait3A_1131, %dma_wait3A_1132] : memref<4096x16xf32, #tpu.memory_space<vmem>> -> memref<128x16xf32, #tpu.memory_space<vmem>>
            %dma_wait3A_1134 = arith.constant 0 : i32
            %dma_wait3A_1135 = arith.constant 0 : i32
            %dma_wait3A_1136 = tpu.memref_slice %arg6[%dma_wait3A_1134, %dma_wait3A_1135] : memref<10240x16xf32, #tpu.memory_space<hbm>> -> memref<128x16xf32, #tpu.memory_space<hbm>>
            %dma_wait3A_1137 = arith.constant 0 : i32
            %dma_wait3A_1138 = arith.constant 0 : i32
            %dma_wait3A_1139 = tpu.memref_slice %arg13[%dma_wait3A_1137, %dma_wait3A_1138] : memref<4096x16xf32, #tpu.memory_space<vmem>> -> memref<128x16xf32, #tpu.memory_space<vmem>>
            %dma_wait3A_1140 = arith.constant 0 : i32
            %dma_wait3A_1141 = arith.constant 0 : i32
            %dma_wait3A_1142 = tpu.memref_slice %arg6[%dma_wait3A_1140, %dma_wait3A_1141] : memref<10240x16xf32, #tpu.memory_space<hbm>> -> memref<128x16xf32, #tpu.memory_space<hbm>>
            tpu.wait_dma2 semaphore(%arg19 : memref<!tpu.dma_semaphore, #tpu.memory_space<semaphore_mem>>) src(%dma_wait3A_1142 : memref<128x16xf32, #tpu.memory_space<hbm>>) dst(%dma_wait3A_1139 : memref<128x16xf32, #tpu.memory_space<vmem>>)
            %dma_wait3A_1143 = arith.constant 0 : i32
            %dma_wait3A_1144 = arith.constant 0 : i32
            %dma_wait3A_1145 = tpu.memref_slice %arg13[%dma_wait3A_1143, %dma_wait3A_1144] : memref<4096x16xf32, #tpu.memory_space<vmem>> -> memref<128x16xf32, #tpu.memory_space<vmem>>
            %dma_wait3A_1146 = arith.constant 0 : i32
            %dma_wait3A_1147 = arith.constant 0 : i32
            %dma_wait3A_1148 = tpu.memref_slice %arg6[%dma_wait3A_1146, %dma_wait3A_1147] : memref<10240x16xf32, #tpu.memory_space<hbm>> -> memref<128x16xf32, #tpu.memory_space<hbm>>
            %dma_wait3A_1149 = arith.constant 0 : i32
            %dma_wait3A_1150 = arith.constant 0 : i32
            %dma_wait3A_1151 = tpu.memref_slice %arg13[%dma_wait3A_1149, %dma_wait3A_1150] : memref<4096x16xf32, #tpu.memory_space<vmem>> -> memref<128x16xf32, #tpu.memory_space<vmem>>
            %dma_wait3A_1152 = arith.constant 0 : i32
            %dma_wait3A_1153 = arith.constant 0 : i32
            %dma_wait3A_1154 = tpu.memref_slice %arg6[%dma_wait3A_1152, %dma_wait3A_1153] : memref<10240x16xf32, #tpu.memory_space<hbm>> -> memref<128x16xf32, #tpu.memory_space<hbm>>
            tpu.wait_dma2 semaphore(%arg19 : memref<!tpu.dma_semaphore, #tpu.memory_space<semaphore_mem>>) src(%dma_wait3A_1154 : memref<128x16xf32, #tpu.memory_space<hbm>>) dst(%dma_wait3A_1151 : memref<128x16xf32, #tpu.memory_space<vmem>>)
            %dma_wait3A_1155 = arith.constant 0 : i32
            %dma_wait3A_1156 = arith.constant 0 : i32
            %dma_wait3A_1157 = tpu.memref_slice %arg13[%dma_wait3A_1155, %dma_wait3A_1156] : memref<4096x16xf32, #tpu.memory_space<vmem>> -> memref<128x16xf32, #tpu.memory_space<vmem>>
            %dma_wait3A_1158 = arith.constant 0 : i32
            %dma_wait3A_1159 = arith.constant 0 : i32
            %dma_wait3A_1160 = tpu.memref_slice %arg6[%dma_wait3A_1158, %dma_wait3A_1159] : memref<10240x16xf32, #tpu.memory_space<hbm>> -> memref<128x16xf32, #tpu.memory_space<hbm>>
            %dma_wait3A_1161 = arith.constant 0 : i32
            %dma_wait3A_1162 = arith.constant 0 : i32
            %dma_wait3A_1163 = tpu.memref_slice %arg13[%dma_wait3A_1161, %dma_wait3A_1162] : memref<4096x16xf32, #tpu.memory_space<vmem>> -> memref<128x16xf32, #tpu.memory_space<vmem>>
            %dma_wait3A_1164 = arith.constant 0 : i32
            %dma_wait3A_1165 = arith.constant 0 : i32
            %dma_wait3A_1166 = tpu.memref_slice %arg6[%dma_wait3A_1164, %dma_wait3A_1165] : memref<10240x16xf32, #tpu.memory_space<hbm>> -> memref<128x16xf32, #tpu.memory_space<hbm>>
            tpu.wait_dma2 semaphore(%arg19 : memref<!tpu.dma_semaphore, #tpu.memory_space<semaphore_mem>>) src(%dma_wait3A_1166 : memref<128x16xf32, #tpu.memory_space<hbm>>) dst(%dma_wait3A_1163 : memref<128x16xf32, #tpu.memory_space<vmem>>)
            %dma_wait3A_1167 = arith.constant 0 : i32
            %dma_wait3A_1168 = arith.constant 0 : i32
            %dma_wait3A_1169 = tpu.memref_slice %arg13[%dma_wait3A_1167, %dma_wait3A_1168] : memref<4096x16xf32, #tpu.memory_space<vmem>> -> memref<128x16xf32, #tpu.memory_space<vmem>>
            %dma_wait3A_1170 = arith.constant 0 : i32
            %dma_wait3A_1171 = arith.constant 0 : i32
            %dma_wait3A_1172 = tpu.memref_slice %arg6[%dma_wait3A_1170, %dma_wait3A_1171] : memref<10240x16xf32, #tpu.memory_space<hbm>> -> memref<128x16xf32, #tpu.memory_space<hbm>>
            %dma_wait3A_1173 = arith.constant 0 : i32
            %dma_wait3A_1174 = arith.constant 0 : i32
            %dma_wait3A_1175 = tpu.memref_slice %arg13[%dma_wait3A_1173, %dma_wait3A_1174] : memref<4096x16xf32, #tpu.memory_space<vmem>> -> memref<128x16xf32, #tpu.memory_space<vmem>>
            %dma_wait3A_1176 = arith.constant 0 : i32
            %dma_wait3A_1177 = arith.constant 0 : i32
            %dma_wait3A_1178 = tpu.memref_slice %arg6[%dma_wait3A_1176, %dma_wait3A_1177] : memref<10240x16xf32, #tpu.memory_space<hbm>> -> memref<128x16xf32, #tpu.memory_space<hbm>>
            tpu.wait_dma2 semaphore(%arg19 : memref<!tpu.dma_semaphore, #tpu.memory_space<semaphore_mem>>) src(%dma_wait3A_1178 : memref<128x16xf32, #tpu.memory_space<hbm>>) dst(%dma_wait3A_1175 : memref<128x16xf32, #tpu.memory_space<vmem>>)
            %dma_wait3A_1179 = arith.constant 0 : i32
            %dma_wait3A_1180 = arith.constant 0 : i32
            %dma_wait3A_1181 = tpu.memref_slice %arg13[%dma_wait3A_1179, %dma_wait3A_1180] : memref<4096x16xf32, #tpu.memory_space<vmem>> -> memref<128x16xf32, #tpu.memory_space<vmem>>
            %dma_wait3A_1182 = arith.constant 0 : i32
            %dma_wait3A_1183 = arith.constant 0 : i32
            %dma_wait3A_1184 = tpu.memref_slice %arg6[%dma_wait3A_1182, %dma_wait3A_1183] : memref<10240x16xf32, #tpu.memory_space<hbm>> -> memref<128x16xf32, #tpu.memory_space<hbm>>
            %dma_wait3A_1185 = arith.constant 0 : i32
            %dma_wait3A_1186 = arith.constant 0 : i32
            %dma_wait3A_1187 = tpu.memref_slice %arg13[%dma_wait3A_1185, %dma_wait3A_1186] : memref<4096x16xf32, #tpu.memory_space<vmem>> -> memref<128x16xf32, #tpu.memory_space<vmem>>
            %dma_wait3A_1188 = arith.constant 0 : i32
            %dma_wait3A_1189 = arith.constant 0 : i32
            %dma_wait3A_1190 = tpu.memref_slice %arg6[%dma_wait3A_1188, %dma_wait3A_1189] : memref<10240x16xf32, #tpu.memory_space<hbm>> -> memref<128x16xf32, #tpu.memory_space<hbm>>
            tpu.wait_dma2 semaphore(%arg19 : memref<!tpu.dma_semaphore, #tpu.memory_space<semaphore_mem>>) src(%dma_wait3A_1190 : memref<128x16xf32, #tpu.memory_space<hbm>>) dst(%dma_wait3A_1187 : memref<128x16xf32, #tpu.memory_space<vmem>>)
          } else {
          }
          %lt3A = arith.constant 9 : i32
          %lt3A_547 = arith.cmpi slt, %scan3A_257, %lt3A : i32
          %convert_element_type3A_548 = arith.extui %lt3A_547 : i1 to i32
          %cond3A_549 = arith.constant 0 : i32
          %cond3A_550 = arith.cmpi ne, %convert_element_type3A_548, %cond3A_549 : i32
          scf.if %cond3A_550 {
            %add3A_999 = arith.constant 16 : i32
            %add3A_1000 = arith.addi %add3A, %add3A_999 : i32
            %sub3A = arith.constant 16 : i32
            %sub3A_1001 = arith.subi %sub3A, %mul3A_260 : i32
            %dma_start3A_1002 = arith.constant 0 : i32
            %dma_start3A_1003 = tpu.memref_slice %arg11[%sub3A_1001, %dma_start3A_1002] : memref<32x128xi32, #tpu.memory_space<vmem>> -> memref<16x128xi32, #tpu.memory_space<vmem>>
            %dma_start3A_1004 = arith.constant 0 : i32
            %dma_start3A_1005 = tpu.memref_slice %arg3[%add3A_1000, %dma_start3A_1004] : memref<2560x128xi32, #tpu.memory_space<hbm>> -> memref<16x128xi32, #tpu.memory_space<hbm>>
            %dma_start3A_1006 = arith.constant 0 : i32
            %dma_start3A_1007 = tpu.memref_slice %arg11[%sub3A_1001, %dma_start3A_1006] : memref<32x128xi32, #tpu.memory_space<vmem>> -> memref<16x128xi32, #tpu.memory_space<vmem>>
            %dma_start3A_1008 = arith.constant 0 : i32
            %dma_start3A_1009 = tpu.memref_slice %arg3[%add3A_1000, %dma_start3A_1008] : memref<2560x128xi32, #tpu.memory_space<hbm>> -> memref<16x128xi32, #tpu.memory_space<hbm>>
            tpu.enqueue_dma source(%dma_start3A_1009 : memref<16x128xi32, #tpu.memory_space<hbm>>) target(%dma_start3A_1007 : memref<16x128xi32, #tpu.memory_space<vmem>>) target_semaphore(%arg20 : memref<!tpu.dma_semaphore, #tpu.memory_space<semaphore_mem>>)
            %add3A_1010 = arith.constant 16 : i32
            %add3A_1011 = arith.addi %add3A, %add3A_1010 : i32
            %sub3A_1012 = arith.constant 16 : i32
            %sub3A_1013 = arith.subi %sub3A_1012, %mul3A_260 : i32
            %dma_start3A_1014 = arith.constant 0 : i32
            %dma_start3A_1015 = tpu.memref_slice %arg12[%sub3A_1013, %dma_start3A_1014] : memref<32x128xi32, #tpu.memory_space<vmem>> -> memref<16x128xi32, #tpu.memory_space<vmem>>
            %dma_start3A_1016 = arith.constant 0 : i32
            %dma_start3A_1017 = tpu.memref_slice %arg4[%add3A_1011, %dma_start3A_1016] : memref<2560x128xi32, #tpu.memory_space<hbm>> -> memref<16x128xi32, #tpu.memory_space<hbm>>
            %dma_start3A_1018 = arith.constant 0 : i32
            %dma_start3A_1019 = tpu.memref_slice %arg12[%sub3A_1013, %dma_start3A_1018] : memref<32x128xi32, #tpu.memory_space<vmem>> -> memref<16x128xi32, #tpu.memory_space<vmem>>
            %dma_start3A_1020 = arith.constant 0 : i32
            %dma_start3A_1021 = tpu.memref_slice %arg4[%add3A_1011, %dma_start3A_1020] : memref<2560x128xi32, #tpu.memory_space<hbm>> -> memref<16x128xi32, #tpu.memory_space<hbm>>
            tpu.enqueue_dma source(%dma_start3A_1021 : memref<16x128xi32, #tpu.memory_space<hbm>>) target(%dma_start3A_1019 : memref<16x128xi32, #tpu.memory_space<vmem>>) target_semaphore(%arg20 : memref<!tpu.dma_semaphore, #tpu.memory_space<semaphore_mem>>)
          } else {
          }
          %dma_wait3A_551 = arith.constant 0 : i32
          %dma_wait3A_552 = arith.constant 0 : i32
          %dma_wait3A_553 = tpu.memref_slice %arg13[%dma_wait3A_551, %dma_wait3A_552] : memref<4096x16xf32, #tpu.memory_space<vmem>> -> memref<128x16xf32, #tpu.memory_space<vmem>>
          %dma_wait3A_554 = arith.constant 0 : i32
          %dma_wait3A_555 = arith.constant 0 : i32
          %dma_wait3A_556 = tpu.memref_slice %arg6[%dma_wait3A_554, %dma_wait3A_555] : memref<10240x16xf32, #tpu.memory_space<hbm>> -> memref<128x16xf32, #tpu.memory_space<hbm>>
          %dma_wait3A_557 = arith.constant 0 : i32
          %dma_wait3A_558 = arith.constant 0 : i32
          %dma_wait3A_559 = tpu.memref_slice %arg13[%dma_wait3A_557, %dma_wait3A_558] : memref<4096x16xf32, #tpu.memory_space<vmem>> -> memref<128x16xf32, #tpu.memory_space<vmem>>
          %dma_wait3A_560 = arith.constant 0 : i32
          %dma_wait3A_561 = arith.constant 0 : i32
          %dma_wait3A_562 = tpu.memref_slice %arg6[%dma_wait3A_560, %dma_wait3A_561] : memref<10240x16xf32, #tpu.memory_space<hbm>> -> memref<128x16xf32, #tpu.memory_space<hbm>>
          tpu.wait_dma2 semaphore(%arg18 : memref<!tpu.dma_semaphore, #tpu.memory_space<semaphore_mem>>) src(%dma_wait3A_562 : memref<128x16xf32, #tpu.memory_space<hbm>>) dst(%dma_wait3A_559 : memref<128x16xf32, #tpu.memory_space<vmem>>)
          %dma_wait3A_563 = arith.constant 0 : i32
          %dma_wait3A_564 = arith.constant 0 : i32
          %dma_wait3A_565 = tpu.memref_slice %arg13[%dma_wait3A_563, %dma_wait3A_564] : memref<4096x16xf32, #tpu.memory_space<vmem>> -> memref<128x16xf32, #tpu.memory_space<vmem>>
          %dma_wait3A_566 = arith.constant 0 : i32
          %dma_wait3A_567 = arith.constant 0 : i32
          %dma_wait3A_568 = tpu.memref_slice %arg6[%dma_wait3A_566, %dma_wait3A_567] : memref<10240x16xf32, #tpu.memory_space<hbm>> -> memref<128x16xf32, #tpu.memory_space<hbm>>
          %dma_wait3A_569 = arith.constant 0 : i32
          %dma_wait3A_570 = arith.constant 0 : i32
          %dma_wait3A_571 = tpu.memref_slice %arg13[%dma_wait3A_569, %dma_wait3A_570] : memref<4096x16xf32, #tpu.memory_space<vmem>> -> memref<128x16xf32, #tpu.memory_space<vmem>>
          %dma_wait3A_572 = arith.constant 0 : i32
          %dma_wait3A_573 = arith.constant 0 : i32
          %dma_wait3A_574 = tpu.memref_slice %arg6[%dma_wait3A_572, %dma_wait3A_573] : memref<10240x16xf32, #tpu.memory_space<hbm>> -> memref<128x16xf32, #tpu.memory_space<hbm>>
          tpu.wait_dma2 semaphore(%arg18 : memref<!tpu.dma_semaphore, #tpu.memory_space<semaphore_mem>>) src(%dma_wait3A_574 : memref<128x16xf32, #tpu.memory_space<hbm>>) dst(%dma_wait3A_571 : memref<128x16xf32, #tpu.memory_space<vmem>>)
          %dma_wait3A_575 = arith.constant 0 : i32
          %dma_wait3A_576 = arith.constant 0 : i32
          %dma_wait3A_577 = tpu.memref_slice %arg13[%dma_wait3A_575, %dma_wait3A_576] : memref<4096x16xf32, #tpu.memory_space<vmem>> -> memref<128x16xf32, #tpu.memory_space<vmem>>
          %dma_wait3A_578 = arith.constant 0 : i32
          %dma_wait3A_579 = arith.constant 0 : i32
          %dma_wait3A_580 = tpu.memref_slice %arg6[%dma_wait3A_578, %dma_wait3A_579] : memref<10240x16xf32, #tpu.memory_space<hbm>> -> memref<128x16xf32, #tpu.memory_space<hbm>>
          %dma_wait3A_581 = arith.constant 0 : i32
          %dma_wait3A_582 = arith.constant 0 : i32
          %dma_wait3A_583 = tpu.memref_slice %arg13[%dma_wait3A_581, %dma_wait3A_582] : memref<4096x16xf32, #tpu.memory_space<vmem>> -> memref<128x16xf32, #tpu.memory_space<vmem>>
          %dma_wait3A_584 = arith.constant 0 : i32
          %dma_wait3A_585 = arith.constant 0 : i32
          %dma_wait3A_586 = tpu.memref_slice %arg6[%dma_wait3A_584, %dma_wait3A_585] : memref<10240x16xf32, #tpu.memory_space<hbm>> -> memref<128x16xf32, #tpu.memory_space<hbm>>
          tpu.wait_dma2 semaphore(%arg18 : memref<!tpu.dma_semaphore, #tpu.memory_space<semaphore_mem>>) src(%dma_wait3A_586 : memref<128x16xf32, #tpu.memory_space<hbm>>) dst(%dma_wait3A_583 : memref<128x16xf32, #tpu.memory_space<vmem>>)
          %dma_wait3A_587 = arith.constant 0 : i32
          %dma_wait3A_588 = arith.constant 0 : i32
          %dma_wait3A_589 = tpu.memref_slice %arg13[%dma_wait3A_587, %dma_wait3A_588] : memref<4096x16xf32, #tpu.memory_space<vmem>> -> memref<128x16xf32, #tpu.memory_space<vmem>>
          %dma_wait3A_590 = arith.constant 0 : i32
          %dma_wait3A_591 = arith.constant 0 : i32
          %dma_wait3A_592 = tpu.memref_slice %arg6[%dma_wait3A_590, %dma_wait3A_591] : memref<10240x16xf32, #tpu.memory_space<hbm>> -> memref<128x16xf32, #tpu.memory_space<hbm>>
          %dma_wait3A_593 = arith.constant 0 : i32
          %dma_wait3A_594 = arith.constant 0 : i32
          %dma_wait3A_595 = tpu.memref_slice %arg13[%dma_wait3A_593, %dma_wait3A_594] : memref<4096x16xf32, #tpu.memory_space<vmem>> -> memref<128x16xf32, #tpu.memory_space<vmem>>
          %dma_wait3A_596 = arith.constant 0 : i32
          %dma_wait3A_597 = arith.constant 0 : i32
          %dma_wait3A_598 = tpu.memref_slice %arg6[%dma_wait3A_596, %dma_wait3A_597] : memref<10240x16xf32, #tpu.memory_space<hbm>> -> memref<128x16xf32, #tpu.memory_space<hbm>>
          tpu.wait_dma2 semaphore(%arg18 : memref<!tpu.dma_semaphore, #tpu.memory_space<semaphore_mem>>) src(%dma_wait3A_598 : memref<128x16xf32, #tpu.memory_space<hbm>>) dst(%dma_wait3A_595 : memref<128x16xf32, #tpu.memory_space<vmem>>)
          %dma_wait3A_599 = arith.constant 0 : i32
          %dma_wait3A_600 = arith.constant 0 : i32
          %dma_wait3A_601 = tpu.memref_slice %arg13[%dma_wait3A_599, %dma_wait3A_600] : memref<4096x16xf32, #tpu.memory_space<vmem>> -> memref<128x16xf32, #tpu.memory_space<vmem>>
          %dma_wait3A_602 = arith.constant 0 : i32
          %dma_wait3A_603 = arith.constant 0 : i32
          %dma_wait3A_604 = tpu.memref_slice %arg6[%dma_wait3A_602, %dma_wait3A_603] : memref<10240x16xf32, #tpu.memory_space<hbm>> -> memref<128x16xf32, #tpu.memory_space<hbm>>
          %dma_wait3A_605 = arith.constant 0 : i32
          %dma_wait3A_606 = arith.constant 0 : i32
          %dma_wait3A_607 = tpu.memref_slice %arg13[%dma_wait3A_605, %dma_wait3A_606] : memref<4096x16xf32, #tpu.memory_space<vmem>> -> memref<128x16xf32, #tpu.memory_space<vmem>>
          %dma_wait3A_608 = arith.constant 0 : i32
          %dma_wait3A_609 = arith.constant 0 : i32
          %dma_wait3A_610 = tpu.memref_slice %arg6[%dma_wait3A_608, %dma_wait3A_609] : memref<10240x16xf32, #tpu.memory_space<hbm>> -> memref<128x16xf32, #tpu.memory_space<hbm>>
          tpu.wait_dma2 semaphore(%arg18 : memref<!tpu.dma_semaphore, #tpu.memory_space<semaphore_mem>>) src(%dma_wait3A_610 : memref<128x16xf32, #tpu.memory_space<hbm>>) dst(%dma_wait3A_607 : memref<128x16xf32, #tpu.memory_space<vmem>>)
          %dma_wait3A_611 = arith.constant 0 : i32
          %dma_wait3A_612 = arith.constant 0 : i32
          %dma_wait3A_613 = tpu.memref_slice %arg13[%dma_wait3A_611, %dma_wait3A_612] : memref<4096x16xf32, #tpu.memory_space<vmem>> -> memref<128x16xf32, #tpu.memory_space<vmem>>
          %dma_wait3A_614 = arith.constant 0 : i32
          %dma_wait3A_615 = arith.constant 0 : i32
          %dma_wait3A_616 = tpu.memref_slice %arg6[%dma_wait3A_614, %dma_wait3A_615] : memref<10240x16xf32, #tpu.memory_space<hbm>> -> memref<128x16xf32, #tpu.memory_space<hbm>>
          %dma_wait3A_617 = arith.constant 0 : i32
          %dma_wait3A_618 = arith.constant 0 : i32
          %dma_wait3A_619 = tpu.memref_slice %arg13[%dma_wait3A_617, %dma_wait3A_618] : memref<4096x16xf32, #tpu.memory_space<vmem>> -> memref<128x16xf32, #tpu.memory_space<vmem>>
          %dma_wait3A_620 = arith.constant 0 : i32
          %dma_wait3A_621 = arith.constant 0 : i32
          %dma_wait3A_622 = tpu.memref_slice %arg6[%dma_wait3A_620, %dma_wait3A_621] : memref<10240x16xf32, #tpu.memory_space<hbm>> -> memref<128x16xf32, #tpu.memory_space<hbm>>
          tpu.wait_dma2 semaphore(%arg18 : memref<!tpu.dma_semaphore, #tpu.memory_space<semaphore_mem>>) src(%dma_wait3A_622 : memref<128x16xf32, #tpu.memory_space<hbm>>) dst(%dma_wait3A_619 : memref<128x16xf32, #tpu.memory_space<vmem>>)
          %dma_wait3A_623 = arith.constant 0 : i32
          %dma_wait3A_624 = arith.constant 0 : i32
          %dma_wait3A_625 = tpu.memref_slice %arg13[%dma_wait3A_623, %dma_wait3A_624] : memref<4096x16xf32, #tpu.memory_space<vmem>> -> memref<128x16xf32, #tpu.memory_space<vmem>>
          %dma_wait3A_626 = arith.constant 0 : i32
          %dma_wait3A_627 = arith.constant 0 : i32
          %dma_wait3A_628 = tpu.memref_slice %arg6[%dma_wait3A_626, %dma_wait3A_627] : memref<10240x16xf32, #tpu.memory_space<hbm>> -> memref<128x16xf32, #tpu.memory_space<hbm>>
          %dma_wait3A_629 = arith.constant 0 : i32
          %dma_wait3A_630 = arith.constant 0 : i32
          %dma_wait3A_631 = tpu.memref_slice %arg13[%dma_wait3A_629, %dma_wait3A_630] : memref<4096x16xf32, #tpu.memory_space<vmem>> -> memref<128x16xf32, #tpu.memory_space<vmem>>
          %dma_wait3A_632 = arith.constant 0 : i32
          %dma_wait3A_633 = arith.constant 0 : i32
          %dma_wait3A_634 = tpu.memref_slice %arg6[%dma_wait3A_632, %dma_wait3A_633] : memref<10240x16xf32, #tpu.memory_space<hbm>> -> memref<128x16xf32, #tpu.memory_space<hbm>>
          tpu.wait_dma2 semaphore(%arg18 : memref<!tpu.dma_semaphore, #tpu.memory_space<semaphore_mem>>) src(%dma_wait3A_634 : memref<128x16xf32, #tpu.memory_space<hbm>>) dst(%dma_wait3A_631 : memref<128x16xf32, #tpu.memory_space<vmem>>)
          %dma_wait3A_635 = arith.constant 0 : i32
          %dma_wait3A_636 = arith.constant 0 : i32
          %dma_wait3A_637 = tpu.memref_slice %arg13[%dma_wait3A_635, %dma_wait3A_636] : memref<4096x16xf32, #tpu.memory_space<vmem>> -> memref<128x16xf32, #tpu.memory_space<vmem>>
          %dma_wait3A_638 = arith.constant 0 : i32
          %dma_wait3A_639 = arith.constant 0 : i32
          %dma_wait3A_640 = tpu.memref_slice %arg6[%dma_wait3A_638, %dma_wait3A_639] : memref<10240x16xf32, #tpu.memory_space<hbm>> -> memref<128x16xf32, #tpu.memory_space<hbm>>
          %dma_wait3A_641 = arith.constant 0 : i32
          %dma_wait3A_642 = arith.constant 0 : i32
          %dma_wait3A_643 = tpu.memref_slice %arg13[%dma_wait3A_641, %dma_wait3A_642] : memref<4096x16xf32, #tpu.memory_space<vmem>> -> memref<128x16xf32, #tpu.memory_space<vmem>>
          %dma_wait3A_644 = arith.constant 0 : i32
          %dma_wait3A_645 = arith.constant 0 : i32
          %dma_wait3A_646 = tpu.memref_slice %arg6[%dma_wait3A_644, %dma_wait3A_645] : memref<10240x16xf32, #tpu.memory_space<hbm>> -> memref<128x16xf32, #tpu.memory_space<hbm>>
          tpu.wait_dma2 semaphore(%arg18 : memref<!tpu.dma_semaphore, #tpu.memory_space<semaphore_mem>>) src(%dma_wait3A_646 : memref<128x16xf32, #tpu.memory_space<hbm>>) dst(%dma_wait3A_643 : memref<128x16xf32, #tpu.memory_space<vmem>>)
          %add3A_647 = arith.constant 0 : i32
          %add3A_648 = arith.addi %mul3A_260, %add3A_647 : i32
          %mul3A_649 = arith.constant 128 : i32
          %mul3A_650 = arith.muli %add3A_648, %mul3A_649 : i32
          %add3A_651 = arith.constant 0 : i32
          %add3A_652 = arith.addi %mul3A_260, %add3A_651 : i32
          %dma_start3A_653 = arith.constant 0 : i32
          %dma_start3A_654 = tpu.memref_slice %arg13[%mul3A_650, %dma_start3A_653] : memref<4096x16xf32, #tpu.memory_space<vmem>> -> memref<128x16xf32, #tpu.memory_space<vmem>>
          %dma_start3A_655 = arith.constant 0 : i32
          %dma_start3A_656 = tpu.memref_slice %arg12[%add3A_652, %dma_start3A_655] : memref<32x128xi32, #tpu.memory_space<vmem>> -> memref<1x128xi32, #tpu.memory_space<vmem>>
          %dma_start3A_657 = tpu.memref_squeeze %dma_start3A_656 : memref<1x128xi32, #tpu.memory_space<vmem>> -> memref<128xi32, #tpu.memory_space<vmem>>
          %dma_start3A_658 = arith.constant 0 : i32
          %dma_start3A_659 = arith.constant 0 : i32
          %dma_start3A_660 = tpu.memref_slice %arg9[%dma_start3A_658, %dma_start3A_659] : memref<10240x16xf32, #tpu.memory_space<vmem_shared>> -> memref<10240x16xf32, #tpu.memory_space<vmem_shared>>
          tpu.enqueue_indirect_dma source(%dma_start3A_654 : memref<128x16xf32, #tpu.memory_space<vmem>>) target(%dma_start3A_660 : memref<10240x16xf32, #tpu.memory_space<vmem_shared>>) offsets(%dma_start3A_657 : memref<128xi32, #tpu.memory_space<vmem>>) semaphore(%arg19 : memref<!tpu.dma_semaphore, #tpu.memory_space<semaphore_mem>>) {add = true}
          %add3A_661 = arith.constant 1 : i32
          %add3A_662 = arith.addi %mul3A_260, %add3A_661 : i32
          %mul3A_663 = arith.constant 128 : i32
          %mul3A_664 = arith.muli %add3A_662, %mul3A_663 : i32
          %add3A_665 = arith.constant 1 : i32
          %add3A_666 = arith.addi %mul3A_260, %add3A_665 : i32
          %dma_start3A_667 = arith.constant 0 : i32
          %dma_start3A_668 = tpu.memref_slice %arg13[%mul3A_664, %dma_start3A_667] : memref<4096x16xf32, #tpu.memory_space<vmem>> -> memref<128x16xf32, #tpu.memory_space<vmem>>
          %dma_start3A_669 = arith.constant 0 : i32
          %dma_start3A_670 = tpu.memref_slice %arg12[%add3A_666, %dma_start3A_669] : memref<32x128xi32, #tpu.memory_space<vmem>> -> memref<1x128xi32, #tpu.memory_space<vmem>>
          %dma_start3A_671 = tpu.memref_squeeze %dma_start3A_670 : memref<1x128xi32, #tpu.memory_space<vmem>> -> memref<128xi32, #tpu.memory_space<vmem>>
          %dma_start3A_672 = arith.constant 0 : i32
          %dma_start3A_673 = arith.constant 0 : i32
          %dma_start3A_674 = tpu.memref_slice %arg9[%dma_start3A_672, %dma_start3A_673] : memref<10240x16xf32, #tpu.memory_space<vmem_shared>> -> memref<10240x16xf32, #tpu.memory_space<vmem_shared>>
          tpu.enqueue_indirect_dma source(%dma_start3A_668 : memref<128x16xf32, #tpu.memory_space<vmem>>) target(%dma_start3A_674 : memref<10240x16xf32, #tpu.memory_space<vmem_shared>>) offsets(%dma_start3A_671 : memref<128xi32, #tpu.memory_space<vmem>>) semaphore(%arg19 : memref<!tpu.dma_semaphore, #tpu.memory_space<semaphore_mem>>) {add = true}
          %add3A_675 = arith.constant 2 : i32
          %add3A_676 = arith.addi %mul3A_260, %add3A_675 : i32
          %mul3A_677 = arith.constant 128 : i32
          %mul3A_678 = arith.muli %add3A_676, %mul3A_677 : i32
          %add3A_679 = arith.constant 2 : i32
          %add3A_680 = arith.addi %mul3A_260, %add3A_679 : i32
          %dma_start3A_681 = arith.constant 0 : i32
          %dma_start3A_682 = tpu.memref_slice %arg13[%mul3A_678, %dma_start3A_681] : memref<4096x16xf32, #tpu.memory_space<vmem>> -> memref<128x16xf32, #tpu.memory_space<vmem>>
          %dma_start3A_683 = arith.constant 0 : i32
          %dma_start3A_684 = tpu.memref_slice %arg12[%add3A_680, %dma_start3A_683] : memref<32x128xi32, #tpu.memory_space<vmem>> -> memref<1x128xi32, #tpu.memory_space<vmem>>
          %dma_start3A_685 = tpu.memref_squeeze %dma_start3A_684 : memref<1x128xi32, #tpu.memory_space<vmem>> -> memref<128xi32, #tpu.memory_space<vmem>>
          %dma_start3A_686 = arith.constant 0 : i32
          %dma_start3A_687 = arith.constant 0 : i32
          %dma_start3A_688 = tpu.memref_slice %arg9[%dma_start3A_686, %dma_start3A_687] : memref<10240x16xf32, #tpu.memory_space<vmem_shared>> -> memref<10240x16xf32, #tpu.memory_space<vmem_shared>>
          tpu.enqueue_indirect_dma source(%dma_start3A_682 : memref<128x16xf32, #tpu.memory_space<vmem>>) target(%dma_start3A_688 : memref<10240x16xf32, #tpu.memory_space<vmem_shared>>) offsets(%dma_start3A_685 : memref<128xi32, #tpu.memory_space<vmem>>) semaphore(%arg19 : memref<!tpu.dma_semaphore, #tpu.memory_space<semaphore_mem>>) {add = true}
          %add3A_689 = arith.constant 3 : i32
          %add3A_690 = arith.addi %mul3A_260, %add3A_689 : i32
          %mul3A_691 = arith.constant 128 : i32
          %mul3A_692 = arith.muli %add3A_690, %mul3A_691 : i32
          %add3A_693 = arith.constant 3 : i32
          %add3A_694 = arith.addi %mul3A_260, %add3A_693 : i32
          %dma_start3A_695 = arith.constant 0 : i32
          %dma_start3A_696 = tpu.memref_slice %arg13[%mul3A_692, %dma_start3A_695] : memref<4096x16xf32, #tpu.memory_space<vmem>> -> memref<128x16xf32, #tpu.memory_space<vmem>>
          %dma_start3A_697 = arith.constant 0 : i32
          %dma_start3A_698 = tpu.memref_slice %arg12[%add3A_694, %dma_start3A_697] : memref<32x128xi32, #tpu.memory_space<vmem>> -> memref<1x128xi32, #tpu.memory_space<vmem>>
          %dma_start3A_699 = tpu.memref_squeeze %dma_start3A_698 : memref<1x128xi32, #tpu.memory_space<vmem>> -> memref<128xi32, #tpu.memory_space<vmem>>
          %dma_start3A_700 = arith.constant 0 : i32
          %dma_start3A_701 = arith.constant 0 : i32
          %dma_start3A_702 = tpu.memref_slice %arg9[%dma_start3A_700, %dma_start3A_701] : memref<10240x16xf32, #tpu.memory_space<vmem_shared>> -> memref<10240x16xf32, #tpu.memory_space<vmem_shared>>
          tpu.enqueue_indirect_dma source(%dma_start3A_696 : memref<128x16xf32, #tpu.memory_space<vmem>>) target(%dma_start3A_702 : memref<10240x16xf32, #tpu.memory_space<vmem_shared>>) offsets(%dma_start3A_699 : memref<128xi32, #tpu.memory_space<vmem>>) semaphore(%arg19 : memref<!tpu.dma_semaphore, #tpu.memory_space<semaphore_mem>>) {add = true}
          %add3A_703 = arith.constant 4 : i32
          %add3A_704 = arith.addi %mul3A_260, %add3A_703 : i32
          %mul3A_705 = arith.constant 128 : i32
          %mul3A_706 = arith.muli %add3A_704, %mul3A_705 : i32
          %add3A_707 = arith.constant 4 : i32
          %add3A_708 = arith.addi %mul3A_260, %add3A_707 : i32
          %dma_start3A_709 = arith.constant 0 : i32
          %dma_start3A_710 = tpu.memref_slice %arg13[%mul3A_706, %dma_start3A_709] : memref<4096x16xf32, #tpu.memory_space<vmem>> -> memref<128x16xf32, #tpu.memory_space<vmem>>
          %dma_start3A_711 = arith.constant 0 : i32
          %dma_start3A_712 = tpu.memref_slice %arg12[%add3A_708, %dma_start3A_711] : memref<32x128xi32, #tpu.memory_space<vmem>> -> memref<1x128xi32, #tpu.memory_space<vmem>>
          %dma_start3A_713 = tpu.memref_squeeze %dma_start3A_712 : memref<1x128xi32, #tpu.memory_space<vmem>> -> memref<128xi32, #tpu.memory_space<vmem>>
          %dma_start3A_714 = arith.constant 0 : i32
          %dma_start3A_715 = arith.constant 0 : i32
          %dma_start3A_716 = tpu.memref_slice %arg9[%dma_start3A_714, %dma_start3A_715] : memref<10240x16xf32, #tpu.memory_space<vmem_shared>> -> memref<10240x16xf32, #tpu.memory_space<vmem_shared>>
          tpu.enqueue_indirect_dma source(%dma_start3A_710 : memref<128x16xf32, #tpu.memory_space<vmem>>) target(%dma_start3A_716 : memref<10240x16xf32, #tpu.memory_space<vmem_shared>>) offsets(%dma_start3A_713 : memref<128xi32, #tpu.memory_space<vmem>>) semaphore(%arg19 : memref<!tpu.dma_semaphore, #tpu.memory_space<semaphore_mem>>) {add = true}
          %add3A_717 = arith.constant 5 : i32
          %add3A_718 = arith.addi %mul3A_260, %add3A_717 : i32
          %mul3A_719 = arith.constant 128 : i32
          %mul3A_720 = arith.muli %add3A_718, %mul3A_719 : i32
          %add3A_721 = arith.constant 5 : i32
          %add3A_722 = arith.addi %mul3A_260, %add3A_721 : i32
          %dma_start3A_723 = arith.constant 0 : i32
          %dma_start3A_724 = tpu.memref_slice %arg13[%mul3A_720, %dma_start3A_723] : memref<4096x16xf32, #tpu.memory_space<vmem>> -> memref<128x16xf32, #tpu.memory_space<vmem>>
          %dma_start3A_725 = arith.constant 0 : i32
          %dma_start3A_726 = tpu.memref_slice %arg12[%add3A_722, %dma_start3A_725] : memref<32x128xi32, #tpu.memory_space<vmem>> -> memref<1x128xi32, #tpu.memory_space<vmem>>
          %dma_start3A_727 = tpu.memref_squeeze %dma_start3A_726 : memref<1x128xi32, #tpu.memory_space<vmem>> -> memref<128xi32, #tpu.memory_space<vmem>>
          %dma_start3A_728 = arith.constant 0 : i32
          %dma_start3A_729 = arith.constant 0 : i32
          %dma_start3A_730 = tpu.memref_slice %arg9[%dma_start3A_728, %dma_start3A_729] : memref<10240x16xf32, #tpu.memory_space<vmem_shared>> -> memref<10240x16xf32, #tpu.memory_space<vmem_shared>>
          tpu.enqueue_indirect_dma source(%dma_start3A_724 : memref<128x16xf32, #tpu.memory_space<vmem>>) target(%dma_start3A_730 : memref<10240x16xf32, #tpu.memory_space<vmem_shared>>) offsets(%dma_start3A_727 : memref<128xi32, #tpu.memory_space<vmem>>) semaphore(%arg19 : memref<!tpu.dma_semaphore, #tpu.memory_space<semaphore_mem>>) {add = true}
          %add3A_731 = arith.constant 6 : i32
          %add3A_732 = arith.addi %mul3A_260, %add3A_731 : i32
          %mul3A_733 = arith.constant 128 : i32
          %mul3A_734 = arith.muli %add3A_732, %mul3A_733 : i32
          %add3A_735 = arith.constant 6 : i32
          %add3A_736 = arith.addi %mul3A_260, %add3A_735 : i32
          %dma_start3A_737 = arith.constant 0 : i32
          %dma_start3A_738 = tpu.memref_slice %arg13[%mul3A_734, %dma_start3A_737] : memref<4096x16xf32, #tpu.memory_space<vmem>> -> memref<128x16xf32, #tpu.memory_space<vmem>>
          %dma_start3A_739 = arith.constant 0 : i32
          %dma_start3A_740 = tpu.memref_slice %arg12[%add3A_736, %dma_start3A_739] : memref<32x128xi32, #tpu.memory_space<vmem>> -> memref<1x128xi32, #tpu.memory_space<vmem>>
          %dma_start3A_741 = tpu.memref_squeeze %dma_start3A_740 : memref<1x128xi32, #tpu.memory_space<vmem>> -> memref<128xi32, #tpu.memory_space<vmem>>
          %dma_start3A_742 = arith.constant 0 : i32
          %dma_start3A_743 = arith.constant 0 : i32
          %dma_start3A_744 = tpu.memref_slice %arg9[%dma_start3A_742, %dma_start3A_743] : memref<10240x16xf32, #tpu.memory_space<vmem_shared>> -> memref<10240x16xf32, #tpu.memory_space<vmem_shared>>
          tpu.enqueue_indirect_dma source(%dma_start3A_738 : memref<128x16xf32, #tpu.memory_space<vmem>>) target(%dma_start3A_744 : memref<10240x16xf32, #tpu.memory_space<vmem_shared>>) offsets(%dma_start3A_741 : memref<128xi32, #tpu.memory_space<vmem>>) semaphore(%arg19 : memref<!tpu.dma_semaphore, #tpu.memory_space<semaphore_mem>>) {add = true}
          %add3A_745 = arith.constant 7 : i32
          %add3A_746 = arith.addi %mul3A_260, %add3A_745 : i32
          %mul3A_747 = arith.constant 128 : i32
          %mul3A_748 = arith.muli %add3A_746, %mul3A_747 : i32
          %add3A_749 = arith.constant 7 : i32
          %add3A_750 = arith.addi %mul3A_260, %add3A_749 : i32
          %dma_start3A_751 = arith.constant 0 : i32
          %dma_start3A_752 = tpu.memref_slice %arg13[%mul3A_748, %dma_start3A_751] : memref<4096x16xf32, #tpu.memory_space<vmem>> -> memref<128x16xf32, #tpu.memory_space<vmem>>
          %dma_start3A_753 = arith.constant 0 : i32
          %dma_start3A_754 = tpu.memref_slice %arg12[%add3A_750, %dma_start3A_753] : memref<32x128xi32, #tpu.memory_space<vmem>> -> memref<1x128xi32, #tpu.memory_space<vmem>>
          %dma_start3A_755 = tpu.memref_squeeze %dma_start3A_754 : memref<1x128xi32, #tpu.memory_space<vmem>> -> memref<128xi32, #tpu.memory_space<vmem>>
          %dma_start3A_756 = arith.constant 0 : i32
          %dma_start3A_757 = arith.constant 0 : i32
          %dma_start3A_758 = tpu.memref_slice %arg9[%dma_start3A_756, %dma_start3A_757] : memref<10240x16xf32, #tpu.memory_space<vmem_shared>> -> memref<10240x16xf32, #tpu.memory_space<vmem_shared>>
          tpu.enqueue_indirect_dma source(%dma_start3A_752 : memref<128x16xf32, #tpu.memory_space<vmem>>) target(%dma_start3A_758 : memref<10240x16xf32, #tpu.memory_space<vmem_shared>>) offsets(%dma_start3A_755 : memref<128xi32, #tpu.memory_space<vmem>>) semaphore(%arg19 : memref<!tpu.dma_semaphore, #tpu.memory_space<semaphore_mem>>) {add = true}
          %dma_wait3A_759 = arith.constant 0 : i32
          %dma_wait3A_760 = arith.constant 0 : i32
          %dma_wait3A_761 = tpu.memref_slice %arg13[%dma_wait3A_759, %dma_wait3A_760] : memref<4096x16xf32, #tpu.memory_space<vmem>> -> memref<128x16xf32, #tpu.memory_space<vmem>>
          %dma_wait3A_762 = arith.constant 0 : i32
          %dma_wait3A_763 = arith.constant 0 : i32
          %dma_wait3A_764 = tpu.memref_slice %arg6[%dma_wait3A_762, %dma_wait3A_763] : memref<10240x16xf32, #tpu.memory_space<hbm>> -> memref<128x16xf32, #tpu.memory_space<hbm>>
          %dma_wait3A_765 = arith.constant 0 : i32
          %dma_wait3A_766 = arith.constant 0 : i32
          %dma_wait3A_767 = tpu.memref_slice %arg13[%dma_wait3A_765, %dma_wait3A_766] : memref<4096x16xf32, #tpu.memory_space<vmem>> -> memref<128x16xf32, #tpu.memory_space<vmem>>
          %dma_wait3A_768 = arith.constant 0 : i32
          %dma_wait3A_769 = arith.constant 0 : i32
          %dma_wait3A_770 = tpu.memref_slice %arg6[%dma_wait3A_768, %dma_wait3A_769] : memref<10240x16xf32, #tpu.memory_space<hbm>> -> memref<128x16xf32, #tpu.memory_space<hbm>>
          tpu.wait_dma2 semaphore(%arg21 : memref<!tpu.dma_semaphore, #tpu.memory_space<semaphore_mem>>) src(%dma_wait3A_770 : memref<128x16xf32, #tpu.memory_space<hbm>>) dst(%dma_wait3A_767 : memref<128x16xf32, #tpu.memory_space<vmem>>)
          %dma_wait3A_771 = arith.constant 0 : i32
          %dma_wait3A_772 = arith.constant 0 : i32
          %dma_wait3A_773 = tpu.memref_slice %arg13[%dma_wait3A_771, %dma_wait3A_772] : memref<4096x16xf32, #tpu.memory_space<vmem>> -> memref<128x16xf32, #tpu.memory_space<vmem>>
          %dma_wait3A_774 = arith.constant 0 : i32
          %dma_wait3A_775 = arith.constant 0 : i32
          %dma_wait3A_776 = tpu.memref_slice %arg6[%dma_wait3A_774, %dma_wait3A_775] : memref<10240x16xf32, #tpu.memory_space<hbm>> -> memref<128x16xf32, #tpu.memory_space<hbm>>
          %dma_wait3A_777 = arith.constant 0 : i32
          %dma_wait3A_778 = arith.constant 0 : i32
          %dma_wait3A_779 = tpu.memref_slice %arg13[%dma_wait3A_777, %dma_wait3A_778] : memref<4096x16xf32, #tpu.memory_space<vmem>> -> memref<128x16xf32, #tpu.memory_space<vmem>>
          %dma_wait3A_780 = arith.constant 0 : i32
          %dma_wait3A_781 = arith.constant 0 : i32
          %dma_wait3A_782 = tpu.memref_slice %arg6[%dma_wait3A_780, %dma_wait3A_781] : memref<10240x16xf32, #tpu.memory_space<hbm>> -> memref<128x16xf32, #tpu.memory_space<hbm>>
          tpu.wait_dma2 semaphore(%arg21 : memref<!tpu.dma_semaphore, #tpu.memory_space<semaphore_mem>>) src(%dma_wait3A_782 : memref<128x16xf32, #tpu.memory_space<hbm>>) dst(%dma_wait3A_779 : memref<128x16xf32, #tpu.memory_space<vmem>>)
          %dma_wait3A_783 = arith.constant 0 : i32
          %dma_wait3A_784 = arith.constant 0 : i32
          %dma_wait3A_785 = tpu.memref_slice %arg13[%dma_wait3A_783, %dma_wait3A_784] : memref<4096x16xf32, #tpu.memory_space<vmem>> -> memref<128x16xf32, #tpu.memory_space<vmem>>
          %dma_wait3A_786 = arith.constant 0 : i32
          %dma_wait3A_787 = arith.constant 0 : i32
          %dma_wait3A_788 = tpu.memref_slice %arg6[%dma_wait3A_786, %dma_wait3A_787] : memref<10240x16xf32, #tpu.memory_space<hbm>> -> memref<128x16xf32, #tpu.memory_space<hbm>>
          %dma_wait3A_789 = arith.constant 0 : i32
          %dma_wait3A_790 = arith.constant 0 : i32
          %dma_wait3A_791 = tpu.memref_slice %arg13[%dma_wait3A_789, %dma_wait3A_790] : memref<4096x16xf32, #tpu.memory_space<vmem>> -> memref<128x16xf32, #tpu.memory_space<vmem>>
          %dma_wait3A_792 = arith.constant 0 : i32
          %dma_wait3A_793 = arith.constant 0 : i32
          %dma_wait3A_794 = tpu.memref_slice %arg6[%dma_wait3A_792, %dma_wait3A_793] : memref<10240x16xf32, #tpu.memory_space<hbm>> -> memref<128x16xf32, #tpu.memory_space<hbm>>
          tpu.wait_dma2 semaphore(%arg21 : memref<!tpu.dma_semaphore, #tpu.memory_space<semaphore_mem>>) src(%dma_wait3A_794 : memref<128x16xf32, #tpu.memory_space<hbm>>) dst(%dma_wait3A_791 : memref<128x16xf32, #tpu.memory_space<vmem>>)
          %dma_wait3A_795 = arith.constant 0 : i32
          %dma_wait3A_796 = arith.constant 0 : i32
          %dma_wait3A_797 = tpu.memref_slice %arg13[%dma_wait3A_795, %dma_wait3A_796] : memref<4096x16xf32, #tpu.memory_space<vmem>> -> memref<128x16xf32, #tpu.memory_space<vmem>>
          %dma_wait3A_798 = arith.constant 0 : i32
          %dma_wait3A_799 = arith.constant 0 : i32
          %dma_wait3A_800 = tpu.memref_slice %arg6[%dma_wait3A_798, %dma_wait3A_799] : memref<10240x16xf32, #tpu.memory_space<hbm>> -> memref<128x16xf32, #tpu.memory_space<hbm>>
          %dma_wait3A_801 = arith.constant 0 : i32
          %dma_wait3A_802 = arith.constant 0 : i32
          %dma_wait3A_803 = tpu.memref_slice %arg13[%dma_wait3A_801, %dma_wait3A_802] : memref<4096x16xf32, #tpu.memory_space<vmem>> -> memref<128x16xf32, #tpu.memory_space<vmem>>
          %dma_wait3A_804 = arith.constant 0 : i32
          %dma_wait3A_805 = arith.constant 0 : i32
          %dma_wait3A_806 = tpu.memref_slice %arg6[%dma_wait3A_804, %dma_wait3A_805] : memref<10240x16xf32, #tpu.memory_space<hbm>> -> memref<128x16xf32, #tpu.memory_space<hbm>>
          tpu.wait_dma2 semaphore(%arg21 : memref<!tpu.dma_semaphore, #tpu.memory_space<semaphore_mem>>) src(%dma_wait3A_806 : memref<128x16xf32, #tpu.memory_space<hbm>>) dst(%dma_wait3A_803 : memref<128x16xf32, #tpu.memory_space<vmem>>)
          %dma_wait3A_807 = arith.constant 0 : i32
          %dma_wait3A_808 = arith.constant 0 : i32
          %dma_wait3A_809 = tpu.memref_slice %arg13[%dma_wait3A_807, %dma_wait3A_808] : memref<4096x16xf32, #tpu.memory_space<vmem>> -> memref<128x16xf32, #tpu.memory_space<vmem>>
          %dma_wait3A_810 = arith.constant 0 : i32
          %dma_wait3A_811 = arith.constant 0 : i32
          %dma_wait3A_812 = tpu.memref_slice %arg6[%dma_wait3A_810, %dma_wait3A_811] : memref<10240x16xf32, #tpu.memory_space<hbm>> -> memref<128x16xf32, #tpu.memory_space<hbm>>
          %dma_wait3A_813 = arith.constant 0 : i32
          %dma_wait3A_814 = arith.constant 0 : i32
          %dma_wait3A_815 = tpu.memref_slice %arg13[%dma_wait3A_813, %dma_wait3A_814] : memref<4096x16xf32, #tpu.memory_space<vmem>> -> memref<128x16xf32, #tpu.memory_space<vmem>>
          %dma_wait3A_816 = arith.constant 0 : i32
          %dma_wait3A_817 = arith.constant 0 : i32
          %dma_wait3A_818 = tpu.memref_slice %arg6[%dma_wait3A_816, %dma_wait3A_817] : memref<10240x16xf32, #tpu.memory_space<hbm>> -> memref<128x16xf32, #tpu.memory_space<hbm>>
          tpu.wait_dma2 semaphore(%arg21 : memref<!tpu.dma_semaphore, #tpu.memory_space<semaphore_mem>>) src(%dma_wait3A_818 : memref<128x16xf32, #tpu.memory_space<hbm>>) dst(%dma_wait3A_815 : memref<128x16xf32, #tpu.memory_space<vmem>>)
          %dma_wait3A_819 = arith.constant 0 : i32
          %dma_wait3A_820 = arith.constant 0 : i32
          %dma_wait3A_821 = tpu.memref_slice %arg13[%dma_wait3A_819, %dma_wait3A_820] : memref<4096x16xf32, #tpu.memory_space<vmem>> -> memref<128x16xf32, #tpu.memory_space<vmem>>
          %dma_wait3A_822 = arith.constant 0 : i32
          %dma_wait3A_823 = arith.constant 0 : i32
          %dma_wait3A_824 = tpu.memref_slice %arg6[%dma_wait3A_822, %dma_wait3A_823] : memref<10240x16xf32, #tpu.memory_space<hbm>> -> memref<128x16xf32, #tpu.memory_space<hbm>>
          %dma_wait3A_825 = arith.constant 0 : i32
          %dma_wait3A_826 = arith.constant 0 : i32
          %dma_wait3A_827 = tpu.memref_slice %arg13[%dma_wait3A_825, %dma_wait3A_826] : memref<4096x16xf32, #tpu.memory_space<vmem>> -> memref<128x16xf32, #tpu.memory_space<vmem>>
          %dma_wait3A_828 = arith.constant 0 : i32
          %dma_wait3A_829 = arith.constant 0 : i32
          %dma_wait3A_830 = tpu.memref_slice %arg6[%dma_wait3A_828, %dma_wait3A_829] : memref<10240x16xf32, #tpu.memory_space<hbm>> -> memref<128x16xf32, #tpu.memory_space<hbm>>
          tpu.wait_dma2 semaphore(%arg21 : memref<!tpu.dma_semaphore, #tpu.memory_space<semaphore_mem>>) src(%dma_wait3A_830 : memref<128x16xf32, #tpu.memory_space<hbm>>) dst(%dma_wait3A_827 : memref<128x16xf32, #tpu.memory_space<vmem>>)
          %dma_wait3A_831 = arith.constant 0 : i32
          %dma_wait3A_832 = arith.constant 0 : i32
          %dma_wait3A_833 = tpu.memref_slice %arg13[%dma_wait3A_831, %dma_wait3A_832] : memref<4096x16xf32, #tpu.memory_space<vmem>> -> memref<128x16xf32, #tpu.memory_space<vmem>>
          %dma_wait3A_834 = arith.constant 0 : i32
          %dma_wait3A_835 = arith.constant 0 : i32
          %dma_wait3A_836 = tpu.memref_slice %arg6[%dma_wait3A_834, %dma_wait3A_835] : memref<10240x16xf32, #tpu.memory_space<hbm>> -> memref<128x16xf32, #tpu.memory_space<hbm>>
          %dma_wait3A_837 = arith.constant 0 : i32
          %dma_wait3A_838 = arith.constant 0 : i32
          %dma_wait3A_839 = tpu.memref_slice %arg13[%dma_wait3A_837, %dma_wait3A_838] : memref<4096x16xf32, #tpu.memory_space<vmem>> -> memref<128x16xf32, #tpu.memory_space<vmem>>
          %dma_wait3A_840 = arith.constant 0 : i32
          %dma_wait3A_841 = arith.constant 0 : i32
          %dma_wait3A_842 = tpu.memref_slice %arg6[%dma_wait3A_840, %dma_wait3A_841] : memref<10240x16xf32, #tpu.memory_space<hbm>> -> memref<128x16xf32, #tpu.memory_space<hbm>>
          tpu.wait_dma2 semaphore(%arg21 : memref<!tpu.dma_semaphore, #tpu.memory_space<semaphore_mem>>) src(%dma_wait3A_842 : memref<128x16xf32, #tpu.memory_space<hbm>>) dst(%dma_wait3A_839 : memref<128x16xf32, #tpu.memory_space<vmem>>)
          %dma_wait3A_843 = arith.constant 0 : i32
          %dma_wait3A_844 = arith.constant 0 : i32
          %dma_wait3A_845 = tpu.memref_slice %arg13[%dma_wait3A_843, %dma_wait3A_844] : memref<4096x16xf32, #tpu.memory_space<vmem>> -> memref<128x16xf32, #tpu.memory_space<vmem>>
          %dma_wait3A_846 = arith.constant 0 : i32
          %dma_wait3A_847 = arith.constant 0 : i32
          %dma_wait3A_848 = tpu.memref_slice %arg6[%dma_wait3A_846, %dma_wait3A_847] : memref<10240x16xf32, #tpu.memory_space<hbm>> -> memref<128x16xf32, #tpu.memory_space<hbm>>
          %dma_wait3A_849 = arith.constant 0 : i32
          %dma_wait3A_850 = arith.constant 0 : i32
          %dma_wait3A_851 = tpu.memref_slice %arg13[%dma_wait3A_849, %dma_wait3A_850] : memref<4096x16xf32, #tpu.memory_space<vmem>> -> memref<128x16xf32, #tpu.memory_space<vmem>>
          %dma_wait3A_852 = arith.constant 0 : i32
          %dma_wait3A_853 = arith.constant 0 : i32
          %dma_wait3A_854 = tpu.memref_slice %arg6[%dma_wait3A_852, %dma_wait3A_853] : memref<10240x16xf32, #tpu.memory_space<hbm>> -> memref<128x16xf32, #tpu.memory_space<hbm>>
          tpu.wait_dma2 semaphore(%arg21 : memref<!tpu.dma_semaphore, #tpu.memory_space<semaphore_mem>>) src(%dma_wait3A_854 : memref<128x16xf32, #tpu.memory_space<hbm>>) dst(%dma_wait3A_851 : memref<128x16xf32, #tpu.memory_space<vmem>>)
          %add3A_855 = arith.constant 8 : i32
          %add3A_856 = arith.addi %mul3A_260, %add3A_855 : i32
          %add3A_857 = arith.constant 0 : i32
          %add3A_858 = arith.addi %add3A_856, %add3A_857 : i32
          %mul3A_859 = arith.constant 128 : i32
          %mul3A_860 = arith.muli %add3A_858, %mul3A_859 : i32
          %add3A_861 = arith.constant 8 : i32
          %add3A_862 = arith.addi %mul3A_260, %add3A_861 : i32
          %add3A_863 = arith.constant 0 : i32
          %add3A_864 = arith.addi %add3A_862, %add3A_863 : i32
          %dma_start3A_865 = arith.constant 0 : i32
          %dma_start3A_866 = tpu.memref_slice %arg13[%mul3A_860, %dma_start3A_865] : memref<4096x16xf32, #tpu.memory_space<vmem>> -> memref<128x16xf32, #tpu.memory_space<vmem>>
          %dma_start3A_867 = arith.constant 0 : i32
          %dma_start3A_868 = tpu.memref_slice %arg12[%add3A_864, %dma_start3A_867] : memref<32x128xi32, #tpu.memory_space<vmem>> -> memref<1x128xi32, #tpu.memory_space<vmem>>
          %dma_start3A_869 = tpu.memref_squeeze %dma_start3A_868 : memref<1x128xi32, #tpu.memory_space<vmem>> -> memref<128xi32, #tpu.memory_space<vmem>>
          %dma_start3A_870 = arith.constant 0 : i32
          %dma_start3A_871 = arith.constant 0 : i32
          %dma_start3A_872 = tpu.memref_slice %arg9[%dma_start3A_870, %dma_start3A_871] : memref<10240x16xf32, #tpu.memory_space<vmem_shared>> -> memref<10240x16xf32, #tpu.memory_space<vmem_shared>>
          tpu.enqueue_indirect_dma source(%dma_start3A_866 : memref<128x16xf32, #tpu.memory_space<vmem>>) target(%dma_start3A_872 : memref<10240x16xf32, #tpu.memory_space<vmem_shared>>) offsets(%dma_start3A_869 : memref<128xi32, #tpu.memory_space<vmem>>) semaphore(%arg19 : memref<!tpu.dma_semaphore, #tpu.memory_space<semaphore_mem>>) {add = true}
          %add3A_873 = arith.constant 8 : i32
          %add3A_874 = arith.addi %mul3A_260, %add3A_873 : i32
          %add3A_875 = arith.constant 1 : i32
          %add3A_876 = arith.addi %add3A_874, %add3A_875 : i32
          %mul3A_877 = arith.constant 128 : i32
          %mul3A_878 = arith.muli %add3A_876, %mul3A_877 : i32
          %add3A_879 = arith.constant 8 : i32
          %add3A_880 = arith.addi %mul3A_260, %add3A_879 : i32
          %add3A_881 = arith.constant 1 : i32
          %add3A_882 = arith.addi %add3A_880, %add3A_881 : i32
          %dma_start3A_883 = arith.constant 0 : i32
          %dma_start3A_884 = tpu.memref_slice %arg13[%mul3A_878, %dma_start3A_883] : memref<4096x16xf32, #tpu.memory_space<vmem>> -> memref<128x16xf32, #tpu.memory_space<vmem>>
          %dma_start3A_885 = arith.constant 0 : i32
          %dma_start3A_886 = tpu.memref_slice %arg12[%add3A_882, %dma_start3A_885] : memref<32x128xi32, #tpu.memory_space<vmem>> -> memref<1x128xi32, #tpu.memory_space<vmem>>
          %dma_start3A_887 = tpu.memref_squeeze %dma_start3A_886 : memref<1x128xi32, #tpu.memory_space<vmem>> -> memref<128xi32, #tpu.memory_space<vmem>>
          %dma_start3A_888 = arith.constant 0 : i32
          %dma_start3A_889 = arith.constant 0 : i32
          %dma_start3A_890 = tpu.memref_slice %arg9[%dma_start3A_888, %dma_start3A_889] : memref<10240x16xf32, #tpu.memory_space<vmem_shared>> -> memref<10240x16xf32, #tpu.memory_space<vmem_shared>>
          tpu.enqueue_indirect_dma source(%dma_start3A_884 : memref<128x16xf32, #tpu.memory_space<vmem>>) target(%dma_start3A_890 : memref<10240x16xf32, #tpu.memory_space<vmem_shared>>) offsets(%dma_start3A_887 : memref<128xi32, #tpu.memory_space<vmem>>) semaphore(%arg19 : memref<!tpu.dma_semaphore, #tpu.memory_space<semaphore_mem>>) {add = true}
          %add3A_891 = arith.constant 8 : i32
          %add3A_892 = arith.addi %mul3A_260, %add3A_891 : i32
          %add3A_893 = arith.constant 2 : i32
          %add3A_894 = arith.addi %add3A_892, %add3A_893 : i32
          %mul3A_895 = arith.constant 128 : i32
          %mul3A_896 = arith.muli %add3A_894, %mul3A_895 : i32
          %add3A_897 = arith.constant 8 : i32
          %add3A_898 = arith.addi %mul3A_260, %add3A_897 : i32
          %add3A_899 = arith.constant 2 : i32
          %add3A_900 = arith.addi %add3A_898, %add3A_899 : i32
          %dma_start3A_901 = arith.constant 0 : i32
          %dma_start3A_902 = tpu.memref_slice %arg13[%mul3A_896, %dma_start3A_901] : memref<4096x16xf32, #tpu.memory_space<vmem>> -> memref<128x16xf32, #tpu.memory_space<vmem>>
          %dma_start3A_903 = arith.constant 0 : i32
          %dma_start3A_904 = tpu.memref_slice %arg12[%add3A_900, %dma_start3A_903] : memref<32x128xi32, #tpu.memory_space<vmem>> -> memref<1x128xi32, #tpu.memory_space<vmem>>
          %dma_start3A_905 = tpu.memref_squeeze %dma_start3A_904 : memref<1x128xi32, #tpu.memory_space<vmem>> -> memref<128xi32, #tpu.memory_space<vmem>>
          %dma_start3A_906 = arith.constant 0 : i32
          %dma_start3A_907 = arith.constant 0 : i32
          %dma_start3A_908 = tpu.memref_slice %arg9[%dma_start3A_906, %dma_start3A_907] : memref<10240x16xf32, #tpu.memory_space<vmem_shared>> -> memref<10240x16xf32, #tpu.memory_space<vmem_shared>>
          tpu.enqueue_indirect_dma source(%dma_start3A_902 : memref<128x16xf32, #tpu.memory_space<vmem>>) target(%dma_start3A_908 : memref<10240x16xf32, #tpu.memory_space<vmem_shared>>) offsets(%dma_start3A_905 : memref<128xi32, #tpu.memory_space<vmem>>) semaphore(%arg19 : memref<!tpu.dma_semaphore, #tpu.memory_space<semaphore_mem>>) {add = true}
          %add3A_909 = arith.constant 8 : i32
          %add3A_910 = arith.addi %mul3A_260, %add3A_909 : i32
          %add3A_911 = arith.constant 3 : i32
          %add3A_912 = arith.addi %add3A_910, %add3A_911 : i32
          %mul3A_913 = arith.constant 128 : i32
          %mul3A_914 = arith.muli %add3A_912, %mul3A_913 : i32
          %add3A_915 = arith.constant 8 : i32
          %add3A_916 = arith.addi %mul3A_260, %add3A_915 : i32
          %add3A_917 = arith.constant 3 : i32
          %add3A_918 = arith.addi %add3A_916, %add3A_917 : i32
          %dma_start3A_919 = arith.constant 0 : i32
          %dma_start3A_920 = tpu.memref_slice %arg13[%mul3A_914, %dma_start3A_919] : memref<4096x16xf32, #tpu.memory_space<vmem>> -> memref<128x16xf32, #tpu.memory_space<vmem>>
          %dma_start3A_921 = arith.constant 0 : i32
          %dma_start3A_922 = tpu.memref_slice %arg12[%add3A_918, %dma_start3A_921] : memref<32x128xi32, #tpu.memory_space<vmem>> -> memref<1x128xi32, #tpu.memory_space<vmem>>
          %dma_start3A_923 = tpu.memref_squeeze %dma_start3A_922 : memref<1x128xi32, #tpu.memory_space<vmem>> -> memref<128xi32, #tpu.memory_space<vmem>>
          %dma_start3A_924 = arith.constant 0 : i32
          %dma_start3A_925 = arith.constant 0 : i32
          %dma_start3A_926 = tpu.memref_slice %arg9[%dma_start3A_924, %dma_start3A_925] : memref<10240x16xf32, #tpu.memory_space<vmem_shared>> -> memref<10240x16xf32, #tpu.memory_space<vmem_shared>>
          tpu.enqueue_indirect_dma source(%dma_start3A_920 : memref<128x16xf32, #tpu.memory_space<vmem>>) target(%dma_start3A_926 : memref<10240x16xf32, #tpu.memory_space<vmem_shared>>) offsets(%dma_start3A_923 : memref<128xi32, #tpu.memory_space<vmem>>) semaphore(%arg19 : memref<!tpu.dma_semaphore, #tpu.memory_space<semaphore_mem>>) {add = true}
          %add3A_927 = arith.constant 8 : i32
          %add3A_928 = arith.addi %mul3A_260, %add3A_927 : i32
          %add3A_929 = arith.constant 4 : i32
          %add3A_930 = arith.addi %add3A_928, %add3A_929 : i32
          %mul3A_931 = arith.constant 128 : i32
          %mul3A_932 = arith.muli %add3A_930, %mul3A_931 : i32
          %add3A_933 = arith.constant 8 : i32
          %add3A_934 = arith.addi %mul3A_260, %add3A_933 : i32
          %add3A_935 = arith.constant 4 : i32
          %add3A_936 = arith.addi %add3A_934, %add3A_935 : i32
          %dma_start3A_937 = arith.constant 0 : i32
          %dma_start3A_938 = tpu.memref_slice %arg13[%mul3A_932, %dma_start3A_937] : memref<4096x16xf32, #tpu.memory_space<vmem>> -> memref<128x16xf32, #tpu.memory_space<vmem>>
          %dma_start3A_939 = arith.constant 0 : i32
          %dma_start3A_940 = tpu.memref_slice %arg12[%add3A_936, %dma_start3A_939] : memref<32x128xi32, #tpu.memory_space<vmem>> -> memref<1x128xi32, #tpu.memory_space<vmem>>
          %dma_start3A_941 = tpu.memref_squeeze %dma_start3A_940 : memref<1x128xi32, #tpu.memory_space<vmem>> -> memref<128xi32, #tpu.memory_space<vmem>>
          %dma_start3A_942 = arith.constant 0 : i32
          %dma_start3A_943 = arith.constant 0 : i32
          %dma_start3A_944 = tpu.memref_slice %arg9[%dma_start3A_942, %dma_start3A_943] : memref<10240x16xf32, #tpu.memory_space<vmem_shared>> -> memref<10240x16xf32, #tpu.memory_space<vmem_shared>>
          tpu.enqueue_indirect_dma source(%dma_start3A_938 : memref<128x16xf32, #tpu.memory_space<vmem>>) target(%dma_start3A_944 : memref<10240x16xf32, #tpu.memory_space<vmem_shared>>) offsets(%dma_start3A_941 : memref<128xi32, #tpu.memory_space<vmem>>) semaphore(%arg19 : memref<!tpu.dma_semaphore, #tpu.memory_space<semaphore_mem>>) {add = true}
          %add3A_945 = arith.constant 8 : i32
          %add3A_946 = arith.addi %mul3A_260, %add3A_945 : i32
          %add3A_947 = arith.constant 5 : i32
          %add3A_948 = arith.addi %add3A_946, %add3A_947 : i32
          %mul3A_949 = arith.constant 128 : i32
          %mul3A_950 = arith.muli %add3A_948, %mul3A_949 : i32
          %add3A_951 = arith.constant 8 : i32
          %add3A_952 = arith.addi %mul3A_260, %add3A_951 : i32
          %add3A_953 = arith.constant 5 : i32
          %add3A_954 = arith.addi %add3A_952, %add3A_953 : i32
          %dma_start3A_955 = arith.constant 0 : i32
          %dma_start3A_956 = tpu.memref_slice %arg13[%mul3A_950, %dma_start3A_955] : memref<4096x16xf32, #tpu.memory_space<vmem>> -> memref<128x16xf32, #tpu.memory_space<vmem>>
          %dma_start3A_957 = arith.constant 0 : i32
          %dma_start3A_958 = tpu.memref_slice %arg12[%add3A_954, %dma_start3A_957] : memref<32x128xi32, #tpu.memory_space<vmem>> -> memref<1x128xi32, #tpu.memory_space<vmem>>
          %dma_start3A_959 = tpu.memref_squeeze %dma_start3A_958 : memref<1x128xi32, #tpu.memory_space<vmem>> -> memref<128xi32, #tpu.memory_space<vmem>>
          %dma_start3A_960 = arith.constant 0 : i32
          %dma_start3A_961 = arith.constant 0 : i32
          %dma_start3A_962 = tpu.memref_slice %arg9[%dma_start3A_960, %dma_start3A_961] : memref<10240x16xf32, #tpu.memory_space<vmem_shared>> -> memref<10240x16xf32, #tpu.memory_space<vmem_shared>>
          tpu.enqueue_indirect_dma source(%dma_start3A_956 : memref<128x16xf32, #tpu.memory_space<vmem>>) target(%dma_start3A_962 : memref<10240x16xf32, #tpu.memory_space<vmem_shared>>) offsets(%dma_start3A_959 : memref<128xi32, #tpu.memory_space<vmem>>) semaphore(%arg19 : memref<!tpu.dma_semaphore, #tpu.memory_space<semaphore_mem>>) {add = true}
          %add3A_963 = arith.constant 8 : i32
          %add3A_964 = arith.addi %mul3A_260, %add3A_963 : i32
          %add3A_965 = arith.constant 6 : i32
          %add3A_966 = arith.addi %add3A_964, %add3A_965 : i32
          %mul3A_967 = arith.constant 128 : i32
          %mul3A_968 = arith.muli %add3A_966, %mul3A_967 : i32
          %add3A_969 = arith.constant 8 : i32
          %add3A_970 = arith.addi %mul3A_260, %add3A_969 : i32
          %add3A_971 = arith.constant 6 : i32
          %add3A_972 = arith.addi %add3A_970, %add3A_971 : i32
          %dma_start3A_973 = arith.constant 0 : i32
          %dma_start3A_974 = tpu.memref_slice %arg13[%mul3A_968, %dma_start3A_973] : memref<4096x16xf32, #tpu.memory_space<vmem>> -> memref<128x16xf32, #tpu.memory_space<vmem>>
          %dma_start3A_975 = arith.constant 0 : i32
          %dma_start3A_976 = tpu.memref_slice %arg12[%add3A_972, %dma_start3A_975] : memref<32x128xi32, #tpu.memory_space<vmem>> -> memref<1x128xi32, #tpu.memory_space<vmem>>
          %dma_start3A_977 = tpu.memref_squeeze %dma_start3A_976 : memref<1x128xi32, #tpu.memory_space<vmem>> -> memref<128xi32, #tpu.memory_space<vmem>>
          %dma_start3A_978 = arith.constant 0 : i32
          %dma_start3A_979 = arith.constant 0 : i32
          %dma_start3A_980 = tpu.memref_slice %arg9[%dma_start3A_978, %dma_start3A_979] : memref<10240x16xf32, #tpu.memory_space<vmem_shared>> -> memref<10240x16xf32, #tpu.memory_space<vmem_shared>>
          tpu.enqueue_indirect_dma source(%dma_start3A_974 : memref<128x16xf32, #tpu.memory_space<vmem>>) target(%dma_start3A_980 : memref<10240x16xf32, #tpu.memory_space<vmem_shared>>) offsets(%dma_start3A_977 : memref<128xi32, #tpu.memory_space<vmem>>) semaphore(%arg19 : memref<!tpu.dma_semaphore, #tpu.memory_space<semaphore_mem>>) {add = true}
          %add3A_981 = arith.constant 8 : i32
          %add3A_982 = arith.addi %mul3A_260, %add3A_981 : i32
          %add3A_983 = arith.constant 7 : i32
          %add3A_984 = arith.addi %add3A_982, %add3A_983 : i32
          %mul3A_985 = arith.constant 128 : i32
          %mul3A_986 = arith.muli %add3A_984, %mul3A_985 : i32
          %add3A_987 = arith.constant 8 : i32
          %add3A_988 = arith.addi %mul3A_260, %add3A_987 : i32
          %add3A_989 = arith.constant 7 : i32
          %add3A_990 = arith.addi %add3A_988, %add3A_989 : i32
          %dma_start3A_991 = arith.constant 0 : i32
          %dma_start3A_992 = tpu.memref_slice %arg13[%mul3A_986, %dma_start3A_991] : memref<4096x16xf32, #tpu.memory_space<vmem>> -> memref<128x16xf32, #tpu.memory_space<vmem>>
          %dma_start3A_993 = arith.constant 0 : i32
          %dma_start3A_994 = tpu.memref_slice %arg12[%add3A_990, %dma_start3A_993] : memref<32x128xi32, #tpu.memory_space<vmem>> -> memref<1x128xi32, #tpu.memory_space<vmem>>
          %dma_start3A_995 = tpu.memref_squeeze %dma_start3A_994 : memref<1x128xi32, #tpu.memory_space<vmem>> -> memref<128xi32, #tpu.memory_space<vmem>>
          %dma_start3A_996 = arith.constant 0 : i32
          %dma_start3A_997 = arith.constant 0 : i32
          %dma_start3A_998 = tpu.memref_slice %arg9[%dma_start3A_996, %dma_start3A_997] : memref<10240x16xf32, #tpu.memory_space<vmem_shared>> -> memref<10240x16xf32, #tpu.memory_space<vmem_shared>>
          tpu.enqueue_indirect_dma source(%dma_start3A_992 : memref<128x16xf32, #tpu.memory_space<vmem>>) target(%dma_start3A_998 : memref<10240x16xf32, #tpu.memory_space<vmem_shared>>) offsets(%dma_start3A_995 : memref<128xi32, #tpu.memory_space<vmem>>) semaphore(%arg19 : memref<!tpu.dma_semaphore, #tpu.memory_space<semaphore_mem>>) {add = true}
        }
        %scan3A_57 = arith.constant 10 : i32
        %dma_wait3A = arith.constant 0 : i32
        %dma_wait3A_58 = arith.constant 0 : i32
        %dma_wait3A_59 = tpu.memref_slice %arg13[%dma_wait3A, %dma_wait3A_58] : memref<4096x16xf32, #tpu.memory_space<vmem>> -> memref<128x16xf32, #tpu.memory_space<vmem>>
        %dma_wait3A_60 = arith.constant 0 : i32
        %dma_wait3A_61 = arith.constant 0 : i32
        %dma_wait3A_62 = tpu.memref_slice %arg6[%dma_wait3A_60, %dma_wait3A_61] : memref<10240x16xf32, #tpu.memory_space<hbm>> -> memref<128x16xf32, #tpu.memory_space<hbm>>
        %dma_wait3A_63 = arith.constant 0 : i32
        %dma_wait3A_64 = arith.constant 0 : i32
        %dma_wait3A_65 = tpu.memref_slice %arg13[%dma_wait3A_63, %dma_wait3A_64] : memref<4096x16xf32, #tpu.memory_space<vmem>> -> memref<128x16xf32, #tpu.memory_space<vmem>>
        %dma_wait3A_66 = arith.constant 0 : i32
        %dma_wait3A_67 = arith.constant 0 : i32
        %dma_wait3A_68 = tpu.memref_slice %arg6[%dma_wait3A_66, %dma_wait3A_67] : memref<10240x16xf32, #tpu.memory_space<hbm>> -> memref<128x16xf32, #tpu.memory_space<hbm>>
        tpu.wait_dma2 semaphore(%arg19 : memref<!tpu.dma_semaphore, #tpu.memory_space<semaphore_mem>>) src(%dma_wait3A_68 : memref<128x16xf32, #tpu.memory_space<hbm>>) dst(%dma_wait3A_65 : memref<128x16xf32, #tpu.memory_space<vmem>>)
        %dma_wait3A_69 = arith.constant 0 : i32
        %dma_wait3A_70 = arith.constant 0 : i32
        %dma_wait3A_71 = tpu.memref_slice %arg13[%dma_wait3A_69, %dma_wait3A_70] : memref<4096x16xf32, #tpu.memory_space<vmem>> -> memref<128x16xf32, #tpu.memory_space<vmem>>
        %dma_wait3A_72 = arith.constant 0 : i32
        %dma_wait3A_73 = arith.constant 0 : i32
        %dma_wait3A_74 = tpu.memref_slice %arg6[%dma_wait3A_72, %dma_wait3A_73] : memref<10240x16xf32, #tpu.memory_space<hbm>> -> memref<128x16xf32, #tpu.memory_space<hbm>>
        %dma_wait3A_75 = arith.constant 0 : i32
        %dma_wait3A_76 = arith.constant 0 : i32
        %dma_wait3A_77 = tpu.memref_slice %arg13[%dma_wait3A_75, %dma_wait3A_76] : memref<4096x16xf32, #tpu.memory_space<vmem>> -> memref<128x16xf32, #tpu.memory_space<vmem>>
        %dma_wait3A_78 = arith.constant 0 : i32
        %dma_wait3A_79 = arith.constant 0 : i32
        %dma_wait3A_80 = tpu.memref_slice %arg6[%dma_wait3A_78, %dma_wait3A_79] : memref<10240x16xf32, #tpu.memory_space<hbm>> -> memref<128x16xf32, #tpu.memory_space<hbm>>
        tpu.wait_dma2 semaphore(%arg19 : memref<!tpu.dma_semaphore, #tpu.memory_space<semaphore_mem>>) src(%dma_wait3A_80 : memref<128x16xf32, #tpu.memory_space<hbm>>) dst(%dma_wait3A_77 : memref<128x16xf32, #tpu.memory_space<vmem>>)
        %dma_wait3A_81 = arith.constant 0 : i32
        %dma_wait3A_82 = arith.constant 0 : i32
        %dma_wait3A_83 = tpu.memref_slice %arg13[%dma_wait3A_81, %dma_wait3A_82] : memref<4096x16xf32, #tpu.memory_space<vmem>> -> memref<128x16xf32, #tpu.memory_space<vmem>>
        %dma_wait3A_84 = arith.constant 0 : i32
        %dma_wait3A_85 = arith.constant 0 : i32
        %dma_wait3A_86 = tpu.memref_slice %arg6[%dma_wait3A_84, %dma_wait3A_85] : memref<10240x16xf32, #tpu.memory_space<hbm>> -> memref<128x16xf32, #tpu.memory_space<hbm>>
        %dma_wait3A_87 = arith.constant 0 : i32
        %dma_wait3A_88 = arith.constant 0 : i32
        %dma_wait3A_89 = tpu.memref_slice %arg13[%dma_wait3A_87, %dma_wait3A_88] : memref<4096x16xf32, #tpu.memory_space<vmem>> -> memref<128x16xf32, #tpu.memory_space<vmem>>
        %dma_wait3A_90 = arith.constant 0 : i32
        %dma_wait3A_91 = arith.constant 0 : i32
        %dma_wait3A_92 = tpu.memref_slice %arg6[%dma_wait3A_90, %dma_wait3A_91] : memref<10240x16xf32, #tpu.memory_space<hbm>> -> memref<128x16xf32, #tpu.memory_space<hbm>>
        tpu.wait_dma2 semaphore(%arg19 : memref<!tpu.dma_semaphore, #tpu.memory_space<semaphore_mem>>) src(%dma_wait3A_92 : memref<128x16xf32, #tpu.memory_space<hbm>>) dst(%dma_wait3A_89 : memref<128x16xf32, #tpu.memory_space<vmem>>)
        %dma_wait3A_93 = arith.constant 0 : i32
        %dma_wait3A_94 = arith.constant 0 : i32
        %dma_wait3A_95 = tpu.memref_slice %arg13[%dma_wait3A_93, %dma_wait3A_94] : memref<4096x16xf32, #tpu.memory_space<vmem>> -> memref<128x16xf32, #tpu.memory_space<vmem>>
        %dma_wait3A_96 = arith.constant 0 : i32
        %dma_wait3A_97 = arith.constant 0 : i32
        %dma_wait3A_98 = tpu.memref_slice %arg6[%dma_wait3A_96, %dma_wait3A_97] : memref<10240x16xf32, #tpu.memory_space<hbm>> -> memref<128x16xf32, #tpu.memory_space<hbm>>
        %dma_wait3A_99 = arith.constant 0 : i32
        %dma_wait3A_100 = arith.constant 0 : i32
        %dma_wait3A_101 = tpu.memref_slice %arg13[%dma_wait3A_99, %dma_wait3A_100] : memref<4096x16xf32, #tpu.memory_space<vmem>> -> memref<128x16xf32, #tpu.memory_space<vmem>>
        %dma_wait3A_102 = arith.constant 0 : i32
        %dma_wait3A_103 = arith.constant 0 : i32
        %dma_wait3A_104 = tpu.memref_slice %arg6[%dma_wait3A_102, %dma_wait3A_103] : memref<10240x16xf32, #tpu.memory_space<hbm>> -> memref<128x16xf32, #tpu.memory_space<hbm>>
        tpu.wait_dma2 semaphore(%arg19 : memref<!tpu.dma_semaphore, #tpu.memory_space<semaphore_mem>>) src(%dma_wait3A_104 : memref<128x16xf32, #tpu.memory_space<hbm>>) dst(%dma_wait3A_101 : memref<128x16xf32, #tpu.memory_space<vmem>>)
        %dma_wait3A_105 = arith.constant 0 : i32
        %dma_wait3A_106 = arith.constant 0 : i32
        %dma_wait3A_107 = tpu.memref_slice %arg13[%dma_wait3A_105, %dma_wait3A_106] : memref<4096x16xf32, #tpu.memory_space<vmem>> -> memref<128x16xf32, #tpu.memory_space<vmem>>
        %dma_wait3A_108 = arith.constant 0 : i32
        %dma_wait3A_109 = arith.constant 0 : i32
        %dma_wait3A_110 = tpu.memref_slice %arg6[%dma_wait3A_108, %dma_wait3A_109] : memref<10240x16xf32, #tpu.memory_space<hbm>> -> memref<128x16xf32, #tpu.memory_space<hbm>>
        %dma_wait3A_111 = arith.constant 0 : i32
        %dma_wait3A_112 = arith.constant 0 : i32
        %dma_wait3A_113 = tpu.memref_slice %arg13[%dma_wait3A_111, %dma_wait3A_112] : memref<4096x16xf32, #tpu.memory_space<vmem>> -> memref<128x16xf32, #tpu.memory_space<vmem>>
        %dma_wait3A_114 = arith.constant 0 : i32
        %dma_wait3A_115 = arith.constant 0 : i32
        %dma_wait3A_116 = tpu.memref_slice %arg6[%dma_wait3A_114, %dma_wait3A_115] : memref<10240x16xf32, #tpu.memory_space<hbm>> -> memref<128x16xf32, #tpu.memory_space<hbm>>
        tpu.wait_dma2 semaphore(%arg19 : memref<!tpu.dma_semaphore, #tpu.memory_space<semaphore_mem>>) src(%dma_wait3A_116 : memref<128x16xf32, #tpu.memory_space<hbm>>) dst(%dma_wait3A_113 : memref<128x16xf32, #tpu.memory_space<vmem>>)
        %dma_wait3A_117 = arith.constant 0 : i32
        %dma_wait3A_118 = arith.constant 0 : i32
        %dma_wait3A_119 = tpu.memref_slice %arg13[%dma_wait3A_117, %dma_wait3A_118] : memref<4096x16xf32, #tpu.memory_space<vmem>> -> memref<128x16xf32, #tpu.memory_space<vmem>>
        %dma_wait3A_120 = arith.constant 0 : i32
        %dma_wait3A_121 = arith.constant 0 : i32
        %dma_wait3A_122 = tpu.memref_slice %arg6[%dma_wait3A_120, %dma_wait3A_121] : memref<10240x16xf32, #tpu.memory_space<hbm>> -> memref<128x16xf32, #tpu.memory_space<hbm>>
        %dma_wait3A_123 = arith.constant 0 : i32
        %dma_wait3A_124 = arith.constant 0 : i32
        %dma_wait3A_125 = tpu.memref_slice %arg13[%dma_wait3A_123, %dma_wait3A_124] : memref<4096x16xf32, #tpu.memory_space<vmem>> -> memref<128x16xf32, #tpu.memory_space<vmem>>
        %dma_wait3A_126 = arith.constant 0 : i32
        %dma_wait3A_127 = arith.constant 0 : i32
        %dma_wait3A_128 = tpu.memref_slice %arg6[%dma_wait3A_126, %dma_wait3A_127] : memref<10240x16xf32, #tpu.memory_space<hbm>> -> memref<128x16xf32, #tpu.memory_space<hbm>>
        tpu.wait_dma2 semaphore(%arg19 : memref<!tpu.dma_semaphore, #tpu.memory_space<semaphore_mem>>) src(%dma_wait3A_128 : memref<128x16xf32, #tpu.memory_space<hbm>>) dst(%dma_wait3A_125 : memref<128x16xf32, #tpu.memory_space<vmem>>)
        %dma_wait3A_129 = arith.constant 0 : i32
        %dma_wait3A_130 = arith.constant 0 : i32
        %dma_wait3A_131 = tpu.memref_slice %arg13[%dma_wait3A_129, %dma_wait3A_130] : memref<4096x16xf32, #tpu.memory_space<vmem>> -> memref<128x16xf32, #tpu.memory_space<vmem>>
        %dma_wait3A_132 = arith.constant 0 : i32
        %dma_wait3A_133 = arith.constant 0 : i32
        %dma_wait3A_134 = tpu.memref_slice %arg6[%dma_wait3A_132, %dma_wait3A_133] : memref<10240x16xf32, #tpu.memory_space<hbm>> -> memref<128x16xf32, #tpu.memory_space<hbm>>
        %dma_wait3A_135 = arith.constant 0 : i32
        %dma_wait3A_136 = arith.constant 0 : i32
        %dma_wait3A_137 = tpu.memref_slice %arg13[%dma_wait3A_135, %dma_wait3A_136] : memref<4096x16xf32, #tpu.memory_space<vmem>> -> memref<128x16xf32, #tpu.memory_space<vmem>>
        %dma_wait3A_138 = arith.constant 0 : i32
        %dma_wait3A_139 = arith.constant 0 : i32
        %dma_wait3A_140 = tpu.memref_slice %arg6[%dma_wait3A_138, %dma_wait3A_139] : memref<10240x16xf32, #tpu.memory_space<hbm>> -> memref<128x16xf32, #tpu.memory_space<hbm>>
        tpu.wait_dma2 semaphore(%arg19 : memref<!tpu.dma_semaphore, #tpu.memory_space<semaphore_mem>>) src(%dma_wait3A_140 : memref<128x16xf32, #tpu.memory_space<hbm>>) dst(%dma_wait3A_137 : memref<128x16xf32, #tpu.memory_space<vmem>>)
        %dma_wait3A_141 = arith.constant 0 : i32
        %dma_wait3A_142 = arith.constant 0 : i32
        %dma_wait3A_143 = tpu.memref_slice %arg13[%dma_wait3A_141, %dma_wait3A_142] : memref<4096x16xf32, #tpu.memory_space<vmem>> -> memref<128x16xf32, #tpu.memory_space<vmem>>
        %dma_wait3A_144 = arith.constant 0 : i32
        %dma_wait3A_145 = arith.constant 0 : i32
        %dma_wait3A_146 = tpu.memref_slice %arg6[%dma_wait3A_144, %dma_wait3A_145] : memref<10240x16xf32, #tpu.memory_space<hbm>> -> memref<128x16xf32, #tpu.memory_space<hbm>>
        %dma_wait3A_147 = arith.constant 0 : i32
        %dma_wait3A_148 = arith.constant 0 : i32
        %dma_wait3A_149 = tpu.memref_slice %arg13[%dma_wait3A_147, %dma_wait3A_148] : memref<4096x16xf32, #tpu.memory_space<vmem>> -> memref<128x16xf32, #tpu.memory_space<vmem>>
        %dma_wait3A_150 = arith.constant 0 : i32
        %dma_wait3A_151 = arith.constant 0 : i32
        %dma_wait3A_152 = tpu.memref_slice %arg6[%dma_wait3A_150, %dma_wait3A_151] : memref<10240x16xf32, #tpu.memory_space<hbm>> -> memref<128x16xf32, #tpu.memory_space<hbm>>
        tpu.wait_dma2 semaphore(%arg19 : memref<!tpu.dma_semaphore, #tpu.memory_space<semaphore_mem>>) src(%dma_wait3A_152 : memref<128x16xf32, #tpu.memory_space<hbm>>) dst(%dma_wait3A_149 : memref<128x16xf32, #tpu.memory_space<vmem>>)
        %dma_wait3A_153 = arith.constant 0 : i32
        %dma_wait3A_154 = arith.constant 0 : i32
        %dma_wait3A_155 = tpu.memref_slice %arg13[%dma_wait3A_153, %dma_wait3A_154] : memref<4096x16xf32, #tpu.memory_space<vmem>> -> memref<128x16xf32, #tpu.memory_space<vmem>>
        %dma_wait3A_156 = arith.constant 0 : i32
        %dma_wait3A_157 = arith.constant 0 : i32
        %dma_wait3A_158 = tpu.memref_slice %arg6[%dma_wait3A_156, %dma_wait3A_157] : memref<10240x16xf32, #tpu.memory_space<hbm>> -> memref<128x16xf32, #tpu.memory_space<hbm>>
        %dma_wait3A_159 = arith.constant 0 : i32
        %dma_wait3A_160 = arith.constant 0 : i32
        %dma_wait3A_161 = tpu.memref_slice %arg13[%dma_wait3A_159, %dma_wait3A_160] : memref<4096x16xf32, #tpu.memory_space<vmem>> -> memref<128x16xf32, #tpu.memory_space<vmem>>
        %dma_wait3A_162 = arith.constant 0 : i32
        %dma_wait3A_163 = arith.constant 0 : i32
        %dma_wait3A_164 = tpu.memref_slice %arg6[%dma_wait3A_162, %dma_wait3A_163] : memref<10240x16xf32, #tpu.memory_space<hbm>> -> memref<128x16xf32, #tpu.memory_space<hbm>>
        tpu.wait_dma2 semaphore(%arg19 : memref<!tpu.dma_semaphore, #tpu.memory_space<semaphore_mem>>) src(%dma_wait3A_164 : memref<128x16xf32, #tpu.memory_space<hbm>>) dst(%dma_wait3A_161 : memref<128x16xf32, #tpu.memory_space<vmem>>)
        %dma_wait3A_165 = arith.constant 0 : i32
        %dma_wait3A_166 = arith.constant 0 : i32
        %dma_wait3A_167 = tpu.memref_slice %arg13[%dma_wait3A_165, %dma_wait3A_166] : memref<4096x16xf32, #tpu.memory_space<vmem>> -> memref<128x16xf32, #tpu.memory_space<vmem>>
        %dma_wait3A_168 = arith.constant 0 : i32
        %dma_wait3A_169 = arith.constant 0 : i32
        %dma_wait3A_170 = tpu.memref_slice %arg6[%dma_wait3A_168, %dma_wait3A_169] : memref<10240x16xf32, #tpu.memory_space<hbm>> -> memref<128x16xf32, #tpu.memory_space<hbm>>
        %dma_wait3A_171 = arith.constant 0 : i32
        %dma_wait3A_172 = arith.constant 0 : i32
        %dma_wait3A_173 = tpu.memref_slice %arg13[%dma_wait3A_171, %dma_wait3A_172] : memref<4096x16xf32, #tpu.memory_space<vmem>> -> memref<128x16xf32, #tpu.memory_space<vmem>>
        %dma_wait3A_174 = arith.constant 0 : i32
        %dma_wait3A_175 = arith.constant 0 : i32
        %dma_wait3A_176 = tpu.memref_slice %arg6[%dma_wait3A_174, %dma_wait3A_175] : memref<10240x16xf32, #tpu.memory_space<hbm>> -> memref<128x16xf32, #tpu.memory_space<hbm>>
        tpu.wait_dma2 semaphore(%arg19 : memref<!tpu.dma_semaphore, #tpu.memory_space<semaphore_mem>>) src(%dma_wait3A_176 : memref<128x16xf32, #tpu.memory_space<hbm>>) dst(%dma_wait3A_173 : memref<128x16xf32, #tpu.memory_space<vmem>>)
        %dma_wait3A_177 = arith.constant 0 : i32
        %dma_wait3A_178 = arith.constant 0 : i32
        %dma_wait3A_179 = tpu.memref_slice %arg13[%dma_wait3A_177, %dma_wait3A_178] : memref<4096x16xf32, #tpu.memory_space<vmem>> -> memref<128x16xf32, #tpu.memory_space<vmem>>
        %dma_wait3A_180 = arith.constant 0 : i32
        %dma_wait3A_181 = arith.constant 0 : i32
        %dma_wait3A_182 = tpu.memref_slice %arg6[%dma_wait3A_180, %dma_wait3A_181] : memref<10240x16xf32, #tpu.memory_space<hbm>> -> memref<128x16xf32, #tpu.memory_space<hbm>>
        %dma_wait3A_183 = arith.constant 0 : i32
        %dma_wait3A_184 = arith.constant 0 : i32
        %dma_wait3A_185 = tpu.memref_slice %arg13[%dma_wait3A_183, %dma_wait3A_184] : memref<4096x16xf32, #tpu.memory_space<vmem>> -> memref<128x16xf32, #tpu.memory_space<vmem>>
        %dma_wait3A_186 = arith.constant 0 : i32
        %dma_wait3A_187 = arith.constant 0 : i32
        %dma_wait3A_188 = tpu.memref_slice %arg6[%dma_wait3A_186, %dma_wait3A_187] : memref<10240x16xf32, #tpu.memory_space<hbm>> -> memref<128x16xf32, #tpu.memory_space<hbm>>
        tpu.wait_dma2 semaphore(%arg19 : memref<!tpu.dma_semaphore, #tpu.memory_space<semaphore_mem>>) src(%dma_wait3A_188 : memref<128x16xf32, #tpu.memory_space<hbm>>) dst(%dma_wait3A_185 : memref<128x16xf32, #tpu.memory_space<vmem>>)
        %dma_wait3A_189 = arith.constant 0 : i32
        %dma_wait3A_190 = arith.constant 0 : i32
        %dma_wait3A_191 = tpu.memref_slice %arg13[%dma_wait3A_189, %dma_wait3A_190] : memref<4096x16xf32, #tpu.memory_space<vmem>> -> memref<128x16xf32, #tpu.memory_space<vmem>>
        %dma_wait3A_192 = arith.constant 0 : i32
        %dma_wait3A_193 = arith.constant 0 : i32
        %dma_wait3A_194 = tpu.memref_slice %arg6[%dma_wait3A_192, %dma_wait3A_193] : memref<10240x16xf32, #tpu.memory_space<hbm>> -> memref<128x16xf32, #tpu.memory_space<hbm>>
        %dma_wait3A_195 = arith.constant 0 : i32
        %dma_wait3A_196 = arith.constant 0 : i32
        %dma_wait3A_197 = tpu.memref_slice %arg13[%dma_wait3A_195, %dma_wait3A_196] : memref<4096x16xf32, #tpu.memory_space<vmem>> -> memref<128x16xf32, #tpu.memory_space<vmem>>
        %dma_wait3A_198 = arith.constant 0 : i32
        %dma_wait3A_199 = arith.constant 0 : i32
        %dma_wait3A_200 = tpu.memref_slice %arg6[%dma_wait3A_198, %dma_wait3A_199] : memref<10240x16xf32, #tpu.memory_space<hbm>> -> memref<128x16xf32, #tpu.memory_space<hbm>>
        tpu.wait_dma2 semaphore(%arg19 : memref<!tpu.dma_semaphore, #tpu.memory_space<semaphore_mem>>) src(%dma_wait3A_200 : memref<128x16xf32, #tpu.memory_space<hbm>>) dst(%dma_wait3A_197 : memref<128x16xf32, #tpu.memory_space<vmem>>)
        %dma_wait3A_201 = arith.constant 0 : i32
        %dma_wait3A_202 = arith.constant 0 : i32
        %dma_wait3A_203 = tpu.memref_slice %arg13[%dma_wait3A_201, %dma_wait3A_202] : memref<4096x16xf32, #tpu.memory_space<vmem>> -> memref<128x16xf32, #tpu.memory_space<vmem>>
        %dma_wait3A_204 = arith.constant 0 : i32
        %dma_wait3A_205 = arith.constant 0 : i32
        %dma_wait3A_206 = tpu.memref_slice %arg6[%dma_wait3A_204, %dma_wait3A_205] : memref<10240x16xf32, #tpu.memory_space<hbm>> -> memref<128x16xf32, #tpu.memory_space<hbm>>
        %dma_wait3A_207 = arith.constant 0 : i32
        %dma_wait3A_208 = arith.constant 0 : i32
        %dma_wait3A_209 = tpu.memref_slice %arg13[%dma_wait3A_207, %dma_wait3A_208] : memref<4096x16xf32, #tpu.memory_space<vmem>> -> memref<128x16xf32, #tpu.memory_space<vmem>>
        %dma_wait3A_210 = arith.constant 0 : i32
        %dma_wait3A_211 = arith.constant 0 : i32
        %dma_wait3A_212 = tpu.memref_slice %arg6[%dma_wait3A_210, %dma_wait3A_211] : memref<10240x16xf32, #tpu.memory_space<hbm>> -> memref<128x16xf32, #tpu.memory_space<hbm>>
        tpu.wait_dma2 semaphore(%arg19 : memref<!tpu.dma_semaphore, #tpu.memory_space<semaphore_mem>>) src(%dma_wait3A_212 : memref<128x16xf32, #tpu.memory_space<hbm>>) dst(%dma_wait3A_209 : memref<128x16xf32, #tpu.memory_space<vmem>>)
        %dma_wait3A_213 = arith.constant 0 : i32
        %dma_wait3A_214 = arith.constant 0 : i32
        %dma_wait3A_215 = tpu.memref_slice %arg13[%dma_wait3A_213, %dma_wait3A_214] : memref<4096x16xf32, #tpu.memory_space<vmem>> -> memref<128x16xf32, #tpu.memory_space<vmem>>
        %dma_wait3A_216 = arith.constant 0 : i32
        %dma_wait3A_217 = arith.constant 0 : i32
        %dma_wait3A_218 = tpu.memref_slice %arg6[%dma_wait3A_216, %dma_wait3A_217] : memref<10240x16xf32, #tpu.memory_space<hbm>> -> memref<128x16xf32, #tpu.memory_space<hbm>>
        %dma_wait3A_219 = arith.constant 0 : i32
        %dma_wait3A_220 = arith.constant 0 : i32
        %dma_wait3A_221 = tpu.memref_slice %arg13[%dma_wait3A_219, %dma_wait3A_220] : memref<4096x16xf32, #tpu.memory_space<vmem>> -> memref<128x16xf32, #tpu.memory_space<vmem>>
        %dma_wait3A_222 = arith.constant 0 : i32
        %dma_wait3A_223 = arith.constant 0 : i32
        %dma_wait3A_224 = tpu.memref_slice %arg6[%dma_wait3A_222, %dma_wait3A_223] : memref<10240x16xf32, #tpu.memory_space<hbm>> -> memref<128x16xf32, #tpu.memory_space<hbm>>
        tpu.wait_dma2 semaphore(%arg19 : memref<!tpu.dma_semaphore, #tpu.memory_space<semaphore_mem>>) src(%dma_wait3A_224 : memref<128x16xf32, #tpu.memory_space<hbm>>) dst(%dma_wait3A_221 : memref<128x16xf32, #tpu.memory_space<vmem>>)
        %dma_wait3A_225 = arith.constant 0 : i32
        %dma_wait3A_226 = arith.constant 0 : i32
        %dma_wait3A_227 = tpu.memref_slice %arg13[%dma_wait3A_225, %dma_wait3A_226] : memref<4096x16xf32, #tpu.memory_space<vmem>> -> memref<128x16xf32, #tpu.memory_space<vmem>>
        %dma_wait3A_228 = arith.constant 0 : i32
        %dma_wait3A_229 = arith.constant 0 : i32
        %dma_wait3A_230 = tpu.memref_slice %arg6[%dma_wait3A_228, %dma_wait3A_229] : memref<10240x16xf32, #tpu.memory_space<hbm>> -> memref<128x16xf32, #tpu.memory_space<hbm>>
        %dma_wait3A_231 = arith.constant 0 : i32
        %dma_wait3A_232 = arith.constant 0 : i32
        %dma_wait3A_233 = tpu.memref_slice %arg13[%dma_wait3A_231, %dma_wait3A_232] : memref<4096x16xf32, #tpu.memory_space<vmem>> -> memref<128x16xf32, #tpu.memory_space<vmem>>
        %dma_wait3A_234 = arith.constant 0 : i32
        %dma_wait3A_235 = arith.constant 0 : i32
        %dma_wait3A_236 = tpu.memref_slice %arg6[%dma_wait3A_234, %dma_wait3A_235] : memref<10240x16xf32, #tpu.memory_space<hbm>> -> memref<128x16xf32, #tpu.memory_space<hbm>>
        tpu.wait_dma2 semaphore(%arg19 : memref<!tpu.dma_semaphore, #tpu.memory_space<semaphore_mem>>) src(%dma_wait3A_236 : memref<128x16xf32, #tpu.memory_space<hbm>>) dst(%dma_wait3A_233 : memref<128x16xf32, #tpu.memory_space<vmem>>)
        %dma_wait3A_237 = arith.constant 0 : i32
        %dma_wait3A_238 = arith.constant 0 : i32
        %dma_wait3A_239 = tpu.memref_slice %arg13[%dma_wait3A_237, %dma_wait3A_238] : memref<4096x16xf32, #tpu.memory_space<vmem>> -> memref<128x16xf32, #tpu.memory_space<vmem>>
        %dma_wait3A_240 = arith.constant 0 : i32
        %dma_wait3A_241 = arith.constant 0 : i32
        %dma_wait3A_242 = tpu.memref_slice %arg6[%dma_wait3A_240, %dma_wait3A_241] : memref<10240x16xf32, #tpu.memory_space<hbm>> -> memref<128x16xf32, #tpu.memory_space<hbm>>
        %dma_wait3A_243 = arith.constant 0 : i32
        %dma_wait3A_244 = arith.constant 0 : i32
        %dma_wait3A_245 = tpu.memref_slice %arg13[%dma_wait3A_243, %dma_wait3A_244] : memref<4096x16xf32, #tpu.memory_space<vmem>> -> memref<128x16xf32, #tpu.memory_space<vmem>>
        %dma_wait3A_246 = arith.constant 0 : i32
        %dma_wait3A_247 = arith.constant 0 : i32
        %dma_wait3A_248 = tpu.memref_slice %arg6[%dma_wait3A_246, %dma_wait3A_247] : memref<10240x16xf32, #tpu.memory_space<hbm>> -> memref<128x16xf32, #tpu.memory_space<hbm>>
        tpu.wait_dma2 semaphore(%arg19 : memref<!tpu.dma_semaphore, #tpu.memory_space<semaphore_mem>>) src(%dma_wait3A_248 : memref<128x16xf32, #tpu.memory_space<hbm>>) dst(%dma_wait3A_245 : memref<128x16xf32, #tpu.memory_space<vmem>>)
        %barrier3A_249 = arith.constant 0 : index
        tpu.barrier barrier_id(%barrier3A_249)
        "tpu.region"() ({
          %run_scoped3A = tpu.sem_alloc : memref<!tpu.dma_semaphore, #tpu.memory_space<semaphore_mem>>
          %dma_start3A_257 = arith.constant 0 : i32
          %dma_start3A_258 = arith.constant 0 : i32
          %dma_start3A_259 = tpu.memref_slice %arg13[%dma_start3A_257, %dma_start3A_258] : memref<4096x16xf32, #tpu.memory_space<vmem>> -> memref<640x16xf32, #tpu.memory_space<vmem>>
          %dma_start3A_260 = arith.constant 0 : i32
          %dma_start3A_261 = tpu.memref_slice %arg9[%mul3A_2, %dma_start3A_260] : memref<10240x16xf32, #tpu.memory_space<vmem_shared>> -> memref<640x16xf32, #tpu.memory_space<vmem_shared>>
          %dma_start3A_262 = arith.constant 0 : i32
          %dma_start3A_263 = arith.constant 0 : i32
          %dma_start3A_264 = tpu.memref_slice %arg13[%dma_start3A_262, %dma_start3A_263] : memref<4096x16xf32, #tpu.memory_space<vmem>> -> memref<640x16xf32, #tpu.memory_space<vmem>>
          %dma_start3A_265 = arith.constant 0 : i32
          %dma_start3A_266 = tpu.memref_slice %arg9[%mul3A_2, %dma_start3A_265] : memref<10240x16xf32, #tpu.memory_space<vmem_shared>> -> memref<640x16xf32, #tpu.memory_space<vmem_shared>>
          tpu.enqueue_dma source(%dma_start3A_266 : memref<640x16xf32, #tpu.memory_space<vmem_shared>>) target(%dma_start3A_264 : memref<640x16xf32, #tpu.memory_space<vmem>>) target_semaphore(%run_scoped3A : memref<!tpu.dma_semaphore, #tpu.memory_space<semaphore_mem>>)
          %dma_wait3A_267 = arith.constant 0 : i32
          %dma_wait3A_268 = arith.constant 0 : i32
          %dma_wait3A_269 = tpu.memref_slice %arg13[%dma_wait3A_267, %dma_wait3A_268] : memref<4096x16xf32, #tpu.memory_space<vmem>> -> memref<640x16xf32, #tpu.memory_space<vmem>>
          %dma_wait3A_270 = arith.constant 0 : i32
          %dma_wait3A_271 = tpu.memref_slice %arg9[%mul3A_2, %dma_wait3A_270] : memref<10240x16xf32, #tpu.memory_space<vmem_shared>> -> memref<640x16xf32, #tpu.memory_space<vmem_shared>>
          %dma_wait3A_272 = arith.constant 0 : i32
          %dma_wait3A_273 = arith.constant 0 : i32
          %dma_wait3A_274 = tpu.memref_slice %arg13[%dma_wait3A_272, %dma_wait3A_273] : memref<4096x16xf32, #tpu.memory_space<vmem>> -> memref<640x16xf32, #tpu.memory_space<vmem>>
          %dma_wait3A_275 = arith.constant 0 : i32
          %dma_wait3A_276 = tpu.memref_slice %arg9[%mul3A_2, %dma_wait3A_275] : memref<10240x16xf32, #tpu.memory_space<vmem_shared>> -> memref<640x16xf32, #tpu.memory_space<vmem_shared>>
          tpu.wait_dma2 semaphore(%run_scoped3A : memref<!tpu.dma_semaphore, #tpu.memory_space<semaphore_mem>>) src(%dma_wait3A_276 : memref<640x16xf32, #tpu.memory_space<vmem_shared>>) dst(%dma_wait3A_274 : memref<640x16xf32, #tpu.memory_space<vmem>>)
          tpu.yield
        }) : () -> ()
        "tpu.region"() ({
          %run_scoped3A = tpu.sem_alloc : memref<!tpu.dma_semaphore, #tpu.memory_space<semaphore_mem>>
          %dma_start3A_257 = arith.constant 0 : i32
          %dma_start3A_258 = tpu.memref_slice %arg9[%mul3A_2, %dma_start3A_257] : memref<10240x16xf32, #tpu.memory_space<vmem_shared>> -> memref<640x16xf32, #tpu.memory_space<vmem_shared>>
          %dma_start3A_259 = arith.constant 0 : i32
          %dma_start3A_260 = tpu.memref_slice %arg6[%mul3A_2, %dma_start3A_259] : memref<10240x16xf32, #tpu.memory_space<hbm>> -> memref<640x16xf32, #tpu.memory_space<hbm>>
          tpu.enqueue_dma source(%dma_start3A_260 : memref<640x16xf32, #tpu.memory_space<hbm>>) target(%dma_start3A_258 : memref<640x16xf32, #tpu.memory_space<vmem_shared>>) target_semaphore(%run_scoped3A : memref<!tpu.dma_semaphore, #tpu.memory_space<semaphore_mem>>)
          %dma_wait3A_261 = arith.constant 0 : i32
          %dma_wait3A_262 = tpu.memref_slice %arg9[%mul3A_2, %dma_wait3A_261] : memref<10240x16xf32, #tpu.memory_space<vmem_shared>> -> memref<640x16xf32, #tpu.memory_space<vmem_shared>>
          %dma_wait3A_263 = arith.constant 0 : i32
          %dma_wait3A_264 = tpu.memref_slice %arg6[%mul3A_2, %dma_wait3A_263] : memref<10240x16xf32, #tpu.memory_space<hbm>> -> memref<640x16xf32, #tpu.memory_space<hbm>>
          tpu.wait_dma2 semaphore(%run_scoped3A : memref<!tpu.dma_semaphore, #tpu.memory_space<semaphore_mem>>) src(%dma_wait3A_264 : memref<640x16xf32, #tpu.memory_space<hbm>>) dst(%dma_wait3A_262 : memref<640x16xf32, #tpu.memory_space<vmem_shared>>)
          tpu.yield
        }) : () -> ()
        %scan3A_250 = arith.constant 0 : i32
        %scan3A_251 = arith.constant 0 : i32
        %scan3A_252 = arith.constant 640 : i32
        %scan3A_253 = arith.addi %scan3A_251, %scan3A_252 : i32
        %scan3A_254 = arith.constant 1 : i32
        scf.for %scan3A_257 = %scan3A_251 to %scan3A_253 step %scan3A_254  : i32 {
          %get3A = arith.index_cast %scan3A_257 : i32 to index
          %get3A_258 = arith.constant 0 : index
          %get3A_259 = tpu.vector_load %arg17[%get3A, %get3A_258] {strides = array<i32>} : memref<640x16xf32, #tpu.memory_space<vmem>>, vector<16xf32>,
          %get3A_260 = arith.index_cast %scan3A_257 : i32 to index
          %get3A_261 = arith.constant 0 : index
          %get3A_262 = tpu.vector_load %arg13[%get3A_260, %get3A_261] {strides = array<i32>} : memref<4096x16xf32, #tpu.memory_space<vmem>>, vector<16xf32>,
          %get3A_263 = arith.index_cast %scan3A_257 : i32 to index
          %get3A_264 = arith.constant 0 : index
          %get3A_265 = tpu.vector_load %arg15[%get3A_263, %get3A_264] {strides = array<i32>} : memref<640x16xf32, #tpu.memory_space<vmem>>, vector<16xf32>,
          %mul3A_266 = arith.mulf %get3A_259, %get3A_265 : vector<16xf32>
          %add3A = arith.addf %get3A_262, %mul3A_266 : vector<16xf32>
          %mul3A_267 = arith.mulf %get3A_259, %add3A : vector<16xf32>
          %mul3A_268 = arith.constant 0.899999976 : f32
          %mul3A_269 = vector.broadcast %mul3A_268 : f32 to vector<16xf32>
          %mul3A_270 = arith.mulf %mul3A_269, %mul3A_267 : vector<16xf32>
          %get3A_271 = arith.index_cast %scan3A_257 : i32 to index
          %get3A_272 = arith.constant 0 : index
          %get3A_273 = tpu.vector_load %arg16[%get3A_271, %get3A_272] {strides = array<i32>} : memref<640x16xf32, #tpu.memory_space<vmem>>, vector<16xf32>,
          %add3A_274 = arith.addf %mul3A_270, %get3A_273 : vector<16xf32>
          %swap3A = arith.index_cast %scan3A_257 : i32 to index
          %swap3A_275 = arith.constant 0 : index
          %swap3A_276 = tpu.vector_load %arg15[%swap3A, %swap3A_275] {strides = array<i32>} : memref<640x16xf32, #tpu.memory_space<vmem>>, vector<16xf32>,
          tpu.vector_store %arg15[%swap3A, %swap3A_275], %add3A_274 {strides = array<i32>} : memref<640x16xf32, #tpu.memory_space<vmem>>, vector<16xf32>,
          %mul3A_277 = arith.mulf %get3A_259, %add3A_274 : vector<16xf32>
          %add3A_278 = arith.constant 1024 : i32
          %add3A_279 = arith.addi %add3A_278, %scan3A_257 : i32
          %swap3A_280 = arith.index_cast %add3A_279 : i32 to index
          %swap3A_281 = arith.constant 0 : index
          %swap3A_282 = tpu.vector_load %arg13[%swap3A_280, %swap3A_281] {strides = array<i32>} : memref<4096x16xf32, #tpu.memory_space<vmem>>, vector<16xf32>,
          tpu.vector_store %arg13[%swap3A_280, %swap3A_281], %mul3A_277 {strides = array<i32>} : memref<4096x16xf32, #tpu.memory_space<vmem>>, vector<16xf32>,
        }
        %scan3A_255 = arith.constant 640 : i32
        "tpu.region"() ({
          %run_scoped3A = tpu.sem_alloc : memref<!tpu.dma_semaphore, #tpu.memory_space<semaphore_mem>>
          %dma_start3A_257 = arith.constant 1024 : i32
          %dma_start3A_258 = arith.constant 0 : i32
          %dma_start3A_259 = tpu.memref_slice %arg13[%dma_start3A_257, %dma_start3A_258] : memref<4096x16xf32, #tpu.memory_space<vmem>> -> memref<640x16xf32, #tpu.memory_space<vmem>>
          %dma_start3A_260 = arith.constant 0 : i32
          %dma_start3A_261 = tpu.memref_slice %arg10[%mul3A_2, %dma_start3A_260] : memref<10240x16xf32, #tpu.memory_space<vmem_shared>> -> memref<640x16xf32, #tpu.memory_space<vmem_shared>>
          %dma_start3A_262 = arith.constant 0 : i32
          %dma_start3A_263 = tpu.memref_slice %arg10[%mul3A_2, %dma_start3A_262] : memref<10240x16xf32, #tpu.memory_space<vmem_shared>> -> memref<640x16xf32, #tpu.memory_space<vmem_shared>>
          %dma_start3A_264 = arith.constant 1024 : i32
          %dma_start3A_265 = arith.constant 0 : i32
          %dma_start3A_266 = tpu.memref_slice %arg13[%dma_start3A_264, %dma_start3A_265] : memref<4096x16xf32, #tpu.memory_space<vmem>> -> memref<640x16xf32, #tpu.memory_space<vmem>>
          tpu.enqueue_dma source(%dma_start3A_266 : memref<640x16xf32, #tpu.memory_space<vmem>>) target(%dma_start3A_263 : memref<640x16xf32, #tpu.memory_space<vmem_shared>>) target_semaphore(%run_scoped3A : memref<!tpu.dma_semaphore, #tpu.memory_space<semaphore_mem>>)
          %dma_wait3A_267 = arith.constant 1024 : i32
          %dma_wait3A_268 = arith.constant 0 : i32
          %dma_wait3A_269 = tpu.memref_slice %arg13[%dma_wait3A_267, %dma_wait3A_268] : memref<4096x16xf32, #tpu.memory_space<vmem>> -> memref<640x16xf32, #tpu.memory_space<vmem>>
          %dma_wait3A_270 = arith.constant 0 : i32
          %dma_wait3A_271 = tpu.memref_slice %arg10[%mul3A_2, %dma_wait3A_270] : memref<10240x16xf32, #tpu.memory_space<vmem_shared>> -> memref<640x16xf32, #tpu.memory_space<vmem_shared>>
          %dma_wait3A_272 = arith.constant 0 : i32
          %dma_wait3A_273 = tpu.memref_slice %arg10[%mul3A_2, %dma_wait3A_272] : memref<10240x16xf32, #tpu.memory_space<vmem_shared>> -> memref<640x16xf32, #tpu.memory_space<vmem_shared>>
          %dma_wait3A_274 = arith.constant 1024 : i32
          %dma_wait3A_275 = arith.constant 0 : i32
          %dma_wait3A_276 = tpu.memref_slice %arg13[%dma_wait3A_274, %dma_wait3A_275] : memref<4096x16xf32, #tpu.memory_space<vmem>> -> memref<640x16xf32, #tpu.memory_space<vmem>>
          tpu.wait_dma2 semaphore(%run_scoped3A : memref<!tpu.dma_semaphore, #tpu.memory_space<semaphore_mem>>) src(%dma_wait3A_276 : memref<640x16xf32, #tpu.memory_space<vmem>>) dst(%dma_wait3A_273 : memref<640x16xf32, #tpu.memory_space<vmem_shared>>)
          tpu.yield
        }) : () -> ()
        %barrier3A_256 = arith.constant 0 : index
        tpu.barrier barrier_id(%barrier3A_256)
      }
      %scan3A_29 = arith.constant 10 : i32
      "tpu.region"() ({
        %run_scoped3A = tpu.sem_alloc : memref<!tpu.dma_semaphore, #tpu.memory_space<semaphore_mem>>
        %dma_start3A = arith.constant 0 : i32
        %dma_start3A_30 = tpu.memref_slice %arg8[%mul3A_2, %dma_start3A] : memref<10240x16xf32, #tpu.memory_space<hbm>> -> memref<640x16xf32, #tpu.memory_space<hbm>>
        %dma_start3A_31 = arith.constant 0 : i32
        %dma_start3A_32 = tpu.memref_slice %arg8[%mul3A_2, %dma_start3A_31] : memref<10240x16xf32, #tpu.memory_space<hbm>> -> memref<640x16xf32, #tpu.memory_space<hbm>>
        tpu.enqueue_dma source(%arg15 : memref<640x16xf32, #tpu.memory_space<vmem>>) target(%dma_start3A_32 : memref<640x16xf32, #tpu.memory_space<hbm>>) target_semaphore(%run_scoped3A : memref<!tpu.dma_semaphore, #tpu.memory_space<semaphore_mem>>)
        %dma_wait3A = arith.constant 0 : i32
        %dma_wait3A_33 = tpu.memref_slice %arg8[%mul3A_2, %dma_wait3A] : memref<10240x16xf32, #tpu.memory_space<hbm>> -> memref<640x16xf32, #tpu.memory_space<hbm>>
        %dma_wait3A_34 = arith.constant 0 : i32
        %dma_wait3A_35 = tpu.memref_slice %arg8[%mul3A_2, %dma_wait3A_34] : memref<10240x16xf32, #tpu.memory_space<hbm>> -> memref<640x16xf32, #tpu.memory_space<hbm>>
        tpu.wait_dma2 semaphore(%run_scoped3A : memref<!tpu.dma_semaphore, #tpu.memory_space<semaphore_mem>>) src(%arg15 : memref<640x16xf32, #tpu.memory_space<vmem>>) dst(%dma_wait3A_35 : memref<640x16xf32, #tpu.memory_space<hbm>>)
        tpu.yield
      }) : () -> ()
    } else {
    }
    return
  }
}

#map = affine_map<(d0, d1) -> (0, 0)>
#map1 = affine_map<(d0, d1) -> (0, 0, 0)>
module attributes {stable_mosaic.version = 14 : i64} {
  func.func @_spmm2(%arg0: i32, %arg1: i32, %arg2: memref<10240x128xi32, #tpu.memory_space<hbm>>, %arg3: memref<10240x128xi32, #tpu.memory_space<hbm>>, %arg4: memref<40000x16xf32, #tpu.memory_space<hbm>>, %arg5: memref<10240x16xf32, #tpu.memory_space<hbm>>, %arg6: memref<2x40960x16xf32, #tpu.memory_space<hbm>>, %arg7: memref<40960x16xf32, #tpu.memory_space<vmem_shared>>, %arg8: memref<16x128xi32, #tpu.memory_space<vmem>>, %arg9: memref<16x128xi32, #tpu.memory_space<vmem>>, %arg10: memref<2048x16xf32, #tpu.memory_space<vmem>>, %arg11: memref<!tpu.dma_semaphore, #tpu.memory_space<semaphore_mem>>, %arg12: memref<!tpu.dma_semaphore, #tpu.memory_space<semaphore_mem>>, %arg13: memref<!tpu.dma_semaphore, #tpu.memory_space<semaphore_mem>>) attributes {dimension_semantics = [#tpu.dimension_semantics<core_parallel>, #tpu.dimension_semantics<subcore_parallel>], iteration_bounds = array<i64: 2, 16>, scalar_prefetch = 0 : i64, scratch_operands = 7 : i64, tpu.core_type = #tpu.core_type<sc_vector_subcore>, window_params = [{transform_indices = #map}, {transform_indices = #map}, {transform_indices = #map}, {transform_indices = #map}, {transform_indices = #map1}]} {
    %mul3A = arith.constant 2 : i32
    %mul3A_0 = arith.muli %arg1, %mul3A : i32
    %add3A = arith.addi %mul3A_0, %arg0 : i32
    %mul3A_1 = arith.constant 2560 : i32
    %mul3A_2 = arith.muli %arg1, %mul3A_1 : i32
    %add3A_3 = arith.constant 0 : i32
    %add3A_4 = arith.addi %mul3A_2, %add3A_3 : i32
    "tpu.region"() ({
      %run_scoped3A = tpu.sem_alloc : memref<!tpu.dma_semaphore, #tpu.memory_space<semaphore_mem>>
      %dma_start3A_133 = arith.constant 0 : i32
      %dma_start3A_134 = tpu.memref_slice %arg7[%add3A_4, %dma_start3A_133] : memref<40960x16xf32, #tpu.memory_space<vmem_shared>> -> memref<640x16xf32, #tpu.memory_space<vmem_shared>>
      %dma_start3A_135 = arith.constant 0 : i32
      %dma_start3A_136 = arith.constant 0 : i32
      %dma_start3A_137 = tpu.memref_slice %arg5[%dma_start3A_135, %dma_start3A_136] : memref<10240x16xf32, #tpu.memory_space<hbm>> -> memref<640x16xf32, #tpu.memory_space<hbm>>
      tpu.enqueue_dma source(%dma_start3A_137 : memref<640x16xf32, #tpu.memory_space<hbm>>) target(%dma_start3A_134 : memref<640x16xf32, #tpu.memory_space<vmem_shared>>) target_semaphore(%run_scoped3A : memref<!tpu.dma_semaphore, #tpu.memory_space<semaphore_mem>>)
      %dma_wait3A_138 = arith.constant 0 : i32
      %dma_wait3A_139 = tpu.memref_slice %arg7[%add3A_4, %dma_wait3A_138] : memref<40960x16xf32, #tpu.memory_space<vmem_shared>> -> memref<640x16xf32, #tpu.memory_space<vmem_shared>>
      %dma_wait3A_140 = arith.constant 0 : i32
      %dma_wait3A_141 = arith.constant 0 : i32
      %dma_wait3A_142 = tpu.memref_slice %arg5[%dma_wait3A_140, %dma_wait3A_141] : memref<10240x16xf32, #tpu.memory_space<hbm>> -> memref<640x16xf32, #tpu.memory_space<hbm>>
      tpu.wait_dma2 semaphore(%run_scoped3A : memref<!tpu.dma_semaphore, #tpu.memory_space<semaphore_mem>>) src(%dma_wait3A_142 : memref<640x16xf32, #tpu.memory_space<hbm>>) dst(%dma_wait3A_139 : memref<640x16xf32, #tpu.memory_space<vmem_shared>>)
      tpu.yield
    }) : () -> ()
    %add3A_5 = arith.constant 640 : i32
    %add3A_6 = arith.addi %mul3A_2, %add3A_5 : i32
    "tpu.region"() ({
      %run_scoped3A = tpu.sem_alloc : memref<!tpu.dma_semaphore, #tpu.memory_space<semaphore_mem>>
      %dma_start3A_133 = arith.constant 0 : i32
      %dma_start3A_134 = tpu.memref_slice %arg7[%add3A_6, %dma_start3A_133] : memref<40960x16xf32, #tpu.memory_space<vmem_shared>> -> memref<640x16xf32, #tpu.memory_space<vmem_shared>>
      %dma_start3A_135 = arith.constant 0 : i32
      %dma_start3A_136 = arith.constant 0 : i32
      %dma_start3A_137 = tpu.memref_slice %arg5[%dma_start3A_135, %dma_start3A_136] : memref<10240x16xf32, #tpu.memory_space<hbm>> -> memref<640x16xf32, #tpu.memory_space<hbm>>
      tpu.enqueue_dma source(%dma_start3A_137 : memref<640x16xf32, #tpu.memory_space<hbm>>) target(%dma_start3A_134 : memref<640x16xf32, #tpu.memory_space<vmem_shared>>) target_semaphore(%run_scoped3A : memref<!tpu.dma_semaphore, #tpu.memory_space<semaphore_mem>>)
      %dma_wait3A_138 = arith.constant 0 : i32
      %dma_wait3A_139 = tpu.memref_slice %arg7[%add3A_6, %dma_wait3A_138] : memref<40960x16xf32, #tpu.memory_space<vmem_shared>> -> memref<640x16xf32, #tpu.memory_space<vmem_shared>>
      %dma_wait3A_140 = arith.constant 0 : i32
      %dma_wait3A_141 = arith.constant 0 : i32
      %dma_wait3A_142 = tpu.memref_slice %arg5[%dma_wait3A_140, %dma_wait3A_141] : memref<10240x16xf32, #tpu.memory_space<hbm>> -> memref<640x16xf32, #tpu.memory_space<hbm>>
      tpu.wait_dma2 semaphore(%run_scoped3A : memref<!tpu.dma_semaphore, #tpu.memory_space<semaphore_mem>>) src(%dma_wait3A_142 : memref<640x16xf32, #tpu.memory_space<hbm>>) dst(%dma_wait3A_139 : memref<640x16xf32, #tpu.memory_space<vmem_shared>>)
      tpu.yield
    }) : () -> ()
    %add3A_7 = arith.constant 1280 : i32
    %add3A_8 = arith.addi %mul3A_2, %add3A_7 : i32
    "tpu.region"() ({
      %run_scoped3A = tpu.sem_alloc : memref<!tpu.dma_semaphore, #tpu.memory_space<semaphore_mem>>
      %dma_start3A_133 = arith.constant 0 : i32
      %dma_start3A_134 = tpu.memref_slice %arg7[%add3A_8, %dma_start3A_133] : memref<40960x16xf32, #tpu.memory_space<vmem_shared>> -> memref<640x16xf32, #tpu.memory_space<vmem_shared>>
      %dma_start3A_135 = arith.constant 0 : i32
      %dma_start3A_136 = arith.constant 0 : i32
      %dma_start3A_137 = tpu.memref_slice %arg5[%dma_start3A_135, %dma_start3A_136] : memref<10240x16xf32, #tpu.memory_space<hbm>> -> memref<640x16xf32, #tpu.memory_space<hbm>>
      tpu.enqueue_dma source(%dma_start3A_137 : memref<640x16xf32, #tpu.memory_space<hbm>>) target(%dma_start3A_134 : memref<640x16xf32, #tpu.memory_space<vmem_shared>>) target_semaphore(%run_scoped3A : memref<!tpu.dma_semaphore, #tpu.memory_space<semaphore_mem>>)
      %dma_wait3A_138 = arith.constant 0 : i32
      %dma_wait3A_139 = tpu.memref_slice %arg7[%add3A_8, %dma_wait3A_138] : memref<40960x16xf32, #tpu.memory_space<vmem_shared>> -> memref<640x16xf32, #tpu.memory_space<vmem_shared>>
      %dma_wait3A_140 = arith.constant 0 : i32
      %dma_wait3A_141 = arith.constant 0 : i32
      %dma_wait3A_142 = tpu.memref_slice %arg5[%dma_wait3A_140, %dma_wait3A_141] : memref<10240x16xf32, #tpu.memory_space<hbm>> -> memref<640x16xf32, #tpu.memory_space<hbm>>
      tpu.wait_dma2 semaphore(%run_scoped3A : memref<!tpu.dma_semaphore, #tpu.memory_space<semaphore_mem>>) src(%dma_wait3A_142 : memref<640x16xf32, #tpu.memory_space<hbm>>) dst(%dma_wait3A_139 : memref<640x16xf32, #tpu.memory_space<vmem_shared>>)
      tpu.yield
    }) : () -> ()
    %add3A_9 = arith.constant 1920 : i32
    %add3A_10 = arith.addi %mul3A_2, %add3A_9 : i32
    "tpu.region"() ({
      %run_scoped3A = tpu.sem_alloc : memref<!tpu.dma_semaphore, #tpu.memory_space<semaphore_mem>>
      %dma_start3A_133 = arith.constant 0 : i32
      %dma_start3A_134 = tpu.memref_slice %arg7[%add3A_10, %dma_start3A_133] : memref<40960x16xf32, #tpu.memory_space<vmem_shared>> -> memref<640x16xf32, #tpu.memory_space<vmem_shared>>
      %dma_start3A_135 = arith.constant 0 : i32
      %dma_start3A_136 = arith.constant 0 : i32
      %dma_start3A_137 = tpu.memref_slice %arg5[%dma_start3A_135, %dma_start3A_136] : memref<10240x16xf32, #tpu.memory_space<hbm>> -> memref<640x16xf32, #tpu.memory_space<hbm>>
      tpu.enqueue_dma source(%dma_start3A_137 : memref<640x16xf32, #tpu.memory_space<hbm>>) target(%dma_start3A_134 : memref<640x16xf32, #tpu.memory_space<vmem_shared>>) target_semaphore(%run_scoped3A : memref<!tpu.dma_semaphore, #tpu.memory_space<semaphore_mem>>)
      %dma_wait3A_138 = arith.constant 0 : i32
      %dma_wait3A_139 = tpu.memref_slice %arg7[%add3A_10, %dma_wait3A_138] : memref<40960x16xf32, #tpu.memory_space<vmem_shared>> -> memref<640x16xf32, #tpu.memory_space<vmem_shared>>
      %dma_wait3A_140 = arith.constant 0 : i32
      %dma_wait3A_141 = arith.constant 0 : i32
      %dma_wait3A_142 = tpu.memref_slice %arg5[%dma_wait3A_140, %dma_wait3A_141] : memref<10240x16xf32, #tpu.memory_space<hbm>> -> memref<640x16xf32, #tpu.memory_space<hbm>>
      tpu.wait_dma2 semaphore(%run_scoped3A : memref<!tpu.dma_semaphore, #tpu.memory_space<semaphore_mem>>) src(%dma_wait3A_142 : memref<640x16xf32, #tpu.memory_space<hbm>>) dst(%dma_wait3A_139 : memref<640x16xf32, #tpu.memory_space<vmem_shared>>)
      tpu.yield
    }) : () -> ()
    %barrier3A = arith.constant 0 : index
    tpu.barrier barrier_id(%barrier3A)
    %mul3A_11 = arith.constant 320 : i32
    %mul3A_12 = arith.muli %add3A, %mul3A_11 : i32
    %dma_start3A = arith.constant 0 : i32
    %dma_start3A_13 = arith.constant 0 : i32
    %dma_start3A_14 = tpu.memref_slice %arg8[%dma_start3A, %dma_start3A_13] : memref<16x128xi32, #tpu.memory_space<vmem>> -> memref<8x128xi32, #tpu.memory_space<vmem>>
    %dma_start3A_15 = arith.constant 0 : i32
    %dma_start3A_16 = tpu.memref_slice %arg3[%mul3A_12, %dma_start3A_15] : memref<10240x128xi32, #tpu.memory_space<hbm>> -> memref<8x128xi32, #tpu.memory_space<hbm>>
    %dma_start3A_17 = arith.constant 0 : i32
    %dma_start3A_18 = arith.constant 0 : i32
    %dma_start3A_19 = tpu.memref_slice %arg8[%dma_start3A_17, %dma_start3A_18] : memref<16x128xi32, #tpu.memory_space<vmem>> -> memref<8x128xi32, #tpu.memory_space<vmem>>
    %dma_start3A_20 = arith.constant 0 : i32
    %dma_start3A_21 = tpu.memref_slice %arg3[%mul3A_12, %dma_start3A_20] : memref<10240x128xi32, #tpu.memory_space<hbm>> -> memref<8x128xi32, #tpu.memory_space<hbm>>
    tpu.enqueue_dma source(%dma_start3A_21 : memref<8x128xi32, #tpu.memory_space<hbm>>) target(%dma_start3A_19 : memref<8x128xi32, #tpu.memory_space<vmem>>) target_semaphore(%arg13 : memref<!tpu.dma_semaphore, #tpu.memory_space<semaphore_mem>>)
    %dma_start3A_22 = arith.constant 0 : i32
    %dma_start3A_23 = arith.constant 0 : i32
    %dma_start3A_24 = tpu.memref_slice %arg9[%dma_start3A_22, %dma_start3A_23] : memref<16x128xi32, #tpu.memory_space<vmem>> -> memref<8x128xi32, #tpu.memory_space<vmem>>
    %dma_start3A_25 = arith.constant 0 : i32
    %dma_start3A_26 = tpu.memref_slice %arg2[%mul3A_12, %dma_start3A_25] : memref<10240x128xi32, #tpu.memory_space<hbm>> -> memref<8x128xi32, #tpu.memory_space<hbm>>
    %dma_start3A_27 = arith.constant 0 : i32
    %dma_start3A_28 = arith.constant 0 : i32
    %dma_start3A_29 = tpu.memref_slice %arg9[%dma_start3A_27, %dma_start3A_28] : memref<16x128xi32, #tpu.memory_space<vmem>> -> memref<8x128xi32, #tpu.memory_space<vmem>>
    %dma_start3A_30 = arith.constant 0 : i32
    %dma_start3A_31 = tpu.memref_slice %arg2[%mul3A_12, %dma_start3A_30] : memref<10240x128xi32, #tpu.memory_space<hbm>> -> memref<8x128xi32, #tpu.memory_space<hbm>>
    tpu.enqueue_dma source(%dma_start3A_31 : memref<8x128xi32, #tpu.memory_space<hbm>>) target(%dma_start3A_29 : memref<8x128xi32, #tpu.memory_space<vmem>>) target_semaphore(%arg13 : memref<!tpu.dma_semaphore, #tpu.memory_space<semaphore_mem>>)
    %scan3A = arith.constant 0 : i32
    %scan3A_32 = arith.constant 0 : i32
    %scan3A_33 = arith.constant 40 : i32
    %scan3A_34 = arith.addi %scan3A_32, %scan3A_33 : i32
    %scan3A_35 = arith.constant 1 : i32
    scf.for %scan3A_133 = %scan3A_32 to %scan3A_34 step %scan3A_35  : i32 {
      %rem3A = arith.constant 2 : i32
      %rem3A_134 = arith.remsi %scan3A_133, %rem3A : i32
      %mul3A_135 = arith.constant 8 : i32
      %mul3A_136 = arith.muli %rem3A_134, %mul3A_135 : i32
      %mul3A_137 = arith.constant 8 : i32
      %mul3A_138 = arith.muli %scan3A_133, %mul3A_137 : i32
      %add3A_139 = arith.addi %mul3A_12, %mul3A_138 : i32
      %dma_wait3A_140 = arith.constant 0 : i32
      %dma_wait3A_141 = arith.constant 0 : i32
      %dma_wait3A_142 = tpu.memref_slice %arg8[%dma_wait3A_140, %dma_wait3A_141] : memref<16x128xi32, #tpu.memory_space<vmem>> -> memref<8x128xi32, #tpu.memory_space<vmem>>
      %dma_wait3A_143 = arith.constant 0 : i32
      %dma_wait3A_144 = arith.constant 0 : i32
      %dma_wait3A_145 = tpu.memref_slice %arg2[%dma_wait3A_143, %dma_wait3A_144] : memref<10240x128xi32, #tpu.memory_space<hbm>> -> memref<8x128xi32, #tpu.memory_space<hbm>>
      %dma_wait3A_146 = arith.constant 0 : i32
      %dma_wait3A_147 = arith.constant 0 : i32
      %dma_wait3A_148 = tpu.memref_slice %arg8[%dma_wait3A_146, %dma_wait3A_147] : memref<16x128xi32, #tpu.memory_space<vmem>> -> memref<8x128xi32, #tpu.memory_space<vmem>>
      %dma_wait3A_149 = arith.constant 0 : i32
      %dma_wait3A_150 = arith.constant 0 : i32
      %dma_wait3A_151 = tpu.memref_slice %arg2[%dma_wait3A_149, %dma_wait3A_150] : memref<10240x128xi32, #tpu.memory_space<hbm>> -> memref<8x128xi32, #tpu.memory_space<hbm>>
      tpu.wait_dma2 semaphore(%arg13 : memref<!tpu.dma_semaphore, #tpu.memory_space<semaphore_mem>>) src(%dma_wait3A_151 : memref<8x128xi32, #tpu.memory_space<hbm>>) dst(%dma_wait3A_148 : memref<8x128xi32, #tpu.memory_space<vmem>>)
      %dma_wait3A_152 = arith.constant 0 : i32
      %dma_wait3A_153 = arith.constant 0 : i32
      %dma_wait3A_154 = tpu.memref_slice %arg8[%dma_wait3A_152, %dma_wait3A_153] : memref<16x128xi32, #tpu.memory_space<vmem>> -> memref<8x128xi32, #tpu.memory_space<vmem>>
      %dma_wait3A_155 = arith.constant 0 : i32
      %dma_wait3A_156 = arith.constant 0 : i32
      %dma_wait3A_157 = tpu.memref_slice %arg2[%dma_wait3A_155, %dma_wait3A_156] : memref<10240x128xi32, #tpu.memory_space<hbm>> -> memref<8x128xi32, #tpu.memory_space<hbm>>
      %dma_wait3A_158 = arith.constant 0 : i32
      %dma_wait3A_159 = arith.constant 0 : i32
      %dma_wait3A_160 = tpu.memref_slice %arg8[%dma_wait3A_158, %dma_wait3A_159] : memref<16x128xi32, #tpu.memory_space<vmem>> -> memref<8x128xi32, #tpu.memory_space<vmem>>
      %dma_wait3A_161 = arith.constant 0 : i32
      %dma_wait3A_162 = arith.constant 0 : i32
      %dma_wait3A_163 = tpu.memref_slice %arg2[%dma_wait3A_161, %dma_wait3A_162] : memref<10240x128xi32, #tpu.memory_space<hbm>> -> memref<8x128xi32, #tpu.memory_space<hbm>>
      tpu.wait_dma2 semaphore(%arg13 : memref<!tpu.dma_semaphore, #tpu.memory_space<semaphore_mem>>) src(%dma_wait3A_163 : memref<8x128xi32, #tpu.memory_space<hbm>>) dst(%dma_wait3A_160 : memref<8x128xi32, #tpu.memory_space<vmem>>)
      %add3A_164 = arith.constant 0 : i32
      %add3A_165 = arith.addi %mul3A_136, %add3A_164 : i32
      %add3A_166 = arith.constant 0 : i32
      %add3A_167 = arith.addi %mul3A_136, %add3A_166 : i32
      %mul3A_168 = arith.constant 128 : i32
      %mul3A_169 = arith.muli %add3A_167, %mul3A_168 : i32
      %dma_start3A_170 = arith.constant 0 : i32
      %dma_start3A_171 = tpu.memref_slice %arg10[%mul3A_169, %dma_start3A_170] : memref<2048x16xf32, #tpu.memory_space<vmem>> -> memref<128x16xf32, #tpu.memory_space<vmem>>
      %dma_start3A_172 = arith.constant 0 : i32
      %dma_start3A_173 = tpu.memref_slice %arg8[%add3A_165, %dma_start3A_172] : memref<16x128xi32, #tpu.memory_space<vmem>> -> memref<1x128xi32, #tpu.memory_space<vmem>>
      %dma_start3A_174 = tpu.memref_squeeze %dma_start3A_173 : memref<1x128xi32, #tpu.memory_space<vmem>> -> memref<128xi32, #tpu.memory_space<vmem>>
      %dma_start3A_175 = arith.constant 0 : i32
      %dma_start3A_176 = arith.constant 0 : i32
      %dma_start3A_177 = tpu.memref_slice %arg4[%dma_start3A_175, %dma_start3A_176] : memref<40000x16xf32, #tpu.memory_space<hbm>> -> memref<40000x16xf32, #tpu.memory_space<hbm>>
      tpu.enqueue_indirect_dma source(%dma_start3A_177 : memref<40000x16xf32, #tpu.memory_space<hbm>>) target(%dma_start3A_171 : memref<128x16xf32, #tpu.memory_space<vmem>>) offsets(%dma_start3A_174 : memref<128xi32, #tpu.memory_space<vmem>>) semaphore(%arg11 : memref<!tpu.dma_semaphore, #tpu.memory_space<semaphore_mem>>)
      %add3A_178 = arith.constant 1 : i32
      %add3A_179 = arith.addi %mul3A_136, %add3A_178 : i32
      %add3A_180 = arith.constant 1 : i32
      %add3A_181 = arith.addi %mul3A_136, %add3A_180 : i32
      %mul3A_182 = arith.constant 128 : i32
      %mul3A_183 = arith.muli %add3A_181, %mul3A_182 : i32
      %dma_start3A_184 = arith.constant 0 : i32
      %dma_start3A_185 = tpu.memref_slice %arg10[%mul3A_183, %dma_start3A_184] : memref<2048x16xf32, #tpu.memory_space<vmem>> -> memref<128x16xf32, #tpu.memory_space<vmem>>
      %dma_start3A_186 = arith.constant 0 : i32
      %dma_start3A_187 = tpu.memref_slice %arg8[%add3A_179, %dma_start3A_186] : memref<16x128xi32, #tpu.memory_space<vmem>> -> memref<1x128xi32, #tpu.memory_space<vmem>>
      %dma_start3A_188 = tpu.memref_squeeze %dma_start3A_187 : memref<1x128xi32, #tpu.memory_space<vmem>> -> memref<128xi32, #tpu.memory_space<vmem>>
      %dma_start3A_189 = arith.constant 0 : i32
      %dma_start3A_190 = arith.constant 0 : i32
      %dma_start3A_191 = tpu.memref_slice %arg4[%dma_start3A_189, %dma_start3A_190] : memref<40000x16xf32, #tpu.memory_space<hbm>> -> memref<40000x16xf32, #tpu.memory_space<hbm>>
      tpu.enqueue_indirect_dma source(%dma_start3A_191 : memref<40000x16xf32, #tpu.memory_space<hbm>>) target(%dma_start3A_185 : memref<128x16xf32, #tpu.memory_space<vmem>>) offsets(%dma_start3A_188 : memref<128xi32, #tpu.memory_space<vmem>>) semaphore(%arg11 : memref<!tpu.dma_semaphore, #tpu.memory_space<semaphore_mem>>)
      %add3A_192 = arith.constant 2 : i32
      %add3A_193 = arith.addi %mul3A_136, %add3A_192 : i32
      %add3A_194 = arith.constant 2 : i32
      %add3A_195 = arith.addi %mul3A_136, %add3A_194 : i32
      %mul3A_196 = arith.constant 128 : i32
      %mul3A_197 = arith.muli %add3A_195, %mul3A_196 : i32
      %dma_start3A_198 = arith.constant 0 : i32
      %dma_start3A_199 = tpu.memref_slice %arg10[%mul3A_197, %dma_start3A_198] : memref<2048x16xf32, #tpu.memory_space<vmem>> -> memref<128x16xf32, #tpu.memory_space<vmem>>
      %dma_start3A_200 = arith.constant 0 : i32
      %dma_start3A_201 = tpu.memref_slice %arg8[%add3A_193, %dma_start3A_200] : memref<16x128xi32, #tpu.memory_space<vmem>> -> memref<1x128xi32, #tpu.memory_space<vmem>>
      %dma_start3A_202 = tpu.memref_squeeze %dma_start3A_201 : memref<1x128xi32, #tpu.memory_space<vmem>> -> memref<128xi32, #tpu.memory_space<vmem>>
      %dma_start3A_203 = arith.constant 0 : i32
      %dma_start3A_204 = arith.constant 0 : i32
      %dma_start3A_205 = tpu.memref_slice %arg4[%dma_start3A_203, %dma_start3A_204] : memref<40000x16xf32, #tpu.memory_space<hbm>> -> memref<40000x16xf32, #tpu.memory_space<hbm>>
      tpu.enqueue_indirect_dma source(%dma_start3A_205 : memref<40000x16xf32, #tpu.memory_space<hbm>>) target(%dma_start3A_199 : memref<128x16xf32, #tpu.memory_space<vmem>>) offsets(%dma_start3A_202 : memref<128xi32, #tpu.memory_space<vmem>>) semaphore(%arg11 : memref<!tpu.dma_semaphore, #tpu.memory_space<semaphore_mem>>)
      %add3A_206 = arith.constant 3 : i32
      %add3A_207 = arith.addi %mul3A_136, %add3A_206 : i32
      %add3A_208 = arith.constant 3 : i32
      %add3A_209 = arith.addi %mul3A_136, %add3A_208 : i32
      %mul3A_210 = arith.constant 128 : i32
      %mul3A_211 = arith.muli %add3A_209, %mul3A_210 : i32
      %dma_start3A_212 = arith.constant 0 : i32
      %dma_start3A_213 = tpu.memref_slice %arg10[%mul3A_211, %dma_start3A_212] : memref<2048x16xf32, #tpu.memory_space<vmem>> -> memref<128x16xf32, #tpu.memory_space<vmem>>
      %dma_start3A_214 = arith.constant 0 : i32
      %dma_start3A_215 = tpu.memref_slice %arg8[%add3A_207, %dma_start3A_214] : memref<16x128xi32, #tpu.memory_space<vmem>> -> memref<1x128xi32, #tpu.memory_space<vmem>>
      %dma_start3A_216 = tpu.memref_squeeze %dma_start3A_215 : memref<1x128xi32, #tpu.memory_space<vmem>> -> memref<128xi32, #tpu.memory_space<vmem>>
      %dma_start3A_217 = arith.constant 0 : i32
      %dma_start3A_218 = arith.constant 0 : i32
      %dma_start3A_219 = tpu.memref_slice %arg4[%dma_start3A_217, %dma_start3A_218] : memref<40000x16xf32, #tpu.memory_space<hbm>> -> memref<40000x16xf32, #tpu.memory_space<hbm>>
      tpu.enqueue_indirect_dma source(%dma_start3A_219 : memref<40000x16xf32, #tpu.memory_space<hbm>>) target(%dma_start3A_213 : memref<128x16xf32, #tpu.memory_space<vmem>>) offsets(%dma_start3A_216 : memref<128xi32, #tpu.memory_space<vmem>>) semaphore(%arg11 : memref<!tpu.dma_semaphore, #tpu.memory_space<semaphore_mem>>)
      %add3A_220 = arith.constant 4 : i32
      %add3A_221 = arith.addi %mul3A_136, %add3A_220 : i32
      %add3A_222 = arith.constant 4 : i32
      %add3A_223 = arith.addi %mul3A_136, %add3A_222 : i32
      %mul3A_224 = arith.constant 128 : i32
      %mul3A_225 = arith.muli %add3A_223, %mul3A_224 : i32
      %dma_start3A_226 = arith.constant 0 : i32
      %dma_start3A_227 = tpu.memref_slice %arg10[%mul3A_225, %dma_start3A_226] : memref<2048x16xf32, #tpu.memory_space<vmem>> -> memref<128x16xf32, #tpu.memory_space<vmem>>
      %dma_start3A_228 = arith.constant 0 : i32
      %dma_start3A_229 = tpu.memref_slice %arg8[%add3A_221, %dma_start3A_228] : memref<16x128xi32, #tpu.memory_space<vmem>> -> memref<1x128xi32, #tpu.memory_space<vmem>>
      %dma_start3A_230 = tpu.memref_squeeze %dma_start3A_229 : memref<1x128xi32, #tpu.memory_space<vmem>> -> memref<128xi32, #tpu.memory_space<vmem>>
      %dma_start3A_231 = arith.constant 0 : i32
      %dma_start3A_232 = arith.constant 0 : i32
      %dma_start3A_233 = tpu.memref_slice %arg4[%dma_start3A_231, %dma_start3A_232] : memref<40000x16xf32, #tpu.memory_space<hbm>> -> memref<40000x16xf32, #tpu.memory_space<hbm>>
      tpu.enqueue_indirect_dma source(%dma_start3A_233 : memref<40000x16xf32, #tpu.memory_space<hbm>>) target(%dma_start3A_227 : memref<128x16xf32, #tpu.memory_space<vmem>>) offsets(%dma_start3A_230 : memref<128xi32, #tpu.memory_space<vmem>>) semaphore(%arg11 : memref<!tpu.dma_semaphore, #tpu.memory_space<semaphore_mem>>)
      %add3A_234 = arith.constant 5 : i32
      %add3A_235 = arith.addi %mul3A_136, %add3A_234 : i32
      %add3A_236 = arith.constant 5 : i32
      %add3A_237 = arith.addi %mul3A_136, %add3A_236 : i32
      %mul3A_238 = arith.constant 128 : i32
      %mul3A_239 = arith.muli %add3A_237, %mul3A_238 : i32
      %dma_start3A_240 = arith.constant 0 : i32
      %dma_start3A_241 = tpu.memref_slice %arg10[%mul3A_239, %dma_start3A_240] : memref<2048x16xf32, #tpu.memory_space<vmem>> -> memref<128x16xf32, #tpu.memory_space<vmem>>
      %dma_start3A_242 = arith.constant 0 : i32
      %dma_start3A_243 = tpu.memref_slice %arg8[%add3A_235, %dma_start3A_242] : memref<16x128xi32, #tpu.memory_space<vmem>> -> memref<1x128xi32, #tpu.memory_space<vmem>>
      %dma_start3A_244 = tpu.memref_squeeze %dma_start3A_243 : memref<1x128xi32, #tpu.memory_space<vmem>> -> memref<128xi32, #tpu.memory_space<vmem>>
      %dma_start3A_245 = arith.constant 0 : i32
      %dma_start3A_246 = arith.constant 0 : i32
      %dma_start3A_247 = tpu.memref_slice %arg4[%dma_start3A_245, %dma_start3A_246] : memref<40000x16xf32, #tpu.memory_space<hbm>> -> memref<40000x16xf32, #tpu.memory_space<hbm>>
      tpu.enqueue_indirect_dma source(%dma_start3A_247 : memref<40000x16xf32, #tpu.memory_space<hbm>>) target(%dma_start3A_241 : memref<128x16xf32, #tpu.memory_space<vmem>>) offsets(%dma_start3A_244 : memref<128xi32, #tpu.memory_space<vmem>>) semaphore(%arg11 : memref<!tpu.dma_semaphore, #tpu.memory_space<semaphore_mem>>)
      %add3A_248 = arith.constant 6 : i32
      %add3A_249 = arith.addi %mul3A_136, %add3A_248 : i32
      %add3A_250 = arith.constant 6 : i32
      %add3A_251 = arith.addi %mul3A_136, %add3A_250 : i32
      %mul3A_252 = arith.constant 128 : i32
      %mul3A_253 = arith.muli %add3A_251, %mul3A_252 : i32
      %dma_start3A_254 = arith.constant 0 : i32
      %dma_start3A_255 = tpu.memref_slice %arg10[%mul3A_253, %dma_start3A_254] : memref<2048x16xf32, #tpu.memory_space<vmem>> -> memref<128x16xf32, #tpu.memory_space<vmem>>
      %dma_start3A_256 = arith.constant 0 : i32
      %dma_start3A_257 = tpu.memref_slice %arg8[%add3A_249, %dma_start3A_256] : memref<16x128xi32, #tpu.memory_space<vmem>> -> memref<1x128xi32, #tpu.memory_space<vmem>>
      %dma_start3A_258 = tpu.memref_squeeze %dma_start3A_257 : memref<1x128xi32, #tpu.memory_space<vmem>> -> memref<128xi32, #tpu.memory_space<vmem>>
      %dma_start3A_259 = arith.constant 0 : i32
      %dma_start3A_260 = arith.constant 0 : i32
      %dma_start3A_261 = tpu.memref_slice %arg4[%dma_start3A_259, %dma_start3A_260] : memref<40000x16xf32, #tpu.memory_space<hbm>> -> memref<40000x16xf32, #tpu.memory_space<hbm>>
      tpu.enqueue_indirect_dma source(%dma_start3A_261 : memref<40000x16xf32, #tpu.memory_space<hbm>>) target(%dma_start3A_255 : memref<128x16xf32, #tpu.memory_space<vmem>>) offsets(%dma_start3A_258 : memref<128xi32, #tpu.memory_space<vmem>>) semaphore(%arg11 : memref<!tpu.dma_semaphore, #tpu.memory_space<semaphore_mem>>)
      %add3A_262 = arith.constant 7 : i32
      %add3A_263 = arith.addi %mul3A_136, %add3A_262 : i32
      %add3A_264 = arith.constant 7 : i32
      %add3A_265 = arith.addi %mul3A_136, %add3A_264 : i32
      %mul3A_266 = arith.constant 128 : i32
      %mul3A_267 = arith.muli %add3A_265, %mul3A_266 : i32
      %dma_start3A_268 = arith.constant 0 : i32
      %dma_start3A_269 = tpu.memref_slice %arg10[%mul3A_267, %dma_start3A_268] : memref<2048x16xf32, #tpu.memory_space<vmem>> -> memref<128x16xf32, #tpu.memory_space<vmem>>
      %dma_start3A_270 = arith.constant 0 : i32
      %dma_start3A_271 = tpu.memref_slice %arg8[%add3A_263, %dma_start3A_270] : memref<16x128xi32, #tpu.memory_space<vmem>> -> memref<1x128xi32, #tpu.memory_space<vmem>>
      %dma_start3A_272 = tpu.memref_squeeze %dma_start3A_271 : memref<1x128xi32, #tpu.memory_space<vmem>> -> memref<128xi32, #tpu.memory_space<vmem>>
      %dma_start3A_273 = arith.constant 0 : i32
      %dma_start3A_274 = arith.constant 0 : i32
      %dma_start3A_275 = tpu.memref_slice %arg4[%dma_start3A_273, %dma_start3A_274] : memref<40000x16xf32, #tpu.memory_space<hbm>> -> memref<40000x16xf32, #tpu.memory_space<hbm>>
      tpu.enqueue_indirect_dma source(%dma_start3A_275 : memref<40000x16xf32, #tpu.memory_space<hbm>>) target(%dma_start3A_269 : memref<128x16xf32, #tpu.memory_space<vmem>>) offsets(%dma_start3A_272 : memref<128xi32, #tpu.memory_space<vmem>>) semaphore(%arg11 : memref<!tpu.dma_semaphore, #tpu.memory_space<semaphore_mem>>)
      %gt3A = arith.constant 0 : i32
      %gt3A_276 = arith.cmpi sgt, %scan3A_133, %gt3A : i32
      %convert_element_type3A = arith.extui %gt3A_276 : i1 to i32
      %cond3A = arith.constant 0 : i32
      %cond3A_277 = arith.cmpi ne, %convert_element_type3A, %cond3A : i32
      scf.if %cond3A_277 {
        %dma_wait3A_490 = arith.constant 0 : i32
        %dma_wait3A_491 = arith.constant 0 : i32
        %dma_wait3A_492 = tpu.memref_slice %arg10[%dma_wait3A_490, %dma_wait3A_491] : memref<2048x16xf32, #tpu.memory_space<vmem>> -> memref<128x16xf32, #tpu.memory_space<vmem>>
        %dma_wait3A_493 = arith.constant 0 : i32
        %dma_wait3A_494 = arith.constant 0 : i32
        %dma_wait3A_495 = tpu.memref_slice %arg5[%dma_wait3A_493, %dma_wait3A_494] : memref<10240x16xf32, #tpu.memory_space<hbm>> -> memref<128x16xf32, #tpu.memory_space<hbm>>
        %dma_wait3A_496 = arith.constant 0 : i32
        %dma_wait3A_497 = arith.constant 0 : i32
        %dma_wait3A_498 = tpu.memref_slice %arg10[%dma_wait3A_496, %dma_wait3A_497] : memref<2048x16xf32, #tpu.memory_space<vmem>> -> memref<128x16xf32, #tpu.memory_space<vmem>>
        %dma_wait3A_499 = arith.constant 0 : i32
        %dma_wait3A_500 = arith.constant 0 : i32
        %dma_wait3A_501 = tpu.memref_slice %arg5[%dma_wait3A_499, %dma_wait3A_500] : memref<10240x16xf32, #tpu.memory_space<hbm>> -> memref<128x16xf32, #tpu.memory_space<hbm>>
        tpu.wait_dma2 semaphore(%arg12 : memref<!tpu.dma_semaphore, #tpu.memory_space<semaphore_mem>>) src(%dma_wait3A_501 : memref<128x16xf32, #tpu.memory_space<hbm>>) dst(%dma_wait3A_498 : memref<128x16xf32, #tpu.memory_space<vmem>>)
        %dma_wait3A_502 = arith.constant 0 : i32
        %dma_wait3A_503 = arith.constant 0 : i32
        %dma_wait3A_504 = tpu.memref_slice %arg10[%dma_wait3A_502, %dma_wait3A_503] : memref<2048x16xf32, #tpu.memory_space<vmem>> -> memref<128x16xf32, #tpu.memory_space<vmem>>
        %dma_wait3A_505 = arith.constant 0 : i32
        %dma_wait3A_506 = arith.constant 0 : i32
        %dma_wait3A_507 = tpu.memref_slice %arg5[%dma_wait3A_505, %dma_wait3A_506] : memref<10240x16xf32, #tpu.memory_space<hbm>> -> memref<128x16xf32, #tpu.memory_space<hbm>>
        %dma_wait3A_508 = arith.constant 0 : i32
        %dma_wait3A_509 = arith.constant 0 : i32
        %dma_wait3A_510 = tpu.memref_slice %arg10[%dma_wait3A_508, %dma_wait3A_509] : memref<2048x16xf32, #tpu.memory_space<vmem>> -> memref<128x16xf32, #tpu.memory_space<vmem>>
        %dma_wait3A_511 = arith.constant 0 : i32
        %dma_wait3A_512 = arith.constant 0 : i32
        %dma_wait3A_513 = tpu.memref_slice %arg5[%dma_wait3A_511, %dma_wait3A_512] : memref<10240x16xf32, #tpu.memory_space<hbm>> -> memref<128x16xf32, #tpu.memory_space<hbm>>
        tpu.wait_dma2 semaphore(%arg12 : memref<!tpu.dma_semaphore, #tpu.memory_space<semaphore_mem>>) src(%dma_wait3A_513 : memref<128x16xf32, #tpu.memory_space<hbm>>) dst(%dma_wait3A_510 : memref<128x16xf32, #tpu.memory_space<vmem>>)
        %dma_wait3A_514 = arith.constant 0 : i32
        %dma_wait3A_515 = arith.constant 0 : i32
        %dma_wait3A_516 = tpu.memref_slice %arg10[%dma_wait3A_514, %dma_wait3A_515] : memref<2048x16xf32, #tpu.memory_space<vmem>> -> memref<128x16xf32, #tpu.memory_space<vmem>>
        %dma_wait3A_517 = arith.constant 0 : i32
        %dma_wait3A_518 = arith.constant 0 : i32
        %dma_wait3A_519 = tpu.memref_slice %arg5[%dma_wait3A_517, %dma_wait3A_518] : memref<10240x16xf32, #tpu.memory_space<hbm>> -> memref<128x16xf32, #tpu.memory_space<hbm>>
        %dma_wait3A_520 = arith.constant 0 : i32
        %dma_wait3A_521 = arith.constant 0 : i32
        %dma_wait3A_522 = tpu.memref_slice %arg10[%dma_wait3A_520, %dma_wait3A_521] : memref<2048x16xf32, #tpu.memory_space<vmem>> -> memref<128x16xf32, #tpu.memory_space<vmem>>
        %dma_wait3A_523 = arith.constant 0 : i32
        %dma_wait3A_524 = arith.constant 0 : i32
        %dma_wait3A_525 = tpu.memref_slice %arg5[%dma_wait3A_523, %dma_wait3A_524] : memref<10240x16xf32, #tpu.memory_space<hbm>> -> memref<128x16xf32, #tpu.memory_space<hbm>>
        tpu.wait_dma2 semaphore(%arg12 : memref<!tpu.dma_semaphore, #tpu.memory_space<semaphore_mem>>) src(%dma_wait3A_525 : memref<128x16xf32, #tpu.memory_space<hbm>>) dst(%dma_wait3A_522 : memref<128x16xf32, #tpu.memory_space<vmem>>)
        %dma_wait3A_526 = arith.constant 0 : i32
        %dma_wait3A_527 = arith.constant 0 : i32
        %dma_wait3A_528 = tpu.memref_slice %arg10[%dma_wait3A_526, %dma_wait3A_527] : memref<2048x16xf32, #tpu.memory_space<vmem>> -> memref<128x16xf32, #tpu.memory_space<vmem>>
        %dma_wait3A_529 = arith.constant 0 : i32
        %dma_wait3A_530 = arith.constant 0 : i32
        %dma_wait3A_531 = tpu.memref_slice %arg5[%dma_wait3A_529, %dma_wait3A_530] : memref<10240x16xf32, #tpu.memory_space<hbm>> -> memref<128x16xf32, #tpu.memory_space<hbm>>
        %dma_wait3A_532 = arith.constant 0 : i32
        %dma_wait3A_533 = arith.constant 0 : i32
        %dma_wait3A_534 = tpu.memref_slice %arg10[%dma_wait3A_532, %dma_wait3A_533] : memref<2048x16xf32, #tpu.memory_space<vmem>> -> memref<128x16xf32, #tpu.memory_space<vmem>>
        %dma_wait3A_535 = arith.constant 0 : i32
        %dma_wait3A_536 = arith.constant 0 : i32
        %dma_wait3A_537 = tpu.memref_slice %arg5[%dma_wait3A_535, %dma_wait3A_536] : memref<10240x16xf32, #tpu.memory_space<hbm>> -> memref<128x16xf32, #tpu.memory_space<hbm>>
        tpu.wait_dma2 semaphore(%arg12 : memref<!tpu.dma_semaphore, #tpu.memory_space<semaphore_mem>>) src(%dma_wait3A_537 : memref<128x16xf32, #tpu.memory_space<hbm>>) dst(%dma_wait3A_534 : memref<128x16xf32, #tpu.memory_space<vmem>>)
        %dma_wait3A_538 = arith.constant 0 : i32
        %dma_wait3A_539 = arith.constant 0 : i32
        %dma_wait3A_540 = tpu.memref_slice %arg10[%dma_wait3A_538, %dma_wait3A_539] : memref<2048x16xf32, #tpu.memory_space<vmem>> -> memref<128x16xf32, #tpu.memory_space<vmem>>
        %dma_wait3A_541 = arith.constant 0 : i32
        %dma_wait3A_542 = arith.constant 0 : i32
        %dma_wait3A_543 = tpu.memref_slice %arg5[%dma_wait3A_541, %dma_wait3A_542] : memref<10240x16xf32, #tpu.memory_space<hbm>> -> memref<128x16xf32, #tpu.memory_space<hbm>>
        %dma_wait3A_544 = arith.constant 0 : i32
        %dma_wait3A_545 = arith.constant 0 : i32
        %dma_wait3A_546 = tpu.memref_slice %arg10[%dma_wait3A_544, %dma_wait3A_545] : memref<2048x16xf32, #tpu.memory_space<vmem>> -> memref<128x16xf32, #tpu.memory_space<vmem>>
        %dma_wait3A_547 = arith.constant 0 : i32
        %dma_wait3A_548 = arith.constant 0 : i32
        %dma_wait3A_549 = tpu.memref_slice %arg5[%dma_wait3A_547, %dma_wait3A_548] : memref<10240x16xf32, #tpu.memory_space<hbm>> -> memref<128x16xf32, #tpu.memory_space<hbm>>
        tpu.wait_dma2 semaphore(%arg12 : memref<!tpu.dma_semaphore, #tpu.memory_space<semaphore_mem>>) src(%dma_wait3A_549 : memref<128x16xf32, #tpu.memory_space<hbm>>) dst(%dma_wait3A_546 : memref<128x16xf32, #tpu.memory_space<vmem>>)
        %dma_wait3A_550 = arith.constant 0 : i32
        %dma_wait3A_551 = arith.constant 0 : i32
        %dma_wait3A_552 = tpu.memref_slice %arg10[%dma_wait3A_550, %dma_wait3A_551] : memref<2048x16xf32, #tpu.memory_space<vmem>> -> memref<128x16xf32, #tpu.memory_space<vmem>>
        %dma_wait3A_553 = arith.constant 0 : i32
        %dma_wait3A_554 = arith.constant 0 : i32
        %dma_wait3A_555 = tpu.memref_slice %arg5[%dma_wait3A_553, %dma_wait3A_554] : memref<10240x16xf32, #tpu.memory_space<hbm>> -> memref<128x16xf32, #tpu.memory_space<hbm>>
        %dma_wait3A_556 = arith.constant 0 : i32
        %dma_wait3A_557 = arith.constant 0 : i32
        %dma_wait3A_558 = tpu.memref_slice %arg10[%dma_wait3A_556, %dma_wait3A_557] : memref<2048x16xf32, #tpu.memory_space<vmem>> -> memref<128x16xf32, #tpu.memory_space<vmem>>
        %dma_wait3A_559 = arith.constant 0 : i32
        %dma_wait3A_560 = arith.constant 0 : i32
        %dma_wait3A_561 = tpu.memref_slice %arg5[%dma_wait3A_559, %dma_wait3A_560] : memref<10240x16xf32, #tpu.memory_space<hbm>> -> memref<128x16xf32, #tpu.memory_space<hbm>>
        tpu.wait_dma2 semaphore(%arg12 : memref<!tpu.dma_semaphore, #tpu.memory_space<semaphore_mem>>) src(%dma_wait3A_561 : memref<128x16xf32, #tpu.memory_space<hbm>>) dst(%dma_wait3A_558 : memref<128x16xf32, #tpu.memory_space<vmem>>)
        %dma_wait3A_562 = arith.constant 0 : i32
        %dma_wait3A_563 = arith.constant 0 : i32
        %dma_wait3A_564 = tpu.memref_slice %arg10[%dma_wait3A_562, %dma_wait3A_563] : memref<2048x16xf32, #tpu.memory_space<vmem>> -> memref<128x16xf32, #tpu.memory_space<vmem>>
        %dma_wait3A_565 = arith.constant 0 : i32
        %dma_wait3A_566 = arith.constant 0 : i32
        %dma_wait3A_567 = tpu.memref_slice %arg5[%dma_wait3A_565, %dma_wait3A_566] : memref<10240x16xf32, #tpu.memory_space<hbm>> -> memref<128x16xf32, #tpu.memory_space<hbm>>
        %dma_wait3A_568 = arith.constant 0 : i32
        %dma_wait3A_569 = arith.constant 0 : i32
        %dma_wait3A_570 = tpu.memref_slice %arg10[%dma_wait3A_568, %dma_wait3A_569] : memref<2048x16xf32, #tpu.memory_space<vmem>> -> memref<128x16xf32, #tpu.memory_space<vmem>>
        %dma_wait3A_571 = arith.constant 0 : i32
        %dma_wait3A_572 = arith.constant 0 : i32
        %dma_wait3A_573 = tpu.memref_slice %arg5[%dma_wait3A_571, %dma_wait3A_572] : memref<10240x16xf32, #tpu.memory_space<hbm>> -> memref<128x16xf32, #tpu.memory_space<hbm>>
        tpu.wait_dma2 semaphore(%arg12 : memref<!tpu.dma_semaphore, #tpu.memory_space<semaphore_mem>>) src(%dma_wait3A_573 : memref<128x16xf32, #tpu.memory_space<hbm>>) dst(%dma_wait3A_570 : memref<128x16xf32, #tpu.memory_space<vmem>>)
        %dma_wait3A_574 = arith.constant 0 : i32
        %dma_wait3A_575 = arith.constant 0 : i32
        %dma_wait3A_576 = tpu.memref_slice %arg10[%dma_wait3A_574, %dma_wait3A_575] : memref<2048x16xf32, #tpu.memory_space<vmem>> -> memref<128x16xf32, #tpu.memory_space<vmem>>
        %dma_wait3A_577 = arith.constant 0 : i32
        %dma_wait3A_578 = arith.constant 0 : i32
        %dma_wait3A_579 = tpu.memref_slice %arg5[%dma_wait3A_577, %dma_wait3A_578] : memref<10240x16xf32, #tpu.memory_space<hbm>> -> memref<128x16xf32, #tpu.memory_space<hbm>>
        %dma_wait3A_580 = arith.constant 0 : i32
        %dma_wait3A_581 = arith.constant 0 : i32
        %dma_wait3A_582 = tpu.memref_slice %arg10[%dma_wait3A_580, %dma_wait3A_581] : memref<2048x16xf32, #tpu.memory_space<vmem>> -> memref<128x16xf32, #tpu.memory_space<vmem>>
        %dma_wait3A_583 = arith.constant 0 : i32
        %dma_wait3A_584 = arith.constant 0 : i32
        %dma_wait3A_585 = tpu.memref_slice %arg5[%dma_wait3A_583, %dma_wait3A_584] : memref<10240x16xf32, #tpu.memory_space<hbm>> -> memref<128x16xf32, #tpu.memory_space<hbm>>
        tpu.wait_dma2 semaphore(%arg12 : memref<!tpu.dma_semaphore, #tpu.memory_space<semaphore_mem>>) src(%dma_wait3A_585 : memref<128x16xf32, #tpu.memory_space<hbm>>) dst(%dma_wait3A_582 : memref<128x16xf32, #tpu.memory_space<vmem>>)
      } else {
      }
      %lt3A = arith.constant 39 : i32
      %lt3A_278 = arith.cmpi slt, %scan3A_133, %lt3A : i32
      %convert_element_type3A_279 = arith.extui %lt3A_278 : i1 to i32
      %cond3A_280 = arith.constant 0 : i32
      %cond3A_281 = arith.cmpi ne, %convert_element_type3A_279, %cond3A_280 : i32
      scf.if %cond3A_281 {
        %add3A_490 = arith.constant 8 : i32
        %add3A_491 = arith.addi %add3A_139, %add3A_490 : i32
        %sub3A = arith.constant 8 : i32
        %sub3A_492 = arith.subi %sub3A, %mul3A_136 : i32
        %dma_start3A_493 = arith.constant 0 : i32
        %dma_start3A_494 = tpu.memref_slice %arg8[%sub3A_492, %dma_start3A_493] : memref<16x128xi32, #tpu.memory_space<vmem>> -> memref<8x128xi32, #tpu.memory_space<vmem>>
        %dma_start3A_495 = arith.constant 0 : i32
        %dma_start3A_496 = tpu.memref_slice %arg3[%add3A_491, %dma_start3A_495] : memref<10240x128xi32, #tpu.memory_space<hbm>> -> memref<8x128xi32, #tpu.memory_space<hbm>>
        %dma_start3A_497 = arith.constant 0 : i32
        %dma_start3A_498 = tpu.memref_slice %arg8[%sub3A_492, %dma_start3A_497] : memref<16x128xi32, #tpu.memory_space<vmem>> -> memref<8x128xi32, #tpu.memory_space<vmem>>
        %dma_start3A_499 = arith.constant 0 : i32
        %dma_start3A_500 = tpu.memref_slice %arg3[%add3A_491, %dma_start3A_499] : memref<10240x128xi32, #tpu.memory_space<hbm>> -> memref<8x128xi32, #tpu.memory_space<hbm>>
        tpu.enqueue_dma source(%dma_start3A_500 : memref<8x128xi32, #tpu.memory_space<hbm>>) target(%dma_start3A_498 : memref<8x128xi32, #tpu.memory_space<vmem>>) target_semaphore(%arg13 : memref<!tpu.dma_semaphore, #tpu.memory_space<semaphore_mem>>)
        %add3A_501 = arith.constant 8 : i32
        %add3A_502 = arith.addi %add3A_139, %add3A_501 : i32
        %sub3A_503 = arith.constant 8 : i32
        %sub3A_504 = arith.subi %sub3A_503, %mul3A_136 : i32
        %dma_start3A_505 = arith.constant 0 : i32
        %dma_start3A_506 = tpu.memref_slice %arg9[%sub3A_504, %dma_start3A_505] : memref<16x128xi32, #tpu.memory_space<vmem>> -> memref<8x128xi32, #tpu.memory_space<vmem>>
        %dma_start3A_507 = arith.constant 0 : i32
        %dma_start3A_508 = tpu.memref_slice %arg2[%add3A_502, %dma_start3A_507] : memref<10240x128xi32, #tpu.memory_space<hbm>> -> memref<8x128xi32, #tpu.memory_space<hbm>>
        %dma_start3A_509 = arith.constant 0 : i32
        %dma_start3A_510 = tpu.memref_slice %arg9[%sub3A_504, %dma_start3A_509] : memref<16x128xi32, #tpu.memory_space<vmem>> -> memref<8x128xi32, #tpu.memory_space<vmem>>
        %dma_start3A_511 = arith.constant 0 : i32
        %dma_start3A_512 = tpu.memref_slice %arg2[%add3A_502, %dma_start3A_511] : memref<10240x128xi32, #tpu.memory_space<hbm>> -> memref<8x128xi32, #tpu.memory_space<hbm>>
        tpu.enqueue_dma source(%dma_start3A_512 : memref<8x128xi32, #tpu.memory_space<hbm>>) target(%dma_start3A_510 : memref<8x128xi32, #tpu.memory_space<vmem>>) target_semaphore(%arg13 : memref<!tpu.dma_semaphore, #tpu.memory_space<semaphore_mem>>)
      } else {
      }
      %dma_wait3A_282 = arith.constant 0 : i32
      %dma_wait3A_283 = arith.constant 0 : i32
      %dma_wait3A_284 = tpu.memref_slice %arg10[%dma_wait3A_282, %dma_wait3A_283] : memref<2048x16xf32, #tpu.memory_space<vmem>> -> memref<128x16xf32, #tpu.memory_space<vmem>>
      %dma_wait3A_285 = arith.constant 0 : i32
      %dma_wait3A_286 = arith.constant 0 : i32
      %dma_wait3A_287 = tpu.memref_slice %arg5[%dma_wait3A_285, %dma_wait3A_286] : memref<10240x16xf32, #tpu.memory_space<hbm>> -> memref<128x16xf32, #tpu.memory_space<hbm>>
      %dma_wait3A_288 = arith.constant 0 : i32
      %dma_wait3A_289 = arith.constant 0 : i32
      %dma_wait3A_290 = tpu.memref_slice %arg10[%dma_wait3A_288, %dma_wait3A_289] : memref<2048x16xf32, #tpu.memory_space<vmem>> -> memref<128x16xf32, #tpu.memory_space<vmem>>
      %dma_wait3A_291 = arith.constant 0 : i32
      %dma_wait3A_292 = arith.constant 0 : i32
      %dma_wait3A_293 = tpu.memref_slice %arg5[%dma_wait3A_291, %dma_wait3A_292] : memref<10240x16xf32, #tpu.memory_space<hbm>> -> memref<128x16xf32, #tpu.memory_space<hbm>>
      tpu.wait_dma2 semaphore(%arg11 : memref<!tpu.dma_semaphore, #tpu.memory_space<semaphore_mem>>) src(%dma_wait3A_293 : memref<128x16xf32, #tpu.memory_space<hbm>>) dst(%dma_wait3A_290 : memref<128x16xf32, #tpu.memory_space<vmem>>)
      %dma_wait3A_294 = arith.constant 0 : i32
      %dma_wait3A_295 = arith.constant 0 : i32
      %dma_wait3A_296 = tpu.memref_slice %arg10[%dma_wait3A_294, %dma_wait3A_295] : memref<2048x16xf32, #tpu.memory_space<vmem>> -> memref<128x16xf32, #tpu.memory_space<vmem>>
      %dma_wait3A_297 = arith.constant 0 : i32
      %dma_wait3A_298 = arith.constant 0 : i32
      %dma_wait3A_299 = tpu.memref_slice %arg5[%dma_wait3A_297, %dma_wait3A_298] : memref<10240x16xf32, #tpu.memory_space<hbm>> -> memref<128x16xf32, #tpu.memory_space<hbm>>
      %dma_wait3A_300 = arith.constant 0 : i32
      %dma_wait3A_301 = arith.constant 0 : i32
      %dma_wait3A_302 = tpu.memref_slice %arg10[%dma_wait3A_300, %dma_wait3A_301] : memref<2048x16xf32, #tpu.memory_space<vmem>> -> memref<128x16xf32, #tpu.memory_space<vmem>>
      %dma_wait3A_303 = arith.constant 0 : i32
      %dma_wait3A_304 = arith.constant 0 : i32
      %dma_wait3A_305 = tpu.memref_slice %arg5[%dma_wait3A_303, %dma_wait3A_304] : memref<10240x16xf32, #tpu.memory_space<hbm>> -> memref<128x16xf32, #tpu.memory_space<hbm>>
      tpu.wait_dma2 semaphore(%arg11 : memref<!tpu.dma_semaphore, #tpu.memory_space<semaphore_mem>>) src(%dma_wait3A_305 : memref<128x16xf32, #tpu.memory_space<hbm>>) dst(%dma_wait3A_302 : memref<128x16xf32, #tpu.memory_space<vmem>>)
      %dma_wait3A_306 = arith.constant 0 : i32
      %dma_wait3A_307 = arith.constant 0 : i32
      %dma_wait3A_308 = tpu.memref_slice %arg10[%dma_wait3A_306, %dma_wait3A_307] : memref<2048x16xf32, #tpu.memory_space<vmem>> -> memref<128x16xf32, #tpu.memory_space<vmem>>
      %dma_wait3A_309 = arith.constant 0 : i32
      %dma_wait3A_310 = arith.constant 0 : i32
      %dma_wait3A_311 = tpu.memref_slice %arg5[%dma_wait3A_309, %dma_wait3A_310] : memref<10240x16xf32, #tpu.memory_space<hbm>> -> memref<128x16xf32, #tpu.memory_space<hbm>>
      %dma_wait3A_312 = arith.constant 0 : i32
      %dma_wait3A_313 = arith.constant 0 : i32
      %dma_wait3A_314 = tpu.memref_slice %arg10[%dma_wait3A_312, %dma_wait3A_313] : memref<2048x16xf32, #tpu.memory_space<vmem>> -> memref<128x16xf32, #tpu.memory_space<vmem>>
      %dma_wait3A_315 = arith.constant 0 : i32
      %dma_wait3A_316 = arith.constant 0 : i32
      %dma_wait3A_317 = tpu.memref_slice %arg5[%dma_wait3A_315, %dma_wait3A_316] : memref<10240x16xf32, #tpu.memory_space<hbm>> -> memref<128x16xf32, #tpu.memory_space<hbm>>
      tpu.wait_dma2 semaphore(%arg11 : memref<!tpu.dma_semaphore, #tpu.memory_space<semaphore_mem>>) src(%dma_wait3A_317 : memref<128x16xf32, #tpu.memory_space<hbm>>) dst(%dma_wait3A_314 : memref<128x16xf32, #tpu.memory_space<vmem>>)
      %dma_wait3A_318 = arith.constant 0 : i32
      %dma_wait3A_319 = arith.constant 0 : i32
      %dma_wait3A_320 = tpu.memref_slice %arg10[%dma_wait3A_318, %dma_wait3A_319] : memref<2048x16xf32, #tpu.memory_space<vmem>> -> memref<128x16xf32, #tpu.memory_space<vmem>>
      %dma_wait3A_321 = arith.constant 0 : i32
      %dma_wait3A_322 = arith.constant 0 : i32
      %dma_wait3A_323 = tpu.memref_slice %arg5[%dma_wait3A_321, %dma_wait3A_322] : memref<10240x16xf32, #tpu.memory_space<hbm>> -> memref<128x16xf32, #tpu.memory_space<hbm>>
      %dma_wait3A_324 = arith.constant 0 : i32
      %dma_wait3A_325 = arith.constant 0 : i32
      %dma_wait3A_326 = tpu.memref_slice %arg10[%dma_wait3A_324, %dma_wait3A_325] : memref<2048x16xf32, #tpu.memory_space<vmem>> -> memref<128x16xf32, #tpu.memory_space<vmem>>
      %dma_wait3A_327 = arith.constant 0 : i32
      %dma_wait3A_328 = arith.constant 0 : i32
      %dma_wait3A_329 = tpu.memref_slice %arg5[%dma_wait3A_327, %dma_wait3A_328] : memref<10240x16xf32, #tpu.memory_space<hbm>> -> memref<128x16xf32, #tpu.memory_space<hbm>>
      tpu.wait_dma2 semaphore(%arg11 : memref<!tpu.dma_semaphore, #tpu.memory_space<semaphore_mem>>) src(%dma_wait3A_329 : memref<128x16xf32, #tpu.memory_space<hbm>>) dst(%dma_wait3A_326 : memref<128x16xf32, #tpu.memory_space<vmem>>)
      %dma_wait3A_330 = arith.constant 0 : i32
      %dma_wait3A_331 = arith.constant 0 : i32
      %dma_wait3A_332 = tpu.memref_slice %arg10[%dma_wait3A_330, %dma_wait3A_331] : memref<2048x16xf32, #tpu.memory_space<vmem>> -> memref<128x16xf32, #tpu.memory_space<vmem>>
      %dma_wait3A_333 = arith.constant 0 : i32
      %dma_wait3A_334 = arith.constant 0 : i32
      %dma_wait3A_335 = tpu.memref_slice %arg5[%dma_wait3A_333, %dma_wait3A_334] : memref<10240x16xf32, #tpu.memory_space<hbm>> -> memref<128x16xf32, #tpu.memory_space<hbm>>
      %dma_wait3A_336 = arith.constant 0 : i32
      %dma_wait3A_337 = arith.constant 0 : i32
      %dma_wait3A_338 = tpu.memref_slice %arg10[%dma_wait3A_336, %dma_wait3A_337] : memref<2048x16xf32, #tpu.memory_space<vmem>> -> memref<128x16xf32, #tpu.memory_space<vmem>>
      %dma_wait3A_339 = arith.constant 0 : i32
      %dma_wait3A_340 = arith.constant 0 : i32
      %dma_wait3A_341 = tpu.memref_slice %arg5[%dma_wait3A_339, %dma_wait3A_340] : memref<10240x16xf32, #tpu.memory_space<hbm>> -> memref<128x16xf32, #tpu.memory_space<hbm>>
      tpu.wait_dma2 semaphore(%arg11 : memref<!tpu.dma_semaphore, #tpu.memory_space<semaphore_mem>>) src(%dma_wait3A_341 : memref<128x16xf32, #tpu.memory_space<hbm>>) dst(%dma_wait3A_338 : memref<128x16xf32, #tpu.memory_space<vmem>>)
      %dma_wait3A_342 = arith.constant 0 : i32
      %dma_wait3A_343 = arith.constant 0 : i32
      %dma_wait3A_344 = tpu.memref_slice %arg10[%dma_wait3A_342, %dma_wait3A_343] : memref<2048x16xf32, #tpu.memory_space<vmem>> -> memref<128x16xf32, #tpu.memory_space<vmem>>
      %dma_wait3A_345 = arith.constant 0 : i32
      %dma_wait3A_346 = arith.constant 0 : i32
      %dma_wait3A_347 = tpu.memref_slice %arg5[%dma_wait3A_345, %dma_wait3A_346] : memref<10240x16xf32, #tpu.memory_space<hbm>> -> memref<128x16xf32, #tpu.memory_space<hbm>>
      %dma_wait3A_348 = arith.constant 0 : i32
      %dma_wait3A_349 = arith.constant 0 : i32
      %dma_wait3A_350 = tpu.memref_slice %arg10[%dma_wait3A_348, %dma_wait3A_349] : memref<2048x16xf32, #tpu.memory_space<vmem>> -> memref<128x16xf32, #tpu.memory_space<vmem>>
      %dma_wait3A_351 = arith.constant 0 : i32
      %dma_wait3A_352 = arith.constant 0 : i32
      %dma_wait3A_353 = tpu.memref_slice %arg5[%dma_wait3A_351, %dma_wait3A_352] : memref<10240x16xf32, #tpu.memory_space<hbm>> -> memref<128x16xf32, #tpu.memory_space<hbm>>
      tpu.wait_dma2 semaphore(%arg11 : memref<!tpu.dma_semaphore, #tpu.memory_space<semaphore_mem>>) src(%dma_wait3A_353 : memref<128x16xf32, #tpu.memory_space<hbm>>) dst(%dma_wait3A_350 : memref<128x16xf32, #tpu.memory_space<vmem>>)
      %dma_wait3A_354 = arith.constant 0 : i32
      %dma_wait3A_355 = arith.constant 0 : i32
      %dma_wait3A_356 = tpu.memref_slice %arg10[%dma_wait3A_354, %dma_wait3A_355] : memref<2048x16xf32, #tpu.memory_space<vmem>> -> memref<128x16xf32, #tpu.memory_space<vmem>>
      %dma_wait3A_357 = arith.constant 0 : i32
      %dma_wait3A_358 = arith.constant 0 : i32
      %dma_wait3A_359 = tpu.memref_slice %arg5[%dma_wait3A_357, %dma_wait3A_358] : memref<10240x16xf32, #tpu.memory_space<hbm>> -> memref<128x16xf32, #tpu.memory_space<hbm>>
      %dma_wait3A_360 = arith.constant 0 : i32
      %dma_wait3A_361 = arith.constant 0 : i32
      %dma_wait3A_362 = tpu.memref_slice %arg10[%dma_wait3A_360, %dma_wait3A_361] : memref<2048x16xf32, #tpu.memory_space<vmem>> -> memref<128x16xf32, #tpu.memory_space<vmem>>
      %dma_wait3A_363 = arith.constant 0 : i32
      %dma_wait3A_364 = arith.constant 0 : i32
      %dma_wait3A_365 = tpu.memref_slice %arg5[%dma_wait3A_363, %dma_wait3A_364] : memref<10240x16xf32, #tpu.memory_space<hbm>> -> memref<128x16xf32, #tpu.memory_space<hbm>>
      tpu.wait_dma2 semaphore(%arg11 : memref<!tpu.dma_semaphore, #tpu.memory_space<semaphore_mem>>) src(%dma_wait3A_365 : memref<128x16xf32, #tpu.memory_space<hbm>>) dst(%dma_wait3A_362 : memref<128x16xf32, #tpu.memory_space<vmem>>)
      %dma_wait3A_366 = arith.constant 0 : i32
      %dma_wait3A_367 = arith.constant 0 : i32
      %dma_wait3A_368 = tpu.memref_slice %arg10[%dma_wait3A_366, %dma_wait3A_367] : memref<2048x16xf32, #tpu.memory_space<vmem>> -> memref<128x16xf32, #tpu.memory_space<vmem>>
      %dma_wait3A_369 = arith.constant 0 : i32
      %dma_wait3A_370 = arith.constant 0 : i32
      %dma_wait3A_371 = tpu.memref_slice %arg5[%dma_wait3A_369, %dma_wait3A_370] : memref<10240x16xf32, #tpu.memory_space<hbm>> -> memref<128x16xf32, #tpu.memory_space<hbm>>
      %dma_wait3A_372 = arith.constant 0 : i32
      %dma_wait3A_373 = arith.constant 0 : i32
      %dma_wait3A_374 = tpu.memref_slice %arg10[%dma_wait3A_372, %dma_wait3A_373] : memref<2048x16xf32, #tpu.memory_space<vmem>> -> memref<128x16xf32, #tpu.memory_space<vmem>>
      %dma_wait3A_375 = arith.constant 0 : i32
      %dma_wait3A_376 = arith.constant 0 : i32
      %dma_wait3A_377 = tpu.memref_slice %arg5[%dma_wait3A_375, %dma_wait3A_376] : memref<10240x16xf32, #tpu.memory_space<hbm>> -> memref<128x16xf32, #tpu.memory_space<hbm>>
      tpu.wait_dma2 semaphore(%arg11 : memref<!tpu.dma_semaphore, #tpu.memory_space<semaphore_mem>>) src(%dma_wait3A_377 : memref<128x16xf32, #tpu.memory_space<hbm>>) dst(%dma_wait3A_374 : memref<128x16xf32, #tpu.memory_space<vmem>>)
      %add3A_378 = arith.constant 0 : i32
      %add3A_379 = arith.addi %mul3A_136, %add3A_378 : i32
      %mul3A_380 = arith.constant 128 : i32
      %mul3A_381 = arith.muli %add3A_379, %mul3A_380 : i32
      %add3A_382 = arith.constant 0 : i32
      %add3A_383 = arith.addi %mul3A_136, %add3A_382 : i32
      %dma_start3A_384 = arith.constant 0 : i32
      %dma_start3A_385 = tpu.memref_slice %arg10[%mul3A_381, %dma_start3A_384] : memref<2048x16xf32, #tpu.memory_space<vmem>> -> memref<128x16xf32, #tpu.memory_space<vmem>>
      %dma_start3A_386 = arith.constant 0 : i32
      %dma_start3A_387 = tpu.memref_slice %arg9[%add3A_383, %dma_start3A_386] : memref<16x128xi32, #tpu.memory_space<vmem>> -> memref<1x128xi32, #tpu.memory_space<vmem>>
      %dma_start3A_388 = tpu.memref_squeeze %dma_start3A_387 : memref<1x128xi32, #tpu.memory_space<vmem>> -> memref<128xi32, #tpu.memory_space<vmem>>
      %dma_start3A_389 = arith.constant 0 : i32
      %dma_start3A_390 = arith.constant 0 : i32
      %dma_start3A_391 = tpu.memref_slice %arg7[%dma_start3A_389, %dma_start3A_390] : memref<40960x16xf32, #tpu.memory_space<vmem_shared>> -> memref<40960x16xf32, #tpu.memory_space<vmem_shared>>
      tpu.enqueue_indirect_dma source(%dma_start3A_385 : memref<128x16xf32, #tpu.memory_space<vmem>>) target(%dma_start3A_391 : memref<40960x16xf32, #tpu.memory_space<vmem_shared>>) offsets(%dma_start3A_388 : memref<128xi32, #tpu.memory_space<vmem>>) semaphore(%arg12 : memref<!tpu.dma_semaphore, #tpu.memory_space<semaphore_mem>>) {add = true}
      %add3A_392 = arith.constant 1 : i32
      %add3A_393 = arith.addi %mul3A_136, %add3A_392 : i32
      %mul3A_394 = arith.constant 128 : i32
      %mul3A_395 = arith.muli %add3A_393, %mul3A_394 : i32
      %add3A_396 = arith.constant 1 : i32
      %add3A_397 = arith.addi %mul3A_136, %add3A_396 : i32
      %dma_start3A_398 = arith.constant 0 : i32
      %dma_start3A_399 = tpu.memref_slice %arg10[%mul3A_395, %dma_start3A_398] : memref<2048x16xf32, #tpu.memory_space<vmem>> -> memref<128x16xf32, #tpu.memory_space<vmem>>
      %dma_start3A_400 = arith.constant 0 : i32
      %dma_start3A_401 = tpu.memref_slice %arg9[%add3A_397, %dma_start3A_400] : memref<16x128xi32, #tpu.memory_space<vmem>> -> memref<1x128xi32, #tpu.memory_space<vmem>>
      %dma_start3A_402 = tpu.memref_squeeze %dma_start3A_401 : memref<1x128xi32, #tpu.memory_space<vmem>> -> memref<128xi32, #tpu.memory_space<vmem>>
      %dma_start3A_403 = arith.constant 0 : i32
      %dma_start3A_404 = arith.constant 0 : i32
      %dma_start3A_405 = tpu.memref_slice %arg7[%dma_start3A_403, %dma_start3A_404] : memref<40960x16xf32, #tpu.memory_space<vmem_shared>> -> memref<40960x16xf32, #tpu.memory_space<vmem_shared>>
      tpu.enqueue_indirect_dma source(%dma_start3A_399 : memref<128x16xf32, #tpu.memory_space<vmem>>) target(%dma_start3A_405 : memref<40960x16xf32, #tpu.memory_space<vmem_shared>>) offsets(%dma_start3A_402 : memref<128xi32, #tpu.memory_space<vmem>>) semaphore(%arg12 : memref<!tpu.dma_semaphore, #tpu.memory_space<semaphore_mem>>) {add = true}
      %add3A_406 = arith.constant 2 : i32
      %add3A_407 = arith.addi %mul3A_136, %add3A_406 : i32
      %mul3A_408 = arith.constant 128 : i32
      %mul3A_409 = arith.muli %add3A_407, %mul3A_408 : i32
      %add3A_410 = arith.constant 2 : i32
      %add3A_411 = arith.addi %mul3A_136, %add3A_410 : i32
      %dma_start3A_412 = arith.constant 0 : i32
      %dma_start3A_413 = tpu.memref_slice %arg10[%mul3A_409, %dma_start3A_412] : memref<2048x16xf32, #tpu.memory_space<vmem>> -> memref<128x16xf32, #tpu.memory_space<vmem>>
      %dma_start3A_414 = arith.constant 0 : i32
      %dma_start3A_415 = tpu.memref_slice %arg9[%add3A_411, %dma_start3A_414] : memref<16x128xi32, #tpu.memory_space<vmem>> -> memref<1x128xi32, #tpu.memory_space<vmem>>
      %dma_start3A_416 = tpu.memref_squeeze %dma_start3A_415 : memref<1x128xi32, #tpu.memory_space<vmem>> -> memref<128xi32, #tpu.memory_space<vmem>>
      %dma_start3A_417 = arith.constant 0 : i32
      %dma_start3A_418 = arith.constant 0 : i32
      %dma_start3A_419 = tpu.memref_slice %arg7[%dma_start3A_417, %dma_start3A_418] : memref<40960x16xf32, #tpu.memory_space<vmem_shared>> -> memref<40960x16xf32, #tpu.memory_space<vmem_shared>>
      tpu.enqueue_indirect_dma source(%dma_start3A_413 : memref<128x16xf32, #tpu.memory_space<vmem>>) target(%dma_start3A_419 : memref<40960x16xf32, #tpu.memory_space<vmem_shared>>) offsets(%dma_start3A_416 : memref<128xi32, #tpu.memory_space<vmem>>) semaphore(%arg12 : memref<!tpu.dma_semaphore, #tpu.memory_space<semaphore_mem>>) {add = true}
      %add3A_420 = arith.constant 3 : i32
      %add3A_421 = arith.addi %mul3A_136, %add3A_420 : i32
      %mul3A_422 = arith.constant 128 : i32
      %mul3A_423 = arith.muli %add3A_421, %mul3A_422 : i32
      %add3A_424 = arith.constant 3 : i32
      %add3A_425 = arith.addi %mul3A_136, %add3A_424 : i32
      %dma_start3A_426 = arith.constant 0 : i32
      %dma_start3A_427 = tpu.memref_slice %arg10[%mul3A_423, %dma_start3A_426] : memref<2048x16xf32, #tpu.memory_space<vmem>> -> memref<128x16xf32, #tpu.memory_space<vmem>>
      %dma_start3A_428 = arith.constant 0 : i32
      %dma_start3A_429 = tpu.memref_slice %arg9[%add3A_425, %dma_start3A_428] : memref<16x128xi32, #tpu.memory_space<vmem>> -> memref<1x128xi32, #tpu.memory_space<vmem>>
      %dma_start3A_430 = tpu.memref_squeeze %dma_start3A_429 : memref<1x128xi32, #tpu.memory_space<vmem>> -> memref<128xi32, #tpu.memory_space<vmem>>
      %dma_start3A_431 = arith.constant 0 : i32
      %dma_start3A_432 = arith.constant 0 : i32
      %dma_start3A_433 = tpu.memref_slice %arg7[%dma_start3A_431, %dma_start3A_432] : memref<40960x16xf32, #tpu.memory_space<vmem_shared>> -> memref<40960x16xf32, #tpu.memory_space<vmem_shared>>
      tpu.enqueue_indirect_dma source(%dma_start3A_427 : memref<128x16xf32, #tpu.memory_space<vmem>>) target(%dma_start3A_433 : memref<40960x16xf32, #tpu.memory_space<vmem_shared>>) offsets(%dma_start3A_430 : memref<128xi32, #tpu.memory_space<vmem>>) semaphore(%arg12 : memref<!tpu.dma_semaphore, #tpu.memory_space<semaphore_mem>>) {add = true}
      %add3A_434 = arith.constant 4 : i32
      %add3A_435 = arith.addi %mul3A_136, %add3A_434 : i32
      %mul3A_436 = arith.constant 128 : i32
      %mul3A_437 = arith.muli %add3A_435, %mul3A_436 : i32
      %add3A_438 = arith.constant 4 : i32
      %add3A_439 = arith.addi %mul3A_136, %add3A_438 : i32
      %dma_start3A_440 = arith.constant 0 : i32
      %dma_start3A_441 = tpu.memref_slice %arg10[%mul3A_437, %dma_start3A_440] : memref<2048x16xf32, #tpu.memory_space<vmem>> -> memref<128x16xf32, #tpu.memory_space<vmem>>
      %dma_start3A_442 = arith.constant 0 : i32
      %dma_start3A_443 = tpu.memref_slice %arg9[%add3A_439, %dma_start3A_442] : memref<16x128xi32, #tpu.memory_space<vmem>> -> memref<1x128xi32, #tpu.memory_space<vmem>>
      %dma_start3A_444 = tpu.memref_squeeze %dma_start3A_443 : memref<1x128xi32, #tpu.memory_space<vmem>> -> memref<128xi32, #tpu.memory_space<vmem>>
      %dma_start3A_445 = arith.constant 0 : i32
      %dma_start3A_446 = arith.constant 0 : i32
      %dma_start3A_447 = tpu.memref_slice %arg7[%dma_start3A_445, %dma_start3A_446] : memref<40960x16xf32, #tpu.memory_space<vmem_shared>> -> memref<40960x16xf32, #tpu.memory_space<vmem_shared>>
      tpu.enqueue_indirect_dma source(%dma_start3A_441 : memref<128x16xf32, #tpu.memory_space<vmem>>) target(%dma_start3A_447 : memref<40960x16xf32, #tpu.memory_space<vmem_shared>>) offsets(%dma_start3A_444 : memref<128xi32, #tpu.memory_space<vmem>>) semaphore(%arg12 : memref<!tpu.dma_semaphore, #tpu.memory_space<semaphore_mem>>) {add = true}
      %add3A_448 = arith.constant 5 : i32
      %add3A_449 = arith.addi %mul3A_136, %add3A_448 : i32
      %mul3A_450 = arith.constant 128 : i32
      %mul3A_451 = arith.muli %add3A_449, %mul3A_450 : i32
      %add3A_452 = arith.constant 5 : i32
      %add3A_453 = arith.addi %mul3A_136, %add3A_452 : i32
      %dma_start3A_454 = arith.constant 0 : i32
      %dma_start3A_455 = tpu.memref_slice %arg10[%mul3A_451, %dma_start3A_454] : memref<2048x16xf32, #tpu.memory_space<vmem>> -> memref<128x16xf32, #tpu.memory_space<vmem>>
      %dma_start3A_456 = arith.constant 0 : i32
      %dma_start3A_457 = tpu.memref_slice %arg9[%add3A_453, %dma_start3A_456] : memref<16x128xi32, #tpu.memory_space<vmem>> -> memref<1x128xi32, #tpu.memory_space<vmem>>
      %dma_start3A_458 = tpu.memref_squeeze %dma_start3A_457 : memref<1x128xi32, #tpu.memory_space<vmem>> -> memref<128xi32, #tpu.memory_space<vmem>>
      %dma_start3A_459 = arith.constant 0 : i32
      %dma_start3A_460 = arith.constant 0 : i32
      %dma_start3A_461 = tpu.memref_slice %arg7[%dma_start3A_459, %dma_start3A_460] : memref<40960x16xf32, #tpu.memory_space<vmem_shared>> -> memref<40960x16xf32, #tpu.memory_space<vmem_shared>>
      tpu.enqueue_indirect_dma source(%dma_start3A_455 : memref<128x16xf32, #tpu.memory_space<vmem>>) target(%dma_start3A_461 : memref<40960x16xf32, #tpu.memory_space<vmem_shared>>) offsets(%dma_start3A_458 : memref<128xi32, #tpu.memory_space<vmem>>) semaphore(%arg12 : memref<!tpu.dma_semaphore, #tpu.memory_space<semaphore_mem>>) {add = true}
      %add3A_462 = arith.constant 6 : i32
      %add3A_463 = arith.addi %mul3A_136, %add3A_462 : i32
      %mul3A_464 = arith.constant 128 : i32
      %mul3A_465 = arith.muli %add3A_463, %mul3A_464 : i32
      %add3A_466 = arith.constant 6 : i32
      %add3A_467 = arith.addi %mul3A_136, %add3A_466 : i32
      %dma_start3A_468 = arith.constant 0 : i32
      %dma_start3A_469 = tpu.memref_slice %arg10[%mul3A_465, %dma_start3A_468] : memref<2048x16xf32, #tpu.memory_space<vmem>> -> memref<128x16xf32, #tpu.memory_space<vmem>>
      %dma_start3A_470 = arith.constant 0 : i32
      %dma_start3A_471 = tpu.memref_slice %arg9[%add3A_467, %dma_start3A_470] : memref<16x128xi32, #tpu.memory_space<vmem>> -> memref<1x128xi32, #tpu.memory_space<vmem>>
      %dma_start3A_472 = tpu.memref_squeeze %dma_start3A_471 : memref<1x128xi32, #tpu.memory_space<vmem>> -> memref<128xi32, #tpu.memory_space<vmem>>
      %dma_start3A_473 = arith.constant 0 : i32
      %dma_start3A_474 = arith.constant 0 : i32
      %dma_start3A_475 = tpu.memref_slice %arg7[%dma_start3A_473, %dma_start3A_474] : memref<40960x16xf32, #tpu.memory_space<vmem_shared>> -> memref<40960x16xf32, #tpu.memory_space<vmem_shared>>
      tpu.enqueue_indirect_dma source(%dma_start3A_469 : memref<128x16xf32, #tpu.memory_space<vmem>>) target(%dma_start3A_475 : memref<40960x16xf32, #tpu.memory_space<vmem_shared>>) offsets(%dma_start3A_472 : memref<128xi32, #tpu.memory_space<vmem>>) semaphore(%arg12 : memref<!tpu.dma_semaphore, #tpu.memory_space<semaphore_mem>>) {add = true}
      %add3A_476 = arith.constant 7 : i32
      %add3A_477 = arith.addi %mul3A_136, %add3A_476 : i32
      %mul3A_478 = arith.constant 128 : i32
      %mul3A_479 = arith.muli %add3A_477, %mul3A_478 : i32
      %add3A_480 = arith.constant 7 : i32
      %add3A_481 = arith.addi %mul3A_136, %add3A_480 : i32
      %dma_start3A_482 = arith.constant 0 : i32
      %dma_start3A_483 = tpu.memref_slice %arg10[%mul3A_479, %dma_start3A_482] : memref<2048x16xf32, #tpu.memory_space<vmem>> -> memref<128x16xf32, #tpu.memory_space<vmem>>
      %dma_start3A_484 = arith.constant 0 : i32
      %dma_start3A_485 = tpu.memref_slice %arg9[%add3A_481, %dma_start3A_484] : memref<16x128xi32, #tpu.memory_space<vmem>> -> memref<1x128xi32, #tpu.memory_space<vmem>>
      %dma_start3A_486 = tpu.memref_squeeze %dma_start3A_485 : memref<1x128xi32, #tpu.memory_space<vmem>> -> memref<128xi32, #tpu.memory_space<vmem>>
      %dma_start3A_487 = arith.constant 0 : i32
      %dma_start3A_488 = arith.constant 0 : i32
      %dma_start3A_489 = tpu.memref_slice %arg7[%dma_start3A_487, %dma_start3A_488] : memref<40960x16xf32, #tpu.memory_space<vmem_shared>> -> memref<40960x16xf32, #tpu.memory_space<vmem_shared>>
      tpu.enqueue_indirect_dma source(%dma_start3A_483 : memref<128x16xf32, #tpu.memory_space<vmem>>) target(%dma_start3A_489 : memref<40960x16xf32, #tpu.memory_space<vmem_shared>>) offsets(%dma_start3A_486 : memref<128xi32, #tpu.memory_space<vmem>>) semaphore(%arg12 : memref<!tpu.dma_semaphore, #tpu.memory_space<semaphore_mem>>) {add = true}
    }
    %scan3A_36 = arith.constant 40 : i32
    %dma_wait3A = arith.constant 0 : i32
    %dma_wait3A_37 = arith.constant 0 : i32
    %dma_wait3A_38 = tpu.memref_slice %arg10[%dma_wait3A, %dma_wait3A_37] : memref<2048x16xf32, #tpu.memory_space<vmem>> -> memref<128x16xf32, #tpu.memory_space<vmem>>
    %dma_wait3A_39 = arith.constant 0 : i32
    %dma_wait3A_40 = arith.constant 0 : i32
    %dma_wait3A_41 = tpu.memref_slice %arg5[%dma_wait3A_39, %dma_wait3A_40] : memref<10240x16xf32, #tpu.memory_space<hbm>> -> memref<128x16xf32, #tpu.memory_space<hbm>>
    %dma_wait3A_42 = arith.constant 0 : i32
    %dma_wait3A_43 = arith.constant 0 : i32
    %dma_wait3A_44 = tpu.memref_slice %arg10[%dma_wait3A_42, %dma_wait3A_43] : memref<2048x16xf32, #tpu.memory_space<vmem>> -> memref<128x16xf32, #tpu.memory_space<vmem>>
    %dma_wait3A_45 = arith.constant 0 : i32
    %dma_wait3A_46 = arith.constant 0 : i32
    %dma_wait3A_47 = tpu.memref_slice %arg5[%dma_wait3A_45, %dma_wait3A_46] : memref<10240x16xf32, #tpu.memory_space<hbm>> -> memref<128x16xf32, #tpu.memory_space<hbm>>
    tpu.wait_dma2 semaphore(%arg12 : memref<!tpu.dma_semaphore, #tpu.memory_space<semaphore_mem>>) src(%dma_wait3A_47 : memref<128x16xf32, #tpu.memory_space<hbm>>) dst(%dma_wait3A_44 : memref<128x16xf32, #tpu.memory_space<vmem>>)
    %dma_wait3A_48 = arith.constant 0 : i32
    %dma_wait3A_49 = arith.constant 0 : i32
    %dma_wait3A_50 = tpu.memref_slice %arg10[%dma_wait3A_48, %dma_wait3A_49] : memref<2048x16xf32, #tpu.memory_space<vmem>> -> memref<128x16xf32, #tpu.memory_space<vmem>>
    %dma_wait3A_51 = arith.constant 0 : i32
    %dma_wait3A_52 = arith.constant 0 : i32
    %dma_wait3A_53 = tpu.memref_slice %arg5[%dma_wait3A_51, %dma_wait3A_52] : memref<10240x16xf32, #tpu.memory_space<hbm>> -> memref<128x16xf32, #tpu.memory_space<hbm>>
    %dma_wait3A_54 = arith.constant 0 : i32
    %dma_wait3A_55 = arith.constant 0 : i32
    %dma_wait3A_56 = tpu.memref_slice %arg10[%dma_wait3A_54, %dma_wait3A_55] : memref<2048x16xf32, #tpu.memory_space<vmem>> -> memref<128x16xf32, #tpu.memory_space<vmem>>
    %dma_wait3A_57 = arith.constant 0 : i32
    %dma_wait3A_58 = arith.constant 0 : i32
    %dma_wait3A_59 = tpu.memref_slice %arg5[%dma_wait3A_57, %dma_wait3A_58] : memref<10240x16xf32, #tpu.memory_space<hbm>> -> memref<128x16xf32, #tpu.memory_space<hbm>>
    tpu.wait_dma2 semaphore(%arg12 : memref<!tpu.dma_semaphore, #tpu.memory_space<semaphore_mem>>) src(%dma_wait3A_59 : memref<128x16xf32, #tpu.memory_space<hbm>>) dst(%dma_wait3A_56 : memref<128x16xf32, #tpu.memory_space<vmem>>)
    %dma_wait3A_60 = arith.constant 0 : i32
    %dma_wait3A_61 = arith.constant 0 : i32
    %dma_wait3A_62 = tpu.memref_slice %arg10[%dma_wait3A_60, %dma_wait3A_61] : memref<2048x16xf32, #tpu.memory_space<vmem>> -> memref<128x16xf32, #tpu.memory_space<vmem>>
    %dma_wait3A_63 = arith.constant 0 : i32
    %dma_wait3A_64 = arith.constant 0 : i32
    %dma_wait3A_65 = tpu.memref_slice %arg5[%dma_wait3A_63, %dma_wait3A_64] : memref<10240x16xf32, #tpu.memory_space<hbm>> -> memref<128x16xf32, #tpu.memory_space<hbm>>
    %dma_wait3A_66 = arith.constant 0 : i32
    %dma_wait3A_67 = arith.constant 0 : i32
    %dma_wait3A_68 = tpu.memref_slice %arg10[%dma_wait3A_66, %dma_wait3A_67] : memref<2048x16xf32, #tpu.memory_space<vmem>> -> memref<128x16xf32, #tpu.memory_space<vmem>>
    %dma_wait3A_69 = arith.constant 0 : i32
    %dma_wait3A_70 = arith.constant 0 : i32
    %dma_wait3A_71 = tpu.memref_slice %arg5[%dma_wait3A_69, %dma_wait3A_70] : memref<10240x16xf32, #tpu.memory_space<hbm>> -> memref<128x16xf32, #tpu.memory_space<hbm>>
    tpu.wait_dma2 semaphore(%arg12 : memref<!tpu.dma_semaphore, #tpu.memory_space<semaphore_mem>>) src(%dma_wait3A_71 : memref<128x16xf32, #tpu.memory_space<hbm>>) dst(%dma_wait3A_68 : memref<128x16xf32, #tpu.memory_space<vmem>>)
    %dma_wait3A_72 = arith.constant 0 : i32
    %dma_wait3A_73 = arith.constant 0 : i32
    %dma_wait3A_74 = tpu.memref_slice %arg10[%dma_wait3A_72, %dma_wait3A_73] : memref<2048x16xf32, #tpu.memory_space<vmem>> -> memref<128x16xf32, #tpu.memory_space<vmem>>
    %dma_wait3A_75 = arith.constant 0 : i32
    %dma_wait3A_76 = arith.constant 0 : i32
    %dma_wait3A_77 = tpu.memref_slice %arg5[%dma_wait3A_75, %dma_wait3A_76] : memref<10240x16xf32, #tpu.memory_space<hbm>> -> memref<128x16xf32, #tpu.memory_space<hbm>>
    %dma_wait3A_78 = arith.constant 0 : i32
    %dma_wait3A_79 = arith.constant 0 : i32
    %dma_wait3A_80 = tpu.memref_slice %arg10[%dma_wait3A_78, %dma_wait3A_79] : memref<2048x16xf32, #tpu.memory_space<vmem>> -> memref<128x16xf32, #tpu.memory_space<vmem>>
    %dma_wait3A_81 = arith.constant 0 : i32
    %dma_wait3A_82 = arith.constant 0 : i32
    %dma_wait3A_83 = tpu.memref_slice %arg5[%dma_wait3A_81, %dma_wait3A_82] : memref<10240x16xf32, #tpu.memory_space<hbm>> -> memref<128x16xf32, #tpu.memory_space<hbm>>
    tpu.wait_dma2 semaphore(%arg12 : memref<!tpu.dma_semaphore, #tpu.memory_space<semaphore_mem>>) src(%dma_wait3A_83 : memref<128x16xf32, #tpu.memory_space<hbm>>) dst(%dma_wait3A_80 : memref<128x16xf32, #tpu.memory_space<vmem>>)
    %dma_wait3A_84 = arith.constant 0 : i32
    %dma_wait3A_85 = arith.constant 0 : i32
    %dma_wait3A_86 = tpu.memref_slice %arg10[%dma_wait3A_84, %dma_wait3A_85] : memref<2048x16xf32, #tpu.memory_space<vmem>> -> memref<128x16xf32, #tpu.memory_space<vmem>>
    %dma_wait3A_87 = arith.constant 0 : i32
    %dma_wait3A_88 = arith.constant 0 : i32
    %dma_wait3A_89 = tpu.memref_slice %arg5[%dma_wait3A_87, %dma_wait3A_88] : memref<10240x16xf32, #tpu.memory_space<hbm>> -> memref<128x16xf32, #tpu.memory_space<hbm>>
    %dma_wait3A_90 = arith.constant 0 : i32
    %dma_wait3A_91 = arith.constant 0 : i32
    %dma_wait3A_92 = tpu.memref_slice %arg10[%dma_wait3A_90, %dma_wait3A_91] : memref<2048x16xf32, #tpu.memory_space<vmem>> -> memref<128x16xf32, #tpu.memory_space<vmem>>
    %dma_wait3A_93 = arith.constant 0 : i32
    %dma_wait3A_94 = arith.constant 0 : i32
    %dma_wait3A_95 = tpu.memref_slice %arg5[%dma_wait3A_93, %dma_wait3A_94] : memref<10240x16xf32, #tpu.memory_space<hbm>> -> memref<128x16xf32, #tpu.memory_space<hbm>>
    tpu.wait_dma2 semaphore(%arg12 : memref<!tpu.dma_semaphore, #tpu.memory_space<semaphore_mem>>) src(%dma_wait3A_95 : memref<128x16xf32, #tpu.memory_space<hbm>>) dst(%dma_wait3A_92 : memref<128x16xf32, #tpu.memory_space<vmem>>)
    %dma_wait3A_96 = arith.constant 0 : i32
    %dma_wait3A_97 = arith.constant 0 : i32
    %dma_wait3A_98 = tpu.memref_slice %arg10[%dma_wait3A_96, %dma_wait3A_97] : memref<2048x16xf32, #tpu.memory_space<vmem>> -> memref<128x16xf32, #tpu.memory_space<vmem>>
    %dma_wait3A_99 = arith.constant 0 : i32
    %dma_wait3A_100 = arith.constant 0 : i32
    %dma_wait3A_101 = tpu.memref_slice %arg5[%dma_wait3A_99, %dma_wait3A_100] : memref<10240x16xf32, #tpu.memory_space<hbm>> -> memref<128x16xf32, #tpu.memory_space<hbm>>
    %dma_wait3A_102 = arith.constant 0 : i32
    %dma_wait3A_103 = arith.constant 0 : i32
    %dma_wait3A_104 = tpu.memref_slice %arg10[%dma_wait3A_102, %dma_wait3A_103] : memref<2048x16xf32, #tpu.memory_space<vmem>> -> memref<128x16xf32, #tpu.memory_space<vmem>>
    %dma_wait3A_105 = arith.constant 0 : i32
    %dma_wait3A_106 = arith.constant 0 : i32
    %dma_wait3A_107 = tpu.memref_slice %arg5[%dma_wait3A_105, %dma_wait3A_106] : memref<10240x16xf32, #tpu.memory_space<hbm>> -> memref<128x16xf32, #tpu.memory_space<hbm>>
    tpu.wait_dma2 semaphore(%arg12 : memref<!tpu.dma_semaphore, #tpu.memory_space<semaphore_mem>>) src(%dma_wait3A_107 : memref<128x16xf32, #tpu.memory_space<hbm>>) dst(%dma_wait3A_104 : memref<128x16xf32, #tpu.memory_space<vmem>>)
    %dma_wait3A_108 = arith.constant 0 : i32
    %dma_wait3A_109 = arith.constant 0 : i32
    %dma_wait3A_110 = tpu.memref_slice %arg10[%dma_wait3A_108, %dma_wait3A_109] : memref<2048x16xf32, #tpu.memory_space<vmem>> -> memref<128x16xf32, #tpu.memory_space<vmem>>
    %dma_wait3A_111 = arith.constant 0 : i32
    %dma_wait3A_112 = arith.constant 0 : i32
    %dma_wait3A_113 = tpu.memref_slice %arg5[%dma_wait3A_111, %dma_wait3A_112] : memref<10240x16xf32, #tpu.memory_space<hbm>> -> memref<128x16xf32, #tpu.memory_space<hbm>>
    %dma_wait3A_114 = arith.constant 0 : i32
    %dma_wait3A_115 = arith.constant 0 : i32
    %dma_wait3A_116 = tpu.memref_slice %arg10[%dma_wait3A_114, %dma_wait3A_115] : memref<2048x16xf32, #tpu.memory_space<vmem>> -> memref<128x16xf32, #tpu.memory_space<vmem>>
    %dma_wait3A_117 = arith.constant 0 : i32
    %dma_wait3A_118 = arith.constant 0 : i32
    %dma_wait3A_119 = tpu.memref_slice %arg5[%dma_wait3A_117, %dma_wait3A_118] : memref<10240x16xf32, #tpu.memory_space<hbm>> -> memref<128x16xf32, #tpu.memory_space<hbm>>
    tpu.wait_dma2 semaphore(%arg12 : memref<!tpu.dma_semaphore, #tpu.memory_space<semaphore_mem>>) src(%dma_wait3A_119 : memref<128x16xf32, #tpu.memory_space<hbm>>) dst(%dma_wait3A_116 : memref<128x16xf32, #tpu.memory_space<vmem>>)
    %dma_wait3A_120 = arith.constant 0 : i32
    %dma_wait3A_121 = arith.constant 0 : i32
    %dma_wait3A_122 = tpu.memref_slice %arg10[%dma_wait3A_120, %dma_wait3A_121] : memref<2048x16xf32, #tpu.memory_space<vmem>> -> memref<128x16xf32, #tpu.memory_space<vmem>>
    %dma_wait3A_123 = arith.constant 0 : i32
    %dma_wait3A_124 = arith.constant 0 : i32
    %dma_wait3A_125 = tpu.memref_slice %arg5[%dma_wait3A_123, %dma_wait3A_124] : memref<10240x16xf32, #tpu.memory_space<hbm>> -> memref<128x16xf32, #tpu.memory_space<hbm>>
    %dma_wait3A_126 = arith.constant 0 : i32
    %dma_wait3A_127 = arith.constant 0 : i32
    %dma_wait3A_128 = tpu.memref_slice %arg10[%dma_wait3A_126, %dma_wait3A_127] : memref<2048x16xf32, #tpu.memory_space<vmem>> -> memref<128x16xf32, #tpu.memory_space<vmem>>
    %dma_wait3A_129 = arith.constant 0 : i32
    %dma_wait3A_130 = arith.constant 0 : i32
    %dma_wait3A_131 = tpu.memref_slice %arg5[%dma_wait3A_129, %dma_wait3A_130] : memref<10240x16xf32, #tpu.memory_space<hbm>> -> memref<128x16xf32, #tpu.memory_space<hbm>>
    tpu.wait_dma2 semaphore(%arg12 : memref<!tpu.dma_semaphore, #tpu.memory_space<semaphore_mem>>) src(%dma_wait3A_131 : memref<128x16xf32, #tpu.memory_space<hbm>>) dst(%dma_wait3A_128 : memref<128x16xf32, #tpu.memory_space<vmem>>)
    %barrier3A_132 = arith.constant 0 : index
    tpu.barrier barrier_id(%barrier3A_132)
    "tpu.region"() ({
      %run_scoped3A = tpu.sem_alloc : memref<!tpu.dma_semaphore, #tpu.memory_space<semaphore_mem>>
      %dma_start3A_133 = arith.constant 0 : i32
      %dma_start3A_134 = tpu.memref_slice %arg6[%arg0, %mul3A_2, %dma_start3A_133] : memref<2x40960x16xf32, #tpu.memory_space<hbm>> -> memref<1x2560x16xf32, #tpu.memory_space<hbm>>
      %dma_start3A_135 = tpu.memref_squeeze %dma_start3A_134 : memref<1x2560x16xf32, #tpu.memory_space<hbm>> -> memref<2560x16xf32, #tpu.memory_space<hbm>>
      %dma_start3A_136 = arith.constant 0 : i32
      %dma_start3A_137 = tpu.memref_slice %arg7[%mul3A_2, %dma_start3A_136] : memref<40960x16xf32, #tpu.memory_space<vmem_shared>> -> memref<2560x16xf32, #tpu.memory_space<vmem_shared>>
      tpu.enqueue_dma source(%dma_start3A_137 : memref<2560x16xf32, #tpu.memory_space<vmem_shared>>) target(%dma_start3A_135 : memref<2560x16xf32, #tpu.memory_space<hbm>>) target_semaphore(%run_scoped3A : memref<!tpu.dma_semaphore, #tpu.memory_space<semaphore_mem>>)
      %dma_wait3A_138 = arith.constant 0 : i32
      %dma_wait3A_139 = tpu.memref_slice %arg6[%arg0, %mul3A_2, %dma_wait3A_138] : memref<2x40960x16xf32, #tpu.memory_space<hbm>> -> memref<1x2560x16xf32, #tpu.memory_space<hbm>>
      %dma_wait3A_140 = tpu.memref_squeeze %dma_wait3A_139 : memref<1x2560x16xf32, #tpu.memory_space<hbm>> -> memref<2560x16xf32, #tpu.memory_space<hbm>>
      %dma_wait3A_141 = arith.constant 0 : i32
      %dma_wait3A_142 = tpu.memref_slice %arg7[%mul3A_2, %dma_wait3A_141] : memref<40960x16xf32, #tpu.memory_space<vmem_shared>> -> memref<2560x16xf32, #tpu.memory_space<vmem_shared>>
      tpu.wait_dma2 semaphore(%run_scoped3A : memref<!tpu.dma_semaphore, #tpu.memory_space<semaphore_mem>>) src(%dma_wait3A_142 : memref<2560x16xf32, #tpu.memory_space<vmem_shared>>) dst(%dma_wait3A_140 : memref<2560x16xf32, #tpu.memory_space<hbm>>)
      tpu.yield
    }) : () -> ()
    return
  }
}

module attributes {stable_mosaic.version = 14 : i64} {
  func.func @_prep_body(%arg0: memref<2x320000xi32, #tpu.memory_space<vmem>>, %arg1: memref<2x320000xi32, #tpu.memory_space<vmem>>, %arg2: memref<10240x128xi32, #tpu.memory_space<vmem>>, %arg3: memref<10240x128xi32, #tpu.memory_space<vmem>>, %arg4: memref<2560x128xi32, #tpu.memory_space<vmem>>, %arg5: memref<2560x128xi32, #tpu.memory_space<vmem>>) attributes {dimension_semantics = [], scalar_prefetch = 0 : i64, scratch_operands = 0 : i64, tpu.core_type = #tpu.core_type<tc>} {
    %get3A = arith.constant 0 : index
    %get3A_0 = arith.constant 0 : index
    %get3A_1 = vector.load %arg0[%get3A, %get3A_0] : memref<2x320000xi32, #tpu.memory_space<vmem>>, vector<1x320000xi32>
    %get3A_2 = vector.shape_cast %get3A_1 : vector<1x320000xi32> to vector<320000xi32>
    %reshape3A = vector.shape_cast %get3A_2 : vector<320000xi32> to vector<2500x128xi32>
    %mul3A = arith.constant 4 : i32
    %mul3A_3 = vector.broadcast %mul3A : i32 to vector<2500x128xi32>
    %mul3A_4 = arith.muli %reshape3A, %mul3A_3 : vector<2500x128xi32>
    %add3A = arith.constant 0 : i32
    %add3A_5 = vector.broadcast %add3A : i32 to vector<2500x128xi32>
    %add3A_6 = arith.addi %mul3A_4, %add3A_5 : vector<2500x128xi32>
    %swap3A = arith.constant 0 : index
    %swap3A_7 = arith.constant 0 : index
    %swap3A_8 = vector.load %arg2[%swap3A, %swap3A_7] : memref<10240x128xi32, #tpu.memory_space<vmem>>, vector<2500x128xi32>
    tpu.vector_store %arg2[%swap3A, %swap3A_7], %add3A_6 {strides = array<i32>} : memref<10240x128xi32, #tpu.memory_space<vmem>>, vector<2500x128xi32>,
    %add3A_9 = arith.constant 1 : i32
    %add3A_10 = vector.broadcast %add3A_9 : i32 to vector<2500x128xi32>
    %add3A_11 = arith.addi %mul3A_4, %add3A_10 : vector<2500x128xi32>
    %swap3A_12 = arith.constant 2500 : index
    %swap3A_13 = arith.constant 0 : index
    %swap3A_14 = vector.load %arg2[%swap3A_12, %swap3A_13] : memref<10240x128xi32, #tpu.memory_space<vmem>>, vector<2500x128xi32>
    tpu.vector_store %arg2[%swap3A_12, %swap3A_13], %add3A_11 {strides = array<i32>} : memref<10240x128xi32, #tpu.memory_space<vmem>>, vector<2500x128xi32>,
    %add3A_15 = arith.constant 2 : i32
    %add3A_16 = vector.broadcast %add3A_15 : i32 to vector<2500x128xi32>
    %add3A_17 = arith.addi %mul3A_4, %add3A_16 : vector<2500x128xi32>
    %swap3A_18 = arith.constant 5000 : index
    %swap3A_19 = arith.constant 0 : index
    %swap3A_20 = vector.load %arg2[%swap3A_18, %swap3A_19] : memref<10240x128xi32, #tpu.memory_space<vmem>>, vector<2500x128xi32>
    tpu.vector_store %arg2[%swap3A_18, %swap3A_19], %add3A_17 {strides = array<i32>} : memref<10240x128xi32, #tpu.memory_space<vmem>>, vector<2500x128xi32>,
    %add3A_21 = arith.constant 3 : i32
    %add3A_22 = vector.broadcast %add3A_21 : i32 to vector<2500x128xi32>
    %add3A_23 = arith.addi %mul3A_4, %add3A_22 : vector<2500x128xi32>
    %swap3A_24 = arith.constant 7500 : index
    %swap3A_25 = arith.constant 0 : index
    %swap3A_26 = vector.load %arg2[%swap3A_24, %swap3A_25] : memref<10240x128xi32, #tpu.memory_space<vmem>>, vector<2500x128xi32>
    tpu.vector_store %arg2[%swap3A_24, %swap3A_25], %add3A_23 {strides = array<i32>} : memref<10240x128xi32, #tpu.memory_space<vmem>>, vector<2500x128xi32>,
    %broadcast_in_dim3A = arith.constant 40000 : i32
    %broadcast_in_dim3A_27 = vector.broadcast %broadcast_in_dim3A : i32 to vector<240x128xi32>
    %swap3A_28 = arith.constant 10000 : index
    %swap3A_29 = arith.constant 0 : index
    %swap3A_30 = vector.load %arg2[%swap3A_28, %swap3A_29] : memref<10240x128xi32, #tpu.memory_space<vmem>>, vector<240x128xi32>
    tpu.vector_store %arg2[%swap3A_28, %swap3A_29], %broadcast_in_dim3A_27 {strides = array<i32>} : memref<10240x128xi32, #tpu.memory_space<vmem>>, vector<240x128xi32>,
    %get3A_31 = arith.constant 1 : index
    %get3A_32 = arith.constant 0 : index
    %get3A_33 = vector.load %arg0[%get3A_31, %get3A_32] : memref<2x320000xi32, #tpu.memory_space<vmem>>, vector<1x320000xi32>
    %get3A_34 = vector.shape_cast %get3A_33 : vector<1x320000xi32> to vector<320000xi32>
    %reshape3A_35 = vector.shape_cast %get3A_34 : vector<320000xi32> to vector<2500x128xi32>
    %mul3A_36 = arith.constant 4 : i32
    %mul3A_37 = vector.broadcast %mul3A_36 : i32 to vector<2500x128xi32>
    %mul3A_38 = arith.muli %reshape3A_35, %mul3A_37 : vector<2500x128xi32>
    %add3A_39 = arith.constant 0 : i32
    %add3A_40 = vector.broadcast %add3A_39 : i32 to vector<2500x128xi32>
    %add3A_41 = arith.addi %mul3A_38, %add3A_40 : vector<2500x128xi32>
    %swap3A_42 = arith.constant 0 : index
    %swap3A_43 = arith.constant 0 : index
    %swap3A_44 = vector.load %arg3[%swap3A_42, %swap3A_43] : memref<10240x128xi32, #tpu.memory_space<vmem>>, vector<2500x128xi32>
    tpu.vector_store %arg3[%swap3A_42, %swap3A_43], %add3A_41 {strides = array<i32>} : memref<10240x128xi32, #tpu.memory_space<vmem>>, vector<2500x128xi32>,
    %add3A_45 = arith.constant 1 : i32
    %add3A_46 = vector.broadcast %add3A_45 : i32 to vector<2500x128xi32>
    %add3A_47 = arith.addi %mul3A_38, %add3A_46 : vector<2500x128xi32>
    %swap3A_48 = arith.constant 2500 : index
    %swap3A_49 = arith.constant 0 : index
    %swap3A_50 = vector.load %arg3[%swap3A_48, %swap3A_49] : memref<10240x128xi32, #tpu.memory_space<vmem>>, vector<2500x128xi32>
    tpu.vector_store %arg3[%swap3A_48, %swap3A_49], %add3A_47 {strides = array<i32>} : memref<10240x128xi32, #tpu.memory_space<vmem>>, vector<2500x128xi32>,
    %add3A_51 = arith.constant 2 : i32
    %add3A_52 = vector.broadcast %add3A_51 : i32 to vector<2500x128xi32>
    %add3A_53 = arith.addi %mul3A_38, %add3A_52 : vector<2500x128xi32>
    %swap3A_54 = arith.constant 5000 : index
    %swap3A_55 = arith.constant 0 : index
    %swap3A_56 = vector.load %arg3[%swap3A_54, %swap3A_55] : memref<10240x128xi32, #tpu.memory_space<vmem>>, vector<2500x128xi32>
    tpu.vector_store %arg3[%swap3A_54, %swap3A_55], %add3A_53 {strides = array<i32>} : memref<10240x128xi32, #tpu.memory_space<vmem>>, vector<2500x128xi32>,
    %add3A_57 = arith.constant 3 : i32
    %add3A_58 = vector.broadcast %add3A_57 : i32 to vector<2500x128xi32>
    %add3A_59 = arith.addi %mul3A_38, %add3A_58 : vector<2500x128xi32>
    %swap3A_60 = arith.constant 7500 : index
    %swap3A_61 = arith.constant 0 : index
    %swap3A_62 = vector.load %arg3[%swap3A_60, %swap3A_61] : memref<10240x128xi32, #tpu.memory_space<vmem>>, vector<2500x128xi32>
    tpu.vector_store %arg3[%swap3A_60, %swap3A_61], %add3A_59 {strides = array<i32>} : memref<10240x128xi32, #tpu.memory_space<vmem>>, vector<2500x128xi32>,
    %broadcast_in_dim3A_63 = arith.constant 0 : i32
    %broadcast_in_dim3A_64 = vector.broadcast %broadcast_in_dim3A_63 : i32 to vector<240x128xi32>
    %swap3A_65 = arith.constant 10000 : index
    %swap3A_66 = arith.constant 0 : index
    %swap3A_67 = vector.load %arg3[%swap3A_65, %swap3A_66] : memref<10240x128xi32, #tpu.memory_space<vmem>>, vector<240x128xi32>
    tpu.vector_store %arg3[%swap3A_65, %swap3A_66], %broadcast_in_dim3A_64 {strides = array<i32>} : memref<10240x128xi32, #tpu.memory_space<vmem>>, vector<240x128xi32>,
    %get3A_68 = arith.constant 0 : index
    %get3A_69 = arith.constant 0 : index
    %get3A_70 = vector.load %arg1[%get3A_68, %get3A_69] : memref<2x320000xi32, #tpu.memory_space<vmem>>, vector<1x320000xi32>
    %get3A_71 = vector.shape_cast %get3A_70 : vector<1x320000xi32> to vector<320000xi32>
    %reshape3A_72 = vector.shape_cast %get3A_71 : vector<320000xi32> to vector<2500x128xi32>
    %swap3A_73 = arith.constant 0 : index
    %swap3A_74 = arith.constant 0 : index
    %swap3A_75 = vector.load %arg4[%swap3A_73, %swap3A_74] : memref<2560x128xi32, #tpu.memory_space<vmem>>, vector<2500x128xi32>
    tpu.vector_store %arg4[%swap3A_73, %swap3A_74], %reshape3A_72 {strides = array<i32>} : memref<2560x128xi32, #tpu.memory_space<vmem>>, vector<2500x128xi32>,
    %broadcast_in_dim3A_76 = arith.constant 0 : i32
    %broadcast_in_dim3A_77 = vector.broadcast %broadcast_in_dim3A_76 : i32 to vector<60x128xi32>
    %swap3A_78 = arith.constant 2500 : index
    %swap3A_79 = arith.constant 0 : index
    %swap3A_80 = vector.load %arg4[%swap3A_78, %swap3A_79] : memref<2560x128xi32, #tpu.memory_space<vmem>>, vector<60x128xi32>
    tpu.vector_store %arg4[%swap3A_78, %swap3A_79], %broadcast_in_dim3A_77 {strides = array<i32>} : memref<2560x128xi32, #tpu.memory_space<vmem>>, vector<60x128xi32>,
    %get3A_81 = arith.constant 1 : index
    %get3A_82 = arith.constant 0 : index
    %get3A_83 = vector.load %arg1[%get3A_81, %get3A_82] : memref<2x320000xi32, #tpu.memory_space<vmem>>, vector<1x320000xi32>
    %get3A_84 = vector.shape_cast %get3A_83 : vector<1x320000xi32> to vector<320000xi32>
    %reshape3A_85 = vector.shape_cast %get3A_84 : vector<320000xi32> to vector<2500x128xi32>
    %swap3A_86 = arith.constant 0 : index
    %swap3A_87 = arith.constant 0 : index
    %swap3A_88 = vector.load %arg5[%swap3A_86, %swap3A_87] : memref<2560x128xi32, #tpu.memory_space<vmem>>, vector<2500x128xi32>
    tpu.vector_store %arg5[%swap3A_86, %swap3A_87], %reshape3A_85 {strides = array<i32>} : memref<2560x128xi32, #tpu.memory_space<vmem>>, vector<2500x128xi32>,
    %broadcast_in_dim3A_89 = arith.constant 10000 : i32
    %broadcast_in_dim3A_90 = vector.broadcast %broadcast_in_dim3A_89 : i32 to vector<60x128xi32>
    %swap3A_91 = arith.constant 2500 : index
    %swap3A_92 = arith.constant 0 : index
    %swap3A_93 = vector.load %arg5[%swap3A_91, %swap3A_92] : memref<2560x128xi32, #tpu.memory_space<vmem>>, vector<60x128xi32>
    tpu.vector_store %arg5[%swap3A_91, %swap3A_92], %broadcast_in_dim3A_90 {strides = array<i32>} : memref<2560x128xi32, #tpu.memory_space<vmem>>, vector<60x128xi32>,
    return
  }
}

module attributes {stable_mosaic.version = 14 : i64} {
  func.func @_lsm_body(%arg0: memref<10240x16xf32, #tpu.memory_space<vmem>>, %arg1: memref<10240x16xf32, #tpu.memory_space<vmem>>) attributes {dimension_semantics = [], scalar_prefetch = 0 : i64, scratch_operands = 0 : i64, tpu.core_type = #tpu.core_type<tc>} {
    %get3A = arith.constant 0 : index
    %get3A_0 = arith.constant 0 : index
    %get3A_1 = vector.load %arg0[%get3A, %get3A_0] : memref<10240x16xf32, #tpu.memory_space<vmem>>, vector<10240x16xf32>
    %reduce_max3A = arith.constant dense<0xFF800000> : vector<10240xf32>
    %reduce_max3A_2 = vector.multi_reduction <maximumf>, %get3A_1, %reduce_max3A [1] : vector<10240x16xf32> to vector<10240xf32>
    %broadcast_in_dim3A = vector.shape_cast %reduce_max3A_2 : vector<10240xf32> to vector<10240x1xf32>
    %sub3A = vector.broadcast %broadcast_in_dim3A : vector<10240x1xf32> to vector<10240x16xf32>
    %sub3A_3 = arith.subf %get3A_1, %sub3A : vector<10240x16xf32>
    %exp3A = math.exp %sub3A_3 : vector<10240x16xf32>
    %reduce_sum3A = arith.constant dense<0.000000e+00> : vector<10240xf32>
    %reduce_sum3A_4 = vector.multi_reduction <add>, %exp3A, %reduce_sum3A [1] : vector<10240x16xf32> to vector<10240xf32>
    %broadcast_in_dim3A_5 = vector.shape_cast %reduce_sum3A_4 : vector<10240xf32> to vector<10240x1xf32>
    %log3A = math.log %broadcast_in_dim3A_5 : vector<10240x1xf32>
    %add3A = arith.addf %log3A, %broadcast_in_dim3A : vector<10240x1xf32>
    %sub3A_6 = vector.broadcast %add3A : vector<10240x1xf32> to vector<10240x16xf32>
    %sub3A_7 = arith.subf %get3A_1, %sub3A_6 : vector<10240x16xf32>
    %swap3A = arith.constant 0 : index
    %swap3A_8 = arith.constant 0 : index
    %swap3A_9 = vector.load %arg1[%swap3A, %swap3A_8] : memref<10240x16xf32, #tpu.memory_space<vmem>>, vector<10240x16xf32>
    tpu.vector_store %arg1[%swap3A, %swap3A_8], %sub3A_7 {strides = array<i32>} : memref<10240x16xf32, #tpu.memory_space<vmem>>, vector<10240x16xf32>,
    return
  }
}

</mosaic_0001>

<sc_bundles>
// kernel: kernel.6.cloned.1.call-start
scs
__scs_entry_jumppad:
0x0: {  	(pc) =	sbr.rel $0x88, $3  }
0x1: {  	(tag) =	ssettag $0x0;
	lr =	simm.s32 $0x1  }
0x2: {  	[smem:$0x3F9D] =	sst lr;
	_ =	strace $0xD0000000  }
0x3: {  	_ = 	snop  }
0x4: {  	_ = 	snop  }
0x5: {  	_ = 	snop  }
0x6: {  	_ = 	snop  }
0x7: {  	_ = 	snop  }
__scs_overlays_trampoline_lowered:
0x8: {  	[smem:$0x3FAC] =	sst s0  }
0x9: {  	[smem:$0x3FAD] =	sst s1  }
0xa: {  	[smem:$0x3FAE] =	sst s2  }
0xb: {  	[smem:$0x3FAF] =	sst s3  }
0xc: {  	[smem:$0x3FB0] =	sst s4  }
0xd: {  	[smem:$0x3FB1] =	sst s5  }
0xe: {  	[smem:$0x3FB2] =	sst s6  }
0xf: {  	[smem:$0x3FB3] =	sst s7  }
0x10: {  	[smem:$0x3FB4] =	sst s8  }
0x11: {  	[smem:$0x3FB5] =	sst s9;
	s0 =	simm.s32 @!p0 $0x0  }
0x12: {  	s1 =	sld [smem:$0x3F9B];
	s0 =	simm.s32 @p0 $0x1  }
0x13: {  	[smem:$0x3FB6] =	sst s0;
	s0 =	simm.s32 @!p1 $0x0  }
0x14: {  	s2 =	sld [smem:$0x3F9A];
	s0 =	simm.s32 @p1 $0x1  }
0x15: {  	[smem:$0x3FB7] =	sst s0;
	s0 =	simm.s32 @!p2 $0x0  }
0x16: {  	s3 =	sld [smem:$0x3FDB];
	s0 =	simm.s32 @p2 $0x1  }
0x17: {  	s4 =	simm.s32 $0x1BF5;
	[smem:$0x3FB9] =	sst s0  }
0x18: {  	s0 =	sld [smem:$0x3F9C];
	_ =	swait.ge [sflag:s4], $0x0  }
0x19: {  	s7 =	sld [smem:$0x3F9D]  }
0x1a: {  	s8 =	sadd.s32 $0xFFFFE003, lr  }
0x1b: {  	s9 =	sadd.s32 $0xFFFFFEF7, lr;
	s5 =	simm.s32 $0xFFFFFFFF;
	p2 =	slt.u32 s8, $0xFFFFF086  }
0x1c: {  	p1 =	slt.u32 s9, $0xF7A;
	s5 =	simm.s32 @!p2 $0x0  }
0x1d: {  	s5 =	simm.s32 @p1 $0x1;
	p0 =	seq.s32 s7, s2  }
0x1e: {  	s7 =	smul.u32 @!p0 $0xF7A, s2;
	p2 =	seq.s32 @!p0 s5, $0x0  }
0x1f: {  	s9 =	smul.u32 $0xF7A, s1;
	s8 =	simm.s32 @!p0 $0x1BF5;
	p2 =	por !p2, p0  }
0x20: {  	[sflag:s8] =	ssyncset.s32 @!p0 $0xFFFFF086;
	s6 =	sadd.s32 @!p0 s3, s7;
	s7 =	simm.s32 @!p0 $0x108  }
0x21: {  	s3 =	sadd.s32 s3, s9;
	s6 =	sadd.s32 @!p0 $0x88, s6;
	s7 =	simm.s32 @p2 $0x1082  }
0x22: {  	[simem:s7], [sflag:s8] =	dma.local @!p0 [hbm:s6], $0xF7A  }
0x23: {  	s9 =	sor.u32 $0xD0000000, s2;
	s6 =	simm.s32 $0x108;
	_ =	swait.ge @!p0 [sflag:s8], $0x0  }
0x24: {  	s3 =	sadd.s32 $0x88, s3;
	s6 =	simm.s32 @!p1 $0x1082;
	[sflag:s4] =	ssyncset.s32 $0xFFFFF086  }
0x25: {  	[simem:s6], [sflag:s4] =	dma.local [hbm:s3], $0xF7A  }
0x26: {  	[smem:$0x3F9D] =	sst s1;
	(tag) =	ssettag s2;
	_ =	strace s9  }
0x27: {  	s1 =	sld [smem:$0x3FAD]  }
0x28: {  	s2 =	sld [smem:$0x3FAE]  }
0x29: {  	s4 =	sld [smem:$0x3FB0]  }
0x2a: {  	p0 =	seq.s32 s5, $0x0;
	s5 =	sld [smem:$0x3FB1]  }
0x2b: {  	s6 =	sld [smem:$0x3FB2]  }
0x2c: {  	s7 =	sld [smem:$0x3FB3]  }
0x2d: {  	s3 =	simm.s32 $0x108;
	s8 =	sld [smem:$0x3FB4]  }
0x2e: {  	s3 =	simm.s32 @!p0 $0x1082;
	s9 =	sld [smem:$0x3FB5]  }
0x2f: {  	lr =	sadd.s32 s0, s3;
	s0 =	sld [smem:$0x3FAC]  }
0x30: {  	s3 =	sld [smem:$0x3FAF]  }
0x31: {  	[smem:$0x3FB8] =	sst s10  }
0x32: {  	s10 =	sld [smem:$0x3FB6];
	_ =	sdelay $0x3  }
0x33: {  	p0 =	seq.s32 s10, $0x1;
	s10 =	sld [smem:$0x3FB8];
	_ =	sdelay $0x3  }
0x34: {  	[smem:$0x3FB8] =	sst s10  }
0x35: {  	s10 =	sld [smem:$0x3FB7];
	_ =	sdelay $0x3  }
0x36: {  	p1 =	seq.s32 s10, $0x1;
	s10 =	sld [smem:$0x3FB8];
	_ =	sdelay $0x3  }
0x37: {  	[smem:$0x3FB8] =	sst s10  }
0x38: {  	s10 =	sld [smem:$0x3FB9]  }
0x39: {  	_ = 	snop;
	(pc) =	sbr.ind lr, $3  }
0x3a: {  	_ = 	snop  }
0x3b: {  	_ = 	snop  }
0x3c: {  	p2 =	seq.s32 s10, $0x1;
	s10 =	sld [smem:$0x3FB8]  }
0x3d: {  	_ =	shalt  }
0x3e: {  	_ =	shalt  }
0x3f: {  	_ =	shalt  }
0x40: {  	_ =	shalt  }
0x41: {  	_ =	shalt  }
0x42: {  	_ =	shalt  }
0x43: {  	_ =	shalt  }
0x44: {  	_ =	shalt  }
0x45: {  	_ =	shalt  }
0x46: {  	_ =	shalt  }
0x47: {  	_ =	shalt  }
0x48: {  	_ =	shalt  }
0x49: {  	_ =	shalt  }
0x4a: {  	_ =	shalt  }
0x4b: {  	_ =	shalt  }
0x4c: {  	_ =	shalt  }
0x4d: {  	_ =	shalt  }
0x4e: {  	_ =	shalt  }
0x4f: {  	_ =	shalt  }
0x50: {  	_ =	shalt  }
0x51: {  	_ =	shalt  }
0x52: {  	_ =	shalt  }
0x53: {  	_ =	shalt  }
0x54: {  	_ =	shalt  }
0x55: {  	_ =	shalt  }
0x56: {  	_ =	shalt  }
0x57: {  	_ =	shalt  }
0x58: {  	_ =	shalt  }
0x59: {  	_ =	shalt  }
0x5a: {  	_ =	shalt  }
0x5b: {  	_ =	shalt  }
0x5c: {  	_ =	shalt  }
0x5d: {  	_ =	shalt  }
0x5e: {  	_ =	shalt  }
0x5f: {  	_ =	shalt  }
0x60: {  	_ =	shalt  }
0x61: {  	_ =	shalt  }
0x62: {  	_ =	shalt  }
0x63: {  	_ =	shalt  }
0x64: {  	_ =	shalt  }
0x65: {  	_ =	shalt  }
0x66: {  	_ =	shalt  }
0x67: {  	_ =	shalt  }
0x68: {  	_ =	shalt  }
0x69: {  	_ =	shalt  }
0x6a: {  	_ =	shalt  }
0x6b: {  	_ =	shalt  }
0x6c: {  	_ =	shalt  }
0x6d: {  	_ =	shalt  }
0x6e: {  	_ =	shalt  }
0x6f: {  	_ =	shalt  }
0x70: {  	_ =	shalt  }
0x71: {  	_ =	shalt  }
0x72: {  	_ =	shalt  }
0x73: {  	_ =	shalt  }
0x74: {  	_ =	shalt  }
0x75: {  	_ =	shalt  }
0x76: {  	_ =	shalt  }
0x77: {  	_ =	shalt  }
0x78: {  	_ =	shalt  }
0x79: {  	_ =	shalt  }
0x7a: {  	_ =	shalt  }
0x7b: {  	_ =	shalt  }
0x7c: {  	_ =	shalt  }
0x7d: {  	_ =	shalt  }
0x7e: {  	_ =	shalt  }
0x7f: {  	_ =	shalt  }
0x80: {  	_ =	shalt  }
0x81: {  	_ =	shalt  }
0x82: {  	_ =	shalt  }
0x83: {  	_ =	shalt  }
0x84: {  	_ =	shalt  }
0x85: {  	_ =	shalt  }
0x86: {  	_ =	shalt  }
0x87: {  	_ =	shalt  }
.Lfunc_end0:
.L_simem_size_0:
called_computation_lowered:
.L_overlay_start_0:
0x88: {  	s2 =	sld [smem:$0x3FD9]  }
0x89: {  	s3 =	sld [smem:$0x3FFE];
	_ =	sdelay $0x1  }
0x8a: {  	s1 =	srdreg.scid  }
0x8b: {  	s0 =	sand.u32 $0x1, s1  }
0x8c: {  	s16 =	sshll.u32 s0, $0xA;
	s2 =	sadd.s32 s3, s2  }
0x8d: {  	s2 =	sadd.s32 s2, s16  }
0x8e: {  	[smem:$0x3FC4] =	sst s2  }
0x8f: {  	_ = 	snop  }
0x90: {  	(tm) =	ssettm $0x1  }
0x91: {  	s17 =	sld [smem:$0x3FFB];
	_ =	sdelay $0x3  }
0x92: {  	_ =	strace s17  }
0x93: {  	s2 =	sld [smem:$0x3FFC];
	_ =	sdelay $0x3  }
0x94: {  	_ =	strace s2  }
0x95: {  	s2 =	sld [smem:$0x3FFD];
	_ =	sdelay $0x3  }
0x96: {  	_ =	strace s2  }
0x97: {  	_ =	strace $0x8FFFFFFF  }
0x98: {  	s18 =	sld [smem:$0x3FDB];
	_ =	sdelay $0x1  }
0x99: {  	s19 =	simm.s32 $_scs_section_size  }
0x9a: {  	s4 =	simm.s32 $_size__tile_overlayer_lowered;
	s5 =	simm.s32 $_tile_overlayer_lowered  }
0x9b: {  	s22 =	simm.s32 $0x1BFF;
	s21 =	sshll.u32 s5, $0x1;
	s2 =	sadd.s32 s19, s18  }
0x9c: {  	s6 =	simm.s32 $0x0;
	s20 =	sshll.u32 s4, $0x1;
	s4 =	sadd.s32 s21, s2  }
0x9d: {  	[timem:s6], [sflag:s22] =	dma.local [hbm:s4], s20  }
0x9e: {  	_ =	swait.ge [sflag:s22], s20  }
0x9f: {  	s3 =	ssub.s32 $0x0, s20;
	[sflag:s22] =	ssyncset.done $0x0  }
0xa0: {  	[sflag:s22] =	ssyncadd.s32 s3;
	_ =	sdelay $0x1  }
0xa1: {  	s23 =	simm.s32 $0x1B8B  }
0xa2: {  	_ =	swait.ge [sflag:s23], $0x1  }
0xa3: {  	[sflag:s23] =	ssyncset.done $0x0  }
0xa4: {  	s25 =	simm.s32 $0x1B8E;
	s24 =	sld [smem:$0x3FFE];
	[sflag:s23] =	ssyncadd.s32 $0xFFFFFFFF  }
0xa5: {  	s26 =	simm.s32 $execute0_lowered;
	[smem:$0x3FD2] =	sst s25  }
0xa6: {  	s4 =	sshll.u32 s26, $0x1;
	_ =	strace $0x80000046;
	[dreg:$0x1] =	wrdreg $0xFFFFFFFF  }
0xa7: {  	s28 =	simm.s32 $_size_execute0_lowered;
	s2 =	sadd.s32 s2, s4;
	[dreg:$0x0] =	wrdreg $0x0  }
0xa8: {  	s4 =	sshll.u32 s28, $0x1;
	[dreg:$0x2] =	wrdreg s2  }
0xa9: {  	[dreg:$0x3] =	wrdreg s4  }
0xaa: {  	[dreg:$0x4] =	wrdreg $0xC0  }
0xab: {  	_ =	task [dreg:s6], $0x5FFFF  }
0xac: {  	[dreg:$0x1] =	wrdreg $0xFFFFFFFF  }
0xad: {  	[dreg:$0x0] =	wrdreg $0x60  }
0xae: {  	[dreg:$0x2] =	wrdreg s24  }
0xaf: {  	[dreg:$0x3] =	wrdreg $0x0  }
0xb0: {  	[dreg:$0x4] =	wrdreg $0x9  }
0xb1: {  	_ =	task.clear_ibuf [dreg:s6], $0x5FFFF;
	_ =	strace $0x90000046  }
0xb2: {  	s29 =	simm.s32 $0x9;
	_ =	strace $0x80000048  }
0xb3: {  	_ =	swait.ge [sflag:s29], $0x1  }
0xb4: {  	[sflag:s29] =	ssyncadd.s32 $0xFFFFFFFF  }
0xb5: {  	_ =	strace $0x90000048  }
0xb6: {  	_ =	sfence  }
0xb7: {  	s30 =	sld [smem:$0x0];
	_ =	sdelay $0x2  }
0xb8: {  	s31 =	sshll.u32 s1, $0xD;
	s1 =	sshrl.u32 s1, $0x2  }
0xb9: {  	s3 =	sand.u32 $0x4000, s31;
	s1 =	sadd.s32 s1, s30  }
0xba: {  	s0 =	sor.u32 s3, s0;
	s1 =	sshll.u32 s1, $0x11  }
0xbb: {  	s0 =	sor.u32 s1, s0  }
0xbc: {  	s0 =	sadd.s32 $0x8F2B, s0  }
0xbd: {  	[sflag:s0] =	ssyncadd.remote.s32 $0x1  }
0xbe: {  	_ =	sfence.sel $0xFFFF  }
0xbf: {  	[dreg:$0x0] =	wrdreg $0xFFFFFFFF;
	(pc) =	sbr.abs _section_cstart, $3  }
0xc0: {  	[dreg:$0x1] =	wrdreg $0xFFFFFFFF  }
0xc1: {  	_ =	task.clear_ibuf [dreg:s6], $0x2FFFF;
	_ =	strace $0x9FFFFFFF  }
0xc2: {  	(tm) =	ssettm $0x7FFFFFFF  }
0xc3: {  	_ =	shalt  }
tec
execute0_lowered:
.L_overlay_start_1:
0x0: {  	(tag) =	ssettag $0x1  }
0x1: {  	s0 =	rddreg [dreg:$0x0]  }
0x2: {  	s2 =	rddreg [dreg:$0x1];
	s1 =	srdreg.scid  }
0x3: {  	s14 =	stileid.u32;
	s3 =	simm.s32 $0x0;
	s20 =	simm.s32 $0x3  }
0x4: {  	s1 =	sand.u32 $0x1, s1;
	s6 =	smul.u32 $0xA000, s14;
	[smem:$0x7FF] =	sst s3  }
0x5: {  	s7 =	sadd.s32 $0x15200, s0;
	s8 =	sadd.s32 $0x3D200, s0;
	s11 =	smul.u32 $0x28000, s14  }
0x6: {  	s22 =	sshll.u32 s14, $0x1;
	s13 =	smul.u32 $0x14000, s14;
	s23 =	sshll.u32 s14, $0x6  }
0x7: {  	s14 =	simm.s32 $0x4;
	s4 =	smul.u32 $0xA0000, s1;
	s10 =	ssub.s32 $0x2, s1  }
0x8: {  	_ =	strace $0x80000047;
	s21 =	sshrl.u32 s10, $0x1;
	s12 =	sadd.s32 s6, s2  }
0x9: {  	s11 =	sshrl.u32 s11, $0x2;
	s5 =	sadd.s32 s6, s4;
	s4 =	sadd.s32 $0x1800, s0  }
0xa: {  	s11 =	sadd.s32 s11, s2;
	s9 =	sshrl.u32 s5, $0x3;
	s5 =	sadd.s32 $0x79200, s0  }
0xb: {  	s15 =	sadd.s32 $0x2800, s11;
	s16 =	sadd.s32 $0x5000, s11;
	s11 =	sadd.s32 $0x7800, s11  }
0xc: {  	s0 =	sadd.s32 s9, s0;
	s9 =	ssub.s32 s10, s21;
	s29 =	sshrl.u32 s15, $0x3  }
0xd: {  	s10 =	sor.u32 s1, s22;
	s30 =	sshrl.u32 s16, $0x3;
	[dreg:$0xa] =	wrdreg s29  }
0xe: {  	s1 =	smul.u32 $0xA000, s1;
	s31 =	sshrl.u32 s11, $0x3;
	[dreg:$0xb] =	wrdreg s30  }
0xf: {  	s10 =	smul.u32 $0x1400, s10;
	s0 =	sadd.s32 $0x7E200, s0;
	[dreg:$0xc] =	wrdreg s31  }
0x10: {  	s6 =	sor.u32 $0x1C04, s23;
	s26 =	smax.u32 s9, $0x1;
	[dreg:$0x5] =	wrdreg s0  }
0x11: {  	s1 =	sadd.s32 s1, s13;
	[dreg:$0x6] =	wrdreg s26;
	s24 =	sadd.s32 s8, s10  }
0x12: {  	s1 =	sor.u32 $0x400, s1;
	s10 =	sadd.s32 s7, s10;
	[dreg:$0x3] =	wrdreg s24  }
0x13: {  	[dreg:$0x4] =	wrdreg s10;
	s25 =	sshrl.u32 s1, $0x3;
	s1 =	sshrl.u32 s12, $0x3  }
0x14: {  	s23 =	simm.s32 $0x2;
	s28 =	sadd.s32 s25, s7;
	[dreg:$0x9] =	wrdreg s1  }
0x15: {  	s21 =	simm.s32 $0x80;
	s0 =	sadd.s32 s25, s8;
	[dreg:$0x7] =	wrdreg s28  }
0x16: {  	s22 =	simm.s32 $0x1;
	s24 =	simm.s32 $0x0;
	[dreg:$0x8] =	wrdreg s0  }
.LBB2_1:
0x17: {  	[spmem:s1], [sflag:s6] =	dma.local [hbm:s5], $0x500  }
0x18: {  	_ =	swait.ge [sflag:s14], $0x500  }
0x19: {  	[sflag:s14] =	ssyncset.done $0x0  }
0x1a: {  	s0 =	rddreg [dreg:$0xa];
	[sflag:s14] =	ssyncadd.s32 $0xFFFFFB00  }
0x1b: {  	[spmem:s0], [sflag:s6] =	dma.local [hbm:s5], $0x500  }
0x1c: {  	_ =	swait.ge [sflag:s14], $0x500  }
0x1d: {  	[sflag:s14] =	ssyncset.done $0x0  }
0x1e: {  	s19 =	rddreg [dreg:$0xb];
	[sflag:s14] =	ssyncadd.s32 $0xFFFFFB00  }
0x1f: {  	[spmem:s19], [sflag:s6] =	dma.local [hbm:s5], $0x500  }
0x20: {  	_ =	swait.ge [sflag:s14], $0x500  }
0x21: {  	[sflag:s14] =	ssyncset.done $0x0  }
0x22: {  	s25 =	rddreg [dreg:$0xc];
	[sflag:s14] =	ssyncadd.s32 $0xFFFFFB00  }
0x23: {  	[spmem:s25], [sflag:s6] =	dma.local [hbm:s5], $0x500  }
0x24: {  	_ =	swait.ge [sflag:s14], $0x500  }
0x25: {  	[sflag:s14] =	ssyncset.done $0x0  }
0x26: {  	[sflag:s14] =	ssyncadd.s32 $0xFFFFFB00  }
0x27: {  	[bflag:$0x0] =	sbarrier.arrive $0xFFFF  }
0x28: {  	s26 =	rddreg [dreg:$0x3]  }
0x29: {  	s30 =	rddreg [dreg:$0x4]  }
0x2a: {  	s29 =	simm.s32 $0xA000;
	s25 =	rddreg [dreg:$0x8]  }
0x2b: {  	[tilespmem:s29], [sflag:$0x3] =	stream.linear.gather [hbm4b:s26+s3], $0x400, $0x38;
	[tilespmem:$0x13000] =	vst v63  }
0x2c: {  	s31 =	simm.s32 $0xA800;
	s28 =	simm.s32 $0x0;
	s26 =	rddreg [dreg:$0x7]  }
0x2d: {  	[tilespmem:s31], [sflag:$0x3] =	stream.linear.gather [hbm4b:s30+s3], $0x400, $0x38;
	[tilespmem:$0x13000] =	vst v63  }
.LBB2_2:
0x2e: {  	_ =	swait.ge [sflag:s20], $0x400  }
0x2f: {  	s0 =	sand.u32 $0x1, s28;
	[sflag:s20] =	ssyncset.done $0x0  }
0x30: {  	s1 =	sshll.u32 s0, $0xE;
	s29 =	sshll.u32 s0, $0xA;
	[sflag:s20] =	ssyncadd.s32 $0xFFFFFC00  }
0x31: {  	s30 =	sor.u32 $0xB000, s1;
	s0 =	sor.u32 $0xA000, s29;
	_ =	swait.ge [sflag:s20], $0x400  }
0x32: {  	s31 =	sor.u32 $0x80, s29;
	s15 =	sor.u32 $0xA080, s29;
	[sflag:s20] =	ssyncset.done $0x0  }
0x33: {  	s1 =	sor.u32 $0x100, s29;
	s13 =	sshll.u32 s31, $0x4;
	[sflag:s20] =	ssyncadd.s32 $0xFFFFFC00  }
0x34: {  	[tilespmem:s30], [sflag:$0x1] =	stream.indirect.gather [hbm4b:s4+s21], $0x10, s0, s21, $0xb8;
	[tilespmem:$0x13000] =	vst v63  }
0x35: {  	s19 =	sor.u32 $0x180, s29;
	s7 =	sshll.u32 s1, $0x4;
	s0 =	sor.u32 $0xB000, s13  }
0x36: {  	[tilespmem:s0], [sflag:$0x1] =	stream.indirect.gather [hbm4b:s4+s21], $0x10, s15, s21, $0xb8;
	[tilespmem:$0x13000] =	vst v63  }
0x37: {  	s16 =	sor.u32 $0xA100, s29;
	s17 =	sshll.u32 s19, $0x4;
	s18 =	sadd.s32 $0xB000, s7  }
0x38: {  	[tilespmem:s18], [sflag:$0x1] =	stream.indirect.gather [hbm4b:s4+s21], $0x10, s16, s21, $0xb8;
	[tilespmem:$0x13000] =	vst v63  }
0x39: {  	s8 =	sor.u32 $0xA180, s29;
	s7 =	sadd.s32 $0xB000, s17  }
0x3a: {  	[tilespmem:s7], [sflag:$0x1] =	stream.indirect.gather [hbm4b:s4+s21], $0x10, s8, s21, $0xb8;
	[tilespmem:$0x13000] =	vst v63  }
0x3b: {  	s8 =	sor.u32 $0x200, s29  }
0x3c: {  	s9 =	sshll.u32 s8, $0x4  }
0x3d: {  	s10 =	sor.u32 $0xA200, s29;
	s9 =	sadd.s32 $0xB000, s9  }
0x3e: {  	[tilespmem:s9], [sflag:$0x1] =	stream.indirect.gather [hbm4b:s4+s21], $0x10, s10, s21, $0xb8;
	[tilespmem:$0x13000] =	vst v63  }
0x3f: {  	s10 =	sor.u32 $0x280, s29  }
0x40: {  	s11 =	sshll.u32 s10, $0x4  }
0x41: {  	s12 =	sor.u32 $0xA280, s29;
	s11 =	sadd.s32 $0xB000, s11  }
0x42: {  	[tilespmem:s11], [sflag:$0x1] =	stream.indirect.gather [hbm4b:s4+s21], $0x10, s12, s21, $0xb8;
	[tilespmem:$0x13000] =	vst v63  }
0x43: {  	s12 =	sor.u32 $0x300, s29  }
0x44: {  	s15 =	sshll.u32 s12, $0x4  }
0x45: {  	s16 =	sor.u32 $0xA300, s29;
	s15 =	sadd.s32 $0xB000, s15  }
0x46: {  	[tilespmem:s15], [sflag:$0x1] =	stream.indirect.gather [hbm4b:s4+s21], $0x10, s16, s21, $0xb8;
	[tilespmem:$0x13000] =	vst v63  }
0x47: {  	s16 =	sor.u32 $0x380, s29  }
0x48: {  	s17 =	sshll.u32 s16, $0x4  }
0x49: {  	p0 =	seq.s32 s28, $0x0;
	s13 =	sor.u32 $0xA380, s29;
	s17 =	sadd.s32 $0xB000, s17  }
0x4a: {  	[tilespmem:s17], [sflag:$0x1] =	stream.indirect.gather [hbm4b:s4+s21], $0x10, s13, s21, $0xb8;
	[tilespmem:$0x13000] =	vst v63  }
0x4b: {  	s13 =	simm.s32 @!p0 $0x2  }
0x4c: {  	_ =	swait.ge @!p0 [sflag:s13], $0x800  }
0x4d: {  	[sflag:s13] =	ssyncset.done @!p0 $0x0  }
0x4e: {  	[sflag:s13] =	ssyncadd.s32 @!p0 $0xFFFFF800  }
0x4f: {  	_ =	swait.ge @!p0 [sflag:s13], $0x800  }
0x50: {  	[sflag:s13] =	ssyncset.done @!p0 $0x0  }
0x51: {  	[sflag:s13] =	ssyncadd.s32 @!p0 $0xFFFFF800  }
0x52: {  	_ =	swait.ge @!p0 [sflag:s13], $0x800  }
0x53: {  	[sflag:s13] =	ssyncset.done @!p0 $0x0  }
0x54: {  	[sflag:s13] =	ssyncadd.s32 @!p0 $0xFFFFF800  }
0x55: {  	_ =	swait.ge @!p0 [sflag:s13], $0x800  }
0x56: {  	[sflag:s13] =	ssyncset.done @!p0 $0x0  }
0x57: {  	[sflag:s13] =	ssyncadd.s32 @!p0 $0xFFFFF800  }
0x58: {  	_ =	swait.ge @!p0 [sflag:s13], $0x800  }
0x59: {  	[sflag:s13] =	ssyncset.done @!p0 $0x0  }
0x5a: {  	[sflag:s13] =	ssyncadd.s32 @!p0 $0xFFFFF800  }
0x5b: {  	_ =	swait.ge @!p0 [sflag:s13], $0x800  }
0x5c: {  	[sflag:s13] =	ssyncset.done @!p0 $0x0  }
0x5d: {  	[sflag:s13] =	ssyncadd.s32 @!p0 $0xFFFFF800  }
0x5e: {  	_ =	swait.ge @!p0 [sflag:s13], $0x800  }
0x5f: {  	[sflag:s13] =	ssyncset.done @!p0 $0x0  }
0x60: {  	[sflag:s13] =	ssyncadd.s32 @!p0 $0xFFFFF800  }
0x61: {  	p1 =	seq.s32 @!p0 s28, $0x27;
	_ =	swait.ge @!p0 [sflag:s13], $0x800  }
0x62: {  	p1 =	por p0, !p1;
	[sflag:s13] =	ssyncset.done @!p0 $0x0  }
0x63: {  	[sflag:s13] =	ssyncadd.s32 @!p0 $0xFFFFF800;
	s13 =	ssub.s32 @p1 $0xA400, s29  }
0x64: {  	[tilespmem:s13], [sflag:$0x3] =	stream.linear.gather @p1 [hbm4b:s25+s3], $0x400, $0x38;
	[tilespmem:$0x13000] =	vst v63  }
0x65: {  	s13 =	ssub.s32 @p1 $0xAC00, s29  }
0x66: {  	[tilespmem:s13], [sflag:$0x3] =	stream.linear.gather @p1 [hbm4b:s26+s3], $0x400, $0x38;
	[tilespmem:$0x13000] =	vst v63  }
0x67: {  	_ =	swait.ge [sflag:s22], $0x800  }
0x68: {  	[sflag:s22] =	ssyncset.done $0x0  }
0x69: {  	[sflag:s22] =	ssyncadd.s32 $0xFFFFF800  }
0x6a: {  	_ =	swait.ge [sflag:s22], $0x800  }
0x6b: {  	[sflag:s22] =	ssyncset.done $0x0  }
0x6c: {  	[sflag:s22] =	ssyncadd.s32 $0xFFFFF800  }
0x6d: {  	_ =	swait.ge [sflag:s22], $0x800  }
0x6e: {  	[sflag:s22] =	ssyncset.done $0x0  }
0x6f: {  	[sflag:s22] =	ssyncadd.s32 $0xFFFFF800  }
0x70: {  	_ =	swait.ge [sflag:s22], $0x800  }
0x71: {  	[sflag:s22] =	ssyncset.done $0x0  }
0x72: {  	[sflag:s22] =	ssyncadd.s32 $0xFFFFF800  }
0x73: {  	_ =	swait.ge [sflag:s22], $0x800  }
0x74: {  	[sflag:s22] =	ssyncset.done $0x0  }
0x75: {  	[sflag:s22] =	ssyncadd.s32 $0xFFFFF800  }
0x76: {  	_ =	swait.ge [sflag:s22], $0x800  }
0x77: {  	[sflag:s22] =	ssyncset.done $0x0  }
0x78: {  	[sflag:s22] =	ssyncadd.s32 $0xFFFFF800  }
0x79: {  	_ =	swait.ge [sflag:s22], $0x800  }
0x7a: {  	[sflag:s22] =	ssyncset.done $0x0  }
0x7b: {  	[sflag:s22] =	ssyncadd.s32 $0xFFFFF800  }
0x7c: {  	_ =	swait.ge [sflag:s22], $0x800  }
0x7d: {  	[sflag:s22] =	ssyncset.done $0x0  }
0x7e: {  	s29 =	sor.u32 $0xA800, s29;
	[sflag:s22] =	ssyncadd.s32 $0xFFFFF800  }
0x7f: {  	[spmem:s2] =	stream.indirect.scatter.add.f32 [tilespmem:s30], [sflag:$0x2], $0x10, s29, s21, $0xb8;
	[tilespmem:$0x13000] =	vst v63  }
0x80: {  	s31 =	sor.u32 $0xA800, s31  }
0x81: {  	[spmem:s2] =	stream.indirect.scatter.add.f32 [tilespmem:s0], [sflag:$0x2], $0x10, s31, s21, $0xb8;
	[tilespmem:$0x13000] =	vst v63  }
0x82: {  	s13 =	sor.u32 $0xA800, s1  }
0x83: {  	[spmem:s2] =	stream.indirect.scatter.add.f32 [tilespmem:s18], [sflag:$0x2], $0x10, s13, s21, $0xb8;
	[tilespmem:$0x13000] =	vst v63  }
0x84: {  	s18 =	sor.u32 $0xA800, s19  }
0x85: {  	[spmem:s2] =	stream.indirect.scatter.add.f32 [tilespmem:s7], [sflag:$0x2], $0x10, s18, s21, $0xb8;
	[tilespmem:$0x13000] =	vst v63  }
0x86: {  	s28 =	sadd.s32 $0x1, s28;
	s19 =	sor.u32 $0xA800, s8  }
0x87: {  	[spmem:s2] =	stream.indirect.scatter.add.f32 [tilespmem:s9], [sflag:$0x2], $0x10, s19, s21, $0xb8;
	[tilespmem:$0x13000] =	vst v63  }
0x88: {  	p0 =	sne.s32 s28, $0x28;
	s29 =	sor.u32 $0xA800, s10  }
0x89: {  	[spmem:s2] =	stream.indirect.scatter.add.f32 [tilespmem:s11], [sflag:$0x2], $0x10, s29, s21, $0xb8;
	[tilespmem:$0x13000] =	vst v63  }
.Ltmp0:
0x8a: {  	_ = 	snop;
	(pc) =	sbr.rel @p0 .LBB2_2-.Ltmp0, $4  }
0x8b: {  	s30 =	sor.u32 $0xA800, s12  }
0x8c: {  	[spmem:s2] =	stream.indirect.scatter.add.f32 [tilespmem:s15], [sflag:$0x2], $0x10, s30, s21, $0xb8;
	[tilespmem:$0x13000] =	vst v63  }
0x8d: {  	s25 =	sadd.s32 $0x80, s25;
	s26 =	sadd.s32 $0x80, s26;
	s31 =	sor.u32 $0xA800, s16  }
0x8e: {  	[spmem:s2] =	stream.indirect.scatter.add.f32 [tilespmem:s17], [sflag:$0x2], $0x10, s31, s21, $0xb8;
	[tilespmem:$0x13000] =	vst v63  }
0x8f: {  	_ =	swait.ge [sflag:s23], $0x800  }
0x90: {  	[sflag:s23] =	ssyncset.done $0x0  }
0x91: {  	[sflag:s23] =	ssyncadd.s32 $0xFFFFF800  }
0x92: {  	_ =	swait.ge [sflag:s23], $0x800  }
0x93: {  	[sflag:s23] =	ssyncset.done $0x0  }
0x94: {  	[sflag:s23] =	ssyncadd.s32 $0xFFFFF800  }
0x95: {  	_ =	swait.ge [sflag:s23], $0x800  }
0x96: {  	[sflag:s23] =	ssyncset.done $0x0  }
0x97: {  	[sflag:s23] =	ssyncadd.s32 $0xFFFFF800  }
0x98: {  	_ =	swait.ge [sflag:s23], $0x800  }
0x99: {  	[sflag:s23] =	ssyncset.done $0x0  }
0x9a: {  	[sflag:s23] =	ssyncadd.s32 $0xFFFFF800  }
0x9b: {  	_ =	swait.ge [sflag:s23], $0x800  }
0x9c: {  	[sflag:s23] =	ssyncset.done $0x0  }
0x9d: {  	[sflag:s23] =	ssyncadd.s32 $0xFFFFF800  }
0x9e: {  	_ =	swait.ge [sflag:s23], $0x800  }
0x9f: {  	[sflag:s23] =	ssyncset.done $0x0  }
0xa0: {  	[sflag:s23] =	ssyncadd.s32 $0xFFFFF800  }
0xa1: {  	_ =	swait.ge [sflag:s23], $0x800  }
0xa2: {  	[sflag:s23] =	ssyncset.done $0x0  }
0xa3: {  	[sflag:s23] =	ssyncadd.s32 $0xFFFFF800  }
0xa4: {  	_ =	swait.ge [sflag:s23], $0x800  }
0xa5: {  	[sflag:s23] =	ssyncset.done $0x0  }
0xa6: {  	[sflag:s23] =	ssyncadd.s32 $0xFFFFF800  }
0xa7: {  	[bflag:$0x0] =	sbarrier.arrive $0xFFFF  }
0xa8: {  	s0 =	rddreg [dreg:$0x5]  }
0xa9: {  	s1 =	rddreg [dreg:$0x9]  }
0xaa: {  	[hbm:s0], [sflag:s6] =	dma.local [spmem:s1], $0x1400  }
0xab: {  	_ =	swait.ge [sflag:s14], $0x1400  }
0xac: {  	s24 =	sadd.s32 $0x1, s24;
	s31 =	rddreg [dreg:$0x6]  }
0xad: {  	p0 =	sne.s32 s24, s31  }
.Ltmp1:
0xae: {  	_ = 	snop;
	(pc) =	sbr.rel @p0 .LBB2_1-.Ltmp1, $3  }
0xaf: {  	_ =	sdelay $0x1  }
0xb0: {  	[sflag:s14] =	ssyncset.done $0x0  }
0xb1: {  	[sflag:s14] =	ssyncadd.s32 $0xFFFFEC00  }
0xb2: {  	_ =	sfence.sel $0x180000  }
0xb3: {  	[bflag:$0x0] =	sbarrier.arrive $0xFFFF  }
0xb4: {  	_ =	strace $0x90000047  }
0xb5: {  	s0 =	stileid.u32;
	[bflag:$0x2] =	sbarrier.arrive $0xFFFF  }
0xb6: {  	p0 =	sne.s32 s0, $0x0;
	s0 =	rddreg [dreg:$0x2]  }
0xb7: {  	s0 =	sadd.s32 @!p0 $0x100000, s0  }
0xb8: {  	[sflag:s0] =	ssyncadd.tile.s32 @!p0 $0x1;
	_ =	shalt  }
.Lfunc_end2:
_tile_overlayer_lowered:
.L_overlay_start_2:
0xb9: {  	(tag) =	ssettag $0x2  }
0xba: {  	s0 =	rddreg [dreg:$0x0];
	s2 =	stileid.u32  }
0xbb: {  	s1 =	rddreg [dreg:$0x1];
	p0 =	sne.s32 s2, $0x0  }
0xbc: {  	s3 =	rddreg [dreg:$0x2];
	[bflag:$0x3] =	sbarrier.arrive $0xFFFF;
	s2 =	simm.s32 @!p0 $0x1C04  }
0xbd: {  	[timem:s3], [sflag:s2] =	dma.local @!p0 [hbm:s0], s1  }
0xbe: {  	s0 =	simm.s32 @!p0 $0x4  }
0xbf: {  	_ =	swait.ge @!p0 [sflag:s0], s1  }
0xc0: {  	s1 =	ssub.s32 @!p0 $0x0, s1;
	[sflag:s0] =	ssyncset.done @!p0 $0x0  }
0xc1: {  	[sflag:s0] =	ssyncadd.s32 @!p0 s1  }
0xc2: {  	[bflag:$0x3] =	sbarrier.arrive $0xFFFF  }
0xc3: {  	_ =	shalt  }

// kernel: kernel.9.cloned.1.call-start
scs
__scs_entry_jumppad:
0x0: {  	(pc) =	sbr.rel $0x88, $3  }
0x1: {  	(tag) =	ssettag $0x0;
	lr =	simm.s32 $0x1  }
0x2: {  	[smem:$0x3F9D] =	sst lr;
	_ =	strace $0xD0000000  }
0x3: {  	_ = 	snop  }
0x4: {  	_ = 	snop  }
0x5: {  	_ = 	snop  }
0x6: {  	_ = 	snop  }
0x7: {  	_ = 	snop  }
__scs_overlays_trampoline_lowered:
0x8: {  	[smem:$0x3FAC] =	sst s0  }
0x9: {  	[smem:$0x3FAD] =	sst s1  }
0xa: {  	[smem:$0x3FAE] =	sst s2  }
0xb: {  	[smem:$0x3FAF] =	sst s3  }
0xc: {  	[smem:$0x3FB0] =	sst s4  }
0xd: {  	[smem:$0x3FB1] =	sst s5  }
0xe: {  	[smem:$0x3FB2] =	sst s6  }
0xf: {  	[smem:$0x3FB3] =	sst s7  }
0x10: {  	[smem:$0x3FB4] =	sst s8  }
0x11: {  	[smem:$0x3FB5] =	sst s9;
	s0 =	simm.s32 @!p0 $0x0  }
0x12: {  	s1 =	sld [smem:$0x3F9B];
	s0 =	simm.s32 @p0 $0x1  }
0x13: {  	[smem:$0x3FB6] =	sst s0;
	s0 =	simm.s32 @!p1 $0x0  }
0x14: {  	s2 =	sld [smem:$0x3F9A];
	s0 =	simm.s32 @p1 $0x1  }
0x15: {  	[smem:$0x3FB7] =	sst s0;
	s0 =	simm.s32 @!p2 $0x0  }
0x16: {  	s3 =	sld [smem:$0x3FDB];
	s0 =	simm.s32 @p2 $0x1  }
0x17: {  	s4 =	simm.s32 $0x1BF5;
	[smem:$0x3FB9] =	sst s0  }
0x18: {  	s0 =	sld [smem:$0x3F9C];
	_ =	swait.ge [sflag:s4], $0x0  }
0x19: {  	s7 =	sld [smem:$0x3F9D]  }
0x1a: {  	s8 =	sadd.s32 $0xFFFFE003, lr  }
0x1b: {  	s9 =	sadd.s32 $0xFFFFFEF7, lr;
	s5 =	simm.s32 $0xFFFFFFFF;
	p2 =	slt.u32 s8, $0xFFFFF086  }
0x1c: {  	p1 =	slt.u32 s9, $0xF7A;
	s5 =	simm.s32 @!p2 $0x0  }
0x1d: {  	s5 =	simm.s32 @p1 $0x1;
	p0 =	seq.s32 s7, s2  }
0x1e: {  	s7 =	smul.u32 @!p0 $0xF7A, s2;
	p2 =	seq.s32 @!p0 s5, $0x0  }
0x1f: {  	s9 =	smul.u32 $0xF7A, s1;
	s8 =	simm.s32 @!p0 $0x1BF5;
	p2 =	por !p2, p0  }
0x20: {  	[sflag:s8] =	ssyncset.s32 @!p0 $0xFFFFF086;
	s6 =	sadd.s32 @!p0 s3, s7;
	s7 =	simm.s32 @!p0 $0x108  }
0x21: {  	s3 =	sadd.s32 s3, s9;
	s6 =	sadd.s32 @!p0 $0x88, s6;
	s7 =	simm.s32 @p2 $0x1082  }
0x22: {  	[simem:s7], [sflag:s8] =	dma.local @!p0 [hbm:s6], $0xF7A  }
0x23: {  	s9 =	sor.u32 $0xD0000000, s2;
	s6 =	simm.s32 $0x108;
	_ =	swait.ge @!p0 [sflag:s8], $0x0  }
0x24: {  	s3 =	sadd.s32 $0x88, s3;
	s6 =	simm.s32 @!p1 $0x1082;
	[sflag:s4] =	ssyncset.s32 $0xFFFFF086  }
0x25: {  	[simem:s6], [sflag:s4] =	dma.local [hbm:s3], $0xF7A  }
0x26: {  	[smem:$0x3F9D] =	sst s1;
	(tag) =	ssettag s2;
	_ =	strace s9  }
0x27: {  	s1 =	sld [smem:$0x3FAD]  }
0x28: {  	s2 =	sld [smem:$0x3FAE]  }
0x29: {  	s4 =	sld [smem:$0x3FB0]  }
0x2a: {  	p0 =	seq.s32 s5, $0x0;
	s5 =	sld [smem:$0x3FB1]  }
0x2b: {  	s6 =	sld [smem:$0x3FB2]  }
0x2c: {  	s7 =	sld [smem:$0x3FB3]  }
0x2d: {  	s3 =	simm.s32 $0x108;
	s8 =	sld [smem:$0x3FB4]  }
0x2e: {  	s3 =	simm.s32 @!p0 $0x1082;
	s9 =	sld [smem:$0x3FB5]  }
0x2f: {  	lr =	sadd.s32 s0, s3;
	s0 =	sld [smem:$0x3FAC]  }
0x30: {  	s3 =	sld [smem:$0x3FAF]  }
0x31: {  	[smem:$0x3FB8] =	sst s10  }
0x32: {  	s10 =	sld [smem:$0x3FB6];
	_ =	sdelay $0x3  }
0x33: {  	p0 =	seq.s32 s10, $0x1;
	s10 =	sld [smem:$0x3FB8];
	_ =	sdelay $0x3  }
0x34: {  	[smem:$0x3FB8] =	sst s10  }
0x35: {  	s10 =	sld [smem:$0x3FB7];
	_ =	sdelay $0x3  }
0x36: {  	p1 =	seq.s32 s10, $0x1;
	s10 =	sld [smem:$0x3FB8];
	_ =	sdelay $0x3  }
0x37: {  	[smem:$0x3FB8] =	sst s10  }
0x38: {  	s10 =	sld [smem:$0x3FB9]  }
0x39: {  	_ = 	snop;
	(pc) =	sbr.ind lr, $3  }
0x3a: {  	_ = 	snop  }
0x3b: {  	_ = 	snop  }
0x3c: {  	p2 =	seq.s32 s10, $0x1;
	s10 =	sld [smem:$0x3FB8]  }
0x3d: {  	_ =	shalt  }
0x3e: {  	_ =	shalt  }
0x3f: {  	_ =	shalt  }
0x40: {  	_ =	shalt  }
0x41: {  	_ =	shalt  }
0x42: {  	_ =	shalt  }
0x43: {  	_ =	shalt  }
0x44: {  	_ =	shalt  }
0x45: {  	_ =	shalt  }
0x46: {  	_ =	shalt  }
0x47: {  	_ =	shalt  }
0x48: {  	_ =	shalt  }
0x49: {  	_ =	shalt  }
0x4a: {  	_ =	shalt  }
0x4b: {  	_ =	shalt  }
0x4c: {  	_ =	shalt  }
0x4d: {  	_ =	shalt  }
0x4e: {  	_ =	shalt  }
0x4f: {  	_ =	shalt  }
0x50: {  	_ =	shalt  }
0x51: {  	_ =	shalt  }
0x52: {  	_ =	shalt  }
0x53: {  	_ =	shalt  }
0x54: {  	_ =	shalt  }
0x55: {  	_ =	shalt  }
0x56: {  	_ =	shalt  }
0x57: {  	_ =	shalt  }
0x58: {  	_ =	shalt  }
0x59: {  	_ =	shalt  }
0x5a: {  	_ =	shalt  }
0x5b: {  	_ =	shalt  }
0x5c: {  	_ =	shalt  }
0x5d: {  	_ =	shalt  }
0x5e: {  	_ =	shalt  }
0x5f: {  	_ =	shalt  }
0x60: {  	_ =	shalt  }
0x61: {  	_ =	shalt  }
0x62: {  	_ =	shalt  }
0x63: {  	_ =	shalt  }
0x64: {  	_ =	shalt  }
0x65: {  	_ =	shalt  }
0x66: {  	_ =	shalt  }
0x67: {  	_ =	shalt  }
0x68: {  	_ =	shalt  }
0x69: {  	_ =	shalt  }
0x6a: {  	_ =	shalt  }
0x6b: {  	_ =	shalt  }
0x6c: {  	_ =	shalt  }
0x6d: {  	_ =	shalt  }
0x6e: {  	_ =	shalt  }
0x6f: {  	_ =	shalt  }
0x70: {  	_ =	shalt  }
0x71: {  	_ =	shalt  }
0x72: {  	_ =	shalt  }
0x73: {  	_ =	shalt  }
0x74: {  	_ =	shalt  }
0x75: {  	_ =	shalt  }
0x76: {  	_ =	shalt  }
0x77: {  	_ =	shalt  }
0x78: {  	_ =	shalt  }
0x79: {  	_ =	shalt  }
0x7a: {  	_ =	shalt  }
0x7b: {  	_ =	shalt  }
0x7c: {  	_ =	shalt  }
0x7d: {  	_ =	shalt  }
0x7e: {  	_ =	shalt  }
0x7f: {  	_ =	shalt  }
0x80: {  	_ =	shalt  }
0x81: {  	_ =	shalt  }
0x82: {  	_ =	shalt  }
0x83: {  	_ =	shalt  }
0x84: {  	_ =	shalt  }
0x85: {  	_ =	shalt  }
0x86: {  	_ =	shalt  }
0x87: {  	_ =	shalt  }
.Lfunc_end0:
.L_simem_size_0:
called_computation.1_lowered:
.L_overlay_start_0:
0x88: {  	s2 =	sld [smem:$0x3FD9]  }
0x89: {  	s3 =	sld [smem:$0x3FFE];
	_ =	sdelay $0x1  }
0x8a: {  	s1 =	srdreg.scid  }
0x8b: {  	s0 =	sand.u32 $0x1, s1  }
0x8c: {  	s17 =	sshll.u32 s0, $0xA;
	s2 =	sadd.s32 s3, s2  }
0x8d: {  	s2 =	sadd.s32 s2, s17  }
0x8e: {  	[smem:$0x3FC4] =	sst s2  }
0x8f: {  	_ = 	snop  }
0x90: {  	s2 =	sld [smem:$0x3FD0];
	(tm) =	ssettm $0x1  }
0x91: {  	s18 =	sld [smem:$0x3FFB];
	_ =	sdelay $0x3  }
0x92: {  	_ =	strace s18  }
0x93: {  	s3 =	sld [smem:$0x3FFC];
	_ =	sdelay $0x3  }
0x94: {  	_ =	strace s3  }
0x95: {  	s3 =	sld [smem:$0x3FFD];
	_ =	sdelay $0x3  }
0x96: {  	_ =	strace s3  }
0x97: {  	_ =	strace $0x8FFFFFFF  }
0x98: {  	s19 =	sld [smem:$0x3FDB];
	_ =	sdelay $0x1  }
0x99: {  	s4 =	simm.s32 $_scs_section_size  }
0x9a: {  	s5 =	simm.s32 $_size__tile_overlayer_lowered;
	s6 =	simm.s32 $_tile_overlayer_lowered  }
0x9b: {  	s22 =	simm.s32 $0x1BFF;
	s21 =	sshll.u32 s6, $0x1;
	s3 =	sadd.s32 s4, s19  }
0x9c: {  	s7 =	simm.s32 $0x0;
	s20 =	sshll.u32 s5, $0x1;
	s5 =	sadd.s32 s21, s3  }
0x9d: {  	[timem:s7], [sflag:s22] =	dma.local [hbm:s5], s20  }
0x9e: {  	_ =	swait.ge [sflag:s22], s20  }
0x9f: {  	s4 =	ssub.s32 $0x0, s20;
	[sflag:s22] =	ssyncset.done $0x0  }
0xa0: {  	[sflag:s22] =	ssyncadd.s32 s4;
	_ =	sdelay $0x1  }
0xa1: {  	s23 =	simm.s32 $0x1B8B  }
0xa2: {  	_ =	swait.ge [sflag:s23], $0x1  }
0xa3: {  	[sflag:s23] =	ssyncset.done $0x0  }
0xa4: {  	s25 =	simm.s32 $0x1B8E;
	s24 =	sld [smem:$0x3FFE];
	[sflag:s23] =	ssyncadd.s32 $0xFFFFFFFF  }
0xa5: {  	s26 =	simm.s32 $execute0_lowered;
	[smem:$0x3FD2] =	sst s25  }
0xa6: {  	s5 =	sshll.u32 s26, $0x1;
	_ =	strace $0x80000049;
	[dreg:$0x1] =	wrdreg $0xFFFFFFFF  }
0xa7: {  	s28 =	simm.s32 $_size_execute0_lowered;
	s3 =	sadd.s32 s3, s5;
	[dreg:$0x0] =	wrdreg $0x0  }
0xa8: {  	s5 =	sshll.u32 s28, $0x1;
	[dreg:$0x2] =	wrdreg s3  }
0xa9: {  	[dreg:$0x3] =	wrdreg s5  }
0xaa: {  	[dreg:$0x4] =	wrdreg $0xC0  }
0xab: {  	_ =	task [dreg:s7], $0x5FFFF  }
0xac: {  	[dreg:$0x1] =	wrdreg $0xFFFFFFFF  }
0xad: {  	[dreg:$0x0] =	wrdreg $0x60  }
0xae: {  	[dreg:$0x2] =	wrdreg s24  }
0xaf: {  	[dreg:$0x3] =	wrdreg s2  }
0xb0: {  	[dreg:$0x4] =	wrdreg $0x0  }
0xb1: {  	[dreg:$0x5] =	wrdreg $0x28000  }
0xb2: {  	[dreg:$0x6] =	wrdreg $0x9  }
0xb3: {  	_ =	task.clear_ibuf [dreg:s7], $0x7FFFF;
	_ =	strace $0x90000049  }
0xb4: {  	s29 =	simm.s32 $0x9;
	_ =	strace $0x8000004B  }
0xb5: {  	_ =	swait.ge [sflag:s29], $0x1  }
0xb6: {  	[sflag:s29] =	ssyncadd.s32 $0xFFFFFFFF  }
0xb7: {  	_ =	strace $0x9000004B  }
0xb8: {  	_ =	sfence  }
0xb9: {  	s30 =	sld [smem:$0x0];
	_ =	sdelay $0x2  }
0xba: {  	s31 =	sshll.u32 s1, $0xD;
	s1 =	sshrl.u32 s1, $0x2  }
0xbb: {  	s3 =	sand.u32 $0x4000, s31;
	s1 =	sadd.s32 s1, s30  }
0xbc: {  	s0 =	sor.u32 s3, s0;
	s1 =	sshll.u32 s1, $0x11  }
0xbd: {  	s0 =	sor.u32 s1, s0  }
0xbe: {  	s0 =	sadd.s32 $0x8F2B, s0  }
0xbf: {  	[sflag:s0] =	ssyncadd.remote.s32 $0x1  }
0xc0: {  	_ =	sfence.sel $0xFFFF  }
0xc1: {  	[dreg:$0x0] =	wrdreg $0xFFFFFFFF;
	(pc) =	sbr.abs _section_cstart, $3  }
0xc2: {  	[dreg:$0x1] =	wrdreg $0xFFFFFFFF  }
0xc3: {  	_ =	task.clear_ibuf [dreg:s7], $0x2FFFF;
	_ =	strace $0x9FFFFFFF  }
0xc4: {  	(tm) =	ssettm $0x7FFFFFFF  }
0xc5: {  	_ =	shalt  }
tec
execute0_lowered:
.L_overlay_start_1:
0x0: {  	(tag) =	ssettag $0x1  }
0x1: {  	s1 =	srdreg.scid  }
0x2: {  	s1 =	sand.u32 $0x1, s1  }
0x3: {  	s0 =	rddreg [dreg:$0x0];
	p0 =	seq.s32 s1, $0x1  }
.Ltmp0:
0x4: {  	s14 =	rddreg [dreg:$0x1];
	(pc) =	sbr.rel @p0 .LBB2_16-.Ltmp0, $4  }
0x5: {  	s28 =	rddreg [dreg:$0x2]  }
0x6: {  	s6 =	rddreg [dreg:$0x3];
	s15 =	simm.s32 $0x0  }
0x7: {  	[smem:$0x7FF] =	sst s15  }
0x8: {  	s2 =	rddreg [dreg:$0x4];
	s5 =	stileid.u32;
	_ =	strace $0x8000004A  }
0x9: {  	s1 =	smul.u32 $0x2800, s5;
	s4 =	sshll.u32 s5, $0x6  }
0xa: {  	s2 =	sadd.s32 $0x79200, s0;
	s17 =	simm.s32 $0x5;
	s4 =	sor.u32 $0x1C05, s4  }
0xb: {  	s3 =	sshrl.u32 s1, $0x3;
	s7 =	sadd.s32 s1, s28;
	[dreg:$0x7] =	wrdreg s4  }
0xc: {  	s18 =	sadd.s32 $0x7E200, s0;
	s2 =	sadd.s32 s2, s3;
	[dreg:$0x5] =	wrdreg s7  }
0xd: {  	s12 =	sadd.s32 $0x65200, s0;
	s7 =	sshrl.u32 s7, $0x3;
	[dreg:$0x6] =	wrdreg s2  }
0xe: {  	s16 =	sadd.s32 $0x6F200, s0;
	s25 =	sadd.s32 $0xA6200, s0;
	[dreg:$0x8] =	wrdreg s7  }
0xf: {  	[spmem:s7], [sflag:s4] =	dma.local [hbm:s2], $0x500  }
0x10: {  	s13 =	smul.u32 $0xA00, s5;
	s26 =	simm.s32 $0x17000;
	_ =	swait.ge [sflag:s17], $0x500  }
0x11: {  	s19 =	smul.u32 $0xA000, s5;
	s20 =	simm.s32 $0x19C00;
	[sflag:s17] =	ssyncset.done $0x0  }
0x12: {  	s21 =	simm.s32 $0x17400;
	s1 =	sadd.s32 s1, s6;
	[sflag:s17] =	ssyncadd.s32 $0xFFFFFB00  }
0x13: {  	[tilespmem:s26], [sflag:$0x5] =	stream.linear.gather [hbm4b:s25+s15], $0x400, $0x38;
	[tilespmem:$0x1EC00] =	vst v63  }
0x14: {  	s30 =	sadd.s32 s12, s13;
	_ =	swait.ge [sflag:s17], $0x400;
	[dreg:$0x9] =	wrdreg s1  }
0x15: {  	s31 =	sadd.s32 s16, s13;
	s29 =	sadd.s32 s3, s0;
	[dreg:$0xb] =	wrdreg s30  }
0x16: {  	s0 =	sadd.s32 $0x1800, s29;
	[dreg:$0xc] =	wrdreg s31;
	[sflag:s17] =	ssyncset.done $0x0  }
0x17: {  	s22 =	simm.s32 $0x7000;
	[dreg:$0xa] =	wrdreg s0;
	[sflag:s17] =	ssyncadd.s32 $0xFFFFFC00  }
.LBB2_2:
0x18: {  	s0 =	sshll.u32 s15, $0xC  }
0x19: {  	s0 =	sadd.s32 s19, s0  }
0x1a: {  	s0 =	sshrl.u32 s0, $0x3  }
0x1b: {  	s23 =	simm.s32 $0x0;
	s0 =	sadd.s32 s18, s0  }
0x1c: {  	[tilespmem:s22], [sflag:$0x5] =	stream.linear.gather [hbm4b:s0+s23], $0x1000, $0x38;
	[tilespmem:$0x1EC00] =	vst v63  }
0x1d: {  	_ =	swait.ge [sflag:s17], $0x1000  }
0x1e: {  	[sflag:s17] =	ssyncset.done $0x0  }
0x1f: {  	s24 =	simm.s32 $0x8000;
	s0 =	sadd.s32 $0x14000, s0;
	[sflag:s17] =	ssyncadd.s32 $0xFFFFF000  }
0x20: {  	[tilespmem:s24], [sflag:$0x5] =	stream.linear.gather [hbm4b:s0+s23], $0x1000, $0x38;
	[tilespmem:$0x1EC00] =	vst v63  }
0x21: {  	_ =	swait.ge [sflag:s17], $0x1000  }
0x22: {  	[sflag:s17] =	ssyncset.done $0x0  }
0x23: {  	[sflag:s17] =	ssyncadd.s32 $0xFFFFF000  }
0x24: {  	v2 =	vld [tilespmem:s24+$0x0]  }
0x25: {  	v1 =	vmov s21;
	v0 =	vmov s20;
	s25 =	simm.s32 $0x40;
	v3 =	vld [tilespmem:s24+$0xFFFFF000]  }
.LBB2_3:
0x26: {  	p0 =	sne.s32 s25, $0xFC0;
	_ =	sdelay $0x3  }
0x27: {  	v2 =	vadd.f32 v2, v3;
	v3 =	vld [tilespmem:$0x17000];
	_ =	sdelay $0x1  }
0x28: {  	v2 =	vmax.f32 v2, $0.0e+00;
	v4 =	vld [tilespmem:$0x17010]  }
0x29: {  	v5 =	vbroadcast v2, $0x0  }
0x2a: {  	v6 =	vld [tilespmem:$0x17020]  }
0x2b: {  	v3 =	vmul.f32 v5, v3;
	v5 =	vbroadcast v2, $0x1  }
0x2c: {  	v7 =	vld [tilespmem:$0x17030]  }
0x2d: {  	v3 =	vadd.f32 $0.0e+00, v3;
	v4 =	vmul.f32 v5, v4;
	v5 =	vbroadcast v2, $0x2  }
0x2e: {  	v8 =	vld [tilespmem:$0x17040]  }
0x2f: {  	v3 =	vadd.f32 v3, v4;
	v4 =	vmul.f32 v6, v5;
	v5 =	vbroadcast v2, $0x3  }
0x30: {  	v6 =	vld [tilespmem:$0x17050]  }
0x31: {  	v3 =	vadd.f32 v3, v4;
	v4 =	vmul.f32 v7, v5;
	v5 =	vbroadcast v2, $0x4  }
0x32: {  	v7 =	vld [tilespmem:$0x17060]  }
0x33: {  	v3 =	vadd.f32 v3, v4;
	v4 =	vmul.f32 v8, v5;
	v5 =	vbroadcast v2, $0x5  }
0x34: {  	v8 =	vld [tilespmem:$0x17070]  }
0x35: {  	v3 =	vadd.f32 v3, v4;
	v4 =	vmul.f32 v6, v5;
	v5 =	vbroadcast v2, $0x6  }
0x36: {  	v6 =	vld [tilespmem:$0x17080]  }
0x37: {  	v3 =	vadd.f32 v3, v4;
	v4 =	vmul.f32 v7, v5;
	v5 =	vbroadcast v2, $0x7  }
0x38: {  	v7 =	vld [tilespmem:$0x17090]  }
0x39: {  	v3 =	vadd.f32 v3, v4;
	v4 =	vmul.f32 v8, v5;
	v5 =	vbroadcast v2, $0x8  }
0x3a: {  	v8 =	vld [tilespmem:$0x170A0]  }
0x3b: {  	v3 =	vadd.f32 v3, v4;
	v4 =	vmul.f32 v6, v5;
	v5 =	vbroadcast v2, $0x9  }
0x3c: {  	v6 =	vld [tilespmem:$0x170B0]  }
0x3d: {  	v3 =	vadd.f32 v3, v4;
	v4 =	vmul.f32 v7, v5;
	v5 =	vbroadcast v2, $0xA  }
0x3e: {  	v7 =	vld [tilespmem:$0x170C0]  }
0x3f: {  	v3 =	vadd.f32 v3, v4;
	v4 =	vmul.f32 v8, v5;
	v5 =	vbroadcast v2, $0xB;
	v8 =	vld [tilespmem:$0x170D0]  }
0x40: {  	v9 =	vld [tilespmem:s24+$0x10]  }
0x41: {  	v3 =	vadd.f32 v3, v4;
	v4 =	vmul.f32 v6, v5;
	v5 =	vbroadcast v2, $0xC;
	v6 =	vld [tilespmem:s24+$0xFFFFF010]  }
0x42: {  	v10 =	vld [tilespmem:$0x170E0]  }
0x43: {  	v3 =	vadd.f32 v3, v4;
	v4 =	vmul.f32 v7, v5;
	v5 =	vbroadcast v2, $0xD  }
0x44: {  	v7 =	vld [tilespmem:$0x170F0]  }
0x45: {  	v3 =	vadd.f32 v3, v4;
	v4 =	vmul.f32 v8, v5;
	v5 =	vbroadcast v2, $0xE  }
0x46: {  	v6 =	vadd.f32 v9, v6;
	v8 =	vld [tilespmem:$0x17100]  }
0x47: {  	v2 =	vbroadcast v2, $0xF;
	v3 =	vadd.f32 v3, v4;
	v4 =	vmul.f32 v10, v5  }
0x48: {  	v5 =	vmax.f32 v6, $0.0e+00;
	v6 =	vld [tilespmem:$0x17110]  }
0x49: {  	v3 =	vadd.f32 v3, v4;
	v2 =	vmul.f32 v7, v2;
	v4 =	vbroadcast v5, $0x0  }
0x4a: {  	v7 =	vld [tilespmem:$0x17120]  }
0x4b: {  	v2 =	vadd.f32 v3, v2;
	v3 =	vmul.f32 v4, v8;
	v4 =	vbroadcast v5, $0x1  }
0x4c: {  	v8 =	vld [tilespmem:$0x17130]  }
0x4d: {  	v2 =	vadd.f32 v3, v2;
	v3 =	vmul.f32 v4, v6;
	v4 =	vbroadcast v5, $0x2  }
0x4e: {  	v6 =	vld [tilespmem:$0x17140]  }
0x4f: {  	v2 =	vadd.f32 v2, v3;
	v3 =	vmul.f32 v7, v4;
	v4 =	vbroadcast v5, $0x3  }
0x50: {  	v7 =	vld [tilespmem:$0x17150]  }
0x51: {  	v2 =	vadd.f32 v2, v3;
	v3 =	vmul.f32 v8, v4;
	v4 =	vbroadcast v5, $0x4  }
0x52: {  	v8 =	vld [tilespmem:$0x17160]  }
0x53: {  	v2 =	vadd.f32 v2, v3;
	v3 =	vmul.f32 v6, v4;
	v4 =	vbroadcast v5, $0x5  }
0x54: {  	v6 =	vld [tilespmem:$0x17170]  }
0x55: {  	v2 =	vadd.f32 v2, v3;
	v3 =	vmul.f32 v7, v4;
	v4 =	vbroadcast v5, $0x6  }
0x56: {  	v7 =	vld [tilespmem:$0x17180]  }
0x57: {  	v2 =	vadd.f32 v2, v3;
	v3 =	vmul.f32 v8, v4;
	v4 =	vbroadcast v5, $0x7  }
0x58: {  	v8 =	vld [tilespmem:$0x17190]  }
0x59: {  	v2 =	vadd.f32 v2, v3;
	v3 =	vmul.f32 v6, v4;
	v4 =	vbroadcast v5, $0x8  }
0x5a: {  	v6 =	vld [tilespmem:$0x171A0]  }
0x5b: {  	v2 =	vadd.f32 v2, v3;
	v3 =	vmul.f32 v7, v4;
	v4 =	vbroadcast v5, $0x9  }
0x5c: {  	v7 =	vld [tilespmem:$0x171B0]  }
0x5d: {  	v2 =	vadd.f32 v2, v3;
	v3 =	vmul.f32 v8, v4;
	v4 =	vbroadcast v5, $0xA  }
0x5e: {  	v8 =	vld [tilespmem:$0x171C0]  }
0x5f: {  	v2 =	vadd.f32 v2, v3;
	v3 =	vmul.f32 v6, v4;
	v4 =	vbroadcast v5, $0xB;
	v6 =	vld [tilespmem:$0x171D0]  }
0x60: {  	v9 =	vld [tilespmem:s24+$0x20]  }
0x61: {  	v2 =	vadd.f32 v2, v3;
	v3 =	vmul.f32 v7, v4;
	v4 =	vbroadcast v5, $0xC;
	v7 =	vld [tilespmem:s24+$0xFFFFF020]  }
0x62: {  	v10 =	vld [tilespmem:$0x171E0]  }
0x63: {  	v2 =	vadd.f32 v2, v3;
	v3 =	vmul.f32 v8, v4;
	v4 =	vbroadcast v5, $0xD  }
0x64: {  	v8 =	vld [tilespmem:$0x171F0]  }
0x65: {  	v2 =	vadd.f32 v2, v3;
	v3 =	vmul.f32 v6, v4;
	v4 =	vbroadcast v5, $0xE  }
0x66: {  	v6 =	vadd.f32 v9, v7;
	v7 =	vld [tilespmem:$0x17200]  }
0x67: {  	v2 =	vadd.f32 v2, v3;
	v3 =	vmul.f32 v10, v4;
	v4 =	vbroadcast v5, $0xF  }
0x68: {  	v5 =	vmax.f32 v6, $0.0e+00;
	v6 =	vld [tilespmem:$0x17210]  }
0x69: {  	v2 =	vadd.f32 v2, v3;
	v3 =	vmul.f32 v8, v4;
	v4 =	vbroadcast v5, $0x0  }
0x6a: {  	v8 =	vld [tilespmem:$0x17220]  }
0x6b: {  	v2 =	vadd.f32 v2, v3;
	v3 =	vmul.f32 v4, v7;
	v4 =	vbroadcast v5, $0x1  }
0x6c: {  	v7 =	vld [tilespmem:$0x17230]  }
0x6d: {  	v2 =	vadd.f32 v3, v2;
	v3 =	vmul.f32 v4, v6;
	v4 =	vbroadcast v5, $0x2  }
0x6e: {  	v6 =	vld [tilespmem:$0x17240]  }
0x6f: {  	v2 =	vadd.f32 v2, v3;
	v3 =	vmul.f32 v8, v4;
	v4 =	vbroadcast v5, $0x3  }
0x70: {  	v8 =	vld [tilespmem:$0x17250]  }
0x71: {  	v2 =	vadd.f32 v2, v3;
	v3 =	vmul.f32 v7, v4;
	v4 =	vbroadcast v5, $0x4  }
0x72: {  	v7 =	vld [tilespmem:$0x17260]  }
0x73: {  	v2 =	vadd.f32 v2, v3;
	v3 =	vmul.f32 v6, v4;
	v4 =	vbroadcast v5, $0x5  }
0x74: {  	v6 =	vld [tilespmem:$0x17270]  }
0x75: {  	v2 =	vadd.f32 v2, v3;
	v3 =	vmul.f32 v8, v4;
	v4 =	vbroadcast v5, $0x6  }
0x76: {  	v8 =	vld [tilespmem:$0x17280]  }
0x77: {  	v2 =	vadd.f32 v2, v3;
	v3 =	vmul.f32 v7, v4;
	v4 =	vbroadcast v5, $0x7  }
0x78: {  	v7 =	vld [tilespmem:$0x17290]  }
0x79: {  	v2 =	vadd.f32 v2, v3;
	v3 =	vmul.f32 v6, v4;
	v4 =	vbroadcast v5, $0x8  }
0x7a: {  	v6 =	vld [tilespmem:$0x172A0]  }
0x7b: {  	v2 =	vadd.f32 v2, v3;
	v3 =	vmul.f32 v8, v4;
	v4 =	vbroadcast v5, $0x9  }
0x7c: {  	v8 =	vld [tilespmem:$0x172B0]  }
0x7d: {  	v2 =	vadd.f32 v2, v3;
	v3 =	vmul.f32 v7, v4;
	v4 =	vbroadcast v5, $0xA  }
0x7e: {  	v7 =	vld [tilespmem:$0x172C0]  }
0x7f: {  	v2 =	vadd.f32 v2, v3;
	v3 =	vmul.f32 v6, v4;
	v4 =	vbroadcast v5, $0xB;
	v6 =	vld [tilespmem:$0x172D0]  }
0x80: {  	v9 =	vld [tilespmem:s24+$0x30]  }
0x81: {  	v2 =	vadd.f32 v2, v3;
	v3 =	vmul.f32 v8, v4;
	v4 =	vbroadcast v5, $0xC;
	v8 =	vld [tilespmem:s24+$0xFFFFF030]  }
0x82: {  	v10 =	vld [tilespmem:$0x172E0]  }
0x83: {  	v2 =	vadd.f32 v2, v3;
	v3 =	vmul.f32 v7, v4;
	v4 =	vbroadcast v5, $0xD  }
0x84: {  	v7 =	vld [tilespmem:$0x172F0]  }
0x85: {  	v2 =	vadd.f32 v2, v3;
	v3 =	vmul.f32 v6, v4;
	v4 =	vbroadcast v5, $0xE  }
0x86: {  	v6 =	vadd.f32 v9, v8;
	v8 =	vld [tilespmem:$0x17300]  }
0x87: {  	v2 =	vadd.f32 v2, v3;
	v3 =	vmul.f32 v10, v4;
	v4 =	vbroadcast v5, $0xF  }
0x88: {  	v5 =	vmax.f32 v6, $0.0e+00;
	v6 =	vld [tilespmem:$0x17310]  }
0x89: {  	v2 =	vadd.f32 v2, v3;
	v3 =	vmul.f32 v7, v4;
	v4 =	vbroadcast v5, $0x0  }
0x8a: {  	v7 =	vld [tilespmem:$0x17320]  }
0x8b: {  	v2 =	vadd.f32 v2, v3;
	v3 =	vmul.f32 v4, v8;
	v4 =	vbroadcast v5, $0x1  }
0x8c: {  	v8 =	vld [tilespmem:$0x17330]  }
0x8d: {  	v2 =	vadd.f32 v3, v2;
	v3 =	vmul.f32 v4, v6;
	v4 =	vbroadcast v5, $0x2  }
0x8e: {  	v6 =	vld [tilespmem:$0x17340]  }
0x8f: {  	v2 =	vadd.f32 v2, v3;
	v3 =	vmul.f32 v7, v4;
	v4 =	vbroadcast v5, $0x3  }
0x90: {  	v7 =	vld [tilespmem:$0x17350]  }
0x91: {  	v2 =	vadd.f32 v2, v3;
	v3 =	vmul.f32 v8, v4;
	v4 =	vbroadcast v5, $0x4  }
0x92: {  	v8 =	vld [tilespmem:$0x17360]  }
0x93: {  	v2 =	vadd.f32 v2, v3;
	v3 =	vmul.f32 v6, v4;
	v4 =	vbroadcast v5, $0x5  }
0x94: {  	v6 =	vld [tilespmem:$0x17370]  }
0x95: {  	v2 =	vadd.f32 v2, v3;
	v3 =	vmul.f32 v7, v4;
	v4 =	vbroadcast v5, $0x6  }
0x96: {  	v7 =	vld [tilespmem:$0x17380]  }
0x97: {  	v2 =	vadd.f32 v2, v3;
	v3 =	vmul.f32 v8, v4;
	v4 =	vbroadcast v5, $0x7  }
0x98: {  	v8 =	vld [tilespmem:$0x17390]  }
0x99: {  	v2 =	vadd.f32 v2, v3;
	v3 =	vmul.f32 v6, v4;
	v4 =	vbroadcast v5, $0x8  }
0x9a: {  	v6 =	vld [tilespmem:$0x173A0]  }
0x9b: {  	v2 =	vadd.f32 v2, v3;
	v3 =	vmul.f32 v7, v4;
	v4 =	vbroadcast v5, $0x9  }
0x9c: {  	v7 =	vld [tilespmem:$0x173B0]  }
0x9d: {  	v2 =	vadd.f32 v2, v3;
	v3 =	vmul.f32 v8, v4;
	v4 =	vbroadcast v5, $0xA  }
0x9e: {  	v8 =	vld [tilespmem:$0x173C0]  }
0x9f: {  	v2 =	vadd.f32 v2, v3;
	v3 =	vmul.f32 v6, v4;
	v4 =	vbroadcast v5, $0xB  }
0xa0: {  	v6 =	vld [tilespmem:$0x173D0]  }
0xa1: {  	v2 =	vadd.f32 v2, v3;
	v3 =	vmul.f32 v7, v4;
	v4 =	vbroadcast v5, $0xC  }
0xa2: {  	v7 =	vld [tilespmem:$0x173E0]  }
0xa3: {  	v2 =	vadd.f32 v2, v3;
	v3 =	vmul.f32 v8, v4;
	v4 =	vbroadcast v5, $0xD  }
0xa4: {  	v8 =	vld [tilespmem:$0x173F0]  }
0xa5: {  	v2 =	vadd.f32 v2, v3;
	v3 =	vmul.f32 v6, v4;
	v4 =	vbroadcast v5, $0xE;
	_ =	sdelay $0x1  }
0xa6: {  	v2 =	vadd.f32 v2, v3;
	v3 =	vmul.f32 v7, v4;
	v4 =	vbroadcast v5, $0xF;
	_ =	sdelay $0x1  }
0xa7: {  	v2 =	vadd.f32 v2, v3;
	v3 =	vmul.f32 v8, v4;
	_ =	sdelay $0x1  }
0xa8: {  	v2 =	vadd.f32 v2, v3  }
0xa9: {  	s0 =	sshra.s32 s23, $0x2;
	s23 =	smov.u32 s25  }
.Ltmp1:
0xaa: {  	[tilespmem:v1+s0+$0x0 ss:$0x1] =	vst.idx.msk $0xffff, v2;
	v2 =	vmul.f32 $1.000000010e-01, v2;
	(pc) =	sbr.rel @p0 .LBB2_3-.Ltmp1, $4  }
0xab: {  	_ = 	snop  }
0xac: {  	s24 =	sadd.s32 $0x40, s24;
	[tilespmem:v0+s0+$0x0 ss:$0x1] =	vst.idx.msk $0xffff, v2  }
0xad: {  	v2 =	vld [tilespmem:s24+$0x0]  }
0xae: {  	s25 =	sadd.s32 $0x40, s25;
	v3 =	vld [tilespmem:s24+$0xFFFFF000]  }
0xaf: {  	_ =	sdelay $0x3  }
0xb0: {  	v30 =	vld [tilespmem:$0x17000];
	v2 =	vadd.f32 v2, v3;
	_ =	sdelay $0x1  }
0xb1: {  	v4 =	vld [tilespmem:$0x17010];
	v2 =	vmax.f32 v2, $0.0e+00  }
0xb2: {  	v5 =	vbroadcast v2, $0x0  }
0xb3: {  	v6 =	vld [tilespmem:$0x17020]  }
0xb4: {  	v31 =	vbroadcast v2, $0x1;
	v3 =	vmul.f32 v5, v30  }
0xb5: {  	v7 =	vld [tilespmem:$0x17030]  }
0xb6: {  	v32 =	vbroadcast v2, $0x2;
	v4 =	vmul.f32 v31, v4;
	v3 =	vadd.f32 $0.0e+00, v3  }
0xb7: {  	v8 =	vld [tilespmem:$0x17040]  }
0xb8: {  	v34 =	vbroadcast v2, $0x3;
	v33 =	vmul.f32 v6, v32;
	v3 =	vadd.f32 v3, v4  }
0xb9: {  	v35 =	vld [tilespmem:$0x17050]  }
0xba: {  	v37 =	vbroadcast v2, $0x4;
	v36 =	vmul.f32 v7, v34;
	v3 =	vadd.f32 v3, v33  }
0xbb: {  	v38 =	vld [tilespmem:$0x17060]  }
0xbc: {  	v40 =	vbroadcast v2, $0x5;
	v39 =	vmul.f32 v8, v37;
	v3 =	vadd.f32 v3, v36  }
0xbd: {  	v41 =	vld [tilespmem:$0x17070]  }
0xbe: {  	v43 =	vbroadcast v2, $0x6;
	v42 =	vmul.f32 v35, v40;
	v3 =	vadd.f32 v3, v39  }
0xbf: {  	v44 =	vld [tilespmem:$0x17080]  }
0xc0: {  	v46 =	vbroadcast v2, $0x7;
	v45 =	vmul.f32 v38, v43;
	v3 =	vadd.f32 v3, v42  }
0xc1: {  	v47 =	vld [tilespmem:$0x17090]  }
0xc2: {  	v49 =	vbroadcast v2, $0x8;
	v48 =	vmul.f32 v41, v46;
	v3 =	vadd.f32 v3, v45  }
0xc3: {  	v50 =	vld [tilespmem:$0x170A0]  }
0xc4: {  	v52 =	vbroadcast v2, $0x9;
	v51 =	vmul.f32 v44, v49;
	v3 =	vadd.f32 v3, v48  }
0xc5: {  	v53 =	vld [tilespmem:$0x170B0]  }
0xc6: {  	v55 =	vbroadcast v2, $0xA;
	v54 =	vmul.f32 v47, v52;
	v3 =	vadd.f32 v3, v51  }
0xc7: {  	v56 =	vld [tilespmem:$0x170C0]  }
0xc8: {  	v59 =	vld [tilespmem:$0x170D0];
	v58 =	vbroadcast v2, $0xB;
	v57 =	vmul.f32 v50, v55;
	v3 =	vadd.f32 v3, v54  }
0xc9: {  	v9 =	vld [tilespmem:s24+$0x10]  }
0xca: {  	v62 =	vld [tilespmem:s24+$0xFFFFF010];
	v61 =	vbroadcast v2, $0xC;
	v60 =	vmul.f32 v53, v58;
	v3 =	vadd.f32 v3, v57  }
0xcb: {  	v10 =	vld [tilespmem:$0x170E0]  }
0xcc: {  	v11 =	vbroadcast v2, $0xD;
	v63 =	vmul.f32 v56, v61;
	v3 =	vadd.f32 v3, v60  }
0xcd: {  	v12 =	vld [tilespmem:$0x170F0]  }
0xce: {  	v14 =	vbroadcast v2, $0xE;
	v13 =	vmul.f32 v59, v11;
	v3 =	vadd.f32 v3, v63  }
0xcf: {  	v15 =	vld [tilespmem:$0x17100];
	v6 =	vadd.f32 v9, v62  }
0xd0: {  	v2 =	vbroadcast v2, $0xF;
	v16 =	vmul.f32 v10, v14;
	v3 =	vadd.f32 v3, v13  }
0xd1: {  	v18 =	vld [tilespmem:$0x17110];
	v17 =	vmax.f32 v6, $0.0e+00  }
0xd2: {  	v2 =	vmul.f32 v12, v2;
	v19 =	vbroadcast v17, $0x0;
	v3 =	vadd.f32 v3, v16  }
0xd3: {  	v20 =	vld [tilespmem:$0x17120]  }
0xd4: {  	v22 =	vbroadcast v17, $0x1;
	v21 =	vmul.f32 v19, v15;
	v2 =	vadd.f32 v3, v2  }
0xd5: {  	v23 =	vld [tilespmem:$0x17130]  }
0xd6: {  	v25 =	vbroadcast v17, $0x2;
	v24 =	vmul.f32 v22, v18;
	v2 =	vadd.f32 v21, v2  }
0xd7: {  	v26 =	vld [tilespmem:$0x17140]  }
0xd8: {  	v28 =	vbroadcast v17, $0x3;
	v27 =	vmul.f32 v20, v25;
	v2 =	vadd.f32 v2, v24  }
0xd9: {  	v29 =	vld [tilespmem:$0x17150]  }
0xda: {  	v31 =	vbroadcast v17, $0x4;
	v30 =	vmul.f32 v23, v28;
	v2 =	vadd.f32 v2, v27  }
0xdb: {  	v32 =	vld [tilespmem:$0x17160]  }
0xdc: {  	v34 =	vbroadcast v17, $0x5;
	v33 =	vmul.f32 v26, v31;
	v2 =	vadd.f32 v2, v30  }
0xdd: {  	v35 =	vld [tilespmem:$0x17170]  }
0xde: {  	v37 =	vbroadcast v17, $0x6;
	v36 =	vmul.f32 v29, v34;
	v2 =	vadd.f32 v2, v33  }
0xdf: {  	v38 =	vld [tilespmem:$0x17180]  }
0xe0: {  	v40 =	vbroadcast v17, $0x7;
	v39 =	vmul.f32 v32, v37;
	v2 =	vadd.f32 v2, v36  }
0xe1: {  	v41 =	vld [tilespmem:$0x17190]  }
0xe2: {  	v43 =	vbroadcast v17, $0x8;
	v42 =	vmul.f32 v35, v40;
	v2 =	vadd.f32 v2, v39  }
0xe3: {  	v44 =	vld [tilespmem:$0x171A0]  }
0xe4: {  	v46 =	vbroadcast v17, $0x9;
	v45 =	vmul.f32 v38, v43;
	v2 =	vadd.f32 v2, v42  }
0xe5: {  	v47 =	vld [tilespmem:$0x171B0]  }
0xe6: {  	v49 =	vbroadcast v17, $0xA;
	v48 =	vmul.f32 v41, v46;
	v2 =	vadd.f32 v2, v45  }
0xe7: {  	v50 =	vld [tilespmem:$0x171C0]  }
0xe8: {  	v53 =	vld [tilespmem:$0x171D0];
	v52 =	vbroadcast v17, $0xB;
	v51 =	vmul.f32 v44, v49;
	v2 =	vadd.f32 v2, v48  }
0xe9: {  	v54 =	vld [tilespmem:s24+$0x20]  }
0xea: {  	v56 =	vbroadcast v17, $0xC;
	v55 =	vmul.f32 v47, v52;
	v57 =	vld [tilespmem:s24+$0xFFFFF020];
	v2 =	vadd.f32 v2, v51  }
0xeb: {  	v58 =	vld [tilespmem:$0x171E0]  }
0xec: {  	v59 =	vmul.f32 v50, v56;
	v60 =	vbroadcast v17, $0xD;
	v2 =	vadd.f32 v2, v55  }
0xed: {  	v61 =	vld [tilespmem:$0x171F0]  }
0xee: {  	v62 =	vmul.f32 v53, v60;
	v63 =	vbroadcast v17, $0xE;
	v2 =	vadd.f32 v2, v59  }
0xef: {  	v12 =	vld [tilespmem:$0x17200];
	v11 =	vadd.f32 v54, v57  }
0xf0: {  	v14 =	vbroadcast v17, $0xF;
	v13 =	vmul.f32 v58, v63;
	v2 =	vadd.f32 v2, v62  }
0xf1: {  	v15 =	vmax.f32 v11, $0.0e+00;
	v16 =	vld [tilespmem:$0x17210]  }
0xf2: {  	v17 =	vmul.f32 v61, v14;
	v18 =	vbroadcast v15, $0x0;
	v2 =	vadd.f32 v2, v13  }
0xf3: {  	v19 =	vld [tilespmem:$0x17220]  }
0xf4: {  	v20 =	vmul.f32 v18, v12;
	v21 =	vbroadcast v15, $0x1;
	v2 =	vadd.f32 v2, v17  }
0xf5: {  	v22 =	vld [tilespmem:$0x17230]  }
0xf6: {  	v23 =	vmul.f32 v21, v16;
	v24 =	vbroadcast v15, $0x2;
	v2 =	vadd.f32 v20, v2  }
0xf7: {  	v25 =	vld [tilespmem:$0x17240]  }
0xf8: {  	v26 =	vmul.f32 v19, v24;
	v27 =	vbroadcast v15, $0x3;
	v2 =	vadd.f32 v2, v23  }
0xf9: {  	v28 =	vld [tilespmem:$0x17250]  }
0xfa: {  	v29 =	vmul.f32 v22, v27;
	v30 =	vbroadcast v15, $0x4;
	v2 =	vadd.f32 v2, v26  }
0xfb: {  	v31 =	vld [tilespmem:$0x17260]  }
0xfc: {  	v32 =	vmul.f32 v25, v30;
	v33 =	vbroadcast v15, $0x5;
	v2 =	vadd.f32 v2, v29  }
0xfd: {  	v34 =	vld [tilespmem:$0x17270]  }
0xfe: {  	v35 =	vmul.f32 v28, v33;
	v36 =	vbroadcast v15, $0x6;
	v2 =	vadd.f32 v2, v32  }
0xff: {  	v37 =	vld [tilespmem:$0x17280]  }
0x100: {  	v38 =	vmul.f32 v31, v36;
	v39 =	vbroadcast v15, $0x7;
	v2 =	vadd.f32 v2, v35  }
0x101: {  	v40 =	vld [tilespmem:$0x17290]  }
0x102: {  	v41 =	vmul.f32 v34, v39;
	v42 =	vbroadcast v15, $0x8;
	v2 =	vadd.f32 v2, v38  }
0x103: {  	v43 =	vld [tilespmem:$0x172A0]  }
0x104: {  	v44 =	vmul.f32 v37, v42;
	v45 =	vbroadcast v15, $0x9;
	v2 =	vadd.f32 v2, v41  }
0x105: {  	v46 =	vld [tilespmem:$0x172B0]  }
0x106: {  	v47 =	vmul.f32 v40, v45;
	v48 =	vbroadcast v15, $0xA;
	v2 =	vadd.f32 v2, v44  }
0x107: {  	v49 =	vld [tilespmem:$0x172C0]  }
0x108: {  	v52 =	vld [tilespmem:$0x172D0];
	v50 =	vmul.f32 v43, v48;
	v51 =	vbroadcast v15, $0xB;
	v2 =	vadd.f32 v2, v47  }
0x109: {  	v56 =	vld [tilespmem:s24+$0xFFFFF030]  }
0x10a: {  	v53 =	vld [tilespmem:s24+$0x30];
	v54 =	vmul.f32 v46, v51;
	v55 =	vbroadcast v15, $0xC;
	v2 =	vadd.f32 v2, v50  }
0x10b: {  	v57 =	vld [tilespmem:$0x172E0]  }
0x10c: {  	v58 =	vmul.f32 v49, v55;
	v59 =	vbroadcast v15, $0xD;
	v2 =	vadd.f32 v2, v54  }
0x10d: {  	v60 =	vld [tilespmem:$0x172F0]  }
0x10e: {  	v61 =	vmul.f32 v52, v59;
	v62 =	vbroadcast v15, $0xE;
	v2 =	vadd.f32 v2, v58  }
0x10f: {  	v63 =	vadd.f32 v53, v56;
	v12 =	vld [tilespmem:$0x17300]  }
0x110: {  	v14 =	vbroadcast v15, $0xF;
	v13 =	vmul.f32 v57, v62;
	v2 =	vadd.f32 v2, v61  }
0x111: {  	v16 =	vld [tilespmem:$0x17310];
	v15 =	vmax.f32 v63, $0.0e+00  }
0x112: {  	v18 =	vbroadcast v15, $0x0;
	v17 =	vmul.f32 v60, v14;
	v2 =	vadd.f32 v2, v13  }
0x113: {  	v19 =	vld [tilespmem:$0x17320]  }
0x114: {  	v21 =	vbroadcast v15, $0x1;
	v20 =	vmul.f32 v18, v12;
	v2 =	vadd.f32 v2, v17  }
0x115: {  	v22 =	vld [tilespmem:$0x17330]  }
0x116: {  	v24 =	vbroadcast v15, $0x2;
	v23 =	vmul.f32 v21, v16;
	v2 =	vadd.f32 v20, v2  }
0x117: {  	v25 =	vld [tilespmem:$0x17340]  }
0x118: {  	v27 =	vbroadcast v15, $0x3;
	v26 =	vmul.f32 v19, v24;
	v2 =	vadd.f32 v2, v23  }
0x119: {  	v28 =	vld [tilespmem:$0x17350]  }
0x11a: {  	v30 =	vbroadcast v15, $0x4;
	v29 =	vmul.f32 v22, v27;
	v2 =	vadd.f32 v2, v26  }
0x11b: {  	v31 =	vld [tilespmem:$0x17360]  }
0x11c: {  	v33 =	vbroadcast v15, $0x5;
	v32 =	vmul.f32 v25, v30;
	v2 =	vadd.f32 v2, v29  }
0x11d: {  	v34 =	vld [tilespmem:$0x17370]  }
0x11e: {  	v36 =	vbroadcast v15, $0x6;
	v35 =	vmul.f32 v28, v33;
	v2 =	vadd.f32 v2, v32  }
0x11f: {  	v37 =	vld [tilespmem:$0x17380]  }
0x120: {  	v39 =	vbroadcast v15, $0x7;
	v38 =	vmul.f32 v31, v36;
	v2 =	vadd.f32 v2, v35  }
0x121: {  	v40 =	vld [tilespmem:$0x17390]  }
0x122: {  	v42 =	vbroadcast v15, $0x8;
	v41 =	vmul.f32 v34, v39;
	v2 =	vadd.f32 v2, v38  }
0x123: {  	v43 =	vld [tilespmem:$0x173A0]  }
0x124: {  	v45 =	vbroadcast v15, $0x9;
	v44 =	vmul.f32 v37, v42;
	v2 =	vadd.f32 v2, v41  }
0x125: {  	v46 =	vld [tilespmem:$0x173B0]  }
0x126: {  	v48 =	vbroadcast v15, $0xA;
	v47 =	vmul.f32 v40, v45;
	v2 =	vadd.f32 v2, v44  }
0x127: {  	v49 =	vld [tilespmem:$0x173C0]  }
0x128: {  	v51 =	vbroadcast v15, $0xB;
	v50 =	vmul.f32 v43, v48;
	v2 =	vadd.f32 v2, v47  }
0x129: {  	v52 =	vld [tilespmem:$0x173D0]  }
0x12a: {  	v53 =	vmul.f32 v46, v51;
	v54 =	vbroadcast v15, $0xC;
	v2 =	vadd.f32 v2, v50  }
0x12b: {  	v55 =	vld [tilespmem:$0x173E0]  }
0x12c: {  	v57 =	vbroadcast v15, $0xD;
	v56 =	vmul.f32 v49, v54;
	v2 =	vadd.f32 v2, v53  }
0x12d: {  	v58 =	vld [tilespmem:$0x173F0]  }
0x12e: {  	v60 =	vbroadcast v15, $0xE;
	v59 =	vmul.f32 v52, v57;
	v2 =	vadd.f32 v2, v56;
	_ =	sdelay $0x1  }
0x12f: {  	v62 =	vbroadcast v15, $0xF;
	v61 =	vmul.f32 v55, v60;
	v2 =	vadd.f32 v2, v59;
	_ =	sdelay $0x1  }
0x130: {  	s15 =	sadd.s32 $0x1, s15;
	v63 =	vmul.f32 v58, v62;
	v2 =	vadd.f32 v2, v61  }
0x131: {  	p0 =	sne.s32 s15, $0xA  }
.Ltmp2:
0x132: {  	v2 =	vadd.f32 v2, v63;
	(pc) =	sbr.rel @p0 .LBB2_2-.Ltmp2, $4  }
0x133: {  	_ = 	snop  }
0x134: {  	s0 =	sshra.s32 s23, $0x2;
	v3 =	vmul.f32 $1.000000010e-01, v2  }
0x135: {  	[tilespmem:v1+s0+$0x0 ss:$0x1] =	vst.idx.msk $0xffff, v2  }
0x136: {  	s20 =	sadd.s32 $0x400, s20;
	s21 =	sadd.s32 $0x400, s21;
	[tilespmem:v0+s0+$0x0 ss:$0x1] =	vst.idx.msk $0xffff, v3  }
0x137: {  	[bflag:$0x0] =	sbarrier.arrive $0xFFFF  }
0x138: {  	s1 =	simm.s32 $0x0;
	s0 =	simm.s32 $0x7000;
	s4 =	simm.s32 $0x5  }
0x139: {  	[tilespmem:s0], [sflag:$0x5] =	stream.linear.gather [hbm4b:s14+s1], $0x4000, $0x38;
	[tilespmem:$0x1EC00] =	vst v63  }
0x13a: {  	_ =	swait.ge [sflag:s4], $0x4000  }
0x13b: {  	s16 =	sadd.s32 s13, s16;
	[sflag:s4] =	ssyncset.done $0x0  }
0x13c: {  	s3 =	simm.s32 $0x5000;
	s2 =	sadd.s32 $0x0, s16;
	[sflag:s4] =	ssyncadd.s32 $0xFFFFC000  }
0x13d: {  	[tilespmem:s3], [sflag:$0x5] =	stream.linear.gather [hbm4b:s2+s1], $0x400, $0x38;
	[tilespmem:$0x1EC00] =	vst v63  }
0x13e: {  	_ =	swait.ge [sflag:s4], $0x400  }
0x13f: {  	[sflag:s4] =	ssyncset.done $0x0  }
0x140: {  	s6 =	simm.s32 $0x80;
	[sflag:s4] =	ssyncadd.s32 $0xFFFFFC00  }
0x141: {  	[spmem:s28] =	stream.indirect.scatter.add.f32 [tilespmem:s0], [sflag:$0x2], $0x10, s3, s6, $0xb8;
	[tilespmem:$0x1EC00] =	vst v63  }
0x142: {  	s7 =	simm.s32 $0x7800;
	s2 =	simm.s32 $0x5080  }
0x143: {  	[spmem:s28] =	stream.indirect.scatter.add.f32 [tilespmem:s7], [sflag:$0x2], $0x10, s2, s6, $0xb8;
	[tilespmem:$0x1EC00] =	vst v63  }
0x144: {  	s8 =	simm.s32 $0x5100;
	s9 =	simm.s32 $0x8000  }
0x145: {  	[spmem:s28] =	stream.indirect.scatter.add.f32 [tilespmem:s9], [sflag:$0x2], $0x10, s8, s6, $0xb8;
	[tilespmem:$0x1EC00] =	vst v63  }
0x146: {  	s10 =	simm.s32 $0x5180;
	s11 =	simm.s32 $0x8800  }
0x147: {  	[spmem:s28] =	stream.indirect.scatter.add.f32 [tilespmem:s11], [sflag:$0x2], $0x10, s10, s6, $0xb8;
	[tilespmem:$0x1EC00] =	vst v63  }
0x148: {  	s15 =	simm.s32 $0x9000;
	s14 =	simm.s32 $0x5200  }
0x149: {  	[spmem:s28] =	stream.indirect.scatter.add.f32 [tilespmem:s15], [sflag:$0x2], $0x10, s14, s6, $0xb8;
	[tilespmem:$0x1EC00] =	vst v63  }
0x14a: {  	s17 =	simm.s32 $0x5280;
	s18 =	simm.s32 $0x9800  }
0x14b: {  	[spmem:s28] =	stream.indirect.scatter.add.f32 [tilespmem:s18], [sflag:$0x2], $0x10, s17, s6, $0xb8;
	[tilespmem:$0x1EC00] =	vst v63  }
0x14c: {  	s19 =	simm.s32 $0x5300;
	s20 =	simm.s32 $0xA000  }
0x14d: {  	[spmem:s28] =	stream.indirect.scatter.add.f32 [tilespmem:s20], [sflag:$0x2], $0x10, s19, s6, $0xb8;
	[tilespmem:$0x1EC00] =	vst v63  }
0x14e: {  	s21 =	simm.s32 $0x5380;
	s22 =	simm.s32 $0xA800;
	s5 =	simm.s32 $0x2  }
0x14f: {  	[spmem:s28] =	stream.indirect.scatter.add.f32 [tilespmem:s22], [sflag:$0x2], $0x10, s21, s6, $0xb8;
	[tilespmem:$0x1EC00] =	vst v63  }
0x150: {  	_ =	swait.ge [sflag:s5], $0x800  }
0x151: {  	[sflag:s5] =	ssyncset.done $0x0  }
0x152: {  	[sflag:s5] =	ssyncadd.s32 $0xFFFFF800  }
0x153: {  	_ =	swait.ge [sflag:s5], $0x800  }
0x154: {  	[sflag:s5] =	ssyncset.done $0x0  }
0x155: {  	[sflag:s5] =	ssyncadd.s32 $0xFFFFF800  }
0x156: {  	_ =	swait.ge [sflag:s5], $0x800  }
0x157: {  	[sflag:s5] =	ssyncset.done $0x0  }
0x158: {  	[sflag:s5] =	ssyncadd.s32 $0xFFFFF800  }
0x159: {  	_ =	swait.ge [sflag:s5], $0x800  }
0x15a: {  	[sflag:s5] =	ssyncset.done $0x0  }
0x15b: {  	[sflag:s5] =	ssyncadd.s32 $0xFFFFF800  }
0x15c: {  	_ =	swait.ge [sflag:s5], $0x800  }
0x15d: {  	[sflag:s5] =	ssyncset.done $0x0  }
0x15e: {  	[sflag:s5] =	ssyncadd.s32 $0xFFFFF800  }
0x15f: {  	_ =	swait.ge [sflag:s5], $0x800  }
0x160: {  	[sflag:s5] =	ssyncset.done $0x0  }
0x161: {  	[sflag:s5] =	ssyncadd.s32 $0xFFFFF800  }
0x162: {  	_ =	swait.ge [sflag:s5], $0x800  }
0x163: {  	[sflag:s5] =	ssyncset.done $0x0  }
0x164: {  	[sflag:s5] =	ssyncadd.s32 $0xFFFFF800  }
0x165: {  	_ =	swait.ge [sflag:s5], $0x800  }
0x166: {  	s23 =	simm.s32 $0x80;
	s25 =	simm.s32 $0x100;
	[sflag:s5] =	ssyncset.done $0x0  }
.LBB2_6:
0x167: {  	s26 =	sadd.s32 s23, s16  }
0x168: {  	[sflag:s5] =	ssyncadd.s32 $0xFFFFF800;
	s23 =	smov.u32 s25;
	s24 =	sadd.s32 $0x80, s25  }
0x169: {  	[tilespmem:s3], [sflag:$0x5] =	stream.linear.gather [hbm4b:s26+s1], $0x400, $0x38;
	[tilespmem:$0x1EC00] =	vst v63  }
0x16a: {  	p0 =	sne.s32 s25, $0x980;
	_ =	swait.ge [sflag:s4], $0x400  }
0x16b: {  	[sflag:s4] =	ssyncset.done $0x0  }
0x16c: {  	[sflag:s4] =	ssyncadd.s32 $0xFFFFFC00  }
0x16d: {  	[spmem:s28] =	stream.indirect.scatter.add.f32 [tilespmem:s0], [sflag:$0x2], $0x10, s3, s6, $0xb8;
	[tilespmem:$0x1EC00] =	vst v63  }
0x16e: {  	_ = 	snop  }
0x16f: {  	[spmem:s28] =	stream.indirect.scatter.add.f32 [tilespmem:s7], [sflag:$0x2], $0x10, s2, s6, $0xb8;
	[tilespmem:$0x1EC00] =	vst v63  }
0x170: {  	_ = 	snop  }
0x171: {  	[spmem:s28] =	stream.indirect.scatter.add.f32 [tilespmem:s9], [sflag:$0x2], $0x10, s8, s6, $0xb8;
	[tilespmem:$0x1EC00] =	vst v63  }
0x172: {  	_ = 	snop  }
0x173: {  	[spmem:s28] =	stream.indirect.scatter.add.f32 [tilespmem:s11], [sflag:$0x2], $0x10, s10, s6, $0xb8;
	[tilespmem:$0x1EC00] =	vst v63  }
0x174: {  	_ = 	snop  }
0x175: {  	[spmem:s28] =	stream.indirect.scatter.add.f32 [tilespmem:s15], [sflag:$0x2], $0x10, s14, s6, $0xb8;
	[tilespmem:$0x1EC00] =	vst v63  }
0x176: {  	_ = 	snop  }
0x177: {  	[spmem:s28] =	stream.indirect.scatter.add.f32 [tilespmem:s18], [sflag:$0x2], $0x10, s17, s6, $0xb8;
	[tilespmem:$0x1EC00] =	vst v63  }
0x178: {  	_ = 	snop  }
0x179: {  	[spmem:s28] =	stream.indirect.scatter.add.f32 [tilespmem:s20], [sflag:$0x2], $0x10, s19, s6, $0xb8;
	[tilespmem:$0x1EC00] =	vst v63  }
0x17a: {  	_ = 	snop  }
0x17b: {  	[spmem:s28] =	stream.indirect.scatter.add.f32 [tilespmem:s22], [sflag:$0x2], $0x10, s21, s6, $0xb8;
	[tilespmem:$0x1EC00] =	vst v63  }
0x17c: {  	_ =	swait.ge [sflag:s5], $0x800  }
0x17d: {  	[sflag:s5] =	ssyncset.done $0x0  }
0x17e: {  	[sflag:s5] =	ssyncadd.s32 $0xFFFFF800  }
0x17f: {  	_ =	swait.ge [sflag:s5], $0x800  }
0x180: {  	[sflag:s5] =	ssyncset.done $0x0  }
0x181: {  	[sflag:s5] =	ssyncadd.s32 $0xFFFFF800  }
0x182: {  	_ =	swait.ge [sflag:s5], $0x800  }
0x183: {  	[sflag:s5] =	ssyncset.done $0x0  }
0x184: {  	[sflag:s5] =	ssyncadd.s32 $0xFFFFF800  }
0x185: {  	_ =	swait.ge [sflag:s5], $0x800  }
0x186: {  	[sflag:s5] =	ssyncset.done $0x0  }
0x187: {  	[sflag:s5] =	ssyncadd.s32 $0xFFFFF800  }
0x188: {  	_ =	swait.ge [sflag:s5], $0x800  }
0x189: {  	[sflag:s5] =	ssyncset.done $0x0  }
0x18a: {  	[sflag:s5] =	ssyncadd.s32 $0xFFFFF800  }
0x18b: {  	_ =	swait.ge [sflag:s5], $0x800  }
0x18c: {  	[sflag:s5] =	ssyncset.done $0x0  }
0x18d: {  	[sflag:s5] =	ssyncadd.s32 $0xFFFFF800  }
.Ltmp3:
0x18e: {  	_ =	swait.ge [sflag:s5], $0x800;
	(pc) =	sbr.rel @p0 .LBB2_6-.Ltmp3, $4  }
0x18f: {  	[sflag:s5] =	ssyncset.done $0x0  }
0x190: {  	[sflag:s5] =	ssyncadd.s32 $0xFFFFF800  }
0x191: {  	_ =	swait.ge [sflag:s5], $0x800  }
0x192: {  	s25 =	smov.u32 s24;
	[sflag:s5] =	ssyncset.done $0x0  }
0x193: {  	s23 =	sadd.s32 s23, s16;
	[sflag:s5] =	ssyncadd.s32 $0xFFFFF800  }
0x194: {  	[tilespmem:s3], [sflag:$0x5] =	stream.linear.gather [hbm4b:s23+s1], $0x400, $0x38;
	[tilespmem:$0x1EC00] =	vst v63  }
0x195: {  	_ =	swait.ge [sflag:s4], $0x400  }
0x196: {  	[sflag:s4] =	ssyncset.done $0x0  }
0x197: {  	[sflag:s4] =	ssyncadd.s32 $0xFFFFFC00  }
0x198: {  	[spmem:s28] =	stream.indirect.scatter.add.f32 [tilespmem:s0], [sflag:$0x2], $0x10, s3, s6, $0xb8;
	[tilespmem:$0x1EC00] =	vst v63  }
0x199: {  	_ = 	snop  }
0x19a: {  	[spmem:s28] =	stream.indirect.scatter.add.f32 [tilespmem:s7], [sflag:$0x2], $0x10, s2, s6, $0xb8;
	[tilespmem:$0x1EC00] =	vst v63  }
0x19b: {  	_ = 	snop  }
0x19c: {  	[spmem:s28] =	stream.indirect.scatter.add.f32 [tilespmem:s9], [sflag:$0x2], $0x10, s8, s6, $0xb8;
	[tilespmem:$0x1EC00] =	vst v63  }
0x19d: {  	_ = 	snop  }
0x19e: {  	[spmem:s28] =	stream.indirect.scatter.add.f32 [tilespmem:s11], [sflag:$0x2], $0x10, s10, s6, $0xb8;
	[tilespmem:$0x1EC00] =	vst v63  }
0x19f: {  	_ = 	snop  }
0x1a0: {  	[spmem:s28] =	stream.indirect.scatter.add.f32 [tilespmem:s15], [sflag:$0x2], $0x10, s14, s6, $0xb8;
	[tilespmem:$0x1EC00] =	vst v63  }
0x1a1: {  	_ = 	snop  }
0x1a2: {  	[spmem:s28] =	stream.indirect.scatter.add.f32 [tilespmem:s18], [sflag:$0x2], $0x10, s17, s6, $0xb8;
	[tilespmem:$0x1EC00] =	vst v63  }
0x1a3: {  	_ = 	snop  }
0x1a4: {  	[spmem:s28] =	stream.indirect.scatter.add.f32 [tilespmem:s20], [sflag:$0x2], $0x10, s19, s6, $0xb8;
	[tilespmem:$0x1EC00] =	vst v63  }
0x1a5: {  	_ = 	snop  }
0x1a6: {  	[spmem:s28] =	stream.indirect.scatter.add.f32 [tilespmem:s22], [sflag:$0x2], $0x10, s21, s6, $0xb8;
	[tilespmem:$0x1EC00] =	vst v63  }
0x1a7: {  	_ =	swait.ge [sflag:s5], $0x800  }
0x1a8: {  	[sflag:s5] =	ssyncset.done $0x0  }
0x1a9: {  	[sflag:s5] =	ssyncadd.s32 $0xFFFFF800  }
0x1aa: {  	_ =	swait.ge [sflag:s5], $0x800  }
0x1ab: {  	[sflag:s5] =	ssyncset.done $0x0  }
0x1ac: {  	[sflag:s5] =	ssyncadd.s32 $0xFFFFF800  }
0x1ad: {  	_ =	swait.ge [sflag:s5], $0x800  }
0x1ae: {  	[sflag:s5] =	ssyncset.done $0x0  }
0x1af: {  	[sflag:s5] =	ssyncadd.s32 $0xFFFFF800  }
0x1b0: {  	_ =	swait.ge [sflag:s5], $0x800  }
0x1b1: {  	[sflag:s5] =	ssyncset.done $0x0  }
0x1b2: {  	[sflag:s5] =	ssyncadd.s32 $0xFFFFF800  }
0x1b3: {  	_ =	swait.ge [sflag:s5], $0x800  }
0x1b4: {  	[sflag:s5] =	ssyncset.done $0x0  }
0x1b5: {  	[sflag:s5] =	ssyncadd.s32 $0xFFFFF800  }
0x1b6: {  	_ =	swait.ge [sflag:s5], $0x800  }
0x1b7: {  	[sflag:s5] =	ssyncset.done $0x0  }
0x1b8: {  	[sflag:s5] =	ssyncadd.s32 $0xFFFFF800  }
0x1b9: {  	_ =	swait.ge [sflag:s5], $0x800  }
0x1ba: {  	[sflag:s5] =	ssyncset.done $0x0  }
0x1bb: {  	[sflag:s5] =	ssyncadd.s32 $0xFFFFF800  }
0x1bc: {  	_ =	swait.ge [sflag:s5], $0x800  }
0x1bd: {  	[sflag:s5] =	ssyncset.done $0x0  }
0x1be: {  	[sflag:s5] =	ssyncadd.s32 $0xFFFFF800  }
0x1bf: {  	[bflag:$0x0] =	sbarrier.arrive $0xFFFF  }
0x1c0: {  	s25 =	simm.s32 $0x7000;
	s28 =	simm.s32 $0x5;
	s26 =	rddreg [dreg:$0x5]  }
0x1c1: {  	[tilespmem:s25], [sflag:$0x5] =	stream.linear.gather [spmem:s26], $0x2800, $0x38;
	[tilespmem:$0x1EC00] =	vst v63  }
0x1c2: {  	_ =	swait.ge [sflag:s28], $0x2800  }
0x1c3: {  	s29 =	rddreg [dreg:$0x6]  }
0x1c4: {  	[sflag:s28] =	ssyncset.done $0x0;
	s30 =	rddreg [dreg:$0x7]  }
0x1c5: {  	s31 =	rddreg [dreg:$0x8];
	[sflag:s28] =	ssyncadd.s32 $0xFFFFD800  }
0x1c6: {  	[spmem:s31], [sflag:s30] =	dma.local [hbm:s29], $0x500  }
0x1c7: {  	_ =	swait.ge [sflag:s28], $0x500  }
0x1c8: {  	[sflag:s28] =	ssyncset.done $0x0  }
0x1c9: {  	s4 =	simm.s32 $0x0;
	[sflag:s28] =	ssyncadd.s32 $0xFFFFFB00  }
0x1ca: {  	v0 =	vld [tilespmem:s4+$0x7000];
	_ =	sdelay $0x3  }
0x1cb: {  	s2 =	simm.s32 $0x10  }
0x1cc: {  	v1 =	vld [tilespmem:s2+$0x7000];
	v0 =	vadd.f32 $1.000000000e+00, v0;
	_ =	sdelay $0x1  }
0x1cd: {  	v2 =	vshra.s32 v0, $0x1;
	v3 =	vmul.f32 $5.000000000e-01, v0  }
0x1ce: {  	v0 =	vsub.s32 $0x5F3759DF, v2  }
0x1cf: {  	v2 =	vmul.f32 v0, v3  }
0x1d0: {  	s0 =	simm.s32 $0x20;
	v1 =	vadd.f32 $1.000000000e+00, v1  }
0x1d1: {  	v4 =	vld [tilespmem:s0+$0x7000];
	v2 =	vmul.f32 v0, v2  }
0x1d2: {  	v5 =	vshra.s32 v1, $0x1;
	v8 =	vmul.f32 $5.000000000e-01, v1  }
0x1d3: {  	v1 =	vsub.f32 $1.500000000e+00, v2;
	v2 =	vsub.s32 $0x5F3759DF, v5  }
0x1d4: {  	v5 =	vmul.f32 v2, v8  }
0x1d5: {  	s1 =	simm.s32 $0x30;
	v0 =	vmul.f32 v0, v1  }
0x1d6: {  	v1 =	vadd.f32 $1.000000000e+00, v4;
	v4 =	vld [tilespmem:s1+$0x7000];
	v5 =	vmul.f32 v2, v5  }
0x1d7: {  	v6 =	vmul.f32 v0, v3  }
0x1d8: {  	v7 =	vshra.s32 v1, $0x1;
	v1 =	vmul.f32 $5.000000000e-01, v1;
	v5 =	vsub.f32 $1.500000000e+00, v5  }
0x1d9: {  	v7 =	vsub.s32 $0x5F3759DF, v7;
	v6 =	vmul.f32 v6, v0  }
0x1da: {  	v9 =	vmul.f32 v7, v1;
	v2 =	vmul.f32 v2, v5  }
0x1db: {  	v4 =	vadd.f32 $1.000000000e+00, v4;
	v5 =	vsub.f32 $1.500000000e+00, v6  }
0x1dc: {  	v6 =	vmul.f32 v7, v9;
	v9 =	vmul.f32 v2, v8  }
0x1dd: {  	s3 =	simm.s32 $0x40;
	v13 =	vmul.f32 v5, v0;
	v5 =	vshra.s32 v4, $0x1;
	v0 =	vmul.f32 $5.000000000e-01, v4  }
0x1de: {  	v10 =	vld [tilespmem:s3+$0x7000];
	v4 =	vsub.f32 $1.500000000e+00, v6;
	v9 =	vmul.f32 v9, v2;
	v6 =	vsub.s32 $0x5F3759DF, v5  }
0x1df: {  	v5 =	vmul.f32 v6, v0  }
0x1e0: {  	v3 =	vmul.f32 v13, v3;
	v4 =	vmul.f32 v7, v4;
	v7 =	vsub.f32 $1.500000000e+00, v9  }
0x1e1: {  	s5 =	simm.s32 $0x50;
	v5 =	vmul.f32 v6, v5  }
0x1e2: {  	v3 =	vmul.f32 v3, v13;
	v2 =	vmul.f32 v7, v2;
	v7 =	vld [tilespmem:s5+$0x7000]  }
0x1e3: {  	v10 =	vadd.f32 $1.000000000e+00, v10;
	v9 =	vmul.f32 v4, v1;
	v11 =	vsub.f32 $1.500000000e+00, v5;
	v5 =	vld [tilespmem:s4+$0x17400]  }
0x1e4: {  	v14 =	vsub.f32 $1.500000000e+00, v3  }
0x1e5: {  	v12 =	vshra.s32 v10, $0x1;
	v3 =	vmul.f32 $5.000000000e-01, v10;
	v10 =	vmul.f32 v9, v4  }
0x1e6: {  	s6 =	simm.s32 $0x180;
	v9 =	vsub.s32 $0x5F3759DF, v12;
	v12 =	vmul.f32 v2, v8;
	v8 =	vmul.f32 v14, v13  }
.LBB2_8:
0x1e7: {  	s7 =	sshra.s32 s6, $0x2;
	v13 =	vadd.f32 $1.000000000e+00, v7;
	v14 =	vmul.f32 v9, v3;
	v11 =	vmul.f32 v6, v11;
	v15 =	vmovc v0;
	v0 =	vmovc v3;
	p0 =	sne.s32 s6, $0x9FC0  }
.Ltmp4:
0x1e8: {  	v3 =	vsub.f32 $1.500000000e+00, v10;
	v6 =	vmovc v9;
	v7 =	vld [tilespmem:s7+$0x7000];
	v10 =	vmul.f32 v12, v2;
	[tilespmem:s4+$0x1C400] =	vst v8;
	v8 =	vmul.f32 v8, v5;
	(pc) =	sbr.rel @p0 .LBB2_8-.Ltmp4, $4  }
0x1e9: {  	v9 =	vmul.f32 v6, v14;
	v12 =	vmul.f32 v11, v15;
	v5 =	vld [tilespmem:s2+$0x17400]  }
0x1ea: {  	s6 =	sadd.s32 $0x40, s6;
	v14 =	vshra.s32 v13, $0x1;
	v16 =	vmul.f32 v3, v4;
	v4 =	vmovc v11;
	v17 =	vsub.f32 $1.500000000e+00, v10;
	[tilespmem:s4+$0xB000] =	vst v8;
	s4 =	smov.u32 s2  }
0x1eb: {  	v3 =	vmul.f32 $5.000000000e-01, v13;
	s2 =	smov.u32 s0;
	s0 =	smov.u32 s1;
	s1 =	smov.u32 s3;
	v11 =	vsub.f32 $1.500000000e+00, v9;
	v10 =	vmul.f32 v12, v4  }
0x1ec: {  	s3 =	smov.u32 s5;
	s5 =	smov.u32 s7;
	v9 =	vsub.s32 $0x5F3759DF, v14;
	v12 =	vmul.f32 v16, v1;
	v1 =	vmovc v15;
	v8 =	vmul.f32 v17, v2;
	v2 =	vmovc v16  }
0x1ed: {  	v13 =	vmul.f32 v9, v3;
	_ =	sdelay $0x1  }
0x1ee: {  	v7 =	vadd.f32 $1.000000000e+00, v7;
	v13 =	vmul.f32 v9, v13  }
0x1ef: {  	v6 =	vmul.f32 v6, v11;
	v10 =	vsub.f32 $1.500000000e+00, v10;
	v40 =	vmul.f32 v12, v2  }
0x1f0: {  	v41 =	vshra.s32 v7, $0x1;
	v7 =	vmul.f32 $5.000000000e-01, v7;
	v13 =	vsub.f32 $1.500000000e+00, v13  }
0x1f1: {  	v14 =	vmul.f32 v6, v0;
	v4 =	vmul.f32 v10, v4;
	v42 =	vsub.s32 $0x5F3759DF, v41  }
0x1f2: {  	[tilespmem:s4+$0x1C400] =	vst v8;
	v12 =	vmul.f32 v42, v7;
	v43 =	vmul.f32 v9, v13  }
0x1f3: {  	v44 =	vld [tilespmem:s2+$0x17400];
	v14 =	vmul.f32 v14, v6;
	v1 =	vmul.f32 v4, v1  }
0x1f4: {  	v11 =	vsub.f32 $1.500000000e+00, v40;
	v12 =	vmul.f32 v42, v12;
	v15 =	vmul.f32 v43, v3  }
0x1f5: {  	v5 =	vmul.f32 v8, v5;
	v45 =	vsub.f32 $1.500000000e+00, v14;
	v1 =	vmul.f32 v1, v4  }
0x1f6: {  	v46 =	vmul.f32 v11, v2;
	v47 =	vsub.f32 $1.500000000e+00, v12;
	v48 =	vmul.f32 v15, v43  }
0x1f7: {  	[tilespmem:s4+$0xB000] =	vst v5;
	v49 =	vmul.f32 v45, v6;
	v1 =	vsub.f32 $1.500000000e+00, v1  }
0x1f8: {  	[tilespmem:s2+$0x1C400] =	vst v46;
	v2 =	vmul.f32 v46, v44;
	v50 =	vmul.f32 v42, v47;
	v51 =	vsub.f32 $1.500000000e+00, v48  }
0x1f9: {  	v52 =	vld [tilespmem:s0+$0x17400];
	v53 =	vmul.f32 v49, v0;
	v1 =	vmul.f32 v1, v4  }
0x1fa: {  	[tilespmem:s2+$0xB000] =	vst v2;
	v54 =	vmul.f32 v50, v7;
	v55 =	vmul.f32 v51, v43  }
0x1fb: {  	v0 =	vmul.f32 v53, v49;
	[tilespmem:s0+$0x1C400] =	vst v1  }
0x1fc: {  	v56 =	vld [tilespmem:s1+$0x17400];
	v2 =	vmul.f32 v54, v50;
	v57 =	vmul.f32 v55, v3  }
0x1fd: {  	v0 =	vsub.f32 $1.500000000e+00, v0  }
0x1fe: {  	v1 =	vmul.f32 v1, v52;
	v2 =	vsub.f32 $1.500000000e+00, v2;
	v3 =	vmul.f32 v57, v55  }
0x1ff: {  	v0 =	vmul.f32 v0, v49  }
0x200: {  	[tilespmem:s0+$0xB000] =	vst v1;
	v58 =	vmul.f32 v2, v50;
	v59 =	vsub.f32 $1.500000000e+00, v3  }
0x201: {  	[tilespmem:s1+$0x1C400] =	vst v0;
	v0 =	vmul.f32 v0, v56  }
0x202: {  	v61 =	vmul.f32 v58, v7;
	v2 =	vmul.f32 v59, v55  }
0x203: {  	v60 =	vld [tilespmem:s3+$0x17400];
	[tilespmem:s1+$0xB000] =	vst v0  }
0x204: {  	v62 =	vmul.f32 v61, v58;
	[tilespmem:s3+$0x1C400] =	vst v2  }
0x205: {  	v63 =	vld [tilespmem:s5+$0x17400]  }
0x206: {  	v0 =	vsub.f32 $1.500000000e+00, v62;
	_ =	sdelay $0x1  }
0x207: {  	v2 =	vmul.f32 v2, v60;
	v0 =	vmul.f32 v0, v58;
	_ =	sdelay $0x1  }
0x208: {  	[tilespmem:s3+$0xB000] =	vst v2;
	v1 =	vmul.f32 v0, v63  }
0x209: {  	[tilespmem:s5+$0x1C400] =	vst v0  }
0x20a: {  	s26 =	simm.s32 $0xB000;
	s28 =	rddreg [dreg:$0x9];
	s29 =	simm.s32 $0x5;
	[tilespmem:s5+$0xB000] =	vst v1  }
0x20b: {  	[spmem:s28] =	stream.linear.scatter [tilespmem:s26], [sflag:$0x5], $0x2800, $0x38;
	[tilespmem:$0x1EC00] =	vst v63  }
0x20c: {  	_ =	swait.ge [sflag:s29], $0x2800  }
0x20d: {  	[sflag:s29] =	ssyncset.done $0x0  }
0x20e: {  	s30 =	sadd.s32 s13, s12;
	s31 =	sadd.s32 $0x100, s16;
	[sflag:s29] =	ssyncadd.s32 $0xFFFFD800  }
0x20f: {  	s8 =	simm.s32 $0x3;
	s20 =	simm.s32 $0x80;
	[bflag:$0x0] =	sbarrier.arrive $0xFFFF  }
0x210: {  	s21 =	simm.s32 $0x1;
	s0 =	sadd.s32 $0x100, s30;
	[dreg:$0xd] =	wrdreg s31  }
0x211: {  	s22 =	simm.s32 $0x4;
	[dreg:$0xe] =	wrdreg s0;
	s0 =	simm.s32 $0x0  }
.LBB2_10:
0x212: {  	[dreg:$0xf] =	wrdreg s0  }
0x213: {  	s29 =	rddreg [dreg:$0xb]  }
0x214: {  	s1 =	simm.s32 $0x0;
	s2 =	simm.s32 $0x5000;
	s30 =	rddreg [dreg:$0xc]  }
0x215: {  	[tilespmem:s2], [sflag:$0x3] =	stream.linear.gather [hbm4b:s29+s1], $0x800, $0x38;
	[tilespmem:$0x1EC00] =	vst v63  }
0x216: {  	s31 =	simm.s32 $0x6000;
	s26 =	simm.s32 $0x0;
	s28 =	simm.s32 $0x0  }
0x217: {  	[tilespmem:s31], [sflag:$0x3] =	stream.linear.gather [hbm4b:s30+s1], $0x800, $0x38;
	[tilespmem:$0x1EC00] =	vst v63  }
.LBB2_11:
0x218: {  	_ =	swait.ge [sflag:s8], $0x800;
	s0 =	sand.u32 $0x1, s28  }
0x219: {  	[sflag:s8] =	ssyncset.done $0x0;
	s1 =	sshll.u32 s0, $0xF;
	s29 =	sshll.u32 s0, $0xB  }
0x21a: {  	[sflag:s8] =	ssyncadd.s32 $0xFFFFF800;
	s1 =	sor.u32 $0x7000, s1;
	s0 =	sor.u32 $0x5000, s29  }
0x21b: {  	s16 =	sor.u32 $0x80, s29;
	s18 =	sor.u32 $0x5080, s29;
	s19 =	sor.u32 $0x100, s29  }
0x21c: {  	s23 =	sor.u32 $0x5100, s29;
	s7 =	sor.u32 $0x180, s29;
	s25 =	sor.u32 $0x5180, s29  }
0x21d: {  	s31 =	sor.u32 $0x5200, s29;
	s13 =	sor.u32 $0x280, s29;
	_ =	swait.ge [sflag:s8], $0x800  }
0x21e: {  	s2 =	sor.u32 $0x5280, s29;
	[dreg:$0x11] =	wrdreg s1;
	[sflag:s8] =	ssyncset.done $0x0  }
0x21f: {  	s6 =	sor.u32 $0x5300, s29;
	[dreg:$0x13] =	wrdreg s16;
	[sflag:s8] =	ssyncadd.s32 $0xFFFFF800  }
0x220: {  	s10 =	sor.u32 $0x5380, s29;
	s11 =	sor.u32 $0x400, s29;
	s4 =	rddreg [dreg:$0x3]  }
0x221: {  	[tilespmem:s1], [sflag:$0x1] =	stream.indirect.gather [spmem:s4], $0x10, s0, s20, $0xb8;
	[tilespmem:$0x1EC00] =	vst v63  }
0x222: {  	s14 =	sor.u32 $0x5400, s29;
	[dreg:$0x17] =	wrdreg s19;
	s0 =	sshll.u32 s16, $0x4  }
0x223: {  	s24 =	sshll.u32 s7, $0x4;
	s17 =	sor.u32 $0x7000, s0;
	s0 =	sshll.u32 s19, $0x4  }
0x224: {  	[tilespmem:s17], [sflag:$0x1] =	stream.indirect.gather [spmem:s4], $0x10, s18, s20, $0xb8;
	[tilespmem:$0x1EC00] =	vst v63  }
0x225: {  	s5 =	sadd.s32 $0x7000, s0;
	s18 =	sadd.s32 $0x7000, s24;
	s24 =	sor.u32 $0x200, s29  }
0x226: {  	[tilespmem:s5], [sflag:$0x1] =	stream.indirect.gather [spmem:s4], $0x10, s23, s20, $0xb8;
	[tilespmem:$0x1EC00] =	vst v63  }
0x227: {  	s15 =	sor.u32 $0x480, s29;
	[dreg:$0x10] =	wrdreg s11;
	s30 =	sshll.u32 s24, $0x4  }
0x228: {  	[tilespmem:s18], [sflag:$0x1] =	stream.indirect.gather [spmem:s4], $0x10, s25, s20, $0xb8;
	[tilespmem:$0x1EC00] =	vst v63  }
0x229: {  	s1 =	sshll.u32 s13, $0x4;
	s19 =	sor.u32 $0x300, s29;
	s25 =	sadd.s32 $0x7000, s30  }
0x22a: {  	[tilespmem:s25], [sflag:$0x1] =	stream.indirect.gather [spmem:s4], $0x10, s31, s20, $0xb8;
	[tilespmem:$0x1EC00] =	vst v63  }
0x22b: {  	s3 =	sshll.u32 s19, $0x4;
	s23 =	sadd.s32 $0x7000, s1;
	s31 =	sor.u32 $0x380, s29  }
0x22c: {  	[tilespmem:s23], [sflag:$0x1] =	stream.indirect.gather [spmem:s4], $0x10, s2, s20, $0xb8;
	[tilespmem:$0x1EC00] =	vst v63  }
0x22d: {  	[dreg:$0x14] =	wrdreg s15;
	s30 =	sadd.s32 $0x7000, s3;
	s9 =	sshll.u32 s31, $0x4  }
0x22e: {  	[tilespmem:s30], [sflag:$0x1] =	stream.indirect.gather [spmem:s4], $0x10, s6, s20, $0xb8;
	[tilespmem:$0x1EC00] =	vst v63  }
0x22f: {  	[dreg:$0x15] =	wrdreg s17;
	s0 =	sshll.u32 s11, $0x4;
	s9 =	sadd.s32 $0x7000, s9  }
0x230: {  	[tilespmem:s9], [sflag:$0x1] =	stream.indirect.gather [spmem:s4], $0x10, s10, s20, $0xb8;
	[tilespmem:$0x1EC00] =	vst v63  }
0x231: {  	s17 =	sor.u32 $0x5480, s29;
	s12 =	sadd.s32 $0x7000, s0;
	s0 =	sshll.u32 s15, $0x4  }
0x232: {  	[tilespmem:s12], [sflag:$0x4] =	stream.indirect.gather [spmem:s4], $0x10, s14, s20, $0xb8;
	[tilespmem:$0x1EC00] =	vst v63  }
0x233: {  	s11 =	sor.u32 $0x5580, s29;
	s16 =	sadd.s32 $0x7000, s0;
	s2 =	sor.u32 $0x500, s29  }
0x234: {  	[tilespmem:s16], [sflag:$0x4] =	stream.indirect.gather [spmem:s4], $0x10, s17, s20, $0xb8;
	[tilespmem:$0x1EC00] =	vst v63  }
0x235: {  	s15 =	sor.u32 $0x600, s29;
	s0 =	sshll.u32 s2, $0x4;
	s17 =	sor.u32 $0x580, s29  }
0x236: {  	s3 =	sor.u32 $0x5500, s29;
	s6 =	sadd.s32 $0x7000, s0;
	s10 =	sshll.u32 s17, $0x4  }
0x237: {  	[tilespmem:s6], [sflag:$0x4] =	stream.indirect.gather [spmem:s4], $0x10, s3, s20, $0xb8;
	[tilespmem:$0x1EC00] =	vst v63  }
0x238: {  	[dreg:$0x12] =	wrdreg s12;
	s12 =	sshll.u32 s15, $0x4;
	s14 =	sadd.s32 $0x7000, s10  }
0x239: {  	[tilespmem:s14], [sflag:$0x4] =	stream.indirect.gather [spmem:s4], $0x10, s11, s20, $0xb8;
	[tilespmem:$0x1EC00] =	vst v63  }
0x23a: {  	[dreg:$0x16] =	wrdreg s16;
	s12 =	sadd.s32 $0x7000, s12;
	s16 =	sor.u32 $0x5600, s29  }
0x23b: {  	[tilespmem:s12], [sflag:$0x4] =	stream.indirect.gather [spmem:s4], $0x10, s16, s20, $0xb8;
	[tilespmem:$0x1EC00] =	vst v63  }
0x23c: {  	s16 =	sor.u32 $0x680, s29  }
0x23d: {  	s1 =	sshll.u32 s16, $0x4  }
0x23e: {  	[dreg:$0x18] =	wrdreg s2;
	s2 =	sor.u32 $0x5680, s29;
	s3 =	sadd.s32 $0x7000, s1  }
0x23f: {  	[tilespmem:s3], [sflag:$0x4] =	stream.indirect.gather [spmem:s4], $0x10, s2, s20, $0xb8;
	[tilespmem:$0x1EC00] =	vst v63  }
0x240: {  	s2 =	sor.u32 $0x700, s29  }
0x241: {  	s1 =	sor.u32 $0x780, s29;
	s10 =	sshll.u32 s2, $0x4  }
0x242: {  	s11 =	sor.u32 $0x5700, s29;
	s0 =	sadd.s32 $0x7000, s10;
	s10 =	sshll.u32 s1, $0x4  }
0x243: {  	[tilespmem:s0], [sflag:$0x4] =	stream.indirect.gather [spmem:s4], $0x10, s11, s20, $0xb8;
	[tilespmem:$0x1EC00] =	vst v63  }
0x244: {  	p0 =	seq.s32 s26, $0x0;
	s10 =	sadd.s32 $0x7000, s10;
	s11 =	sor.u32 $0x5780, s29  }
0x245: {  	[tilespmem:s10], [sflag:$0x4] =	stream.indirect.gather [spmem:s4], $0x10, s11, s20, $0xb8;
	[tilespmem:$0x1EC00] =	vst v63  }
0x246: {  	s11 =	simm.s32 @!p0 $0x2  }
0x247: {  	_ =	swait.ge @!p0 [sflag:s11], $0x800  }
0x248: {  	[sflag:s11] =	ssyncset.done @!p0 $0x0  }
0x249: {  	[sflag:s11] =	ssyncadd.s32 @!p0 $0xFFFFF800  }
0x24a: {  	_ =	swait.ge @!p0 [sflag:s11], $0x800  }
0x24b: {  	[sflag:s11] =	ssyncset.done @!p0 $0x0  }
0x24c: {  	[sflag:s11] =	ssyncadd.s32 @!p0 $0xFFFFF800  }
0x24d: {  	_ =	swait.ge @!p0 [sflag:s11], $0x800  }
0x24e: {  	[sflag:s11] =	ssyncset.done @!p0 $0x0  }
0x24f: {  	[sflag:s11] =	ssyncadd.s32 @!p0 $0xFFFFF800  }
0x250: {  	_ =	swait.ge @!p0 [sflag:s11], $0x800  }
0x251: {  	[sflag:s11] =	ssyncset.done @!p0 $0x0  }
0x252: {  	[sflag:s11] =	ssyncadd.s32 @!p0 $0xFFFFF800  }
0x253: {  	_ =	swait.ge @!p0 [sflag:s11], $0x800  }
0x254: {  	[sflag:s11] =	ssyncset.done @!p0 $0x0  }
0x255: {  	[sflag:s11] =	ssyncadd.s32 @!p0 $0xFFFFF800  }
0x256: {  	_ =	swait.ge @!p0 [sflag:s11], $0x800  }
0x257: {  	[sflag:s11] =	ssyncset.done @!p0 $0x0  }
0x258: {  	[sflag:s11] =	ssyncadd.s32 @!p0 $0xFFFFF800  }
0x259: {  	_ =	swait.ge @!p0 [sflag:s11], $0x800  }
0x25a: {  	[sflag:s11] =	ssyncset.done @!p0 $0x0  }
0x25b: {  	[sflag:s11] =	ssyncadd.s32 @!p0 $0xFFFFF800  }
0x25c: {  	_ =	swait.ge @!p0 [sflag:s11], $0x800  }
0x25d: {  	[sflag:s11] =	ssyncset.done @!p0 $0x0  }
0x25e: {  	[sflag:s11] =	ssyncadd.s32 @!p0 $0xFFFFF800  }
0x25f: {  	_ =	swait.ge @!p0 [sflag:s11], $0x800  }
0x260: {  	[sflag:s11] =	ssyncset.done @!p0 $0x0  }
0x261: {  	[sflag:s11] =	ssyncadd.s32 @!p0 $0xFFFFF800  }
0x262: {  	_ =	swait.ge @!p0 [sflag:s11], $0x800  }
0x263: {  	[sflag:s11] =	ssyncset.done @!p0 $0x0  }
0x264: {  	[sflag:s11] =	ssyncadd.s32 @!p0 $0xFFFFF800  }
0x265: {  	_ =	swait.ge @!p0 [sflag:s11], $0x800  }
0x266: {  	[sflag:s11] =	ssyncset.done @!p0 $0x0  }
0x267: {  	[sflag:s11] =	ssyncadd.s32 @!p0 $0xFFFFF800  }
0x268: {  	_ =	swait.ge @!p0 [sflag:s11], $0x800  }
0x269: {  	[sflag:s11] =	ssyncset.done @!p0 $0x0  }
0x26a: {  	[sflag:s11] =	ssyncadd.s32 @!p0 $0xFFFFF800  }
0x26b: {  	_ =	swait.ge @!p0 [sflag:s11], $0x800  }
0x26c: {  	[sflag:s11] =	ssyncset.done @!p0 $0x0  }
0x26d: {  	[sflag:s11] =	ssyncadd.s32 @!p0 $0xFFFFF800  }
0x26e: {  	_ =	swait.ge @!p0 [sflag:s11], $0x800  }
0x26f: {  	[sflag:s11] =	ssyncset.done @!p0 $0x0  }
0x270: {  	[sflag:s11] =	ssyncadd.s32 @!p0 $0xFFFFF800  }
0x271: {  	_ =	swait.ge @!p0 [sflag:s11], $0x800  }
0x272: {  	[sflag:s11] =	ssyncset.done @!p0 $0x0  }
0x273: {  	p1 =	seq.s32 @!p0 s26, $0x900;
	[sflag:s11] =	ssyncadd.s32 @!p0 $0xFFFFF800  }
0x274: {  	p1 =	por p0, !p1;
	_ =	swait.ge @!p0 [sflag:s11], $0x800  }
0x275: {  	s8 =	simm.s32 @p1 $0x0;
	[sflag:s11] =	ssyncset.done @!p0 $0x0;
	s4 =	rddreg @p1 [dreg:$0xe]  }
0x276: {  	[sflag:s11] =	ssyncadd.s32 @!p0 $0xFFFFF800;
	s11 =	ssub.s32 @p1 $0x5800, s29;
	s4 =	sadd.s32 @p1 s26, s4  }
0x277: {  	[tilespmem:s11], [sflag:$0x3] =	stream.linear.gather @p1 [hbm4b:s4+s8], $0x800, $0x38;
	[tilespmem:$0x1EC00] =	vst v63  }
0x278: {  	s11 =	rddreg @p1 [dreg:$0xd]  }
0x279: {  	s4 =	ssub.s32 @p1 $0x6800, s29;
	s11 =	sadd.s32 @p1 s26, s11  }
0x27a: {  	[tilespmem:s4], [sflag:$0x3] =	stream.linear.gather @p1 [hbm4b:s11+s8], $0x800, $0x38;
	[tilespmem:$0x1EC00] =	vst v63  }
0x27b: {  	_ =	swait.ge [sflag:s21], $0x800  }
0x27c: {  	[sflag:s21] =	ssyncset.done $0x0  }
0x27d: {  	[sflag:s21] =	ssyncadd.s32 $0xFFFFF800  }
0x27e: {  	_ =	swait.ge [sflag:s21], $0x800  }
0x27f: {  	[sflag:s21] =	ssyncset.done $0x0  }
0x280: {  	[sflag:s21] =	ssyncadd.s32 $0xFFFFF800  }
0x281: {  	_ =	swait.ge [sflag:s21], $0x800  }
0x282: {  	[sflag:s21] =	ssyncset.done $0x0  }
0x283: {  	[sflag:s21] =	ssyncadd.s32 $0xFFFFF800  }
0x284: {  	_ =	swait.ge [sflag:s21], $0x800  }
0x285: {  	[sflag:s21] =	ssyncset.done $0x0  }
0x286: {  	[sflag:s21] =	ssyncadd.s32 $0xFFFFF800  }
0x287: {  	_ =	swait.ge [sflag:s21], $0x800  }
0x288: {  	[sflag:s21] =	ssyncset.done $0x0  }
0x289: {  	[sflag:s21] =	ssyncadd.s32 $0xFFFFF800  }
0x28a: {  	_ =	swait.ge [sflag:s21], $0x800  }
0x28b: {  	[sflag:s21] =	ssyncset.done $0x0  }
0x28c: {  	[sflag:s21] =	ssyncadd.s32 $0xFFFFF800  }
0x28d: {  	_ =	swait.ge [sflag:s21], $0x800  }
0x28e: {  	[sflag:s21] =	ssyncset.done $0x0  }
0x28f: {  	[sflag:s21] =	ssyncadd.s32 $0xFFFFF800  }
0x290: {  	_ =	swait.ge [sflag:s21], $0x800  }
0x291: {  	[sflag:s21] =	ssyncset.done $0x0  }
0x292: {  	s4 =	sor.u32 $0x6000, s29;
	s29 =	rddreg [dreg:$0x11];
	[sflag:s21] =	ssyncadd.s32 $0xFFFFF800  }
0x293: {  	s11 =	rddreg [dreg:$0x2]  }
0x294: {  	[spmem:s11] =	stream.indirect.scatter.add.f32 [tilespmem:s29], [sflag:$0x2], $0x10, s4, s20, $0xb8;
	[tilespmem:$0x1EC00] =	vst v63  }
0x295: {  	s29 =	rddreg [dreg:$0x13]  }
0x296: {  	s4 =	sor.u32 $0x6000, s29;
	s29 =	rddreg [dreg:$0x15]  }
0x297: {  	[spmem:s11] =	stream.indirect.scatter.add.f32 [tilespmem:s29], [sflag:$0x2], $0x10, s4, s20, $0xb8;
	[tilespmem:$0x1EC00] =	vst v63  }
0x298: {  	s29 =	rddreg [dreg:$0x17]  }
0x299: {  	s4 =	sor.u32 $0x6000, s29  }
0x29a: {  	[spmem:s11] =	stream.indirect.scatter.add.f32 [tilespmem:s5], [sflag:$0x2], $0x10, s4, s20, $0xb8;
	[tilespmem:$0x1EC00] =	vst v63  }
0x29b: {  	s7 =	sor.u32 $0x6000, s7  }
0x29c: {  	[spmem:s11] =	stream.indirect.scatter.add.f32 [tilespmem:s18], [sflag:$0x2], $0x10, s7, s20, $0xb8;
	[tilespmem:$0x1EC00] =	vst v63  }
0x29d: {  	s24 =	sor.u32 $0x6000, s24  }
0x29e: {  	[spmem:s11] =	stream.indirect.scatter.add.f32 [tilespmem:s25], [sflag:$0x2], $0x10, s24, s20, $0xb8;
	[tilespmem:$0x1EC00] =	vst v63  }
0x29f: {  	s29 =	sor.u32 $0x6000, s13  }
0x2a0: {  	[spmem:s11] =	stream.indirect.scatter.add.f32 [tilespmem:s23], [sflag:$0x2], $0x10, s29, s20, $0xb8;
	[tilespmem:$0x1EC00] =	vst v63  }
0x2a1: {  	s5 =	sor.u32 $0x6000, s19  }
0x2a2: {  	[spmem:s11] =	stream.indirect.scatter.add.f32 [tilespmem:s30], [sflag:$0x2], $0x10, s5, s20, $0xb8;
	[tilespmem:$0x1EC00] =	vst v63  }
0x2a3: {  	s7 =	sor.u32 $0x6000, s31  }
0x2a4: {  	[spmem:s11] =	stream.indirect.scatter.add.f32 [tilespmem:s9], [sflag:$0x2], $0x10, s7, s20, $0xb8;
	[tilespmem:$0x1EC00] =	vst v63  }
0x2a5: {  	_ =	swait.ge [sflag:s22], $0x800  }
0x2a6: {  	[sflag:s22] =	ssyncset.done $0x0  }
0x2a7: {  	[sflag:s22] =	ssyncadd.s32 $0xFFFFF800  }
0x2a8: {  	_ =	swait.ge [sflag:s22], $0x800  }
0x2a9: {  	[sflag:s22] =	ssyncset.done $0x0  }
0x2aa: {  	[sflag:s22] =	ssyncadd.s32 $0xFFFFF800  }
0x2ab: {  	_ =	swait.ge [sflag:s22], $0x800  }
0x2ac: {  	[sflag:s22] =	ssyncset.done $0x0  }
0x2ad: {  	[sflag:s22] =	ssyncadd.s32 $0xFFFFF800  }
0x2ae: {  	_ =	swait.ge [sflag:s22], $0x800  }
0x2af: {  	[sflag:s22] =	ssyncset.done $0x0  }
0x2b0: {  	[sflag:s22] =	ssyncadd.s32 $0xFFFFF800  }
0x2b1: {  	_ =	swait.ge [sflag:s22], $0x800  }
0x2b2: {  	[sflag:s22] =	ssyncset.done $0x0  }
0x2b3: {  	[sflag:s22] =	ssyncadd.s32 $0xFFFFF800  }
0x2b4: {  	_ =	swait.ge [sflag:s22], $0x800  }
0x2b5: {  	[sflag:s22] =	ssyncset.done $0x0  }
0x2b6: {  	[sflag:s22] =	ssyncadd.s32 $0xFFFFF800  }
0x2b7: {  	_ =	swait.ge [sflag:s22], $0x800  }
0x2b8: {  	[sflag:s22] =	ssyncset.done $0x0  }
0x2b9: {  	[sflag:s22] =	ssyncadd.s32 $0xFFFFF800  }
0x2ba: {  	_ =	swait.ge [sflag:s22], $0x800  }
0x2bb: {  	s13 =	rddreg [dreg:$0x10]  }
0x2bc: {  	s18 =	rddreg [dreg:$0x12]  }
0x2bd: {  	[sflag:s22] =	ssyncset.done $0x0;
	s19 =	rddreg [dreg:$0x14]  }
0x2be: {  	s23 =	rddreg [dreg:$0x16];
	[sflag:s22] =	ssyncadd.s32 $0xFFFFF800;
	s4 =	sor.u32 $0x6000, s13  }
0x2bf: {  	[spmem:s11] =	stream.indirect.scatter.add.f32 [tilespmem:s18], [sflag:$0x2], $0x10, s4, s20, $0xb8;
	[tilespmem:$0x1EC00] =	vst v63  }
0x2c0: {  	s24 =	rddreg [dreg:$0x18];
	s4 =	sor.u32 $0x6000, s19  }
0x2c1: {  	[spmem:s11] =	stream.indirect.scatter.add.f32 [tilespmem:s23], [sflag:$0x2], $0x10, s4, s20, $0xb8;
	[tilespmem:$0x1EC00] =	vst v63  }
0x2c2: {  	s4 =	sor.u32 $0x6000, s24  }
0x2c3: {  	[spmem:s11] =	stream.indirect.scatter.add.f32 [tilespmem:s6], [sflag:$0x2], $0x10, s4, s20, $0xb8;
	[tilespmem:$0x1EC00] =	vst v63  }
0x2c4: {  	s25 =	sor.u32 $0x6000, s17  }
0x2c5: {  	[spmem:s11] =	stream.indirect.scatter.add.f32 [tilespmem:s14], [sflag:$0x2], $0x10, s25, s20, $0xb8;
	[tilespmem:$0x1EC00] =	vst v63  }
0x2c6: {  	s26 =	sadd.s32 $0x100, s26;
	s29 =	sor.u32 $0x6000, s15  }
0x2c7: {  	[spmem:s11] =	stream.indirect.scatter.add.f32 [tilespmem:s12], [sflag:$0x2], $0x10, s29, s20, $0xb8;
	[tilespmem:$0x1EC00] =	vst v63  }
0x2c8: {  	p0 =	sne.s32 s26, $0xA00;
	s30 =	sor.u32 $0x6000, s16  }
0x2c9: {  	[spmem:s11] =	stream.indirect.scatter.add.f32 [tilespmem:s3], [sflag:$0x2], $0x10, s30, s20, $0xb8;
	[tilespmem:$0x1EC00] =	vst v63  }
.Ltmp5:
0x2ca: {  	_ = 	snop;
	(pc) =	sbr.rel @p0 .LBB2_11-.Ltmp5, $4  }
0x2cb: {  	s2 =	sor.u32 $0x6000, s2  }
0x2cc: {  	[spmem:s11] =	stream.indirect.scatter.add.f32 [tilespmem:s0], [sflag:$0x2], $0x10, s2, s20, $0xb8;
	[tilespmem:$0x1EC00] =	vst v63  }
0x2cd: {  	s28 =	sadd.s32 $0x1, s28;
	s8 =	simm.s32 @p1 $0x3;
	s31 =	sor.u32 $0x6000, s1  }
0x2ce: {  	[spmem:s11] =	stream.indirect.scatter.add.f32 [tilespmem:s10], [sflag:$0x2], $0x10, s31, s20, $0xb8;
	[tilespmem:$0x1EC00] =	vst v63  }
0x2cf: {  	s0 =	simm.s32 $0x2  }
0x2d0: {  	_ =	swait.ge [sflag:s0], $0x800  }
0x2d1: {  	[sflag:s0] =	ssyncset.done $0x0  }
0x2d2: {  	[sflag:s0] =	ssyncadd.s32 $0xFFFFF800  }
0x2d3: {  	_ =	swait.ge [sflag:s0], $0x800  }
0x2d4: {  	[sflag:s0] =	ssyncset.done $0x0  }
0x2d5: {  	[sflag:s0] =	ssyncadd.s32 $0xFFFFF800  }
0x2d6: {  	_ =	swait.ge [sflag:s0], $0x800  }
0x2d7: {  	[sflag:s0] =	ssyncset.done $0x0  }
0x2d8: {  	[sflag:s0] =	ssyncadd.s32 $0xFFFFF800  }
0x2d9: {  	_ =	swait.ge [sflag:s0], $0x800  }
0x2da: {  	[sflag:s0] =	ssyncset.done $0x0  }
0x2db: {  	[sflag:s0] =	ssyncadd.s32 $0xFFFFF800  }
0x2dc: {  	_ =	swait.ge [sflag:s0], $0x800  }
0x2dd: {  	[sflag:s0] =	ssyncset.done $0x0  }
0x2de: {  	[sflag:s0] =	ssyncadd.s32 $0xFFFFF800  }
0x2df: {  	_ =	swait.ge [sflag:s0], $0x800  }
0x2e0: {  	[sflag:s0] =	ssyncset.done $0x0  }
0x2e1: {  	[sflag:s0] =	ssyncadd.s32 $0xFFFFF800  }
0x2e2: {  	_ =	swait.ge [sflag:s0], $0x800  }
0x2e3: {  	[sflag:s0] =	ssyncset.done $0x0  }
0x2e4: {  	[sflag:s0] =	ssyncadd.s32 $0xFFFFF800  }
0x2e5: {  	_ =	swait.ge [sflag:s0], $0x800  }
0x2e6: {  	[sflag:s0] =	ssyncset.done $0x0  }
0x2e7: {  	[sflag:s0] =	ssyncadd.s32 $0xFFFFF800  }
0x2e8: {  	_ =	swait.ge [sflag:s0], $0x800  }
0x2e9: {  	[sflag:s0] =	ssyncset.done $0x0  }
0x2ea: {  	[sflag:s0] =	ssyncadd.s32 $0xFFFFF800  }
0x2eb: {  	_ =	swait.ge [sflag:s0], $0x800  }
0x2ec: {  	[sflag:s0] =	ssyncset.done $0x0  }
0x2ed: {  	[sflag:s0] =	ssyncadd.s32 $0xFFFFF800  }
0x2ee: {  	_ =	swait.ge [sflag:s0], $0x800  }
0x2ef: {  	[sflag:s0] =	ssyncset.done $0x0  }
0x2f0: {  	[sflag:s0] =	ssyncadd.s32 $0xFFFFF800  }
0x2f1: {  	_ =	swait.ge [sflag:s0], $0x800  }
0x2f2: {  	[sflag:s0] =	ssyncset.done $0x0  }
0x2f3: {  	[sflag:s0] =	ssyncadd.s32 $0xFFFFF800  }
0x2f4: {  	_ =	swait.ge [sflag:s0], $0x800  }
0x2f5: {  	[sflag:s0] =	ssyncset.done $0x0  }
0x2f6: {  	[sflag:s0] =	ssyncadd.s32 $0xFFFFF800  }
0x2f7: {  	_ =	swait.ge [sflag:s0], $0x800  }
0x2f8: {  	[sflag:s0] =	ssyncset.done $0x0  }
0x2f9: {  	[sflag:s0] =	ssyncadd.s32 $0xFFFFF800  }
0x2fa: {  	_ =	swait.ge [sflag:s0], $0x800  }
0x2fb: {  	[sflag:s0] =	ssyncset.done $0x0  }
0x2fc: {  	[sflag:s0] =	ssyncadd.s32 $0xFFFFF800  }
0x2fd: {  	_ =	swait.ge [sflag:s0], $0x800  }
0x2fe: {  	[sflag:s0] =	ssyncset.done $0x0  }
0x2ff: {  	[sflag:s0] =	ssyncadd.s32 $0xFFFFF800  }
0x300: {  	[bflag:$0x0] =	sbarrier.arrive $0xFFFF  }
0x301: {  	s1 =	simm.s32 $0x7000;
	s4 =	simm.s32 $0x5;
	s29 =	rddreg [dreg:$0x5]  }
0x302: {  	[tilespmem:s1], [sflag:$0x5] =	stream.linear.gather [spmem:s29], $0x2800, $0x38;
	[tilespmem:$0x1EC00] =	vst v63  }
0x303: {  	_ =	swait.ge [sflag:s4], $0x2800  }
0x304: {  	s30 =	rddreg [dreg:$0x6]  }
0x305: {  	[sflag:s4] =	ssyncset.done $0x0;
	s31 =	rddreg [dreg:$0x7]  }
0x306: {  	s2 =	rddreg [dreg:$0x8];
	[sflag:s4] =	ssyncadd.s32 $0xFFFFD800  }
0x307: {  	[spmem:s2], [sflag:s31] =	dma.local [hbm:s30], $0x500  }
0x308: {  	_ =	swait.ge [sflag:s4], $0x500  }
0x309: {  	[sflag:s4] =	ssyncset.done $0x0  }
0x30a: {  	s0 =	simm.s32 $0x0;
	[sflag:s4] =	ssyncadd.s32 $0xFFFFFB00  }
0x30b: {  	v0 =	vld [tilespmem:s0+$0x1C400]  }
0x30c: {  	v1 =	vld [tilespmem:s0+$0x17400];
	_ =	sdelay $0x1  }
0x30d: {  	v2 =	vld [tilespmem:s0+$0x7000];
	_ =	sdelay $0x2  }
0x30e: {  	v1 =	vmul.f32 v1, v0;
	_ =	sdelay $0x1  }
0x30f: {  	v1 =	vadd.f32 v1, v2  }
0x310: {  	v2 =	vld [tilespmem:s0+$0x19C00]  }
0x311: {  	v1 =	vmul.f32 v1, v0;
	_ =	sdelay $0x1  }
0x312: {  	v1 =	vmul.f32 $8.999999760e-01, v1;
	_ =	sdelay $0x1  }
0x313: {  	s1 =	simm.s32 $0x40;
	s2 =	simm.s32 $0x80;
	v1 =	vadd.f32 v1, v2  }
.LBB2_13:
0x314: {  	p0 =	sne.s32 s2, $0x9FC0;
	s3 =	sshra.s32 s1, $0x2;
	s1 =	smov.u32 s2  }
0x315: {  	[tilespmem:s0+$0x17400] =	vst v1;
	v1 =	vmul.f32 v1, v0;
	v0 =	vld [tilespmem:s3+$0x1C400]  }
0x316: {  	v2 =	vld [tilespmem:s3+$0x17400]  }
0x317: {  	[tilespmem:s0+$0xB000] =	vst v1;
	s0 =	smov.u32 s3  }
0x318: {  	v1 =	vld [tilespmem:s0+$0x7000];
	_ =	sdelay $0x2  }
0x319: {  	v2 =	vmul.f32 v2, v0;
	_ =	sdelay $0x1  }
0x31a: {  	v1 =	vadd.f32 v2, v1  }
0x31b: {  	v2 =	vld [tilespmem:s0+$0x19C00]  }
.Ltmp6:
0x31c: {  	v1 =	vmul.f32 v1, v0;
	(pc) =	sbr.rel @p0 .LBB2_13-.Ltmp6, $3  }
0x31d: {  	_ = 	snop  }
0x31e: {  	v1 =	vmul.f32 $8.999999760e-01, v1;
	_ =	sdelay $0x1  }
0x31f: {  	s2 =	sadd.s32 $0x40, s2;
	v1 =	vadd.f32 v1, v2  }
0x320: {  	s1 =	sshra.s32 s1, $0x2  }
0x321: {  	v2 =	vld [tilespmem:s1+$0x1C400];
	[tilespmem:s0+$0x17400] =	vst v1;
	v0 =	vmul.f32 v1, v0  }
0x322: {  	v62 =	vld [tilespmem:s1+$0x17400]  }
0x323: {  	[tilespmem:s0+$0xB000] =	vst v0  }
0x324: {  	v0 =	vld [tilespmem:s1+$0x7000];
	_ =	sdelay $0x2  }
0x325: {  	v1 =	vmul.f32 v62, v2;
	_ =	sdelay $0x1  }
0x326: {  	v0 =	vadd.f32 v1, v0  }
0x327: {  	v63 =	vld [tilespmem:s1+$0x19C00]  }
0x328: {  	v0 =	vmul.f32 v0, v2;
	_ =	sdelay $0x1  }
0x329: {  	v0 =	vmul.f32 $8.999999760e-01, v0;
	_ =	sdelay $0x1  }
0x32a: {  	v0 =	vadd.f32 v0, v63;
	_ =	sdelay $0x1  }
0x32b: {  	v1 =	vmul.f32 v0, v2  }
0x32c: {  	[tilespmem:s1+$0x17400] =	vst v0  }
0x32d: {  	s29 =	rddreg [dreg:$0x9];
	s30 =	simm.s32 $0xB000;
	[tilespmem:s1+$0xB000] =	vst v1  }
0x32e: {  	[spmem:s29] =	stream.linear.scatter [tilespmem:s30], [sflag:$0x5], $0x2800, $0x38;
	[tilespmem:$0x1EC00] =	vst v63  }
0x32f: {  	_ =	swait.ge [sflag:s4], $0x2800  }
0x330: {  	s31 =	rddreg [dreg:$0xf]  }
0x331: {  	s0 =	sadd.s32 $0x1, s31  }
0x332: {  	p0 =	sne.s32 s0, $0xA  }
.Ltmp7:
0x333: {  	_ = 	snop;
	(pc) =	sbr.rel @p0 .LBB2_10-.Ltmp7, $3  }
0x334: {  	[sflag:s4] =	ssyncset.done $0x0  }
0x335: {  	[sflag:s4] =	ssyncadd.s32 $0xFFFFD800  }
0x336: {  	[bflag:$0x0] =	sbarrier.arrive $0xFFFF;
	_ =	sdelay $0x1  }
0x337: {  	s0 =	simm.s32 $0x0  }
0x338: {  	s1 =	simm.s32 $0x17400;
	s2 =	rddreg [dreg:$0xa];
	s31 =	simm.s32 $0x5  }
0x339: {  	[hbm4b:s2+s0] =	stream.linear.scatter [tilespmem:s1], [sflag:$0x5], $0x2800, $0x38;
	[tilespmem:$0x1EC00] =	vst v63  }
0x33a: {  	_ =	swait.ge [sflag:s31], $0x2800  }
0x33b: {  	[sflag:s31] =	ssyncset.done $0x0  }
0x33c: {  	[sflag:s31] =	ssyncadd.s32 $0xFFFFD800  }
0x33d: {  	s5 =	stileid.u32;
	s2 =	rddreg [dreg:$0x4]  }
.LBB2_16:
0x33e: {  	_ =	sfence.sel $0x180000  }
0x33f: {  	[bflag:$0x0] =	sbarrier.arrive $0xFFFF  }
0x340: {  	p0 =	sne.s32 s5, $0x0;
	_ =	strace $0x9000004A  }
0x341: {  	s0 =	sadd.s32 @!p0 $0x100000, s2;
	[bflag:$0x2] =	sbarrier.arrive $0xFFFF  }
0x342: {  	[sflag:s0] =	ssyncadd.tile.s32 @!p0 $0x1;
	_ =	shalt  }
.Lfunc_end2:
_tile_overlayer_lowered:
.L_overlay_start_2:
0x343: {  	(tag) =	ssettag $0x2  }
0x344: {  	s0 =	rddreg [dreg:$0x0];
	s2 =	stileid.u32  }
0x345: {  	s1 =	rddreg [dreg:$0x1];
	p0 =	sne.s32 s2, $0x0  }
0x346: {  	s3 =	rddreg [dreg:$0x2];
	[bflag:$0x3] =	sbarrier.arrive $0xFFFF;
	s2 =	simm.s32 @!p0 $0x1C05  }
0x347: {  	[timem:s3], [sflag:s2] =	dma.local @!p0 [hbm:s0], s1  }
0x348: {  	s0 =	simm.s32 @!p0 $0x5  }
0x349: {  	_ =	swait.ge @!p0 [sflag:s0], s1  }
0x34a: {  	s1 =	ssub.s32 @!p0 $0x0, s1;
	[sflag:s0] =	ssyncset.done @!p0 $0x0  }
0x34b: {  	[sflag:s0] =	ssyncadd.s32 @!p0 s1  }
0x34c: {  	[bflag:$0x3] =	sbarrier.arrive $0xFFFF  }
0x34d: {  	_ =	shalt  }

</sc_bundles>
